<compile_context>
chip_gen: v7x
topology: tpu7x:2x2x1
jax: 0.10.2.dev20260603
libtpu: 0.0.44.dev20260713+nightly
codegen_flags: <defaults>
</compile_context>

<pallas_src>
import functools

import jax
import jax.numpy as jnp
from jax import lax
from jax.experimental import pallas as pl
from jax.experimental.pallas import tpu as pltpu
from jax.experimental.pallas import tpu_sc as plsc

N = 10000
NP = 10240
E = 320000
D = 128
NCORES = 2
NSUB = 16
NW = NCORES * NSUB
EPT = E // NW
CHUNK = 112
NCH = 91
CH2 = 784
NCH2 = 13
PADE = NCH * CHUNK
PADV = NP - 1
RPT = NP // NSUB
BR = 2048


def _sc_degree(CHUNK, NCH):
    mesh = plsc.VectorSubcoreMesh(core_axis_name="c", subcore_axis_name="s")

    @functools.partial(
        pl.kernel,
        compiler_params=pltpu.CompilerParams(use_tc_tiling_on_sc=False),
        out_type=jax.ShapeDtypeStruct((NCORES * NP,), jnp.float32),
        mesh=mesh,
        scratch_types=[
            pltpu.VMEM_SHARED((NP,), jnp.float32),
            pltpu.VMEM((NCH, CHUNK), jnp.int32),
            pltpu.VMEM((RPT,), jnp.float32),
            pltpu.VMEM((CHUNK,), jnp.float32),
        ],
    )
    def deg_kernel(eidx_hbm, out_hbm, acc, idx_d, zbuf, ones):
        c = lax.axis_index("c")
        s = lax.axis_index("s")
        wid = s * NCORES + c
        zero16 = jnp.zeros((16,), jnp.float32)
        one16 = jnp.ones((16,), jnp.float32)

        def zb(i, _):
            zbuf[pl.ds(i * 16, 16)] = zero16
            return 0

        lax.fori_loop(0, RPT // 16, zb, 0)
        for i in range(CHUNK // 16):
            ones[pl.ds(i * 16, 16)] = one16
        base = s * RPT
        pltpu.sync_copy(zbuf, acc.at[pl.ds(base, RPT)])
        pltpu.sync_copy(eidx_hbm.at[1, wid], idx_d)
        plsc.subcore_barrier()

        def body(j, _):
            pltpu.sync_copy(ones, acc.at[idx_d.at[j]], add=True)
            return 0

        lax.fori_loop(0, NCH, body, 0)
        plsc.subcore_barrier()
        pltpu.sync_copy(acc.at[pl.ds(base, RPT)],
                        out_hbm.at[pl.ds(c * NP + base, RPT)])

    return deg_kernel


def _sc_segsum(W, CHUNK, NCH):
    mesh = plsc.VectorSubcoreMesh(core_axis_name="c", subcore_axis_name="s")

    @functools.partial(
        pl.kernel,
        compiler_params=pltpu.CompilerParams(use_tc_tiling_on_sc=False),
        out_type=jax.ShapeDtypeStruct((NCORES, NP, W), jnp.float32),
        mesh=mesh,
        scratch_types=[
            pltpu.VMEM_SHARED((NP, W), jnp.float32),
            pltpu.VMEM((NCH, CHUNK), jnp.int32),
            pltpu.VMEM((NCH, CHUNK), jnp.int32),
            pltpu.VMEM((2, CHUNK, W), jnp.float32),
            pltpu.SemaphoreType.DMA,
            pltpu.SemaphoreType.DMA,
            pltpu.SemaphoreType.DMA,
            pltpu.SemaphoreType.DMA,
        ],
    )
    def seg_kernel(y_hbm, eidx_hbm, out_hbm, acc, idx_s, idx_d, rows,
                   sg0, sg1, st0, st1):
        c = lax.axis_index("c")
        s = lax.axis_index("s")
        wid = s * NCORES + c
        zero16 = jnp.zeros((16,), jnp.float32)
        r0 = rows.at[0]
        r1 = rows.at[1]

        def zb(r, _):
            for k in range(W // 16):
                rows[0, r, pl.ds(k * 16, 16)] = zero16
            return 0

        lax.fori_loop(0, CHUNK, zb, 0)
        base = s * RPT
        off = 0
        while off < RPT:
            step = min(CHUNK, RPT - off)
            pltpu.sync_copy(rows.at[0, pl.ds(0, step)],
                            acc.at[pl.ds(base + off, step)])
            off += step
        pltpu.sync_copy(eidx_hbm.at[0, wid], idx_s)
        pltpu.sync_copy(eidx_hbm.at[1, wid], idx_d)
        plsc.subcore_barrier()

        pltpu.async_copy(y_hbm.at[idx_s.at[0]], r0, sg0)

        def body(i, _):
            a = 2 * i
            b = a + 1
            pltpu.make_async_copy(y_hbm.at[idx_s.at[a]], r0, sg0).wait()
            pltpu.async_copy(r0, acc.at[idx_d.at[a]], st0, add=True)

            @pl.when(i > 0)
            def _():
                pltpu.make_async_copy(r1, acc.at[idx_d.at[a]], st1).wait()

            pltpu.async_copy(y_hbm.at[idx_s.at[b]], r1, sg1)
            pltpu.make_async_copy(r0, acc.at[idx_d.at[a]], st0).wait()
            pltpu.make_async_copy(y_hbm.at[idx_s.at[b]], r1, sg1).wait()
            pltpu.async_copy(r1, acc.at[idx_d.at[b]], st1, add=True)
            pltpu.async_copy(y_hbm.at[idx_s.at[a + 2]], r0, sg0)
            return 0

        lax.fori_loop(0, (NCH - 1) // 2, body, 0)
        pltpu.make_async_copy(r1, acc.at[idx_d.at[0]], st1).wait()
        pltpu.make_async_copy(y_hbm.at[idx_s.at[NCH - 1]], r0, sg0).wait()
        pltpu.sync_copy(r0, acc.at[idx_d.at[NCH - 1]], add=True)
        plsc.subcore_barrier()
        pltpu.sync_copy(acc.at[pl.ds(base, RPT)], out_hbm.at[c, pl.ds(base, RPT)])

    return seg_kernel


_DEG = _sc_degree(CH2, NCH2)
_SEG128 = _sc_segsum(D, CHUNK, NCH)
_SEG16 = _sc_segsum(16, CH2, NCH2)


def _inorm_relu(t):
    m = jnp.mean(t, axis=-1, keepdims=True)
    v = jnp.mean((t - m) * (t - m), axis=-1, keepdims=True)
    return jnp.maximum((t - m) / jnp.sqrt(v + 1e-5), 0.0)


def _rowmask(i, val):
    rows = i * BR + lax.broadcasted_iota(jnp.int32, (BR, 1), 0)
    return jnp.where(rows < N, val, 0.0)


def _tc1(x, W1, dis_col):
    def body(x_ref, w_ref, dis_ref, y_ref):
        i = pl.program_id(0)
        dis = dis_ref[...]
        y = jnp.dot(x_ref[...], w_ref[...],
                    preferred_element_type=jnp.float32) * dis
        y_ref[...] = _rowmask(i, y)

    return pl.pallas_call(
        body,
        grid=(NP // BR,),
        in_specs=[
            pl.BlockSpec((BR, D), lambda i: (i, 0)),
            pl.BlockSpec((D, D), lambda i: (0, 0)),
            pl.BlockSpec((BR, 1), lambda i: (i, 0)),
        ],
        out_specs=pl.BlockSpec((BR, D), lambda i: (i, 0)),
        out_shape=jax.ShapeDtypeStruct((NP, D), jnp.float32),
    )(x, W1, dis_col)


def _tc2(p, y1, dis_col, b1, W2):
    def body(p_ref, y_ref, dis_ref, b_ref, w_ref, o_ref):
        i = pl.program_id(0)
        dis = dis_ref[...]
        t = dis * (p_ref[0] + p_ref[1] + y_ref[...]) + b_ref[...]
        h = _inorm_relu(t)
        y = jnp.dot(h, w_ref[...], preferred_element_type=jnp.float32) * dis
        o_ref[...] = _rowmask(i, y)

    return pl.pallas_call(
        body,
        grid=(NP // BR,),
        in_specs=[
            pl.BlockSpec((2, BR, D), lambda i: (0, i, 0)),
            pl.BlockSpec((BR, D), lambda i: (i, 0)),
            pl.BlockSpec((BR, 1), lambda i: (i, 0)),
            pl.BlockSpec((1, D), lambda i: (0, 0)),
            pl.BlockSpec((D, D), lambda i: (0, 0)),
        ],
        out_specs=pl.BlockSpec((BR, D), lambda i: (i, 0)),
        out_shape=jax.ShapeDtypeStruct((NP, D), jnp.float32),
    )(p, y1, dis_col, b1, W2)


def _tc3(p, y2, dis_col, b2, x, Wres, bres, Woutp):
    def body(p_ref, y_ref, dis_ref, b_ref, x_ref, wr_ref,
             br_ref, wo_ref, xo_ref, z_ref):
        i = pl.program_id(0)
        dis = dis_ref[...]
        t = dis * (p_ref[0] + p_ref[1] + y_ref[...]) + b_ref[...]
        h = _inorm_relu(t)
        xo = h + jnp.dot(x_ref[...], wr_ref[...],
                         preferred_element_type=jnp.float32) + br_ref[...]
        xo_ref[...] = xo
        z = jnp.dot(xo, wo_ref[...], preferred_element_type=jnp.float32) * dis
        z_ref[...] = _rowmask(i, z)

    return pl.pallas_call(
        body,
        grid=(NP // BR,),
        in_specs=[
            pl.BlockSpec((2, BR, D), lambda i: (0, i, 0)),
            pl.BlockSpec((BR, D), lambda i: (i, 0)),
            pl.BlockSpec((BR, 1), lambda i: (i, 0)),
            pl.BlockSpec((1, D), lambda i: (0, 0)),
            pl.BlockSpec((BR, D), lambda i: (i, 0)),
            pl.BlockSpec((D, D), lambda i: (0, 0)),
            pl.BlockSpec((1, D), lambda i: (0, 0)),
            pl.BlockSpec((D, 16), lambda i: (0, 0)),
        ],
        out_specs=[
            pl.BlockSpec((BR, D), lambda i: (i, 0)),
            pl.BlockSpec((BR, 16), lambda i: (i, 0)),
        ],
        out_shape=[
            jax.ShapeDtypeStruct((N, D), jnp.float32),
            jax.ShapeDtypeStruct((NP, 16), jnp.float32),
        ],
    )(p, y2, dis_col, b2, x, Wres, bres, Woutp)


def _tc4(q, zp, dis_col, boutp):
    def body(q_ref, z_ref, dis_ref, b_ref, o_ref):
        dis = dis_ref[...]
        t = dis * (q_ref[0] + q_ref[1] + z_ref[...]) + b_ref[...]
        o_ref[...] = (jax.nn.sigmoid(t) - 0.5)[:, :2]

    return pl.pallas_call(
        body,
        grid=(NP // BR,),
        in_specs=[
            pl.BlockSpec((2, BR, 16), lambda i: (0, i, 0)),
            pl.BlockSpec((BR, 16), lambda i: (i, 0)),
            pl.BlockSpec((BR, 1), lambda i: (i, 0)),
            pl.BlockSpec((1, 16), lambda i: (0, 0)),
        ],
        out_specs=pl.BlockSpec((BR, 2), lambda i: (i, 0)),
        out_shape=jax.ShapeDtypeStruct((N, 2), jnp.float32),
    )(q, zp, dis_col, boutp)


def kernel(x, edge_index, W1, b1, W2, b2, Wres, bres, Wout, bout):
    npad = PADE - EPT
    spread = (jnp.arange(npad, dtype=jnp.int32)[None, :]
              + jnp.arange(NW, dtype=jnp.int32)[:, None] * 8) % (NP - N) + N
    pads = jnp.broadcast_to(spread[None], (2, NW, npad))
    eidx = jnp.concatenate([edge_index.reshape(2, NW, EPT), pads], axis=2)
    eidx2 = eidx.reshape(2, NW, NCH2, CH2)
    eidx = eidx.reshape(2, NW, NCH, CHUNK)

    degp = _DEG(eidx2)
    dis_col = lax.rsqrt(degp[:NP] + degp[NP:] + 1.0).reshape(NP, 1)

    y1 = _tc1(x, W1, dis_col)
    s1 = _SEG128(y1, eidx)
    y2 = _tc2(s1, y1, dis_col, b1.reshape(1, D), W2)
    s2 = _SEG128(y2, eidx)

    Woutp = jnp.zeros((D, 16), jnp.float32).at[:, :2].set(Wout)
    x_out_p, zp = _tc3(s2, y2, dis_col, b2.reshape(1, D), x,
                       Wres, bres.reshape(1, D), Woutp)
    s3 = _SEG16(zp, eidx2)
    boutp = jnp.zeros((1, 16), jnp.float32).at[0, :2].set(bout)
    out = _tc4(s3, zp, dis_col, boutp)
    return x_out_p, out

# --- scband reference (transcript-rebuilt; emitter-appended) ---
"""Pipeline reference for scband-polycore-41008347742525 (READ-ONLY COPY).

The authoritative reference and input builder live on the scoring server;
editing this copy changes nothing except your own understanding.
"""

import jax, jax.numpy as jnp
import numpy as np

N = 10000
E = 320000
D_IN = 128
D_HID = 128
D_OUT = 128


def _gcn_conv(x, W, b, src, dst, n):
    # PyG GCNConv: add self-loops, symmetric normalization D^-1/2 (A+I) D^-1/2 x W + b
    loop = jnp.arange(n, dtype=src.dtype)
    src_f = jnp.concatenate([src, loop])
    dst_f = jnp.concatenate([dst, loop])
    ones = jnp.ones(src_f.shape[0], dtype=x.dtype)
    deg = jax.ops.segment_sum(ones, dst_f, num_segments=n)
    dis = jnp.where(deg > 0, deg ** -0.5, 0.0)
    norm = dis[src_f] * dis[dst_f]
    xw = x @ W
    msg = xw[src_f] * norm[:, None]
    out = jax.ops.segment_sum(msg, dst_f, num_segments=n)
    return out + b


def _inorm(h):
    # InstanceNorm1d(affine=False) applied to 2D [N, C] input: per-row normalization
    # over the feature dim (torch treats 2D input as unbatched (C, L)).
    m = jnp.mean(h, axis=-1, keepdims=True)
    v = jnp.var(h, axis=-1, keepdims=True)
    return (h - m) / jnp.sqrt(v + 1e-5)


def setup_inputs(seed: int = 0) -> dict:
    key = jax.random.key(seed)
    ks = jax.random.split(key, 12)
    x = jax.random.normal(ks[0], (N, D_IN), dtype=jnp.float32)
    edge_index = jax.random.randint(ks[1], (2, E), 0, N, dtype=jnp.int32)
    W1 = jax.random.normal(ks[2], (D_IN, D_HID), dtype=jnp.float32) * 0.05
    b1 = jnp.zeros((D_HID,), dtype=jnp.float32)
    W2 = jax.random.normal(ks[3], (D_HID, D_OUT), dtype=jnp.float32) * 0.05
    b2 = jnp.zeros((D_OUT,), dtype=jnp.float32)
    Wres = jax.random.normal(ks[4], (D_IN, D_OUT), dtype=jnp.float32) * 0.05
    bres = jnp.zeros((D_OUT,), dtype=jnp.float32)
    Wout = jax.random.normal(ks[5], (D_OUT, 2), dtype=jnp.float32) * 0.05
    bout = jnp.zeros((2,), dtype=jnp.float32)
    return {"x": x, "edge_index": edge_index, "W1": W1, "b1": b1, "W2": W2, "b2": b2, "Wres": Wres, "bres": bres, "Wout": Wout, "bout": bout}


def reference(x, edge_index, W1, b1, W2, b2, Wres, bres, Wout, bout):
    src = edge_index[0]
    dst = edge_index[1]
    inp = x
    h = _gcn_conv(x, W1, b1, src, dst, N)
    h = jax.nn.relu(_inorm(h))
    h = _gcn_conv(h, W2, b2, src, dst, N)
    h = jax.nn.relu(_inorm(h))
    x_out = h + inp @ Wres + bres
    out = jax.nn.sigmoid(_gcn_conv(x_out, Wout, bout, src, dst, N)) - 0.5
    return (x_out, out)

if __name__ == "__main__":
    import jax
    _d = setup_inputs()
    print(jax.jit(kernel)(*tuple(_d.values())))

</pallas_src>

<mosaic_0001>
#map = affine_map<(d0, d1) -> (0, 0)>
#map1 = affine_map<(d0, d1) -> (0, 0, 0, 0)>
#map2 = affine_map<(d0, d1) -> (0, 0, 0)>
module attributes {stable_mosaic.version = 14 : i64} {
  func.func @seg_kernel(%arg0: i32, %arg1: i32, %arg2: memref<10240x128xf32, #tpu.memory_space<hbm>>, %arg3: memref<2x32x91x112xi32, #tpu.memory_space<hbm>>, %arg4: memref<2x10240x128xf32, #tpu.memory_space<hbm>>, %arg5: memref<10240x128xf32, #tpu.memory_space<vmem_shared>>, %arg6: memref<91x112xi32, #tpu.memory_space<vmem>>, %arg7: memref<91x112xi32, #tpu.memory_space<vmem>>, %arg8: memref<2x112x128xf32, #tpu.memory_space<vmem>>, %arg9: memref<!tpu.dma_semaphore, #tpu.memory_space<semaphore_mem>>, %arg10: memref<!tpu.dma_semaphore, #tpu.memory_space<semaphore_mem>>, %arg11: memref<!tpu.dma_semaphore, #tpu.memory_space<semaphore_mem>>, %arg12: memref<!tpu.dma_semaphore, #tpu.memory_space<semaphore_mem>>) attributes {dimension_semantics = [#tpu.dimension_semantics<core_parallel>, #tpu.dimension_semantics<subcore_parallel>], iteration_bounds = array<i64: 2, 16>, scalar_prefetch = 0 : i64, scratch_operands = 8 : i64, tpu.core_type = #tpu.core_type<sc_vector_subcore>, window_params = [{transform_indices = #map}, {transform_indices = #map1}, {transform_indices = #map2}]} {
    %mul3A = arith.constant 2 : i32
    %mul3A_0 = arith.muli %arg1, %mul3A : i32
    %add3A = arith.addi %mul3A_0, %arg0 : i32
    %broadcast_in_dim3A = arith.constant 0.000000e+00 : f32
    %broadcast_in_dim3A_1 = vector.broadcast %broadcast_in_dim3A : f32 to vector<16xf32>
    %scan3A = arith.constant 0 : i32
    %scan3A_2 = arith.constant 0 : i32
    %scan3A_3 = arith.constant 112 : i32
    %scan3A_4 = arith.addi %scan3A_2, %scan3A_3 : i32
    %scan3A_5 = arith.constant 1 : i32
    %scan3A_6 = scf.for %scan3A_75 = %scan3A_2 to %scan3A_4 step %scan3A_5 iter_args(%scan3A_76 = %scan3A) -> (i32)  : i32 {
      %swap3A = arith.constant 0 : i32
      %swap3A_77 = arith.index_cast %swap3A : i32 to index
      %swap3A_78 = arith.index_cast %scan3A_75 : i32 to index
      %swap3A_79 = arith.constant 0 : index
      %swap3A_80 = tpu.vector_load %arg8[%swap3A_77, %swap3A_78, %swap3A_79] {strides = array<i32>} : memref<2x112x128xf32, #tpu.memory_space<vmem>>, vector<1x1x16xf32>,
      %swap3A_81 = vector.shape_cast %swap3A_80 : vector<1x1x16xf32> to vector<16xf32>
      %swap3A_82 = vector.shape_cast %broadcast_in_dim3A_1 : vector<16xf32> to vector<1x1x16xf32>
      tpu.vector_store %arg8[%swap3A_77, %swap3A_78, %swap3A_79], %swap3A_82 {strides = array<i32>} : memref<2x112x128xf32, #tpu.memory_space<vmem>>, vector<1x1x16xf32>,
      %swap3A_83 = arith.constant 0 : i32
      %swap3A_84 = arith.index_cast %swap3A_83 : i32 to index
      %swap3A_85 = arith.index_cast %scan3A_75 : i32 to index
      %swap3A_86 = arith.constant 16 : index
      %swap3A_87 = tpu.vector_load %arg8[%swap3A_84, %swap3A_85, %swap3A_86] {strides = array<i32>} : memref<2x112x128xf32, #tpu.memory_space<vmem>>, vector<1x1x16xf32>,
      %swap3A_88 = vector.shape_cast %swap3A_87 : vector<1x1x16xf32> to vector<16xf32>
      %swap3A_89 = vector.shape_cast %broadcast_in_dim3A_1 : vector<16xf32> to vector<1x1x16xf32>
      tpu.vector_store %arg8[%swap3A_84, %swap3A_85, %swap3A_86], %swap3A_89 {strides = array<i32>} : memref<2x112x128xf32, #tpu.memory_space<vmem>>, vector<1x1x16xf32>,
      %swap3A_90 = arith.constant 0 : i32
      %swap3A_91 = arith.index_cast %swap3A_90 : i32 to index
      %swap3A_92 = arith.index_cast %scan3A_75 : i32 to index
      %swap3A_93 = arith.constant 32 : index
      %swap3A_94 = tpu.vector_load %arg8[%swap3A_91, %swap3A_92, %swap3A_93] {strides = array<i32>} : memref<2x112x128xf32, #tpu.memory_space<vmem>>, vector<1x1x16xf32>,
      %swap3A_95 = vector.shape_cast %swap3A_94 : vector<1x1x16xf32> to vector<16xf32>
      %swap3A_96 = vector.shape_cast %broadcast_in_dim3A_1 : vector<16xf32> to vector<1x1x16xf32>
      tpu.vector_store %arg8[%swap3A_91, %swap3A_92, %swap3A_93], %swap3A_96 {strides = array<i32>} : memref<2x112x128xf32, #tpu.memory_space<vmem>>, vector<1x1x16xf32>,
      %swap3A_97 = arith.constant 0 : i32
      %swap3A_98 = arith.index_cast %swap3A_97 : i32 to index
      %swap3A_99 = arith.index_cast %scan3A_75 : i32 to index
      %swap3A_100 = arith.constant 48 : index
      %swap3A_101 = tpu.vector_load %arg8[%swap3A_98, %swap3A_99, %swap3A_100] {strides = array<i32>} : memref<2x112x128xf32, #tpu.memory_space<vmem>>, vector<1x1x16xf32>,
      %swap3A_102 = vector.shape_cast %swap3A_101 : vector<1x1x16xf32> to vector<16xf32>
      %swap3A_103 = vector.shape_cast %broadcast_in_dim3A_1 : vector<16xf32> to vector<1x1x16xf32>
      tpu.vector_store %arg8[%swap3A_98, %swap3A_99, %swap3A_100], %swap3A_103 {strides = array<i32>} : memref<2x112x128xf32, #tpu.memory_space<vmem>>, vector<1x1x16xf32>,
      %swap3A_104 = arith.constant 0 : i32
      %swap3A_105 = arith.index_cast %swap3A_104 : i32 to index
      %swap3A_106 = arith.index_cast %scan3A_75 : i32 to index
      %swap3A_107 = arith.constant 64 : index
      %swap3A_108 = tpu.vector_load %arg8[%swap3A_105, %swap3A_106, %swap3A_107] {strides = array<i32>} : memref<2x112x128xf32, #tpu.memory_space<vmem>>, vector<1x1x16xf32>,
      %swap3A_109 = vector.shape_cast %swap3A_108 : vector<1x1x16xf32> to vector<16xf32>
      %swap3A_110 = vector.shape_cast %broadcast_in_dim3A_1 : vector<16xf32> to vector<1x1x16xf32>
      tpu.vector_store %arg8[%swap3A_105, %swap3A_106, %swap3A_107], %swap3A_110 {strides = array<i32>} : memref<2x112x128xf32, #tpu.memory_space<vmem>>, vector<1x1x16xf32>,
      %swap3A_111 = arith.constant 0 : i32
      %swap3A_112 = arith.index_cast %swap3A_111 : i32 to index
      %swap3A_113 = arith.index_cast %scan3A_75 : i32 to index
      %swap3A_114 = arith.constant 80 : index
      %swap3A_115 = tpu.vector_load %arg8[%swap3A_112, %swap3A_113, %swap3A_114] {strides = array<i32>} : memref<2x112x128xf32, #tpu.memory_space<vmem>>, vector<1x1x16xf32>,
      %swap3A_116 = vector.shape_cast %swap3A_115 : vector<1x1x16xf32> to vector<16xf32>
      %swap3A_117 = vector.shape_cast %broadcast_in_dim3A_1 : vector<16xf32> to vector<1x1x16xf32>
      tpu.vector_store %arg8[%swap3A_112, %swap3A_113, %swap3A_114], %swap3A_117 {strides = array<i32>} : memref<2x112x128xf32, #tpu.memory_space<vmem>>, vector<1x1x16xf32>,
      %swap3A_118 = arith.constant 0 : i32
      %swap3A_119 = arith.index_cast %swap3A_118 : i32 to index
      %swap3A_120 = arith.index_cast %scan3A_75 : i32 to index
      %swap3A_121 = arith.constant 96 : index
      %swap3A_122 = tpu.vector_load %arg8[%swap3A_119, %swap3A_120, %swap3A_121] {strides = array<i32>} : memref<2x112x128xf32, #tpu.memory_space<vmem>>, vector<1x1x16xf32>,
      %swap3A_123 = vector.shape_cast %swap3A_122 : vector<1x1x16xf32> to vector<16xf32>
      %swap3A_124 = vector.shape_cast %broadcast_in_dim3A_1 : vector<16xf32> to vector<1x1x16xf32>
      tpu.vector_store %arg8[%swap3A_119, %swap3A_120, %swap3A_121], %swap3A_124 {strides = array<i32>} : memref<2x112x128xf32, #tpu.memory_space<vmem>>, vector<1x1x16xf32>,
      %swap3A_125 = arith.constant 0 : i32
      %swap3A_126 = arith.index_cast %swap3A_125 : i32 to index
      %swap3A_127 = arith.index_cast %scan3A_75 : i32 to index
      %swap3A_128 = arith.constant 112 : index
      %swap3A_129 = tpu.vector_load %arg8[%swap3A_126, %swap3A_127, %swap3A_128] {strides = array<i32>} : memref<2x112x128xf32, #tpu.memory_space<vmem>>, vector<1x1x16xf32>,
      %swap3A_130 = vector.shape_cast %swap3A_129 : vector<1x1x16xf32> to vector<16xf32>
      %swap3A_131 = vector.shape_cast %broadcast_in_dim3A_1 : vector<16xf32> to vector<1x1x16xf32>
      tpu.vector_store %arg8[%swap3A_126, %swap3A_127, %swap3A_128], %swap3A_131 {strides = array<i32>} : memref<2x112x128xf32, #tpu.memory_space<vmem>>, vector<1x1x16xf32>,
      %scan3A_132 = arith.constant 0 : i32
      scf.yield %scan3A_132 : i32
    }
    %scan3A_7 = arith.constant 112 : i32
    %mul3A_8 = arith.constant 640 : i32
    %mul3A_9 = arith.muli %arg1, %mul3A_8 : i32
    %add3A_10 = arith.constant 0 : i32
    %add3A_11 = arith.addi %mul3A_9, %add3A_10 : i32
    %run_scoped3A = arith.constant 0 : i32
    "tpu.region"() ({
      %run_scoped3A_75 = tpu.sem_alloc : memref<!tpu.dma_semaphore, #tpu.memory_space<semaphore_mem>>
      %dma_start3A_76 = arith.constant 0 : i32
      %dma_start3A_77 = arith.constant 0 : i32
      %dma_start3A_78 = tpu.memref_slice %arg8[%run_scoped3A, %dma_start3A_76, %dma_start3A_77] : memref<2x112x128xf32, #tpu.memory_space<vmem>> -> memref<1x112x128xf32, #tpu.memory_space<vmem>>
      %dma_start3A_79 = tpu.memref_squeeze %dma_start3A_78 : memref<1x112x128xf32, #tpu.memory_space<vmem>> -> memref<112x128xf32, #tpu.memory_space<vmem>>
      %dma_start3A_80 = arith.constant 0 : i32
      %dma_start3A_81 = tpu.memref_slice %arg5[%add3A_11, %dma_start3A_80] : memref<10240x128xf32, #tpu.memory_space<vmem_shared>> -> memref<112x128xf32, #tpu.memory_space<vmem_shared>>
      %dma_start3A_82 = arith.constant 0 : i32
      %dma_start3A_83 = tpu.memref_slice %arg5[%add3A_11, %dma_start3A_82] : memref<10240x128xf32, #tpu.memory_space<vmem_shared>> -> memref<112x128xf32, #tpu.memory_space<vmem_shared>>
      %dma_start3A_84 = arith.constant 0 : i32
      %dma_start3A_85 = arith.constant 0 : i32
      %dma_start3A_86 = tpu.memref_slice %arg8[%run_scoped3A, %dma_start3A_84, %dma_start3A_85] : memref<2x112x128xf32, #tpu.memory_space<vmem>> -> memref<1x112x128xf32, #tpu.memory_space<vmem>>
      %dma_start3A_87 = tpu.memref_squeeze %dma_start3A_86 : memref<1x112x128xf32, #tpu.memory_space<vmem>> -> memref<112x128xf32, #tpu.memory_space<vmem>>
      tpu.enqueue_dma source(%dma_start3A_87 : memref<112x128xf32, #tpu.memory_space<vmem>>) target(%dma_start3A_83 : memref<112x128xf32, #tpu.memory_space<vmem_shared>>) target_semaphore(%run_scoped3A_75 : memref<!tpu.dma_semaphore, #tpu.memory_space<semaphore_mem>>)
      %dma_wait3A_88 = arith.constant 0 : i32
      %dma_wait3A_89 = arith.constant 0 : i32
      %dma_wait3A_90 = tpu.memref_slice %arg8[%run_scoped3A, %dma_wait3A_88, %dma_wait3A_89] : memref<2x112x128xf32, #tpu.memory_space<vmem>> -> memref<1x112x128xf32, #tpu.memory_space<vmem>>
      %dma_wait3A_91 = tpu.memref_squeeze %dma_wait3A_90 : memref<1x112x128xf32, #tpu.memory_space<vmem>> -> memref<112x128xf32, #tpu.memory_space<vmem>>
      %dma_wait3A_92 = arith.constant 0 : i32
      %dma_wait3A_93 = tpu.memref_slice %arg5[%add3A_11, %dma_wait3A_92] : memref<10240x128xf32, #tpu.memory_space<vmem_shared>> -> memref<112x128xf32, #tpu.memory_space<vmem_shared>>
      %dma_wait3A_94 = arith.constant 0 : i32
      %dma_wait3A_95 = tpu.memref_slice %arg5[%add3A_11, %dma_wait3A_94] : memref<10240x128xf32, #tpu.memory_space<vmem_shared>> -> memref<112x128xf32, #tpu.memory_space<vmem_shared>>
      %dma_wait3A_96 = arith.constant 0 : i32
      %dma_wait3A_97 = arith.constant 0 : i32
      %dma_wait3A_98 = tpu.memref_slice %arg8[%run_scoped3A, %dma_wait3A_96, %dma_wait3A_97] : memref<2x112x128xf32, #tpu.memory_space<vmem>> -> memref<1x112x128xf32, #tpu.memory_space<vmem>>
      %dma_wait3A_99 = tpu.memref_squeeze %dma_wait3A_98 : memref<1x112x128xf32, #tpu.memory_space<vmem>> -> memref<112x128xf32, #tpu.memory_space<vmem>>
      tpu.wait_dma2 semaphore(%run_scoped3A_75 : memref<!tpu.dma_semaphore, #tpu.memory_space<semaphore_mem>>) src(%dma_wait3A_99 : memref<112x128xf32, #tpu.memory_space<vmem>>) dst(%dma_wait3A_95 : memref<112x128xf32, #tpu.memory_space<vmem_shared>>)
      tpu.yield
    }) : () -> ()
    %add3A_12 = arith.constant 112 : i32
    %add3A_13 = arith.addi %mul3A_9, %add3A_12 : i32
    %run_scoped3A_14 = arith.constant 0 : i32
    "tpu.region"() ({
      %run_scoped3A_75 = tpu.sem_alloc : memref<!tpu.dma_semaphore, #tpu.memory_space<semaphore_mem>>
      %dma_start3A_76 = arith.constant 0 : i32
      %dma_start3A_77 = arith.constant 0 : i32
      %dma_start3A_78 = tpu.memref_slice %arg8[%run_scoped3A_14, %dma_start3A_76, %dma_start3A_77] : memref<2x112x128xf32, #tpu.memory_space<vmem>> -> memref<1x112x128xf32, #tpu.memory_space<vmem>>
      %dma_start3A_79 = tpu.memref_squeeze %dma_start3A_78 : memref<1x112x128xf32, #tpu.memory_space<vmem>> -> memref<112x128xf32, #tpu.memory_space<vmem>>
      %dma_start3A_80 = arith.constant 0 : i32
      %dma_start3A_81 = tpu.memref_slice %arg5[%add3A_13, %dma_start3A_80] : memref<10240x128xf32, #tpu.memory_space<vmem_shared>> -> memref<112x128xf32, #tpu.memory_space<vmem_shared>>
      %dma_start3A_82 = arith.constant 0 : i32
      %dma_start3A_83 = tpu.memref_slice %arg5[%add3A_13, %dma_start3A_82] : memref<10240x128xf32, #tpu.memory_space<vmem_shared>> -> memref<112x128xf32, #tpu.memory_space<vmem_shared>>
      %dma_start3A_84 = arith.constant 0 : i32
      %dma_start3A_85 = arith.constant 0 : i32
      %dma_start3A_86 = tpu.memref_slice %arg8[%run_scoped3A_14, %dma_start3A_84, %dma_start3A_85] : memref<2x112x128xf32, #tpu.memory_space<vmem>> -> memref<1x112x128xf32, #tpu.memory_space<vmem>>
      %dma_start3A_87 = tpu.memref_squeeze %dma_start3A_86 : memref<1x112x128xf32, #tpu.memory_space<vmem>> -> memref<112x128xf32, #tpu.memory_space<vmem>>
      tpu.enqueue_dma source(%dma_start3A_87 : memref<112x128xf32, #tpu.memory_space<vmem>>) target(%dma_start3A_83 : memref<112x128xf32, #tpu.memory_space<vmem_shared>>) target_semaphore(%run_scoped3A_75 : memref<!tpu.dma_semaphore, #tpu.memory_space<semaphore_mem>>)
      %dma_wait3A_88 = arith.constant 0 : i32
      %dma_wait3A_89 = arith.constant 0 : i32
      %dma_wait3A_90 = tpu.memref_slice %arg8[%run_scoped3A_14, %dma_wait3A_88, %dma_wait3A_89] : memref<2x112x128xf32, #tpu.memory_space<vmem>> -> memref<1x112x128xf32, #tpu.memory_space<vmem>>
      %dma_wait3A_91 = tpu.memref_squeeze %dma_wait3A_90 : memref<1x112x128xf32, #tpu.memory_space<vmem>> -> memref<112x128xf32, #tpu.memory_space<vmem>>
      %dma_wait3A_92 = arith.constant 0 : i32
      %dma_wait3A_93 = tpu.memref_slice %arg5[%add3A_13, %dma_wait3A_92] : memref<10240x128xf32, #tpu.memory_space<vmem_shared>> -> memref<112x128xf32, #tpu.memory_space<vmem_shared>>
      %dma_wait3A_94 = arith.constant 0 : i32
      %dma_wait3A_95 = tpu.memref_slice %arg5[%add3A_13, %dma_wait3A_94] : memref<10240x128xf32, #tpu.memory_space<vmem_shared>> -> memref<112x128xf32, #tpu.memory_space<vmem_shared>>
      %dma_wait3A_96 = arith.constant 0 : i32
      %dma_wait3A_97 = arith.constant 0 : i32
      %dma_wait3A_98 = tpu.memref_slice %arg8[%run_scoped3A_14, %dma_wait3A_96, %dma_wait3A_97] : memref<2x112x128xf32, #tpu.memory_space<vmem>> -> memref<1x112x128xf32, #tpu.memory_space<vmem>>
      %dma_wait3A_99 = tpu.memref_squeeze %dma_wait3A_98 : memref<1x112x128xf32, #tpu.memory_space<vmem>> -> memref<112x128xf32, #tpu.memory_space<vmem>>
      tpu.wait_dma2 semaphore(%run_scoped3A_75 : memref<!tpu.dma_semaphore, #tpu.memory_space<semaphore_mem>>) src(%dma_wait3A_99 : memref<112x128xf32, #tpu.memory_space<vmem>>) dst(%dma_wait3A_95 : memref<112x128xf32, #tpu.memory_space<vmem_shared>>)
      tpu.yield
    }) : () -> ()
    %add3A_15 = arith.constant 224 : i32
    %add3A_16 = arith.addi %mul3A_9, %add3A_15 : i32
    %run_scoped3A_17 = arith.constant 0 : i32
    "tpu.region"() ({
      %run_scoped3A_75 = tpu.sem_alloc : memref<!tpu.dma_semaphore, #tpu.memory_space<semaphore_mem>>
      %dma_start3A_76 = arith.constant 0 : i32
      %dma_start3A_77 = arith.constant 0 : i32
      %dma_start3A_78 = tpu.memref_slice %arg8[%run_scoped3A_17, %dma_start3A_76, %dma_start3A_77] : memref<2x112x128xf32, #tpu.memory_space<vmem>> -> memref<1x112x128xf32, #tpu.memory_space<vmem>>
      %dma_start3A_79 = tpu.memref_squeeze %dma_start3A_78 : memref<1x112x128xf32, #tpu.memory_space<vmem>> -> memref<112x128xf32, #tpu.memory_space<vmem>>
      %dma_start3A_80 = arith.constant 0 : i32
      %dma_start3A_81 = tpu.memref_slice %arg5[%add3A_16, %dma_start3A_80] : memref<10240x128xf32, #tpu.memory_space<vmem_shared>> -> memref<112x128xf32, #tpu.memory_space<vmem_shared>>
      %dma_start3A_82 = arith.constant 0 : i32
      %dma_start3A_83 = tpu.memref_slice %arg5[%add3A_16, %dma_start3A_82] : memref<10240x128xf32, #tpu.memory_space<vmem_shared>> -> memref<112x128xf32, #tpu.memory_space<vmem_shared>>
      %dma_start3A_84 = arith.constant 0 : i32
      %dma_start3A_85 = arith.constant 0 : i32
      %dma_start3A_86 = tpu.memref_slice %arg8[%run_scoped3A_17, %dma_start3A_84, %dma_start3A_85] : memref<2x112x128xf32, #tpu.memory_space<vmem>> -> memref<1x112x128xf32, #tpu.memory_space<vmem>>
      %dma_start3A_87 = tpu.memref_squeeze %dma_start3A_86 : memref<1x112x128xf32, #tpu.memory_space<vmem>> -> memref<112x128xf32, #tpu.memory_space<vmem>>
      tpu.enqueue_dma source(%dma_start3A_87 : memref<112x128xf32, #tpu.memory_space<vmem>>) target(%dma_start3A_83 : memref<112x128xf32, #tpu.memory_space<vmem_shared>>) target_semaphore(%run_scoped3A_75 : memref<!tpu.dma_semaphore, #tpu.memory_space<semaphore_mem>>)
      %dma_wait3A_88 = arith.constant 0 : i32
      %dma_wait3A_89 = arith.constant 0 : i32
      %dma_wait3A_90 = tpu.memref_slice %arg8[%run_scoped3A_17, %dma_wait3A_88, %dma_wait3A_89] : memref<2x112x128xf32, #tpu.memory_space<vmem>> -> memref<1x112x128xf32, #tpu.memory_space<vmem>>
      %dma_wait3A_91 = tpu.memref_squeeze %dma_wait3A_90 : memref<1x112x128xf32, #tpu.memory_space<vmem>> -> memref<112x128xf32, #tpu.memory_space<vmem>>
      %dma_wait3A_92 = arith.constant 0 : i32
      %dma_wait3A_93 = tpu.memref_slice %arg5[%add3A_16, %dma_wait3A_92] : memref<10240x128xf32, #tpu.memory_space<vmem_shared>> -> memref<112x128xf32, #tpu.memory_space<vmem_shared>>
      %dma_wait3A_94 = arith.constant 0 : i32
      %dma_wait3A_95 = tpu.memref_slice %arg5[%add3A_16, %dma_wait3A_94] : memref<10240x128xf32, #tpu.memory_space<vmem_shared>> -> memref<112x128xf32, #tpu.memory_space<vmem_shared>>
      %dma_wait3A_96 = arith.constant 0 : i32
      %dma_wait3A_97 = arith.constant 0 : i32
      %dma_wait3A_98 = tpu.memref_slice %arg8[%run_scoped3A_17, %dma_wait3A_96, %dma_wait3A_97] : memref<2x112x128xf32, #tpu.memory_space<vmem>> -> memref<1x112x128xf32, #tpu.memory_space<vmem>>
      %dma_wait3A_99 = tpu.memref_squeeze %dma_wait3A_98 : memref<1x112x128xf32, #tpu.memory_space<vmem>> -> memref<112x128xf32, #tpu.memory_space<vmem>>
      tpu.wait_dma2 semaphore(%run_scoped3A_75 : memref<!tpu.dma_semaphore, #tpu.memory_space<semaphore_mem>>) src(%dma_wait3A_99 : memref<112x128xf32, #tpu.memory_space<vmem>>) dst(%dma_wait3A_95 : memref<112x128xf32, #tpu.memory_space<vmem_shared>>)
      tpu.yield
    }) : () -> ()
    %add3A_18 = arith.constant 336 : i32
    %add3A_19 = arith.addi %mul3A_9, %add3A_18 : i32
    %run_scoped3A_20 = arith.constant 0 : i32
    "tpu.region"() ({
      %run_scoped3A_75 = tpu.sem_alloc : memref<!tpu.dma_semaphore, #tpu.memory_space<semaphore_mem>>
      %dma_start3A_76 = arith.constant 0 : i32
      %dma_start3A_77 = arith.constant 0 : i32
      %dma_start3A_78 = tpu.memref_slice %arg8[%run_scoped3A_20, %dma_start3A_76, %dma_start3A_77] : memref<2x112x128xf32, #tpu.memory_space<vmem>> -> memref<1x112x128xf32, #tpu.memory_space<vmem>>
      %dma_start3A_79 = tpu.memref_squeeze %dma_start3A_78 : memref<1x112x128xf32, #tpu.memory_space<vmem>> -> memref<112x128xf32, #tpu.memory_space<vmem>>
      %dma_start3A_80 = arith.constant 0 : i32
      %dma_start3A_81 = tpu.memref_slice %arg5[%add3A_19, %dma_start3A_80] : memref<10240x128xf32, #tpu.memory_space<vmem_shared>> -> memref<112x128xf32, #tpu.memory_space<vmem_shared>>
      %dma_start3A_82 = arith.constant 0 : i32
      %dma_start3A_83 = tpu.memref_slice %arg5[%add3A_19, %dma_start3A_82] : memref<10240x128xf32, #tpu.memory_space<vmem_shared>> -> memref<112x128xf32, #tpu.memory_space<vmem_shared>>
      %dma_start3A_84 = arith.constant 0 : i32
      %dma_start3A_85 = arith.constant 0 : i32
      %dma_start3A_86 = tpu.memref_slice %arg8[%run_scoped3A_20, %dma_start3A_84, %dma_start3A_85] : memref<2x112x128xf32, #tpu.memory_space<vmem>> -> memref<1x112x128xf32, #tpu.memory_space<vmem>>
      %dma_start3A_87 = tpu.memref_squeeze %dma_start3A_86 : memref<1x112x128xf32, #tpu.memory_space<vmem>> -> memref<112x128xf32, #tpu.memory_space<vmem>>
      tpu.enqueue_dma source(%dma_start3A_87 : memref<112x128xf32, #tpu.memory_space<vmem>>) target(%dma_start3A_83 : memref<112x128xf32, #tpu.memory_space<vmem_shared>>) target_semaphore(%run_scoped3A_75 : memref<!tpu.dma_semaphore, #tpu.memory_space<semaphore_mem>>)
      %dma_wait3A_88 = arith.constant 0 : i32
      %dma_wait3A_89 = arith.constant 0 : i32
      %dma_wait3A_90 = tpu.memref_slice %arg8[%run_scoped3A_20, %dma_wait3A_88, %dma_wait3A_89] : memref<2x112x128xf32, #tpu.memory_space<vmem>> -> memref<1x112x128xf32, #tpu.memory_space<vmem>>
      %dma_wait3A_91 = tpu.memref_squeeze %dma_wait3A_90 : memref<1x112x128xf32, #tpu.memory_space<vmem>> -> memref<112x128xf32, #tpu.memory_space<vmem>>
      %dma_wait3A_92 = arith.constant 0 : i32
      %dma_wait3A_93 = tpu.memref_slice %arg5[%add3A_19, %dma_wait3A_92] : memref<10240x128xf32, #tpu.memory_space<vmem_shared>> -> memref<112x128xf32, #tpu.memory_space<vmem_shared>>
      %dma_wait3A_94 = arith.constant 0 : i32
      %dma_wait3A_95 = tpu.memref_slice %arg5[%add3A_19, %dma_wait3A_94] : memref<10240x128xf32, #tpu.memory_space<vmem_shared>> -> memref<112x128xf32, #tpu.memory_space<vmem_shared>>
      %dma_wait3A_96 = arith.constant 0 : i32
      %dma_wait3A_97 = arith.constant 0 : i32
      %dma_wait3A_98 = tpu.memref_slice %arg8[%run_scoped3A_20, %dma_wait3A_96, %dma_wait3A_97] : memref<2x112x128xf32, #tpu.memory_space<vmem>> -> memref<1x112x128xf32, #tpu.memory_space<vmem>>
      %dma_wait3A_99 = tpu.memref_squeeze %dma_wait3A_98 : memref<1x112x128xf32, #tpu.memory_space<vmem>> -> memref<112x128xf32, #tpu.memory_space<vmem>>
      tpu.wait_dma2 semaphore(%run_scoped3A_75 : memref<!tpu.dma_semaphore, #tpu.memory_space<semaphore_mem>>) src(%dma_wait3A_99 : memref<112x128xf32, #tpu.memory_space<vmem>>) dst(%dma_wait3A_95 : memref<112x128xf32, #tpu.memory_space<vmem_shared>>)
      tpu.yield
    }) : () -> ()
    %add3A_21 = arith.constant 448 : i32
    %add3A_22 = arith.addi %mul3A_9, %add3A_21 : i32
    %run_scoped3A_23 = arith.constant 0 : i32
    "tpu.region"() ({
      %run_scoped3A_75 = tpu.sem_alloc : memref<!tpu.dma_semaphore, #tpu.memory_space<semaphore_mem>>
      %dma_start3A_76 = arith.constant 0 : i32
      %dma_start3A_77 = arith.constant 0 : i32
      %dma_start3A_78 = tpu.memref_slice %arg8[%run_scoped3A_23, %dma_start3A_76, %dma_start3A_77] : memref<2x112x128xf32, #tpu.memory_space<vmem>> -> memref<1x112x128xf32, #tpu.memory_space<vmem>>
      %dma_start3A_79 = tpu.memref_squeeze %dma_start3A_78 : memref<1x112x128xf32, #tpu.memory_space<vmem>> -> memref<112x128xf32, #tpu.memory_space<vmem>>
      %dma_start3A_80 = arith.constant 0 : i32
      %dma_start3A_81 = tpu.memref_slice %arg5[%add3A_22, %dma_start3A_80] : memref<10240x128xf32, #tpu.memory_space<vmem_shared>> -> memref<112x128xf32, #tpu.memory_space<vmem_shared>>
      %dma_start3A_82 = arith.constant 0 : i32
      %dma_start3A_83 = tpu.memref_slice %arg5[%add3A_22, %dma_start3A_82] : memref<10240x128xf32, #tpu.memory_space<vmem_shared>> -> memref<112x128xf32, #tpu.memory_space<vmem_shared>>
      %dma_start3A_84 = arith.constant 0 : i32
      %dma_start3A_85 = arith.constant 0 : i32
      %dma_start3A_86 = tpu.memref_slice %arg8[%run_scoped3A_23, %dma_start3A_84, %dma_start3A_85] : memref<2x112x128xf32, #tpu.memory_space<vmem>> -> memref<1x112x128xf32, #tpu.memory_space<vmem>>
      %dma_start3A_87 = tpu.memref_squeeze %dma_start3A_86 : memref<1x112x128xf32, #tpu.memory_space<vmem>> -> memref<112x128xf32, #tpu.memory_space<vmem>>
      tpu.enqueue_dma source(%dma_start3A_87 : memref<112x128xf32, #tpu.memory_space<vmem>>) target(%dma_start3A_83 : memref<112x128xf32, #tpu.memory_space<vmem_shared>>) target_semaphore(%run_scoped3A_75 : memref<!tpu.dma_semaphore, #tpu.memory_space<semaphore_mem>>)
      %dma_wait3A_88 = arith.constant 0 : i32
      %dma_wait3A_89 = arith.constant 0 : i32
      %dma_wait3A_90 = tpu.memref_slice %arg8[%run_scoped3A_23, %dma_wait3A_88, %dma_wait3A_89] : memref<2x112x128xf32, #tpu.memory_space<vmem>> -> memref<1x112x128xf32, #tpu.memory_space<vmem>>
      %dma_wait3A_91 = tpu.memref_squeeze %dma_wait3A_90 : memref<1x112x128xf32, #tpu.memory_space<vmem>> -> memref<112x128xf32, #tpu.memory_space<vmem>>
      %dma_wait3A_92 = arith.constant 0 : i32
      %dma_wait3A_93 = tpu.memref_slice %arg5[%add3A_22, %dma_wait3A_92] : memref<10240x128xf32, #tpu.memory_space<vmem_shared>> -> memref<112x128xf32, #tpu.memory_space<vmem_shared>>
      %dma_wait3A_94 = arith.constant 0 : i32
      %dma_wait3A_95 = tpu.memref_slice %arg5[%add3A_22, %dma_wait3A_94] : memref<10240x128xf32, #tpu.memory_space<vmem_shared>> -> memref<112x128xf32, #tpu.memory_space<vmem_shared>>
      %dma_wait3A_96 = arith.constant 0 : i32
      %dma_wait3A_97 = arith.constant 0 : i32
      %dma_wait3A_98 = tpu.memref_slice %arg8[%run_scoped3A_23, %dma_wait3A_96, %dma_wait3A_97] : memref<2x112x128xf32, #tpu.memory_space<vmem>> -> memref<1x112x128xf32, #tpu.memory_space<vmem>>
      %dma_wait3A_99 = tpu.memref_squeeze %dma_wait3A_98 : memref<1x112x128xf32, #tpu.memory_space<vmem>> -> memref<112x128xf32, #tpu.memory_space<vmem>>
      tpu.wait_dma2 semaphore(%run_scoped3A_75 : memref<!tpu.dma_semaphore, #tpu.memory_space<semaphore_mem>>) src(%dma_wait3A_99 : memref<112x128xf32, #tpu.memory_space<vmem>>) dst(%dma_wait3A_95 : memref<112x128xf32, #tpu.memory_space<vmem_shared>>)
      tpu.yield
    }) : () -> ()
    %add3A_24 = arith.constant 560 : i32
    %add3A_25 = arith.addi %mul3A_9, %add3A_24 : i32
    %run_scoped3A_26 = arith.constant 0 : i32
    "tpu.region"() ({
      %run_scoped3A_75 = tpu.sem_alloc : memref<!tpu.dma_semaphore, #tpu.memory_space<semaphore_mem>>
      %dma_start3A_76 = arith.constant 0 : i32
      %dma_start3A_77 = arith.constant 0 : i32
      %dma_start3A_78 = tpu.memref_slice %arg8[%run_scoped3A_26, %dma_start3A_76, %dma_start3A_77] : memref<2x112x128xf32, #tpu.memory_space<vmem>> -> memref<1x80x128xf32, #tpu.memory_space<vmem>>
      %dma_start3A_79 = tpu.memref_squeeze %dma_start3A_78 : memref<1x80x128xf32, #tpu.memory_space<vmem>> -> memref<80x128xf32, #tpu.memory_space<vmem>>
      %dma_start3A_80 = arith.constant 0 : i32
      %dma_start3A_81 = tpu.memref_slice %arg5[%add3A_25, %dma_start3A_80] : memref<10240x128xf32, #tpu.memory_space<vmem_shared>> -> memref<80x128xf32, #tpu.memory_space<vmem_shared>>
      %dma_start3A_82 = arith.constant 0 : i32
      %dma_start3A_83 = tpu.memref_slice %arg5[%add3A_25, %dma_start3A_82] : memref<10240x128xf32, #tpu.memory_space<vmem_shared>> -> memref<80x128xf32, #tpu.memory_space<vmem_shared>>
      %dma_start3A_84 = arith.constant 0 : i32
      %dma_start3A_85 = arith.constant 0 : i32
      %dma_start3A_86 = tpu.memref_slice %arg8[%run_scoped3A_26, %dma_start3A_84, %dma_start3A_85] : memref<2x112x128xf32, #tpu.memory_space<vmem>> -> memref<1x80x128xf32, #tpu.memory_space<vmem>>
      %dma_start3A_87 = tpu.memref_squeeze %dma_start3A_86 : memref<1x80x128xf32, #tpu.memory_space<vmem>> -> memref<80x128xf32, #tpu.memory_space<vmem>>
      tpu.enqueue_dma source(%dma_start3A_87 : memref<80x128xf32, #tpu.memory_space<vmem>>) target(%dma_start3A_83 : memref<80x128xf32, #tpu.memory_space<vmem_shared>>) target_semaphore(%run_scoped3A_75 : memref<!tpu.dma_semaphore, #tpu.memory_space<semaphore_mem>>)
      %dma_wait3A_88 = arith.constant 0 : i32
      %dma_wait3A_89 = arith.constant 0 : i32
      %dma_wait3A_90 = tpu.memref_slice %arg8[%run_scoped3A_26, %dma_wait3A_88, %dma_wait3A_89] : memref<2x112x128xf32, #tpu.memory_space<vmem>> -> memref<1x80x128xf32, #tpu.memory_space<vmem>>
      %dma_wait3A_91 = tpu.memref_squeeze %dma_wait3A_90 : memref<1x80x128xf32, #tpu.memory_space<vmem>> -> memref<80x128xf32, #tpu.memory_space<vmem>>
      %dma_wait3A_92 = arith.constant 0 : i32
      %dma_wait3A_93 = tpu.memref_slice %arg5[%add3A_25, %dma_wait3A_92] : memref<10240x128xf32, #tpu.memory_space<vmem_shared>> -> memref<80x128xf32, #tpu.memory_space<vmem_shared>>
      %dma_wait3A_94 = arith.constant 0 : i32
      %dma_wait3A_95 = tpu.memref_slice %arg5[%add3A_25, %dma_wait3A_94] : memref<10240x128xf32, #tpu.memory_space<vmem_shared>> -> memref<80x128xf32, #tpu.memory_space<vmem_shared>>
      %dma_wait3A_96 = arith.constant 0 : i32
      %dma_wait3A_97 = arith.constant 0 : i32
      %dma_wait3A_98 = tpu.memref_slice %arg8[%run_scoped3A_26, %dma_wait3A_96, %dma_wait3A_97] : memref<2x112x128xf32, #tpu.memory_space<vmem>> -> memref<1x80x128xf32, #tpu.memory_space<vmem>>
      %dma_wait3A_99 = tpu.memref_squeeze %dma_wait3A_98 : memref<1x80x128xf32, #tpu.memory_space<vmem>> -> memref<80x128xf32, #tpu.memory_space<vmem>>
      tpu.wait_dma2 semaphore(%run_scoped3A_75 : memref<!tpu.dma_semaphore, #tpu.memory_space<semaphore_mem>>) src(%dma_wait3A_99 : memref<80x128xf32, #tpu.memory_space<vmem>>) dst(%dma_wait3A_95 : memref<80x128xf32, #tpu.memory_space<vmem_shared>>)
      tpu.yield
    }) : () -> ()
    %run_scoped3A_27 = arith.constant 0 : i32
    "tpu.region"() ({
      %run_scoped3A_75 = tpu.sem_alloc : memref<!tpu.dma_semaphore, #tpu.memory_space<semaphore_mem>>
      %dma_start3A_76 = arith.constant 0 : i32
      %dma_start3A_77 = arith.constant 0 : i32
      %dma_start3A_78 = tpu.memref_slice %arg3[%run_scoped3A_27, %add3A, %dma_start3A_76, %dma_start3A_77] : memref<2x32x91x112xi32, #tpu.memory_space<hbm>> -> memref<1x1x91x112xi32, #tpu.memory_space<hbm>>
      %dma_start3A_79 = tpu.memref_squeeze %dma_start3A_78 : memref<1x1x91x112xi32, #tpu.memory_space<hbm>> -> memref<91x112xi32, #tpu.memory_space<hbm>>
      %dma_start3A_80 = arith.constant 0 : i32
      %dma_start3A_81 = arith.constant 0 : i32
      %dma_start3A_82 = tpu.memref_slice %arg3[%run_scoped3A_27, %add3A, %dma_start3A_80, %dma_start3A_81] : memref<2x32x91x112xi32, #tpu.memory_space<hbm>> -> memref<1x1x91x112xi32, #tpu.memory_space<hbm>>
      %dma_start3A_83 = tpu.memref_squeeze %dma_start3A_82 : memref<1x1x91x112xi32, #tpu.memory_space<hbm>> -> memref<91x112xi32, #tpu.memory_space<hbm>>
      tpu.enqueue_dma source(%dma_start3A_83 : memref<91x112xi32, #tpu.memory_space<hbm>>) target(%arg6 : memref<91x112xi32, #tpu.memory_space<vmem>>) target_semaphore(%run_scoped3A_75 : memref<!tpu.dma_semaphore, #tpu.memory_space<semaphore_mem>>)
      %dma_wait3A_84 = arith.constant 0 : i32
      %dma_wait3A_85 = arith.constant 0 : i32
      %dma_wait3A_86 = tpu.memref_slice %arg3[%run_scoped3A_27, %add3A, %dma_wait3A_84, %dma_wait3A_85] : memref<2x32x91x112xi32, #tpu.memory_space<hbm>> -> memref<1x1x91x112xi32, #tpu.memory_space<hbm>>
      %dma_wait3A_87 = tpu.memref_squeeze %dma_wait3A_86 : memref<1x1x91x112xi32, #tpu.memory_space<hbm>> -> memref<91x112xi32, #tpu.memory_space<hbm>>
      %dma_wait3A_88 = arith.constant 0 : i32
      %dma_wait3A_89 = arith.constant 0 : i32
      %dma_wait3A_90 = tpu.memref_slice %arg3[%run_scoped3A_27, %add3A, %dma_wait3A_88, %dma_wait3A_89] : memref<2x32x91x112xi32, #tpu.memory_space<hbm>> -> memref<1x1x91x112xi32, #tpu.memory_space<hbm>>
      %dma_wait3A_91 = tpu.memref_squeeze %dma_wait3A_90 : memref<1x1x91x112xi32, #tpu.memory_space<hbm>> -> memref<91x112xi32, #tpu.memory_space<hbm>>
      tpu.wait_dma2 semaphore(%run_scoped3A_75 : memref<!tpu.dma_semaphore, #tpu.memory_space<semaphore_mem>>) src(%dma_wait3A_91 : memref<91x112xi32, #tpu.memory_space<hbm>>) dst(%arg6 : memref<91x112xi32, #tpu.memory_space<vmem>>)
      tpu.yield
    }) : () -> ()
    %run_scoped3A_28 = arith.constant 1 : i32
    "tpu.region"() ({
      %run_scoped3A_75 = tpu.sem_alloc : memref<!tpu.dma_semaphore, #tpu.memory_space<semaphore_mem>>
      %dma_start3A_76 = arith.constant 0 : i32
      %dma_start3A_77 = arith.constant 0 : i32
      %dma_start3A_78 = tpu.memref_slice %arg3[%run_scoped3A_28, %add3A, %dma_start3A_76, %dma_start3A_77] : memref<2x32x91x112xi32, #tpu.memory_space<hbm>> -> memref<1x1x91x112xi32, #tpu.memory_space<hbm>>
      %dma_start3A_79 = tpu.memref_squeeze %dma_start3A_78 : memref<1x1x91x112xi32, #tpu.memory_space<hbm>> -> memref<91x112xi32, #tpu.memory_space<hbm>>
      %dma_start3A_80 = arith.constant 0 : i32
      %dma_start3A_81 = arith.constant 0 : i32
      %dma_start3A_82 = tpu.memref_slice %arg3[%run_scoped3A_28, %add3A, %dma_start3A_80, %dma_start3A_81] : memref<2x32x91x112xi32, #tpu.memory_space<hbm>> -> memref<1x1x91x112xi32, #tpu.memory_space<hbm>>
      %dma_start3A_83 = tpu.memref_squeeze %dma_start3A_82 : memref<1x1x91x112xi32, #tpu.memory_space<hbm>> -> memref<91x112xi32, #tpu.memory_space<hbm>>
      tpu.enqueue_dma source(%dma_start3A_83 : memref<91x112xi32, #tpu.memory_space<hbm>>) target(%arg7 : memref<91x112xi32, #tpu.memory_space<vmem>>) target_semaphore(%run_scoped3A_75 : memref<!tpu.dma_semaphore, #tpu.memory_space<semaphore_mem>>)
      %dma_wait3A_84 = arith.constant 0 : i32
      %dma_wait3A_85 = arith.constant 0 : i32
      %dma_wait3A_86 = tpu.memref_slice %arg3[%run_scoped3A_28, %add3A, %dma_wait3A_84, %dma_wait3A_85] : memref<2x32x91x112xi32, #tpu.memory_space<hbm>> -> memref<1x1x91x112xi32, #tpu.memory_space<hbm>>
      %dma_wait3A_87 = tpu.memref_squeeze %dma_wait3A_86 : memref<1x1x91x112xi32, #tpu.memory_space<hbm>> -> memref<91x112xi32, #tpu.memory_space<hbm>>
      %dma_wait3A_88 = arith.constant 0 : i32
      %dma_wait3A_89 = arith.constant 0 : i32
      %dma_wait3A_90 = tpu.memref_slice %arg3[%run_scoped3A_28, %add3A, %dma_wait3A_88, %dma_wait3A_89] : memref<2x32x91x112xi32, #tpu.memory_space<hbm>> -> memref<1x1x91x112xi32, #tpu.memory_space<hbm>>
      %dma_wait3A_91 = tpu.memref_squeeze %dma_wait3A_90 : memref<1x1x91x112xi32, #tpu.memory_space<hbm>> -> memref<91x112xi32, #tpu.memory_space<hbm>>
      tpu.wait_dma2 semaphore(%run_scoped3A_75 : memref<!tpu.dma_semaphore, #tpu.memory_space<semaphore_mem>>) src(%dma_wait3A_91 : memref<91x112xi32, #tpu.memory_space<hbm>>) dst(%arg7 : memref<91x112xi32, #tpu.memory_space<vmem>>)
      tpu.yield
    }) : () -> ()
    %barrier3A = arith.constant 0 : index
    tpu.barrier barrier_id(%barrier3A)
    %dma_start3A = arith.constant 0 : i32
    %dma_start3A_29 = arith.constant 0 : i32
    %dma_start3A_30 = arith.constant 0 : i32
    %dma_start3A_31 = arith.constant 0 : i32
    %dma_start3A_32 = tpu.memref_slice %arg8[%dma_start3A_29, %dma_start3A_30, %dma_start3A_31] : memref<2x112x128xf32, #tpu.memory_space<vmem>> -> memref<1x112x128xf32, #tpu.memory_space<vmem>>
    %dma_start3A_33 = tpu.memref_squeeze %dma_start3A_32 : memref<1x112x128xf32, #tpu.memory_space<vmem>> -> memref<112x128xf32, #tpu.memory_space<vmem>>
    %dma_start3A_34 = arith.constant 0 : i32
    %dma_start3A_35 = tpu.memref_slice %arg6[%dma_start3A, %dma_start3A_34] : memref<91x112xi32, #tpu.memory_space<vmem>> -> memref<1x112xi32, #tpu.memory_space<vmem>>
    %dma_start3A_36 = tpu.memref_squeeze %dma_start3A_35 : memref<1x112xi32, #tpu.memory_space<vmem>> -> memref<112xi32, #tpu.memory_space<vmem>>
    %dma_start3A_37 = arith.constant 0 : i32
    %dma_start3A_38 = arith.constant 0 : i32
    %dma_start3A_39 = tpu.memref_slice %arg2[%dma_start3A_37, %dma_start3A_38] : memref<10240x128xf32, #tpu.memory_space<hbm>> -> memref<10240x128xf32, #tpu.memory_space<hbm>>
    tpu.enqueue_indirect_dma source(%dma_start3A_39 : memref<10240x128xf32, #tpu.memory_space<hbm>>) target(%dma_start3A_33 : memref<112x128xf32, #tpu.memory_space<vmem>>) offsets(%dma_start3A_36 : memref<112xi32, #tpu.memory_space<vmem>>) semaphore(%arg9 : memref<!tpu.dma_semaphore, #tpu.memory_space<semaphore_mem>>)
    %scan3A_40 = arith.constant 0 : i32
    %scan3A_41 = arith.constant 1 : i32
    %scan3A_42 = arith.constant 0 : i32
    %scan3A_43 = arith.constant 0 : i32
    %scan3A_44 = arith.constant 45 : i32
    %scan3A_45 = arith.addi %scan3A_43, %scan3A_44 : i32
    %scan3A_46 = arith.constant 1 : i32
    %scan3A_47 = scf.for %scan3A_75 = %scan3A_43 to %scan3A_45 step %scan3A_46 iter_args(%scan3A_76 = %scan3A_42) -> (i32)  : i32 {
      %mul3A_77 = arith.constant 2 : i32
      %mul3A_78 = arith.muli %mul3A_77, %scan3A_75 : i32
      %add3A_79 = arith.constant 1 : i32
      %add3A_80 = arith.addi %mul3A_78, %add3A_79 : i32
      %dma_wait3A_81 = arith.constant 0 : i32
      %dma_wait3A_82 = arith.constant 0 : i32
      %dma_wait3A_83 = tpu.memref_slice %arg8[%scan3A_40, %dma_wait3A_81, %dma_wait3A_82] : memref<2x112x128xf32, #tpu.memory_space<vmem>> -> memref<1x112x128xf32, #tpu.memory_space<vmem>>
      %dma_wait3A_84 = tpu.memref_squeeze %dma_wait3A_83 : memref<1x112x128xf32, #tpu.memory_space<vmem>> -> memref<112x128xf32, #tpu.memory_space<vmem>>
      %dma_wait3A_85 = arith.constant 0 : i32
      %dma_wait3A_86 = tpu.memref_slice %arg6[%mul3A_78, %dma_wait3A_85] : memref<91x112xi32, #tpu.memory_space<vmem>> -> memref<1x112xi32, #tpu.memory_space<vmem>>
      %dma_wait3A_87 = tpu.memref_squeeze %dma_wait3A_86 : memref<1x112xi32, #tpu.memory_space<vmem>> -> memref<112xi32, #tpu.memory_space<vmem>>
      %dma_wait3A_88 = arith.constant 0 : i32
      %dma_wait3A_89 = arith.constant 0 : i32
      %dma_wait3A_90 = tpu.memref_slice %arg2[%dma_wait3A_88, %dma_wait3A_89] : memref<10240x128xf32, #tpu.memory_space<hbm>> -> memref<10240x128xf32, #tpu.memory_space<hbm>>
      tpu.wait_indirect_dma semaphore(%arg9 : memref<!tpu.dma_semaphore, #tpu.memory_space<semaphore_mem>>) src(%dma_wait3A_90 : memref<10240x128xf32, #tpu.memory_space<hbm>>) dst(%dma_wait3A_84 : memref<112x128xf32, #tpu.memory_space<vmem>>)
      %dma_start3A_91 = arith.constant 0 : i32
      %dma_start3A_92 = arith.constant 0 : i32
      %dma_start3A_93 = tpu.memref_slice %arg8[%scan3A_40, %dma_start3A_91, %dma_start3A_92] : memref<2x112x128xf32, #tpu.memory_space<vmem>> -> memref<1x112x128xf32, #tpu.memory_space<vmem>>
      %dma_start3A_94 = tpu.memref_squeeze %dma_start3A_93 : memref<1x112x128xf32, #tpu.memory_space<vmem>> -> memref<112x128xf32, #tpu.memory_space<vmem>>
      %dma_start3A_95 = arith.constant 0 : i32
      %dma_start3A_96 = tpu.memref_slice %arg7[%mul3A_78, %dma_start3A_95] : memref<91x112xi32, #tpu.memory_space<vmem>> -> memref<1x112xi32, #tpu.memory_space<vmem>>
      %dma_start3A_97 = tpu.memref_squeeze %dma_start3A_96 : memref<1x112xi32, #tpu.memory_space<vmem>> -> memref<112xi32, #tpu.memory_space<vmem>>
      %dma_start3A_98 = arith.constant 0 : i32
      %dma_start3A_99 = arith.constant 0 : i32
      %dma_start3A_100 = tpu.memref_slice %arg5[%dma_start3A_98, %dma_start3A_99] : memref<10240x128xf32, #tpu.memory_space<vmem_shared>> -> memref<10240x128xf32, #tpu.memory_space<vmem_shared>>
      tpu.enqueue_indirect_dma source(%dma_start3A_94 : memref<112x128xf32, #tpu.memory_space<vmem>>) target(%dma_start3A_100 : memref<10240x128xf32, #tpu.memory_space<vmem_shared>>) offsets(%dma_start3A_97 : memref<112xi32, #tpu.memory_space<vmem>>) semaphore(%arg11 : memref<!tpu.dma_semaphore, #tpu.memory_space<semaphore_mem>>) {add = true}
      %gt3A = arith.constant 0 : i32
      %gt3A_101 = arith.cmpi sgt, %scan3A_75, %gt3A : i32
      %convert_element_type3A = arith.extui %gt3A_101 : i1 to i32
      %cond3A = arith.constant 0 : i32
      %cond3A_102 = arith.cmpi ne, %convert_element_type3A, %cond3A : i32
      scf.if %cond3A_102 {
        %dma_wait3A_156 = arith.constant 0 : i32
        %dma_wait3A_157 = arith.constant 0 : i32
        %dma_wait3A_158 = tpu.memref_slice %arg8[%scan3A_41, %dma_wait3A_156, %dma_wait3A_157] : memref<2x112x128xf32, #tpu.memory_space<vmem>> -> memref<1x112x128xf32, #tpu.memory_space<vmem>>
        %dma_wait3A_159 = tpu.memref_squeeze %dma_wait3A_158 : memref<1x112x128xf32, #tpu.memory_space<vmem>> -> memref<112x128xf32, #tpu.memory_space<vmem>>
        %dma_wait3A_160 = arith.constant 0 : i32
        %dma_wait3A_161 = tpu.memref_slice %arg7[%mul3A_78, %dma_wait3A_160] : memref<91x112xi32, #tpu.memory_space<vmem>> -> memref<1x112xi32, #tpu.memory_space<vmem>>
        %dma_wait3A_162 = tpu.memref_squeeze %dma_wait3A_161 : memref<1x112xi32, #tpu.memory_space<vmem>> -> memref<112xi32, #tpu.memory_space<vmem>>
        %dma_wait3A_163 = arith.constant 0 : i32
        %dma_wait3A_164 = arith.constant 0 : i32
        %dma_wait3A_165 = tpu.memref_slice %arg5[%dma_wait3A_163, %dma_wait3A_164] : memref<10240x128xf32, #tpu.memory_space<vmem_shared>> -> memref<10240x128xf32, #tpu.memory_space<vmem_shared>>
        tpu.wait_indirect_dma semaphore(%arg12 : memref<!tpu.dma_semaphore, #tpu.memory_space<semaphore_mem>>) src(%dma_wait3A_159 : memref<112x128xf32, #tpu.memory_space<vmem>>) dst(%dma_wait3A_165 : memref<10240x128xf32, #tpu.memory_space<vmem_shared>>)
      } else {
      }
      %dma_start3A_103 = arith.constant 0 : i32
      %dma_start3A_104 = arith.constant 0 : i32
      %dma_start3A_105 = tpu.memref_slice %arg8[%scan3A_41, %dma_start3A_103, %dma_start3A_104] : memref<2x112x128xf32, #tpu.memory_space<vmem>> -> memref<1x112x128xf32, #tpu.memory_space<vmem>>
      %dma_start3A_106 = tpu.memref_squeeze %dma_start3A_105 : memref<1x112x128xf32, #tpu.memory_space<vmem>> -> memref<112x128xf32, #tpu.memory_space<vmem>>
      %dma_start3A_107 = arith.constant 0 : i32
      %dma_start3A_108 = tpu.memref_slice %arg6[%add3A_80, %dma_start3A_107] : memref<91x112xi32, #tpu.memory_space<vmem>> -> memref<1x112xi32, #tpu.memory_space<vmem>>
      %dma_start3A_109 = tpu.memref_squeeze %dma_start3A_108 : memref<1x112xi32, #tpu.memory_space<vmem>> -> memref<112xi32, #tpu.memory_space<vmem>>
      %dma_start3A_110 = arith.constant 0 : i32
      %dma_start3A_111 = arith.constant 0 : i32
      %dma_start3A_112 = tpu.memref_slice %arg2[%dma_start3A_110, %dma_start3A_111] : memref<10240x128xf32, #tpu.memory_space<hbm>> -> memref<10240x128xf32, #tpu.memory_space<hbm>>
      tpu.enqueue_indirect_dma source(%dma_start3A_112 : memref<10240x128xf32, #tpu.memory_space<hbm>>) target(%dma_start3A_106 : memref<112x128xf32, #tpu.memory_space<vmem>>) offsets(%dma_start3A_109 : memref<112xi32, #tpu.memory_space<vmem>>) semaphore(%arg10 : memref<!tpu.dma_semaphore, #tpu.memory_space<semaphore_mem>>)
      %dma_wait3A_113 = arith.constant 0 : i32
      %dma_wait3A_114 = arith.constant 0 : i32
      %dma_wait3A_115 = tpu.memref_slice %arg8[%scan3A_40, %dma_wait3A_113, %dma_wait3A_114] : memref<2x112x128xf32, #tpu.memory_space<vmem>> -> memref<1x112x128xf32, #tpu.memory_space<vmem>>
      %dma_wait3A_116 = tpu.memref_squeeze %dma_wait3A_115 : memref<1x112x128xf32, #tpu.memory_space<vmem>> -> memref<112x128xf32, #tpu.memory_space<vmem>>
      %dma_wait3A_117 = arith.constant 0 : i32
      %dma_wait3A_118 = tpu.memref_slice %arg7[%mul3A_78, %dma_wait3A_117] : memref<91x112xi32, #tpu.memory_space<vmem>> -> memref<1x112xi32, #tpu.memory_space<vmem>>
      %dma_wait3A_119 = tpu.memref_squeeze %dma_wait3A_118 : memref<1x112xi32, #tpu.memory_space<vmem>> -> memref<112xi32, #tpu.memory_space<vmem>>
      %dma_wait3A_120 = arith.constant 0 : i32
      %dma_wait3A_121 = arith.constant 0 : i32
      %dma_wait3A_122 = tpu.memref_slice %arg5[%dma_wait3A_120, %dma_wait3A_121] : memref<10240x128xf32, #tpu.memory_space<vmem_shared>> -> memref<10240x128xf32, #tpu.memory_space<vmem_shared>>
      tpu.wait_indirect_dma semaphore(%arg11 : memref<!tpu.dma_semaphore, #tpu.memory_space<semaphore_mem>>) src(%dma_wait3A_116 : memref<112x128xf32, #tpu.memory_space<vmem>>) dst(%dma_wait3A_122 : memref<10240x128xf32, #tpu.memory_space<vmem_shared>>)
      %dma_wait3A_123 = arith.constant 0 : i32
      %dma_wait3A_124 = arith.constant 0 : i32
      %dma_wait3A_125 = tpu.memref_slice %arg8[%scan3A_41, %dma_wait3A_123, %dma_wait3A_124] : memref<2x112x128xf32, #tpu.memory_space<vmem>> -> memref<1x112x128xf32, #tpu.memory_space<vmem>>
      %dma_wait3A_126 = tpu.memref_squeeze %dma_wait3A_125 : memref<1x112x128xf32, #tpu.memory_space<vmem>> -> memref<112x128xf32, #tpu.memory_space<vmem>>
      %dma_wait3A_127 = arith.constant 0 : i32
      %dma_wait3A_128 = tpu.memref_slice %arg6[%add3A_80, %dma_wait3A_127] : memref<91x112xi32, #tpu.memory_space<vmem>> -> memref<1x112xi32, #tpu.memory_space<vmem>>
      %dma_wait3A_129 = tpu.memref_squeeze %dma_wait3A_128 : memref<1x112xi32, #tpu.memory_space<vmem>> -> memref<112xi32, #tpu.memory_space<vmem>>
      %dma_wait3A_130 = arith.constant 0 : i32
      %dma_wait3A_131 = arith.constant 0 : i32
      %dma_wait3A_132 = tpu.memref_slice %arg2[%dma_wait3A_130, %dma_wait3A_131] : memref<10240x128xf32, #tpu.memory_space<hbm>> -> memref<10240x128xf32, #tpu.memory_space<hbm>>
      tpu.wait_indirect_dma semaphore(%arg10 : memref<!tpu.dma_semaphore, #tpu.memory_space<semaphore_mem>>) src(%dma_wait3A_132 : memref<10240x128xf32, #tpu.memory_space<hbm>>) dst(%dma_wait3A_126 : memref<112x128xf32, #tpu.memory_space<vmem>>)
      %dma_start3A_133 = arith.constant 0 : i32
      %dma_start3A_134 = arith.constant 0 : i32
      %dma_start3A_135 = tpu.memref_slice %arg8[%scan3A_41, %dma_start3A_133, %dma_start3A_134] : memref<2x112x128xf32, #tpu.memory_space<vmem>> -> memref<1x112x128xf32, #tpu.memory_space<vmem>>
      %dma_start3A_136 = tpu.memref_squeeze %dma_start3A_135 : memref<1x112x128xf32, #tpu.memory_space<vmem>> -> memref<112x128xf32, #tpu.memory_space<vmem>>
      %dma_start3A_137 = arith.constant 0 : i32
      %dma_start3A_138 = tpu.memref_slice %arg7[%add3A_80, %dma_start3A_137] : memref<91x112xi32, #tpu.memory_space<vmem>> -> memref<1x112xi32, #tpu.memory_space<vmem>>
      %dma_start3A_139 = tpu.memref_squeeze %dma_start3A_138 : memref<1x112xi32, #tpu.memory_space<vmem>> -> memref<112xi32, #tpu.memory_space<vmem>>
      %dma_start3A_140 = arith.constant 0 : i32
      %dma_start3A_141 = arith.constant 0 : i32
      %dma_start3A_142 = tpu.memref_slice %arg5[%dma_start3A_140, %dma_start3A_141] : memref<10240x128xf32, #tpu.memory_space<vmem_shared>> -> memref<10240x128xf32, #tpu.memory_space<vmem_shared>>
      tpu.enqueue_indirect_dma source(%dma_start3A_136 : memref<112x128xf32, #tpu.memory_space<vmem>>) target(%dma_start3A_142 : memref<10240x128xf32, #tpu.memory_space<vmem_shared>>) offsets(%dma_start3A_139 : memref<112xi32, #tpu.memory_space<vmem>>) semaphore(%arg12 : memref<!tpu.dma_semaphore, #tpu.memory_space<semaphore_mem>>) {add = true}
      %add3A_143 = arith.constant 2 : i32
      %add3A_144 = arith.addi %mul3A_78, %add3A_143 : i32
      %dma_start3A_145 = arith.constant 0 : i32
      %dma_start3A_146 = arith.constant 0 : i32
      %dma_start3A_147 = tpu.memref_slice %arg8[%scan3A_40, %dma_start3A_145, %dma_start3A_146] : memref<2x112x128xf32, #tpu.memory_space<vmem>> -> memref<1x112x128xf32, #tpu.memory_space<vmem>>
      %dma_start3A_148 = tpu.memref_squeeze %dma_start3A_147 : memref<1x112x128xf32, #tpu.memory_space<vmem>> -> memref<112x128xf32, #tpu.memory_space<vmem>>
      %dma_start3A_149 = arith.constant 0 : i32
      %dma_start3A_150 = tpu.memref_slice %arg6[%add3A_144, %dma_start3A_149] : memref<91x112xi32, #tpu.memory_space<vmem>> -> memref<1x112xi32, #tpu.memory_space<vmem>>
      %dma_start3A_151 = tpu.memref_squeeze %dma_start3A_150 : memref<1x112xi32, #tpu.memory_space<vmem>> -> memref<112xi32, #tpu.memory_space<vmem>>
      %dma_start3A_152 = arith.constant 0 : i32
      %dma_start3A_153 = arith.constant 0 : i32
      %dma_start3A_154 = tpu.memref_slice %arg2[%dma_start3A_152, %dma_start3A_153] : memref<10240x128xf32, #tpu.memory_space<hbm>> -> memref<10240x128xf32, #tpu.memory_space<hbm>>
      tpu.enqueue_indirect_dma source(%dma_start3A_154 : memref<10240x128xf32, #tpu.memory_space<hbm>>) target(%dma_start3A_148 : memref<112x128xf32, #tpu.memory_space<vmem>>) offsets(%dma_start3A_151 : memref<112xi32, #tpu.memory_space<vmem>>) semaphore(%arg9 : memref<!tpu.dma_semaphore, #tpu.memory_space<semaphore_mem>>)
      %scan3A_155 = arith.constant 0 : i32
      scf.yield %scan3A_155 : i32
    }
    %scan3A_48 = arith.constant 45 : i32
    %dma_wait3A = arith.constant 1 : i32
    %dma_wait3A_49 = arith.constant 0 : i32
    %dma_wait3A_50 = arith.constant 0 : i32
    %dma_wait3A_51 = arith.constant 0 : i32
    %dma_wait3A_52 = tpu.memref_slice %arg8[%dma_wait3A, %dma_wait3A_50, %dma_wait3A_51] : memref<2x112x128xf32, #tpu.memory_space<vmem>> -> memref<1x112x128xf32, #tpu.memory_space<vmem>>
    %dma_wait3A_53 = tpu.memref_squeeze %dma_wait3A_52 : memref<1x112x128xf32, #tpu.memory_space<vmem>> -> memref<112x128xf32, #tpu.memory_space<vmem>>
    %dma_wait3A_54 = arith.constant 0 : i32
    %dma_wait3A_55 = tpu.memref_slice %arg7[%dma_wait3A_49, %dma_wait3A_54] : memref<91x112xi32, #tpu.memory_space<vmem>> -> memref<1x112xi32, #tpu.memory_space<vmem>>
    %dma_wait3A_56 = tpu.memref_squeeze %dma_wait3A_55 : memref<1x112xi32, #tpu.memory_space<vmem>> -> memref<112xi32, #tpu.memory_space<vmem>>
    %dma_wait3A_57 = arith.constant 0 : i32
    %dma_wait3A_58 = arith.constant 0 : i32
    %dma_wait3A_59 = tpu.memref_slice %arg5[%dma_wait3A_57, %dma_wait3A_58] : memref<10240x128xf32, #tpu.memory_space<vmem_shared>> -> memref<10240x128xf32, #tpu.memory_space<vmem_shared>>
    tpu.wait_indirect_dma semaphore(%arg12 : memref<!tpu.dma_semaphore, #tpu.memory_space<semaphore_mem>>) src(%dma_wait3A_53 : memref<112x128xf32, #tpu.memory_space<vmem>>) dst(%dma_wait3A_59 : memref<10240x128xf32, #tpu.memory_space<vmem_shared>>)
    %dma_wait3A_60 = arith.constant 90 : i32
    %dma_wait3A_61 = arith.constant 0 : i32
    %dma_wait3A_62 = arith.constant 0 : i32
    %dma_wait3A_63 = arith.constant 0 : i32
    %dma_wait3A_64 = tpu.memref_slice %arg8[%dma_wait3A_61, %dma_wait3A_62, %dma_wait3A_63] : memref<2x112x128xf32, #tpu.memory_space<vmem>> -> memref<1x112x128xf32, #tpu.memory_space<vmem>>
    %dma_wait3A_65 = tpu.memref_squeeze %dma_wait3A_64 : memref<1x112x128xf32, #tpu.memory_space<vmem>> -> memref<112x128xf32, #tpu.memory_space<vmem>>
    %dma_wait3A_66 = arith.constant 0 : i32
    %dma_wait3A_67 = tpu.memref_slice %arg6[%dma_wait3A_60, %dma_wait3A_66] : memref<91x112xi32, #tpu.memory_space<vmem>> -> memref<1x112xi32, #tpu.memory_space<vmem>>
    %dma_wait3A_68 = tpu.memref_squeeze %dma_wait3A_67 : memref<1x112xi32, #tpu.memory_space<vmem>> -> memref<112xi32, #tpu.memory_space<vmem>>
    %dma_wait3A_69 = arith.constant 0 : i32
    %dma_wait3A_70 = arith.constant 0 : i32
    %dma_wait3A_71 = tpu.memref_slice %arg2[%dma_wait3A_69, %dma_wait3A_70] : memref<10240x128xf32, #tpu.memory_space<hbm>> -> memref<10240x128xf32, #tpu.memory_space<hbm>>
    tpu.wait_indirect_dma semaphore(%arg9 : memref<!tpu.dma_semaphore, #tpu.memory_space<semaphore_mem>>) src(%dma_wait3A_71 : memref<10240x128xf32, #tpu.memory_space<hbm>>) dst(%dma_wait3A_65 : memref<112x128xf32, #tpu.memory_space<vmem>>)
    %run_scoped3A_72 = arith.constant 0 : i32
    %run_scoped3A_73 = arith.constant 90 : i32
    "tpu.region"() ({
      %run_scoped3A_75 = tpu.sem_alloc : memref<!tpu.dma_semaphore, #tpu.memory_space<semaphore_mem>>
      %dma_start3A_76 = arith.constant 0 : i32
      %dma_start3A_77 = arith.constant 0 : i32
      %dma_start3A_78 = tpu.memref_slice %arg8[%run_scoped3A_72, %dma_start3A_76, %dma_start3A_77] : memref<2x112x128xf32, #tpu.memory_space<vmem>> -> memref<1x112x128xf32, #tpu.memory_space<vmem>>
      %dma_start3A_79 = tpu.memref_squeeze %dma_start3A_78 : memref<1x112x128xf32, #tpu.memory_space<vmem>> -> memref<112x128xf32, #tpu.memory_space<vmem>>
      %dma_start3A_80 = arith.constant 0 : i32
      %dma_start3A_81 = tpu.memref_slice %arg7[%run_scoped3A_73, %dma_start3A_80] : memref<91x112xi32, #tpu.memory_space<vmem>> -> memref<1x112xi32, #tpu.memory_space<vmem>>
      %dma_start3A_82 = tpu.memref_squeeze %dma_start3A_81 : memref<1x112xi32, #tpu.memory_space<vmem>> -> memref<112xi32, #tpu.memory_space<vmem>>
      %dma_start3A_83 = arith.constant 0 : i32
      %dma_start3A_84 = arith.constant 0 : i32
      %dma_start3A_85 = tpu.memref_slice %arg5[%dma_start3A_83, %dma_start3A_84] : memref<10240x128xf32, #tpu.memory_space<vmem_shared>> -> memref<10240x128xf32, #tpu.memory_space<vmem_shared>>
      tpu.enqueue_indirect_dma source(%dma_start3A_79 : memref<112x128xf32, #tpu.memory_space<vmem>>) target(%dma_start3A_85 : memref<10240x128xf32, #tpu.memory_space<vmem_shared>>) offsets(%dma_start3A_82 : memref<112xi32, #tpu.memory_space<vmem>>) semaphore(%run_scoped3A_75 : memref<!tpu.dma_semaphore, #tpu.memory_space<semaphore_mem>>) {add = true}
      %dma_wait3A_86 = arith.constant 0 : i32
      %dma_wait3A_87 = arith.constant 0 : i32
      %dma_wait3A_88 = tpu.memref_slice %arg8[%run_scoped3A_72, %dma_wait3A_86, %dma_wait3A_87] : memref<2x112x128xf32, #tpu.memory_space<vmem>> -> memref<1x112x128xf32, #tpu.memory_space<vmem>>
      %dma_wait3A_89 = tpu.memref_squeeze %dma_wait3A_88 : memref<1x112x128xf32, #tpu.memory_space<vmem>> -> memref<112x128xf32, #tpu.memory_space<vmem>>
      %dma_wait3A_90 = arith.constant 0 : i32
      %dma_wait3A_91 = tpu.memref_slice %arg7[%run_scoped3A_73, %dma_wait3A_90] : memref<91x112xi32, #tpu.memory_space<vmem>> -> memref<1x112xi32, #tpu.memory_space<vmem>>
      %dma_wait3A_92 = tpu.memref_squeeze %dma_wait3A_91 : memref<1x112xi32, #tpu.memory_space<vmem>> -> memref<112xi32, #tpu.memory_space<vmem>>
      %dma_wait3A_93 = arith.constant 0 : i32
      %dma_wait3A_94 = arith.constant 0 : i32
      %dma_wait3A_95 = tpu.memref_slice %arg5[%dma_wait3A_93, %dma_wait3A_94] : memref<10240x128xf32, #tpu.memory_space<vmem_shared>> -> memref<10240x128xf32, #tpu.memory_space<vmem_shared>>
      tpu.wait_indirect_dma semaphore(%run_scoped3A_75 : memref<!tpu.dma_semaphore, #tpu.memory_space<semaphore_mem>>) src(%dma_wait3A_89 : memref<112x128xf32, #tpu.memory_space<vmem>>) dst(%dma_wait3A_95 : memref<10240x128xf32, #tpu.memory_space<vmem_shared>>)
      tpu.yield
    }) : () -> ()
    %barrier3A_74 = arith.constant 0 : index
    tpu.barrier barrier_id(%barrier3A_74)
    "tpu.region"() ({
      %run_scoped3A_75 = tpu.sem_alloc : memref<!tpu.dma_semaphore, #tpu.memory_space<semaphore_mem>>
      %dma_start3A_76 = arith.constant 0 : i32
      %dma_start3A_77 = tpu.memref_slice %arg4[%arg0, %mul3A_9, %dma_start3A_76] : memref<2x10240x128xf32, #tpu.memory_space<hbm>> -> memref<1x640x128xf32, #tpu.memory_space<hbm>>
      %dma_start3A_78 = tpu.memref_squeeze %dma_start3A_77 : memref<1x640x128xf32, #tpu.memory_space<hbm>> -> memref<640x128xf32, #tpu.memory_space<hbm>>
      %dma_start3A_79 = arith.constant 0 : i32
      %dma_start3A_80 = tpu.memref_slice %arg5[%mul3A_9, %dma_start3A_79] : memref<10240x128xf32, #tpu.memory_space<vmem_shared>> -> memref<640x128xf32, #tpu.memory_space<vmem_shared>>
      tpu.enqueue_dma source(%dma_start3A_80 : memref<640x128xf32, #tpu.memory_space<vmem_shared>>) target(%dma_start3A_78 : memref<640x128xf32, #tpu.memory_space<hbm>>) target_semaphore(%run_scoped3A_75 : memref<!tpu.dma_semaphore, #tpu.memory_space<semaphore_mem>>)
      %dma_wait3A_81 = arith.constant 0 : i32
      %dma_wait3A_82 = tpu.memref_slice %arg4[%arg0, %mul3A_9, %dma_wait3A_81] : memref<2x10240x128xf32, #tpu.memory_space<hbm>> -> memref<1x640x128xf32, #tpu.memory_space<hbm>>
      %dma_wait3A_83 = tpu.memref_squeeze %dma_wait3A_82 : memref<1x640x128xf32, #tpu.memory_space<hbm>> -> memref<640x128xf32, #tpu.memory_space<hbm>>
      %dma_wait3A_84 = arith.constant 0 : i32
      %dma_wait3A_85 = tpu.memref_slice %arg5[%mul3A_9, %dma_wait3A_84] : memref<10240x128xf32, #tpu.memory_space<vmem_shared>> -> memref<640x128xf32, #tpu.memory_space<vmem_shared>>
      tpu.wait_dma2 semaphore(%run_scoped3A_75 : memref<!tpu.dma_semaphore, #tpu.memory_space<semaphore_mem>>) src(%dma_wait3A_85 : memref<640x128xf32, #tpu.memory_space<vmem_shared>>) dst(%dma_wait3A_83 : memref<640x128xf32, #tpu.memory_space<hbm>>)
      tpu.yield
    }) : () -> ()
    return
  }
}

#map = affine_map<(d0, d1) -> (0, 0)>
#map1 = affine_map<(d0, d1) -> (0, 0, 0, 0)>
#map2 = affine_map<(d0, d1) -> (0, 0, 0)>
module attributes {stable_mosaic.version = 14 : i64} {
  func.func @seg_kernel(%arg0: i32, %arg1: i32, %arg2: memref<10240x128xf32, #tpu.memory_space<hbm>>, %arg3: memref<2x32x91x112xi32, #tpu.memory_space<hbm>>, %arg4: memref<2x10240x128xf32, #tpu.memory_space<hbm>>, %arg5: memref<10240x128xf32, #tpu.memory_space<vmem_shared>>, %arg6: memref<91x112xi32, #tpu.memory_space<vmem>>, %arg7: memref<91x112xi32, #tpu.memory_space<vmem>>, %arg8: memref<2x112x128xf32, #tpu.memory_space<vmem>>, %arg9: memref<!tpu.dma_semaphore, #tpu.memory_space<semaphore_mem>>, %arg10: memref<!tpu.dma_semaphore, #tpu.memory_space<semaphore_mem>>, %arg11: memref<!tpu.dma_semaphore, #tpu.memory_space<semaphore_mem>>, %arg12: memref<!tpu.dma_semaphore, #tpu.memory_space<semaphore_mem>>) attributes {dimension_semantics = [#tpu.dimension_semantics<core_parallel>, #tpu.dimension_semantics<subcore_parallel>], iteration_bounds = array<i64: 2, 16>, scalar_prefetch = 0 : i64, scratch_operands = 8 : i64, tpu.core_type = #tpu.core_type<sc_vector_subcore>, window_params = [{transform_indices = #map}, {transform_indices = #map1}, {transform_indices = #map2}]} {
    %mul3A = arith.constant 2 : i32
    %mul3A_0 = arith.muli %arg1, %mul3A : i32
    %add3A = arith.addi %mul3A_0, %arg0 : i32
    %broadcast_in_dim3A = arith.constant 0.000000e+00 : f32
    %broadcast_in_dim3A_1 = vector.broadcast %broadcast_in_dim3A : f32 to vector<16xf32>
    %scan3A = arith.constant 0 : i32
    %scan3A_2 = arith.constant 0 : i32
    %scan3A_3 = arith.constant 112 : i32
    %scan3A_4 = arith.addi %scan3A_2, %scan3A_3 : i32
    %scan3A_5 = arith.constant 1 : i32
    %scan3A_6 = scf.for %scan3A_75 = %scan3A_2 to %scan3A_4 step %scan3A_5 iter_args(%scan3A_76 = %scan3A) -> (i32)  : i32 {
      %swap3A = arith.constant 0 : i32
      %swap3A_77 = arith.index_cast %swap3A : i32 to index
      %swap3A_78 = arith.index_cast %scan3A_75 : i32 to index
      %swap3A_79 = arith.constant 0 : index
      %swap3A_80 = tpu.vector_load %arg8[%swap3A_77, %swap3A_78, %swap3A_79] {strides = array<i32>} : memref<2x112x128xf32, #tpu.memory_space<vmem>>, vector<1x1x16xf32>,
      %swap3A_81 = vector.shape_cast %swap3A_80 : vector<1x1x16xf32> to vector<16xf32>
      %swap3A_82 = vector.shape_cast %broadcast_in_dim3A_1 : vector<16xf32> to vector<1x1x16xf32>
      tpu.vector_store %arg8[%swap3A_77, %swap3A_78, %swap3A_79], %swap3A_82 {strides = array<i32>} : memref<2x112x128xf32, #tpu.memory_space<vmem>>, vector<1x1x16xf32>,
      %swap3A_83 = arith.constant 0 : i32
      %swap3A_84 = arith.index_cast %swap3A_83 : i32 to index
      %swap3A_85 = arith.index_cast %scan3A_75 : i32 to index
      %swap3A_86 = arith.constant 16 : index
      %swap3A_87 = tpu.vector_load %arg8[%swap3A_84, %swap3A_85, %swap3A_86] {strides = array<i32>} : memref<2x112x128xf32, #tpu.memory_space<vmem>>, vector<1x1x16xf32>,
      %swap3A_88 = vector.shape_cast %swap3A_87 : vector<1x1x16xf32> to vector<16xf32>
      %swap3A_89 = vector.shape_cast %broadcast_in_dim3A_1 : vector<16xf32> to vector<1x1x16xf32>
      tpu.vector_store %arg8[%swap3A_84, %swap3A_85, %swap3A_86], %swap3A_89 {strides = array<i32>} : memref<2x112x128xf32, #tpu.memory_space<vmem>>, vector<1x1x16xf32>,
      %swap3A_90 = arith.constant 0 : i32
      %swap3A_91 = arith.index_cast %swap3A_90 : i32 to index
      %swap3A_92 = arith.index_cast %scan3A_75 : i32 to index
      %swap3A_93 = arith.constant 32 : index
      %swap3A_94 = tpu.vector_load %arg8[%swap3A_91, %swap3A_92, %swap3A_93] {strides = array<i32>} : memref<2x112x128xf32, #tpu.memory_space<vmem>>, vector<1x1x16xf32>,
      %swap3A_95 = vector.shape_cast %swap3A_94 : vector<1x1x16xf32> to vector<16xf32>
      %swap3A_96 = vector.shape_cast %broadcast_in_dim3A_1 : vector<16xf32> to vector<1x1x16xf32>
      tpu.vector_store %arg8[%swap3A_91, %swap3A_92, %swap3A_93], %swap3A_96 {strides = array<i32>} : memref<2x112x128xf32, #tpu.memory_space<vmem>>, vector<1x1x16xf32>,
      %swap3A_97 = arith.constant 0 : i32
      %swap3A_98 = arith.index_cast %swap3A_97 : i32 to index
      %swap3A_99 = arith.index_cast %scan3A_75 : i32 to index
      %swap3A_100 = arith.constant 48 : index
      %swap3A_101 = tpu.vector_load %arg8[%swap3A_98, %swap3A_99, %swap3A_100] {strides = array<i32>} : memref<2x112x128xf32, #tpu.memory_space<vmem>>, vector<1x1x16xf32>,
      %swap3A_102 = vector.shape_cast %swap3A_101 : vector<1x1x16xf32> to vector<16xf32>
      %swap3A_103 = vector.shape_cast %broadcast_in_dim3A_1 : vector<16xf32> to vector<1x1x16xf32>
      tpu.vector_store %arg8[%swap3A_98, %swap3A_99, %swap3A_100], %swap3A_103 {strides = array<i32>} : memref<2x112x128xf32, #tpu.memory_space<vmem>>, vector<1x1x16xf32>,
      %swap3A_104 = arith.constant 0 : i32
      %swap3A_105 = arith.index_cast %swap3A_104 : i32 to index
      %swap3A_106 = arith.index_cast %scan3A_75 : i32 to index
      %swap3A_107 = arith.constant 64 : index
      %swap3A_108 = tpu.vector_load %arg8[%swap3A_105, %swap3A_106, %swap3A_107] {strides = array<i32>} : memref<2x112x128xf32, #tpu.memory_space<vmem>>, vector<1x1x16xf32>,
      %swap3A_109 = vector.shape_cast %swap3A_108 : vector<1x1x16xf32> to vector<16xf32>
      %swap3A_110 = vector.shape_cast %broadcast_in_dim3A_1 : vector<16xf32> to vector<1x1x16xf32>
      tpu.vector_store %arg8[%swap3A_105, %swap3A_106, %swap3A_107], %swap3A_110 {strides = array<i32>} : memref<2x112x128xf32, #tpu.memory_space<vmem>>, vector<1x1x16xf32>,
      %swap3A_111 = arith.constant 0 : i32
      %swap3A_112 = arith.index_cast %swap3A_111 : i32 to index
      %swap3A_113 = arith.index_cast %scan3A_75 : i32 to index
      %swap3A_114 = arith.constant 80 : index
      %swap3A_115 = tpu.vector_load %arg8[%swap3A_112, %swap3A_113, %swap3A_114] {strides = array<i32>} : memref<2x112x128xf32, #tpu.memory_space<vmem>>, vector<1x1x16xf32>,
      %swap3A_116 = vector.shape_cast %swap3A_115 : vector<1x1x16xf32> to vector<16xf32>
      %swap3A_117 = vector.shape_cast %broadcast_in_dim3A_1 : vector<16xf32> to vector<1x1x16xf32>
      tpu.vector_store %arg8[%swap3A_112, %swap3A_113, %swap3A_114], %swap3A_117 {strides = array<i32>} : memref<2x112x128xf32, #tpu.memory_space<vmem>>, vector<1x1x16xf32>,
      %swap3A_118 = arith.constant 0 : i32
      %swap3A_119 = arith.index_cast %swap3A_118 : i32 to index
      %swap3A_120 = arith.index_cast %scan3A_75 : i32 to index
      %swap3A_121 = arith.constant 96 : index
      %swap3A_122 = tpu.vector_load %arg8[%swap3A_119, %swap3A_120, %swap3A_121] {strides = array<i32>} : memref<2x112x128xf32, #tpu.memory_space<vmem>>, vector<1x1x16xf32>,
      %swap3A_123 = vector.shape_cast %swap3A_122 : vector<1x1x16xf32> to vector<16xf32>
      %swap3A_124 = vector.shape_cast %broadcast_in_dim3A_1 : vector<16xf32> to vector<1x1x16xf32>
      tpu.vector_store %arg8[%swap3A_119, %swap3A_120, %swap3A_121], %swap3A_124 {strides = array<i32>} : memref<2x112x128xf32, #tpu.memory_space<vmem>>, vector<1x1x16xf32>,
      %swap3A_125 = arith.constant 0 : i32
      %swap3A_126 = arith.index_cast %swap3A_125 : i32 to index
      %swap3A_127 = arith.index_cast %scan3A_75 : i32 to index
      %swap3A_128 = arith.constant 112 : index
      %swap3A_129 = tpu.vector_load %arg8[%swap3A_126, %swap3A_127, %swap3A_128] {strides = array<i32>} : memref<2x112x128xf32, #tpu.memory_space<vmem>>, vector<1x1x16xf32>,
      %swap3A_130 = vector.shape_cast %swap3A_129 : vector<1x1x16xf32> to vector<16xf32>
      %swap3A_131 = vector.shape_cast %broadcast_in_dim3A_1 : vector<16xf32> to vector<1x1x16xf32>
      tpu.vector_store %arg8[%swap3A_126, %swap3A_127, %swap3A_128], %swap3A_131 {strides = array<i32>} : memref<2x112x128xf32, #tpu.memory_space<vmem>>, vector<1x1x16xf32>,
      %scan3A_132 = arith.constant 0 : i32
      scf.yield %scan3A_132 : i32
    }
    %scan3A_7 = arith.constant 112 : i32
    %mul3A_8 = arith.constant 640 : i32
    %mul3A_9 = arith.muli %arg1, %mul3A_8 : i32
    %add3A_10 = arith.constant 0 : i32
    %add3A_11 = arith.addi %mul3A_9, %add3A_10 : i32
    %run_scoped3A = arith.constant 0 : i32
    "tpu.region"() ({
      %run_scoped3A_75 = tpu.sem_alloc : memref<!tpu.dma_semaphore, #tpu.memory_space<semaphore_mem>>
      %dma_start3A_76 = arith.constant 0 : i32
      %dma_start3A_77 = arith.constant 0 : i32
      %dma_start3A_78 = tpu.memref_slice %arg8[%run_scoped3A, %dma_start3A_76, %dma_start3A_77] : memref<2x112x128xf32, #tpu.memory_space<vmem>> -> memref<1x112x128xf32, #tpu.memory_space<vmem>>
      %dma_start3A_79 = tpu.memref_squeeze %dma_start3A_78 : memref<1x112x128xf32, #tpu.memory_space<vmem>> -> memref<112x128xf32, #tpu.memory_space<vmem>>
      %dma_start3A_80 = arith.constant 0 : i32
      %dma_start3A_81 = tpu.memref_slice %arg5[%add3A_11, %dma_start3A_80] : memref<10240x128xf32, #tpu.memory_space<vmem_shared>> -> memref<112x128xf32, #tpu.memory_space<vmem_shared>>
      %dma_start3A_82 = arith.constant 0 : i32
      %dma_start3A_83 = tpu.memref_slice %arg5[%add3A_11, %dma_start3A_82] : memref<10240x128xf32, #tpu.memory_space<vmem_shared>> -> memref<112x128xf32, #tpu.memory_space<vmem_shared>>
      %dma_start3A_84 = arith.constant 0 : i32
      %dma_start3A_85 = arith.constant 0 : i32
      %dma_start3A_86 = tpu.memref_slice %arg8[%run_scoped3A, %dma_start3A_84, %dma_start3A_85] : memref<2x112x128xf32, #tpu.memory_space<vmem>> -> memref<1x112x128xf32, #tpu.memory_space<vmem>>
      %dma_start3A_87 = tpu.memref_squeeze %dma_start3A_86 : memref<1x112x128xf32, #tpu.memory_space<vmem>> -> memref<112x128xf32, #tpu.memory_space<vmem>>
      tpu.enqueue_dma source(%dma_start3A_87 : memref<112x128xf32, #tpu.memory_space<vmem>>) target(%dma_start3A_83 : memref<112x128xf32, #tpu.memory_space<vmem_shared>>) target_semaphore(%run_scoped3A_75 : memref<!tpu.dma_semaphore, #tpu.memory_space<semaphore_mem>>)
      %dma_wait3A_88 = arith.constant 0 : i32
      %dma_wait3A_89 = arith.constant 0 : i32
      %dma_wait3A_90 = tpu.memref_slice %arg8[%run_scoped3A, %dma_wait3A_88, %dma_wait3A_89] : memref<2x112x128xf32, #tpu.memory_space<vmem>> -> memref<1x112x128xf32, #tpu.memory_space<vmem>>
      %dma_wait3A_91 = tpu.memref_squeeze %dma_wait3A_90 : memref<1x112x128xf32, #tpu.memory_space<vmem>> -> memref<112x128xf32, #tpu.memory_space<vmem>>
      %dma_wait3A_92 = arith.constant 0 : i32
      %dma_wait3A_93 = tpu.memref_slice %arg5[%add3A_11, %dma_wait3A_92] : memref<10240x128xf32, #tpu.memory_space<vmem_shared>> -> memref<112x128xf32, #tpu.memory_space<vmem_shared>>
      %dma_wait3A_94 = arith.constant 0 : i32
      %dma_wait3A_95 = tpu.memref_slice %arg5[%add3A_11, %dma_wait3A_94] : memref<10240x128xf32, #tpu.memory_space<vmem_shared>> -> memref<112x128xf32, #tpu.memory_space<vmem_shared>>
      %dma_wait3A_96 = arith.constant 0 : i32
      %dma_wait3A_97 = arith.constant 0 : i32
      %dma_wait3A_98 = tpu.memref_slice %arg8[%run_scoped3A, %dma_wait3A_96, %dma_wait3A_97] : memref<2x112x128xf32, #tpu.memory_space<vmem>> -> memref<1x112x128xf32, #tpu.memory_space<vmem>>
      %dma_wait3A_99 = tpu.memref_squeeze %dma_wait3A_98 : memref<1x112x128xf32, #tpu.memory_space<vmem>> -> memref<112x128xf32, #tpu.memory_space<vmem>>
      tpu.wait_dma2 semaphore(%run_scoped3A_75 : memref<!tpu.dma_semaphore, #tpu.memory_space<semaphore_mem>>) src(%dma_wait3A_99 : memref<112x128xf32, #tpu.memory_space<vmem>>) dst(%dma_wait3A_95 : memref<112x128xf32, #tpu.memory_space<vmem_shared>>)
      tpu.yield
    }) : () -> ()
    %add3A_12 = arith.constant 112 : i32
    %add3A_13 = arith.addi %mul3A_9, %add3A_12 : i32
    %run_scoped3A_14 = arith.constant 0 : i32
    "tpu.region"() ({
      %run_scoped3A_75 = tpu.sem_alloc : memref<!tpu.dma_semaphore, #tpu.memory_space<semaphore_mem>>
      %dma_start3A_76 = arith.constant 0 : i32
      %dma_start3A_77 = arith.constant 0 : i32
      %dma_start3A_78 = tpu.memref_slice %arg8[%run_scoped3A_14, %dma_start3A_76, %dma_start3A_77] : memref<2x112x128xf32, #tpu.memory_space<vmem>> -> memref<1x112x128xf32, #tpu.memory_space<vmem>>
      %dma_start3A_79 = tpu.memref_squeeze %dma_start3A_78 : memref<1x112x128xf32, #tpu.memory_space<vmem>> -> memref<112x128xf32, #tpu.memory_space<vmem>>
      %dma_start3A_80 = arith.constant 0 : i32
      %dma_start3A_81 = tpu.memref_slice %arg5[%add3A_13, %dma_start3A_80] : memref<10240x128xf32, #tpu.memory_space<vmem_shared>> -> memref<112x128xf32, #tpu.memory_space<vmem_shared>>
      %dma_start3A_82 = arith.constant 0 : i32
      %dma_start3A_83 = tpu.memref_slice %arg5[%add3A_13, %dma_start3A_82] : memref<10240x128xf32, #tpu.memory_space<vmem_shared>> -> memref<112x128xf32, #tpu.memory_space<vmem_shared>>
      %dma_start3A_84 = arith.constant 0 : i32
      %dma_start3A_85 = arith.constant 0 : i32
      %dma_start3A_86 = tpu.memref_slice %arg8[%run_scoped3A_14, %dma_start3A_84, %dma_start3A_85] : memref<2x112x128xf32, #tpu.memory_space<vmem>> -> memref<1x112x128xf32, #tpu.memory_space<vmem>>
      %dma_start3A_87 = tpu.memref_squeeze %dma_start3A_86 : memref<1x112x128xf32, #tpu.memory_space<vmem>> -> memref<112x128xf32, #tpu.memory_space<vmem>>
      tpu.enqueue_dma source(%dma_start3A_87 : memref<112x128xf32, #tpu.memory_space<vmem>>) target(%dma_start3A_83 : memref<112x128xf32, #tpu.memory_space<vmem_shared>>) target_semaphore(%run_scoped3A_75 : memref<!tpu.dma_semaphore, #tpu.memory_space<semaphore_mem>>)
      %dma_wait3A_88 = arith.constant 0 : i32
      %dma_wait3A_89 = arith.constant 0 : i32
      %dma_wait3A_90 = tpu.memref_slice %arg8[%run_scoped3A_14, %dma_wait3A_88, %dma_wait3A_89] : memref<2x112x128xf32, #tpu.memory_space<vmem>> -> memref<1x112x128xf32, #tpu.memory_space<vmem>>
      %dma_wait3A_91 = tpu.memref_squeeze %dma_wait3A_90 : memref<1x112x128xf32, #tpu.memory_space<vmem>> -> memref<112x128xf32, #tpu.memory_space<vmem>>
      %dma_wait3A_92 = arith.constant 0 : i32
      %dma_wait3A_93 = tpu.memref_slice %arg5[%add3A_13, %dma_wait3A_92] : memref<10240x128xf32, #tpu.memory_space<vmem_shared>> -> memref<112x128xf32, #tpu.memory_space<vmem_shared>>
      %dma_wait3A_94 = arith.constant 0 : i32
      %dma_wait3A_95 = tpu.memref_slice %arg5[%add3A_13, %dma_wait3A_94] : memref<10240x128xf32, #tpu.memory_space<vmem_shared>> -> memref<112x128xf32, #tpu.memory_space<vmem_shared>>
      %dma_wait3A_96 = arith.constant 0 : i32
      %dma_wait3A_97 = arith.constant 0 : i32
      %dma_wait3A_98 = tpu.memref_slice %arg8[%run_scoped3A_14, %dma_wait3A_96, %dma_wait3A_97] : memref<2x112x128xf32, #tpu.memory_space<vmem>> -> memref<1x112x128xf32, #tpu.memory_space<vmem>>
      %dma_wait3A_99 = tpu.memref_squeeze %dma_wait3A_98 : memref<1x112x128xf32, #tpu.memory_space<vmem>> -> memref<112x128xf32, #tpu.memory_space<vmem>>
      tpu.wait_dma2 semaphore(%run_scoped3A_75 : memref<!tpu.dma_semaphore, #tpu.memory_space<semaphore_mem>>) src(%dma_wait3A_99 : memref<112x128xf32, #tpu.memory_space<vmem>>) dst(%dma_wait3A_95 : memref<112x128xf32, #tpu.memory_space<vmem_shared>>)
      tpu.yield
    }) : () -> ()
    %add3A_15 = arith.constant 224 : i32
    %add3A_16 = arith.addi %mul3A_9, %add3A_15 : i32
    %run_scoped3A_17 = arith.constant 0 : i32
    "tpu.region"() ({
      %run_scoped3A_75 = tpu.sem_alloc : memref<!tpu.dma_semaphore, #tpu.memory_space<semaphore_mem>>
      %dma_start3A_76 = arith.constant 0 : i32
      %dma_start3A_77 = arith.constant 0 : i32
      %dma_start3A_78 = tpu.memref_slice %arg8[%run_scoped3A_17, %dma_start3A_76, %dma_start3A_77] : memref<2x112x128xf32, #tpu.memory_space<vmem>> -> memref<1x112x128xf32, #tpu.memory_space<vmem>>
      %dma_start3A_79 = tpu.memref_squeeze %dma_start3A_78 : memref<1x112x128xf32, #tpu.memory_space<vmem>> -> memref<112x128xf32, #tpu.memory_space<vmem>>
      %dma_start3A_80 = arith.constant 0 : i32
      %dma_start3A_81 = tpu.memref_slice %arg5[%add3A_16, %dma_start3A_80] : memref<10240x128xf32, #tpu.memory_space<vmem_shared>> -> memref<112x128xf32, #tpu.memory_space<vmem_shared>>
      %dma_start3A_82 = arith.constant 0 : i32
      %dma_start3A_83 = tpu.memref_slice %arg5[%add3A_16, %dma_start3A_82] : memref<10240x128xf32, #tpu.memory_space<vmem_shared>> -> memref<112x128xf32, #tpu.memory_space<vmem_shared>>
      %dma_start3A_84 = arith.constant 0 : i32
      %dma_start3A_85 = arith.constant 0 : i32
      %dma_start3A_86 = tpu.memref_slice %arg8[%run_scoped3A_17, %dma_start3A_84, %dma_start3A_85] : memref<2x112x128xf32, #tpu.memory_space<vmem>> -> memref<1x112x128xf32, #tpu.memory_space<vmem>>
      %dma_start3A_87 = tpu.memref_squeeze %dma_start3A_86 : memref<1x112x128xf32, #tpu.memory_space<vmem>> -> memref<112x128xf32, #tpu.memory_space<vmem>>
      tpu.enqueue_dma source(%dma_start3A_87 : memref<112x128xf32, #tpu.memory_space<vmem>>) target(%dma_start3A_83 : memref<112x128xf32, #tpu.memory_space<vmem_shared>>) target_semaphore(%run_scoped3A_75 : memref<!tpu.dma_semaphore, #tpu.memory_space<semaphore_mem>>)
      %dma_wait3A_88 = arith.constant 0 : i32
      %dma_wait3A_89 = arith.constant 0 : i32
      %dma_wait3A_90 = tpu.memref_slice %arg8[%run_scoped3A_17, %dma_wait3A_88, %dma_wait3A_89] : memref<2x112x128xf32, #tpu.memory_space<vmem>> -> memref<1x112x128xf32, #tpu.memory_space<vmem>>
      %dma_wait3A_91 = tpu.memref_squeeze %dma_wait3A_90 : memref<1x112x128xf32, #tpu.memory_space<vmem>> -> memref<112x128xf32, #tpu.memory_space<vmem>>
      %dma_wait3A_92 = arith.constant 0 : i32
      %dma_wait3A_93 = tpu.memref_slice %arg5[%add3A_16, %dma_wait3A_92] : memref<10240x128xf32, #tpu.memory_space<vmem_shared>> -> memref<112x128xf32, #tpu.memory_space<vmem_shared>>
      %dma_wait3A_94 = arith.constant 0 : i32
      %dma_wait3A_95 = tpu.memref_slice %arg5[%add3A_16, %dma_wait3A_94] : memref<10240x128xf32, #tpu.memory_space<vmem_shared>> -> memref<112x128xf32, #tpu.memory_space<vmem_shared>>
      %dma_wait3A_96 = arith.constant 0 : i32
      %dma_wait3A_97 = arith.constant 0 : i32
      %dma_wait3A_98 = tpu.memref_slice %arg8[%run_scoped3A_17, %dma_wait3A_96, %dma_wait3A_97] : memref<2x112x128xf32, #tpu.memory_space<vmem>> -> memref<1x112x128xf32, #tpu.memory_space<vmem>>
      %dma_wait3A_99 = tpu.memref_squeeze %dma_wait3A_98 : memref<1x112x128xf32, #tpu.memory_space<vmem>> -> memref<112x128xf32, #tpu.memory_space<vmem>>
      tpu.wait_dma2 semaphore(%run_scoped3A_75 : memref<!tpu.dma_semaphore, #tpu.memory_space<semaphore_mem>>) src(%dma_wait3A_99 : memref<112x128xf32, #tpu.memory_space<vmem>>) dst(%dma_wait3A_95 : memref<112x128xf32, #tpu.memory_space<vmem_shared>>)
      tpu.yield
    }) : () -> ()
    %add3A_18 = arith.constant 336 : i32
    %add3A_19 = arith.addi %mul3A_9, %add3A_18 : i32
    %run_scoped3A_20 = arith.constant 0 : i32
    "tpu.region"() ({
      %run_scoped3A_75 = tpu.sem_alloc : memref<!tpu.dma_semaphore, #tpu.memory_space<semaphore_mem>>
      %dma_start3A_76 = arith.constant 0 : i32
      %dma_start3A_77 = arith.constant 0 : i32
      %dma_start3A_78 = tpu.memref_slice %arg8[%run_scoped3A_20, %dma_start3A_76, %dma_start3A_77] : memref<2x112x128xf32, #tpu.memory_space<vmem>> -> memref<1x112x128xf32, #tpu.memory_space<vmem>>
      %dma_start3A_79 = tpu.memref_squeeze %dma_start3A_78 : memref<1x112x128xf32, #tpu.memory_space<vmem>> -> memref<112x128xf32, #tpu.memory_space<vmem>>
      %dma_start3A_80 = arith.constant 0 : i32
      %dma_start3A_81 = tpu.memref_slice %arg5[%add3A_19, %dma_start3A_80] : memref<10240x128xf32, #tpu.memory_space<vmem_shared>> -> memref<112x128xf32, #tpu.memory_space<vmem_shared>>
      %dma_start3A_82 = arith.constant 0 : i32
      %dma_start3A_83 = tpu.memref_slice %arg5[%add3A_19, %dma_start3A_82] : memref<10240x128xf32, #tpu.memory_space<vmem_shared>> -> memref<112x128xf32, #tpu.memory_space<vmem_shared>>
      %dma_start3A_84 = arith.constant 0 : i32
      %dma_start3A_85 = arith.constant 0 : i32
      %dma_start3A_86 = tpu.memref_slice %arg8[%run_scoped3A_20, %dma_start3A_84, %dma_start3A_85] : memref<2x112x128xf32, #tpu.memory_space<vmem>> -> memref<1x112x128xf32, #tpu.memory_space<vmem>>
      %dma_start3A_87 = tpu.memref_squeeze %dma_start3A_86 : memref<1x112x128xf32, #tpu.memory_space<vmem>> -> memref<112x128xf32, #tpu.memory_space<vmem>>
      tpu.enqueue_dma source(%dma_start3A_87 : memref<112x128xf32, #tpu.memory_space<vmem>>) target(%dma_start3A_83 : memref<112x128xf32, #tpu.memory_space<vmem_shared>>) target_semaphore(%run_scoped3A_75 : memref<!tpu.dma_semaphore, #tpu.memory_space<semaphore_mem>>)
      %dma_wait3A_88 = arith.constant 0 : i32
      %dma_wait3A_89 = arith.constant 0 : i32
      %dma_wait3A_90 = tpu.memref_slice %arg8[%run_scoped3A_20, %dma_wait3A_88, %dma_wait3A_89] : memref<2x112x128xf32, #tpu.memory_space<vmem>> -> memref<1x112x128xf32, #tpu.memory_space<vmem>>
      %dma_wait3A_91 = tpu.memref_squeeze %dma_wait3A_90 : memref<1x112x128xf32, #tpu.memory_space<vmem>> -> memref<112x128xf32, #tpu.memory_space<vmem>>
      %dma_wait3A_92 = arith.constant 0 : i32
      %dma_wait3A_93 = tpu.memref_slice %arg5[%add3A_19, %dma_wait3A_92] : memref<10240x128xf32, #tpu.memory_space<vmem_shared>> -> memref<112x128xf32, #tpu.memory_space<vmem_shared>>
      %dma_wait3A_94 = arith.constant 0 : i32
      %dma_wait3A_95 = tpu.memref_slice %arg5[%add3A_19, %dma_wait3A_94] : memref<10240x128xf32, #tpu.memory_space<vmem_shared>> -> memref<112x128xf32, #tpu.memory_space<vmem_shared>>
      %dma_wait3A_96 = arith.constant 0 : i32
      %dma_wait3A_97 = arith.constant 0 : i32
      %dma_wait3A_98 = tpu.memref_slice %arg8[%run_scoped3A_20, %dma_wait3A_96, %dma_wait3A_97] : memref<2x112x128xf32, #tpu.memory_space<vmem>> -> memref<1x112x128xf32, #tpu.memory_space<vmem>>
      %dma_wait3A_99 = tpu.memref_squeeze %dma_wait3A_98 : memref<1x112x128xf32, #tpu.memory_space<vmem>> -> memref<112x128xf32, #tpu.memory_space<vmem>>
      tpu.wait_dma2 semaphore(%run_scoped3A_75 : memref<!tpu.dma_semaphore, #tpu.memory_space<semaphore_mem>>) src(%dma_wait3A_99 : memref<112x128xf32, #tpu.memory_space<vmem>>) dst(%dma_wait3A_95 : memref<112x128xf32, #tpu.memory_space<vmem_shared>>)
      tpu.yield
    }) : () -> ()
    %add3A_21 = arith.constant 448 : i32
    %add3A_22 = arith.addi %mul3A_9, %add3A_21 : i32
    %run_scoped3A_23 = arith.constant 0 : i32
    "tpu.region"() ({
      %run_scoped3A_75 = tpu.sem_alloc : memref<!tpu.dma_semaphore, #tpu.memory_space<semaphore_mem>>
      %dma_start3A_76 = arith.constant 0 : i32
      %dma_start3A_77 = arith.constant 0 : i32
      %dma_start3A_78 = tpu.memref_slice %arg8[%run_scoped3A_23, %dma_start3A_76, %dma_start3A_77] : memref<2x112x128xf32, #tpu.memory_space<vmem>> -> memref<1x112x128xf32, #tpu.memory_space<vmem>>
      %dma_start3A_79 = tpu.memref_squeeze %dma_start3A_78 : memref<1x112x128xf32, #tpu.memory_space<vmem>> -> memref<112x128xf32, #tpu.memory_space<vmem>>
      %dma_start3A_80 = arith.constant 0 : i32
      %dma_start3A_81 = tpu.memref_slice %arg5[%add3A_22, %dma_start3A_80] : memref<10240x128xf32, #tpu.memory_space<vmem_shared>> -> memref<112x128xf32, #tpu.memory_space<vmem_shared>>
      %dma_start3A_82 = arith.constant 0 : i32
      %dma_start3A_83 = tpu.memref_slice %arg5[%add3A_22, %dma_start3A_82] : memref<10240x128xf32, #tpu.memory_space<vmem_shared>> -> memref<112x128xf32, #tpu.memory_space<vmem_shared>>
      %dma_start3A_84 = arith.constant 0 : i32
      %dma_start3A_85 = arith.constant 0 : i32
      %dma_start3A_86 = tpu.memref_slice %arg8[%run_scoped3A_23, %dma_start3A_84, %dma_start3A_85] : memref<2x112x128xf32, #tpu.memory_space<vmem>> -> memref<1x112x128xf32, #tpu.memory_space<vmem>>
      %dma_start3A_87 = tpu.memref_squeeze %dma_start3A_86 : memref<1x112x128xf32, #tpu.memory_space<vmem>> -> memref<112x128xf32, #tpu.memory_space<vmem>>
      tpu.enqueue_dma source(%dma_start3A_87 : memref<112x128xf32, #tpu.memory_space<vmem>>) target(%dma_start3A_83 : memref<112x128xf32, #tpu.memory_space<vmem_shared>>) target_semaphore(%run_scoped3A_75 : memref<!tpu.dma_semaphore, #tpu.memory_space<semaphore_mem>>)
      %dma_wait3A_88 = arith.constant 0 : i32
      %dma_wait3A_89 = arith.constant 0 : i32
      %dma_wait3A_90 = tpu.memref_slice %arg8[%run_scoped3A_23, %dma_wait3A_88, %dma_wait3A_89] : memref<2x112x128xf32, #tpu.memory_space<vmem>> -> memref<1x112x128xf32, #tpu.memory_space<vmem>>
      %dma_wait3A_91 = tpu.memref_squeeze %dma_wait3A_90 : memref<1x112x128xf32, #tpu.memory_space<vmem>> -> memref<112x128xf32, #tpu.memory_space<vmem>>
      %dma_wait3A_92 = arith.constant 0 : i32
      %dma_wait3A_93 = tpu.memref_slice %arg5[%add3A_22, %dma_wait3A_92] : memref<10240x128xf32, #tpu.memory_space<vmem_shared>> -> memref<112x128xf32, #tpu.memory_space<vmem_shared>>
      %dma_wait3A_94 = arith.constant 0 : i32
      %dma_wait3A_95 = tpu.memref_slice %arg5[%add3A_22, %dma_wait3A_94] : memref<10240x128xf32, #tpu.memory_space<vmem_shared>> -> memref<112x128xf32, #tpu.memory_space<vmem_shared>>
      %dma_wait3A_96 = arith.constant 0 : i32
      %dma_wait3A_97 = arith.constant 0 : i32
      %dma_wait3A_98 = tpu.memref_slice %arg8[%run_scoped3A_23, %dma_wait3A_96, %dma_wait3A_97] : memref<2x112x128xf32, #tpu.memory_space<vmem>> -> memref<1x112x128xf32, #tpu.memory_space<vmem>>
      %dma_wait3A_99 = tpu.memref_squeeze %dma_wait3A_98 : memref<1x112x128xf32, #tpu.memory_space<vmem>> -> memref<112x128xf32, #tpu.memory_space<vmem>>
      tpu.wait_dma2 semaphore(%run_scoped3A_75 : memref<!tpu.dma_semaphore, #tpu.memory_space<semaphore_mem>>) src(%dma_wait3A_99 : memref<112x128xf32, #tpu.memory_space<vmem>>) dst(%dma_wait3A_95 : memref<112x128xf32, #tpu.memory_space<vmem_shared>>)
      tpu.yield
    }) : () -> ()
    %add3A_24 = arith.constant 560 : i32
    %add3A_25 = arith.addi %mul3A_9, %add3A_24 : i32
    %run_scoped3A_26 = arith.constant 0 : i32
    "tpu.region"() ({
      %run_scoped3A_75 = tpu.sem_alloc : memref<!tpu.dma_semaphore, #tpu.memory_space<semaphore_mem>>
      %dma_start3A_76 = arith.constant 0 : i32
      %dma_start3A_77 = arith.constant 0 : i32
      %dma_start3A_78 = tpu.memref_slice %arg8[%run_scoped3A_26, %dma_start3A_76, %dma_start3A_77] : memref<2x112x128xf32, #tpu.memory_space<vmem>> -> memref<1x80x128xf32, #tpu.memory_space<vmem>>
      %dma_start3A_79 = tpu.memref_squeeze %dma_start3A_78 : memref<1x80x128xf32, #tpu.memory_space<vmem>> -> memref<80x128xf32, #tpu.memory_space<vmem>>
      %dma_start3A_80 = arith.constant 0 : i32
      %dma_start3A_81 = tpu.memref_slice %arg5[%add3A_25, %dma_start3A_80] : memref<10240x128xf32, #tpu.memory_space<vmem_shared>> -> memref<80x128xf32, #tpu.memory_space<vmem_shared>>
      %dma_start3A_82 = arith.constant 0 : i32
      %dma_start3A_83 = tpu.memref_slice %arg5[%add3A_25, %dma_start3A_82] : memref<10240x128xf32, #tpu.memory_space<vmem_shared>> -> memref<80x128xf32, #tpu.memory_space<vmem_shared>>
      %dma_start3A_84 = arith.constant 0 : i32
      %dma_start3A_85 = arith.constant 0 : i32
      %dma_start3A_86 = tpu.memref_slice %arg8[%run_scoped3A_26, %dma_start3A_84, %dma_start3A_85] : memref<2x112x128xf32, #tpu.memory_space<vmem>> -> memref<1x80x128xf32, #tpu.memory_space<vmem>>
      %dma_start3A_87 = tpu.memref_squeeze %dma_start3A_86 : memref<1x80x128xf32, #tpu.memory_space<vmem>> -> memref<80x128xf32, #tpu.memory_space<vmem>>
      tpu.enqueue_dma source(%dma_start3A_87 : memref<80x128xf32, #tpu.memory_space<vmem>>) target(%dma_start3A_83 : memref<80x128xf32, #tpu.memory_space<vmem_shared>>) target_semaphore(%run_scoped3A_75 : memref<!tpu.dma_semaphore, #tpu.memory_space<semaphore_mem>>)
      %dma_wait3A_88 = arith.constant 0 : i32
      %dma_wait3A_89 = arith.constant 0 : i32
      %dma_wait3A_90 = tpu.memref_slice %arg8[%run_scoped3A_26, %dma_wait3A_88, %dma_wait3A_89] : memref<2x112x128xf32, #tpu.memory_space<vmem>> -> memref<1x80x128xf32, #tpu.memory_space<vmem>>
      %dma_wait3A_91 = tpu.memref_squeeze %dma_wait3A_90 : memref<1x80x128xf32, #tpu.memory_space<vmem>> -> memref<80x128xf32, #tpu.memory_space<vmem>>
      %dma_wait3A_92 = arith.constant 0 : i32
      %dma_wait3A_93 = tpu.memref_slice %arg5[%add3A_25, %dma_wait3A_92] : memref<10240x128xf32, #tpu.memory_space<vmem_shared>> -> memref<80x128xf32, #tpu.memory_space<vmem_shared>>
      %dma_wait3A_94 = arith.constant 0 : i32
      %dma_wait3A_95 = tpu.memref_slice %arg5[%add3A_25, %dma_wait3A_94] : memref<10240x128xf32, #tpu.memory_space<vmem_shared>> -> memref<80x128xf32, #tpu.memory_space<vmem_shared>>
      %dma_wait3A_96 = arith.constant 0 : i32
      %dma_wait3A_97 = arith.constant 0 : i32
      %dma_wait3A_98 = tpu.memref_slice %arg8[%run_scoped3A_26, %dma_wait3A_96, %dma_wait3A_97] : memref<2x112x128xf32, #tpu.memory_space<vmem>> -> memref<1x80x128xf32, #tpu.memory_space<vmem>>
      %dma_wait3A_99 = tpu.memref_squeeze %dma_wait3A_98 : memref<1x80x128xf32, #tpu.memory_space<vmem>> -> memref<80x128xf32, #tpu.memory_space<vmem>>
      tpu.wait_dma2 semaphore(%run_scoped3A_75 : memref<!tpu.dma_semaphore, #tpu.memory_space<semaphore_mem>>) src(%dma_wait3A_99 : memref<80x128xf32, #tpu.memory_space<vmem>>) dst(%dma_wait3A_95 : memref<80x128xf32, #tpu.memory_space<vmem_shared>>)
      tpu.yield
    }) : () -> ()
    %run_scoped3A_27 = arith.constant 0 : i32
    "tpu.region"() ({
      %run_scoped3A_75 = tpu.sem_alloc : memref<!tpu.dma_semaphore, #tpu.memory_space<semaphore_mem>>
      %dma_start3A_76 = arith.constant 0 : i32
      %dma_start3A_77 = arith.constant 0 : i32
      %dma_start3A_78 = tpu.memref_slice %arg3[%run_scoped3A_27, %add3A, %dma_start3A_76, %dma_start3A_77] : memref<2x32x91x112xi32, #tpu.memory_space<hbm>> -> memref<1x1x91x112xi32, #tpu.memory_space<hbm>>
      %dma_start3A_79 = tpu.memref_squeeze %dma_start3A_78 : memref<1x1x91x112xi32, #tpu.memory_space<hbm>> -> memref<91x112xi32, #tpu.memory_space<hbm>>
      %dma_start3A_80 = arith.constant 0 : i32
      %dma_start3A_81 = arith.constant 0 : i32
      %dma_start3A_82 = tpu.memref_slice %arg3[%run_scoped3A_27, %add3A, %dma_start3A_80, %dma_start3A_81] : memref<2x32x91x112xi32, #tpu.memory_space<hbm>> -> memref<1x1x91x112xi32, #tpu.memory_space<hbm>>
      %dma_start3A_83 = tpu.memref_squeeze %dma_start3A_82 : memref<1x1x91x112xi32, #tpu.memory_space<hbm>> -> memref<91x112xi32, #tpu.memory_space<hbm>>
      tpu.enqueue_dma source(%dma_start3A_83 : memref<91x112xi32, #tpu.memory_space<hbm>>) target(%arg6 : memref<91x112xi32, #tpu.memory_space<vmem>>) target_semaphore(%run_scoped3A_75 : memref<!tpu.dma_semaphore, #tpu.memory_space<semaphore_mem>>)
      %dma_wait3A_84 = arith.constant 0 : i32
      %dma_wait3A_85 = arith.constant 0 : i32
      %dma_wait3A_86 = tpu.memref_slice %arg3[%run_scoped3A_27, %add3A, %dma_wait3A_84, %dma_wait3A_85] : memref<2x32x91x112xi32, #tpu.memory_space<hbm>> -> memref<1x1x91x112xi32, #tpu.memory_space<hbm>>
      %dma_wait3A_87 = tpu.memref_squeeze %dma_wait3A_86 : memref<1x1x91x112xi32, #tpu.memory_space<hbm>> -> memref<91x112xi32, #tpu.memory_space<hbm>>
      %dma_wait3A_88 = arith.constant 0 : i32
      %dma_wait3A_89 = arith.constant 0 : i32
      %dma_wait3A_90 = tpu.memref_slice %arg3[%run_scoped3A_27, %add3A, %dma_wait3A_88, %dma_wait3A_89] : memref<2x32x91x112xi32, #tpu.memory_space<hbm>> -> memref<1x1x91x112xi32, #tpu.memory_space<hbm>>
      %dma_wait3A_91 = tpu.memref_squeeze %dma_wait3A_90 : memref<1x1x91x112xi32, #tpu.memory_space<hbm>> -> memref<91x112xi32, #tpu.memory_space<hbm>>
      tpu.wait_dma2 semaphore(%run_scoped3A_75 : memref<!tpu.dma_semaphore, #tpu.memory_space<semaphore_mem>>) src(%dma_wait3A_91 : memref<91x112xi32, #tpu.memory_space<hbm>>) dst(%arg6 : memref<91x112xi32, #tpu.memory_space<vmem>>)
      tpu.yield
    }) : () -> ()
    %run_scoped3A_28 = arith.constant 1 : i32
    "tpu.region"() ({
      %run_scoped3A_75 = tpu.sem_alloc : memref<!tpu.dma_semaphore, #tpu.memory_space<semaphore_mem>>
      %dma_start3A_76 = arith.constant 0 : i32
      %dma_start3A_77 = arith.constant 0 : i32
      %dma_start3A_78 = tpu.memref_slice %arg3[%run_scoped3A_28, %add3A, %dma_start3A_76, %dma_start3A_77] : memref<2x32x91x112xi32, #tpu.memory_space<hbm>> -> memref<1x1x91x112xi32, #tpu.memory_space<hbm>>
      %dma_start3A_79 = tpu.memref_squeeze %dma_start3A_78 : memref<1x1x91x112xi32, #tpu.memory_space<hbm>> -> memref<91x112xi32, #tpu.memory_space<hbm>>
      %dma_start3A_80 = arith.constant 0 : i32
      %dma_start3A_81 = arith.constant 0 : i32
      %dma_start3A_82 = tpu.memref_slice %arg3[%run_scoped3A_28, %add3A, %dma_start3A_80, %dma_start3A_81] : memref<2x32x91x112xi32, #tpu.memory_space<hbm>> -> memref<1x1x91x112xi32, #tpu.memory_space<hbm>>
      %dma_start3A_83 = tpu.memref_squeeze %dma_start3A_82 : memref<1x1x91x112xi32, #tpu.memory_space<hbm>> -> memref<91x112xi32, #tpu.memory_space<hbm>>
      tpu.enqueue_dma source(%dma_start3A_83 : memref<91x112xi32, #tpu.memory_space<hbm>>) target(%arg7 : memref<91x112xi32, #tpu.memory_space<vmem>>) target_semaphore(%run_scoped3A_75 : memref<!tpu.dma_semaphore, #tpu.memory_space<semaphore_mem>>)
      %dma_wait3A_84 = arith.constant 0 : i32
      %dma_wait3A_85 = arith.constant 0 : i32
      %dma_wait3A_86 = tpu.memref_slice %arg3[%run_scoped3A_28, %add3A, %dma_wait3A_84, %dma_wait3A_85] : memref<2x32x91x112xi32, #tpu.memory_space<hbm>> -> memref<1x1x91x112xi32, #tpu.memory_space<hbm>>
      %dma_wait3A_87 = tpu.memref_squeeze %dma_wait3A_86 : memref<1x1x91x112xi32, #tpu.memory_space<hbm>> -> memref<91x112xi32, #tpu.memory_space<hbm>>
      %dma_wait3A_88 = arith.constant 0 : i32
      %dma_wait3A_89 = arith.constant 0 : i32
      %dma_wait3A_90 = tpu.memref_slice %arg3[%run_scoped3A_28, %add3A, %dma_wait3A_88, %dma_wait3A_89] : memref<2x32x91x112xi32, #tpu.memory_space<hbm>> -> memref<1x1x91x112xi32, #tpu.memory_space<hbm>>
      %dma_wait3A_91 = tpu.memref_squeeze %dma_wait3A_90 : memref<1x1x91x112xi32, #tpu.memory_space<hbm>> -> memref<91x112xi32, #tpu.memory_space<hbm>>
      tpu.wait_dma2 semaphore(%run_scoped3A_75 : memref<!tpu.dma_semaphore, #tpu.memory_space<semaphore_mem>>) src(%dma_wait3A_91 : memref<91x112xi32, #tpu.memory_space<hbm>>) dst(%arg7 : memref<91x112xi32, #tpu.memory_space<vmem>>)
      tpu.yield
    }) : () -> ()
    %barrier3A = arith.constant 0 : index
    tpu.barrier barrier_id(%barrier3A)
    %dma_start3A = arith.constant 0 : i32
    %dma_start3A_29 = arith.constant 0 : i32
    %dma_start3A_30 = arith.constant 0 : i32
    %dma_start3A_31 = arith.constant 0 : i32
    %dma_start3A_32 = tpu.memref_slice %arg8[%dma_start3A_29, %dma_start3A_30, %dma_start3A_31] : memref<2x112x128xf32, #tpu.memory_space<vmem>> -> memref<1x112x128xf32, #tpu.memory_space<vmem>>
    %dma_start3A_33 = tpu.memref_squeeze %dma_start3A_32 : memref<1x112x128xf32, #tpu.memory_space<vmem>> -> memref<112x128xf32, #tpu.memory_space<vmem>>
    %dma_start3A_34 = arith.constant 0 : i32
    %dma_start3A_35 = tpu.memref_slice %arg6[%dma_start3A, %dma_start3A_34] : memref<91x112xi32, #tpu.memory_space<vmem>> -> memref<1x112xi32, #tpu.memory_space<vmem>>
    %dma_start3A_36 = tpu.memref_squeeze %dma_start3A_35 : memref<1x112xi32, #tpu.memory_space<vmem>> -> memref<112xi32, #tpu.memory_space<vmem>>
    %dma_start3A_37 = arith.constant 0 : i32
    %dma_start3A_38 = arith.constant 0 : i32
    %dma_start3A_39 = tpu.memref_slice %arg2[%dma_start3A_37, %dma_start3A_38] : memref<10240x128xf32, #tpu.memory_space<hbm>> -> memref<10240x128xf32, #tpu.memory_space<hbm>>
    tpu.enqueue_indirect_dma source(%dma_start3A_39 : memref<10240x128xf32, #tpu.memory_space<hbm>>) target(%dma_start3A_33 : memref<112x128xf32, #tpu.memory_space<vmem>>) offsets(%dma_start3A_36 : memref<112xi32, #tpu.memory_space<vmem>>) semaphore(%arg9 : memref<!tpu.dma_semaphore, #tpu.memory_space<semaphore_mem>>)
    %scan3A_40 = arith.constant 0 : i32
    %scan3A_41 = arith.constant 1 : i32
    %scan3A_42 = arith.constant 0 : i32
    %scan3A_43 = arith.constant 0 : i32
    %scan3A_44 = arith.constant 45 : i32
    %scan3A_45 = arith.addi %scan3A_43, %scan3A_44 : i32
    %scan3A_46 = arith.constant 1 : i32
    %scan3A_47 = scf.for %scan3A_75 = %scan3A_43 to %scan3A_45 step %scan3A_46 iter_args(%scan3A_76 = %scan3A_42) -> (i32)  : i32 {
      %mul3A_77 = arith.constant 2 : i32
      %mul3A_78 = arith.muli %mul3A_77, %scan3A_75 : i32
      %add3A_79 = arith.constant 1 : i32
      %add3A_80 = arith.addi %mul3A_78, %add3A_79 : i32
      %dma_wait3A_81 = arith.constant 0 : i32
      %dma_wait3A_82 = arith.constant 0 : i32
      %dma_wait3A_83 = tpu.memref_slice %arg8[%scan3A_40, %dma_wait3A_81, %dma_wait3A_82] : memref<2x112x128xf32, #tpu.memory_space<vmem>> -> memref<1x112x128xf32, #tpu.memory_space<vmem>>
      %dma_wait3A_84 = tpu.memref_squeeze %dma_wait3A_83 : memref<1x112x128xf32, #tpu.memory_space<vmem>> -> memref<112x128xf32, #tpu.memory_space<vmem>>
      %dma_wait3A_85 = arith.constant 0 : i32
      %dma_wait3A_86 = tpu.memref_slice %arg6[%mul3A_78, %dma_wait3A_85] : memref<91x112xi32, #tpu.memory_space<vmem>> -> memref<1x112xi32, #tpu.memory_space<vmem>>
      %dma_wait3A_87 = tpu.memref_squeeze %dma_wait3A_86 : memref<1x112xi32, #tpu.memory_space<vmem>> -> memref<112xi32, #tpu.memory_space<vmem>>
      %dma_wait3A_88 = arith.constant 0 : i32
      %dma_wait3A_89 = arith.constant 0 : i32
      %dma_wait3A_90 = tpu.memref_slice %arg2[%dma_wait3A_88, %dma_wait3A_89] : memref<10240x128xf32, #tpu.memory_space<hbm>> -> memref<10240x128xf32, #tpu.memory_space<hbm>>
      tpu.wait_indirect_dma semaphore(%arg9 : memref<!tpu.dma_semaphore, #tpu.memory_space<semaphore_mem>>) src(%dma_wait3A_90 : memref<10240x128xf32, #tpu.memory_space<hbm>>) dst(%dma_wait3A_84 : memref<112x128xf32, #tpu.memory_space<vmem>>)
      %dma_start3A_91 = arith.constant 0 : i32
      %dma_start3A_92 = arith.constant 0 : i32
      %dma_start3A_93 = tpu.memref_slice %arg8[%scan3A_40, %dma_start3A_91, %dma_start3A_92] : memref<2x112x128xf32, #tpu.memory_space<vmem>> -> memref<1x112x128xf32, #tpu.memory_space<vmem>>
      %dma_start3A_94 = tpu.memref_squeeze %dma_start3A_93 : memref<1x112x128xf32, #tpu.memory_space<vmem>> -> memref<112x128xf32, #tpu.memory_space<vmem>>
      %dma_start3A_95 = arith.constant 0 : i32
      %dma_start3A_96 = tpu.memref_slice %arg7[%mul3A_78, %dma_start3A_95] : memref<91x112xi32, #tpu.memory_space<vmem>> -> memref<1x112xi32, #tpu.memory_space<vmem>>
      %dma_start3A_97 = tpu.memref_squeeze %dma_start3A_96 : memref<1x112xi32, #tpu.memory_space<vmem>> -> memref<112xi32, #tpu.memory_space<vmem>>
      %dma_start3A_98 = arith.constant 0 : i32
      %dma_start3A_99 = arith.constant 0 : i32
      %dma_start3A_100 = tpu.memref_slice %arg5[%dma_start3A_98, %dma_start3A_99] : memref<10240x128xf32, #tpu.memory_space<vmem_shared>> -> memref<10240x128xf32, #tpu.memory_space<vmem_shared>>
      tpu.enqueue_indirect_dma source(%dma_start3A_94 : memref<112x128xf32, #tpu.memory_space<vmem>>) target(%dma_start3A_100 : memref<10240x128xf32, #tpu.memory_space<vmem_shared>>) offsets(%dma_start3A_97 : memref<112xi32, #tpu.memory_space<vmem>>) semaphore(%arg11 : memref<!tpu.dma_semaphore, #tpu.memory_space<semaphore_mem>>) {add = true}
      %gt3A = arith.constant 0 : i32
      %gt3A_101 = arith.cmpi sgt, %scan3A_75, %gt3A : i32
      %convert_element_type3A = arith.extui %gt3A_101 : i1 to i32
      %cond3A = arith.constant 0 : i32
      %cond3A_102 = arith.cmpi ne, %convert_element_type3A, %cond3A : i32
      scf.if %cond3A_102 {
        %dma_wait3A_156 = arith.constant 0 : i32
        %dma_wait3A_157 = arith.constant 0 : i32
        %dma_wait3A_158 = tpu.memref_slice %arg8[%scan3A_41, %dma_wait3A_156, %dma_wait3A_157] : memref<2x112x128xf32, #tpu.memory_space<vmem>> -> memref<1x112x128xf32, #tpu.memory_space<vmem>>
        %dma_wait3A_159 = tpu.memref_squeeze %dma_wait3A_158 : memref<1x112x128xf32, #tpu.memory_space<vmem>> -> memref<112x128xf32, #tpu.memory_space<vmem>>
        %dma_wait3A_160 = arith.constant 0 : i32
        %dma_wait3A_161 = tpu.memref_slice %arg7[%mul3A_78, %dma_wait3A_160] : memref<91x112xi32, #tpu.memory_space<vmem>> -> memref<1x112xi32, #tpu.memory_space<vmem>>
        %dma_wait3A_162 = tpu.memref_squeeze %dma_wait3A_161 : memref<1x112xi32, #tpu.memory_space<vmem>> -> memref<112xi32, #tpu.memory_space<vmem>>
        %dma_wait3A_163 = arith.constant 0 : i32
        %dma_wait3A_164 = arith.constant 0 : i32
        %dma_wait3A_165 = tpu.memref_slice %arg5[%dma_wait3A_163, %dma_wait3A_164] : memref<10240x128xf32, #tpu.memory_space<vmem_shared>> -> memref<10240x128xf32, #tpu.memory_space<vmem_shared>>
        tpu.wait_indirect_dma semaphore(%arg12 : memref<!tpu.dma_semaphore, #tpu.memory_space<semaphore_mem>>) src(%dma_wait3A_159 : memref<112x128xf32, #tpu.memory_space<vmem>>) dst(%dma_wait3A_165 : memref<10240x128xf32, #tpu.memory_space<vmem_shared>>)
      } else {
      }
      %dma_start3A_103 = arith.constant 0 : i32
      %dma_start3A_104 = arith.constant 0 : i32
      %dma_start3A_105 = tpu.memref_slice %arg8[%scan3A_41, %dma_start3A_103, %dma_start3A_104] : memref<2x112x128xf32, #tpu.memory_space<vmem>> -> memref<1x112x128xf32, #tpu.memory_space<vmem>>
      %dma_start3A_106 = tpu.memref_squeeze %dma_start3A_105 : memref<1x112x128xf32, #tpu.memory_space<vmem>> -> memref<112x128xf32, #tpu.memory_space<vmem>>
      %dma_start3A_107 = arith.constant 0 : i32
      %dma_start3A_108 = tpu.memref_slice %arg6[%add3A_80, %dma_start3A_107] : memref<91x112xi32, #tpu.memory_space<vmem>> -> memref<1x112xi32, #tpu.memory_space<vmem>>
      %dma_start3A_109 = tpu.memref_squeeze %dma_start3A_108 : memref<1x112xi32, #tpu.memory_space<vmem>> -> memref<112xi32, #tpu.memory_space<vmem>>
      %dma_start3A_110 = arith.constant 0 : i32
      %dma_start3A_111 = arith.constant 0 : i32
      %dma_start3A_112 = tpu.memref_slice %arg2[%dma_start3A_110, %dma_start3A_111] : memref<10240x128xf32, #tpu.memory_space<hbm>> -> memref<10240x128xf32, #tpu.memory_space<hbm>>
      tpu.enqueue_indirect_dma source(%dma_start3A_112 : memref<10240x128xf32, #tpu.memory_space<hbm>>) target(%dma_start3A_106 : memref<112x128xf32, #tpu.memory_space<vmem>>) offsets(%dma_start3A_109 : memref<112xi32, #tpu.memory_space<vmem>>) semaphore(%arg10 : memref<!tpu.dma_semaphore, #tpu.memory_space<semaphore_mem>>)
      %dma_wait3A_113 = arith.constant 0 : i32
      %dma_wait3A_114 = arith.constant 0 : i32
      %dma_wait3A_115 = tpu.memref_slice %arg8[%scan3A_40, %dma_wait3A_113, %dma_wait3A_114] : memref<2x112x128xf32, #tpu.memory_space<vmem>> -> memref<1x112x128xf32, #tpu.memory_space<vmem>>
      %dma_wait3A_116 = tpu.memref_squeeze %dma_wait3A_115 : memref<1x112x128xf32, #tpu.memory_space<vmem>> -> memref<112x128xf32, #tpu.memory_space<vmem>>
      %dma_wait3A_117 = arith.constant 0 : i32
      %dma_wait3A_118 = tpu.memref_slice %arg7[%mul3A_78, %dma_wait3A_117] : memref<91x112xi32, #tpu.memory_space<vmem>> -> memref<1x112xi32, #tpu.memory_space<vmem>>
      %dma_wait3A_119 = tpu.memref_squeeze %dma_wait3A_118 : memref<1x112xi32, #tpu.memory_space<vmem>> -> memref<112xi32, #tpu.memory_space<vmem>>
      %dma_wait3A_120 = arith.constant 0 : i32
      %dma_wait3A_121 = arith.constant 0 : i32
      %dma_wait3A_122 = tpu.memref_slice %arg5[%dma_wait3A_120, %dma_wait3A_121] : memref<10240x128xf32, #tpu.memory_space<vmem_shared>> -> memref<10240x128xf32, #tpu.memory_space<vmem_shared>>
      tpu.wait_indirect_dma semaphore(%arg11 : memref<!tpu.dma_semaphore, #tpu.memory_space<semaphore_mem>>) src(%dma_wait3A_116 : memref<112x128xf32, #tpu.memory_space<vmem>>) dst(%dma_wait3A_122 : memref<10240x128xf32, #tpu.memory_space<vmem_shared>>)
      %dma_wait3A_123 = arith.constant 0 : i32
      %dma_wait3A_124 = arith.constant 0 : i32
      %dma_wait3A_125 = tpu.memref_slice %arg8[%scan3A_41, %dma_wait3A_123, %dma_wait3A_124] : memref<2x112x128xf32, #tpu.memory_space<vmem>> -> memref<1x112x128xf32, #tpu.memory_space<vmem>>
      %dma_wait3A_126 = tpu.memref_squeeze %dma_wait3A_125 : memref<1x112x128xf32, #tpu.memory_space<vmem>> -> memref<112x128xf32, #tpu.memory_space<vmem>>
      %dma_wait3A_127 = arith.constant 0 : i32
      %dma_wait3A_128 = tpu.memref_slice %arg6[%add3A_80, %dma_wait3A_127] : memref<91x112xi32, #tpu.memory_space<vmem>> -> memref<1x112xi32, #tpu.memory_space<vmem>>
      %dma_wait3A_129 = tpu.memref_squeeze %dma_wait3A_128 : memref<1x112xi32, #tpu.memory_space<vmem>> -> memref<112xi32, #tpu.memory_space<vmem>>
      %dma_wait3A_130 = arith.constant 0 : i32
      %dma_wait3A_131 = arith.constant 0 : i32
      %dma_wait3A_132 = tpu.memref_slice %arg2[%dma_wait3A_130, %dma_wait3A_131] : memref<10240x128xf32, #tpu.memory_space<hbm>> -> memref<10240x128xf32, #tpu.memory_space<hbm>>
      tpu.wait_indirect_dma semaphore(%arg10 : memref<!tpu.dma_semaphore, #tpu.memory_space<semaphore_mem>>) src(%dma_wait3A_132 : memref<10240x128xf32, #tpu.memory_space<hbm>>) dst(%dma_wait3A_126 : memref<112x128xf32, #tpu.memory_space<vmem>>)
      %dma_start3A_133 = arith.constant 0 : i32
      %dma_start3A_134 = arith.constant 0 : i32
      %dma_start3A_135 = tpu.memref_slice %arg8[%scan3A_41, %dma_start3A_133, %dma_start3A_134] : memref<2x112x128xf32, #tpu.memory_space<vmem>> -> memref<1x112x128xf32, #tpu.memory_space<vmem>>
      %dma_start3A_136 = tpu.memref_squeeze %dma_start3A_135 : memref<1x112x128xf32, #tpu.memory_space<vmem>> -> memref<112x128xf32, #tpu.memory_space<vmem>>
      %dma_start3A_137 = arith.constant 0 : i32
      %dma_start3A_138 = tpu.memref_slice %arg7[%add3A_80, %dma_start3A_137] : memref<91x112xi32, #tpu.memory_space<vmem>> -> memref<1x112xi32, #tpu.memory_space<vmem>>
      %dma_start3A_139 = tpu.memref_squeeze %dma_start3A_138 : memref<1x112xi32, #tpu.memory_space<vmem>> -> memref<112xi32, #tpu.memory_space<vmem>>
      %dma_start3A_140 = arith.constant 0 : i32
      %dma_start3A_141 = arith.constant 0 : i32
      %dma_start3A_142 = tpu.memref_slice %arg5[%dma_start3A_140, %dma_start3A_141] : memref<10240x128xf32, #tpu.memory_space<vmem_shared>> -> memref<10240x128xf32, #tpu.memory_space<vmem_shared>>
      tpu.enqueue_indirect_dma source(%dma_start3A_136 : memref<112x128xf32, #tpu.memory_space<vmem>>) target(%dma_start3A_142 : memref<10240x128xf32, #tpu.memory_space<vmem_shared>>) offsets(%dma_start3A_139 : memref<112xi32, #tpu.memory_space<vmem>>) semaphore(%arg12 : memref<!tpu.dma_semaphore, #tpu.memory_space<semaphore_mem>>) {add = true}
      %add3A_143 = arith.constant 2 : i32
      %add3A_144 = arith.addi %mul3A_78, %add3A_143 : i32
      %dma_start3A_145 = arith.constant 0 : i32
      %dma_start3A_146 = arith.constant 0 : i32
      %dma_start3A_147 = tpu.memref_slice %arg8[%scan3A_40, %dma_start3A_145, %dma_start3A_146] : memref<2x112x128xf32, #tpu.memory_space<vmem>> -> memref<1x112x128xf32, #tpu.memory_space<vmem>>
      %dma_start3A_148 = tpu.memref_squeeze %dma_start3A_147 : memref<1x112x128xf32, #tpu.memory_space<vmem>> -> memref<112x128xf32, #tpu.memory_space<vmem>>
      %dma_start3A_149 = arith.constant 0 : i32
      %dma_start3A_150 = tpu.memref_slice %arg6[%add3A_144, %dma_start3A_149] : memref<91x112xi32, #tpu.memory_space<vmem>> -> memref<1x112xi32, #tpu.memory_space<vmem>>
      %dma_start3A_151 = tpu.memref_squeeze %dma_start3A_150 : memref<1x112xi32, #tpu.memory_space<vmem>> -> memref<112xi32, #tpu.memory_space<vmem>>
      %dma_start3A_152 = arith.constant 0 : i32
      %dma_start3A_153 = arith.constant 0 : i32
      %dma_start3A_154 = tpu.memref_slice %arg2[%dma_start3A_152, %dma_start3A_153] : memref<10240x128xf32, #tpu.memory_space<hbm>> -> memref<10240x128xf32, #tpu.memory_space<hbm>>
      tpu.enqueue_indirect_dma source(%dma_start3A_154 : memref<10240x128xf32, #tpu.memory_space<hbm>>) target(%dma_start3A_148 : memref<112x128xf32, #tpu.memory_space<vmem>>) offsets(%dma_start3A_151 : memref<112xi32, #tpu.memory_space<vmem>>) semaphore(%arg9 : memref<!tpu.dma_semaphore, #tpu.memory_space<semaphore_mem>>)
      %scan3A_155 = arith.constant 0 : i32
      scf.yield %scan3A_155 : i32
    }
    %scan3A_48 = arith.constant 45 : i32
    %dma_wait3A = arith.constant 1 : i32
    %dma_wait3A_49 = arith.constant 0 : i32
    %dma_wait3A_50 = arith.constant 0 : i32
    %dma_wait3A_51 = arith.constant 0 : i32
    %dma_wait3A_52 = tpu.memref_slice %arg8[%dma_wait3A, %dma_wait3A_50, %dma_wait3A_51] : memref<2x112x128xf32, #tpu.memory_space<vmem>> -> memref<1x112x128xf32, #tpu.memory_space<vmem>>
    %dma_wait3A_53 = tpu.memref_squeeze %dma_wait3A_52 : memref<1x112x128xf32, #tpu.memory_space<vmem>> -> memref<112x128xf32, #tpu.memory_space<vmem>>
    %dma_wait3A_54 = arith.constant 0 : i32
    %dma_wait3A_55 = tpu.memref_slice %arg7[%dma_wait3A_49, %dma_wait3A_54] : memref<91x112xi32, #tpu.memory_space<vmem>> -> memref<1x112xi32, #tpu.memory_space<vmem>>
    %dma_wait3A_56 = tpu.memref_squeeze %dma_wait3A_55 : memref<1x112xi32, #tpu.memory_space<vmem>> -> memref<112xi32, #tpu.memory_space<vmem>>
    %dma_wait3A_57 = arith.constant 0 : i32
    %dma_wait3A_58 = arith.constant 0 : i32
    %dma_wait3A_59 = tpu.memref_slice %arg5[%dma_wait3A_57, %dma_wait3A_58] : memref<10240x128xf32, #tpu.memory_space<vmem_shared>> -> memref<10240x128xf32, #tpu.memory_space<vmem_shared>>
    tpu.wait_indirect_dma semaphore(%arg12 : memref<!tpu.dma_semaphore, #tpu.memory_space<semaphore_mem>>) src(%dma_wait3A_53 : memref<112x128xf32, #tpu.memory_space<vmem>>) dst(%dma_wait3A_59 : memref<10240x128xf32, #tpu.memory_space<vmem_shared>>)
    %dma_wait3A_60 = arith.constant 90 : i32
    %dma_wait3A_61 = arith.constant 0 : i32
    %dma_wait3A_62 = arith.constant 0 : i32
    %dma_wait3A_63 = arith.constant 0 : i32
    %dma_wait3A_64 = tpu.memref_slice %arg8[%dma_wait3A_61, %dma_wait3A_62, %dma_wait3A_63] : memref<2x112x128xf32, #tpu.memory_space<vmem>> -> memref<1x112x128xf32, #tpu.memory_space<vmem>>
    %dma_wait3A_65 = tpu.memref_squeeze %dma_wait3A_64 : memref<1x112x128xf32, #tpu.memory_space<vmem>> -> memref<112x128xf32, #tpu.memory_space<vmem>>
    %dma_wait3A_66 = arith.constant 0 : i32
    %dma_wait3A_67 = tpu.memref_slice %arg6[%dma_wait3A_60, %dma_wait3A_66] : memref<91x112xi32, #tpu.memory_space<vmem>> -> memref<1x112xi32, #tpu.memory_space<vmem>>
    %dma_wait3A_68 = tpu.memref_squeeze %dma_wait3A_67 : memref<1x112xi32, #tpu.memory_space<vmem>> -> memref<112xi32, #tpu.memory_space<vmem>>
    %dma_wait3A_69 = arith.constant 0 : i32
    %dma_wait3A_70 = arith.constant 0 : i32
    %dma_wait3A_71 = tpu.memref_slice %arg2[%dma_wait3A_69, %dma_wait3A_70] : memref<10240x128xf32, #tpu.memory_space<hbm>> -> memref<10240x128xf32, #tpu.memory_space<hbm>>
    tpu.wait_indirect_dma semaphore(%arg9 : memref<!tpu.dma_semaphore, #tpu.memory_space<semaphore_mem>>) src(%dma_wait3A_71 : memref<10240x128xf32, #tpu.memory_space<hbm>>) dst(%dma_wait3A_65 : memref<112x128xf32, #tpu.memory_space<vmem>>)
    %run_scoped3A_72 = arith.constant 0 : i32
    %run_scoped3A_73 = arith.constant 90 : i32
    "tpu.region"() ({
      %run_scoped3A_75 = tpu.sem_alloc : memref<!tpu.dma_semaphore, #tpu.memory_space<semaphore_mem>>
      %dma_start3A_76 = arith.constant 0 : i32
      %dma_start3A_77 = arith.constant 0 : i32
      %dma_start3A_78 = tpu.memref_slice %arg8[%run_scoped3A_72, %dma_start3A_76, %dma_start3A_77] : memref<2x112x128xf32, #tpu.memory_space<vmem>> -> memref<1x112x128xf32, #tpu.memory_space<vmem>>
      %dma_start3A_79 = tpu.memref_squeeze %dma_start3A_78 : memref<1x112x128xf32, #tpu.memory_space<vmem>> -> memref<112x128xf32, #tpu.memory_space<vmem>>
      %dma_start3A_80 = arith.constant 0 : i32
      %dma_start3A_81 = tpu.memref_slice %arg7[%run_scoped3A_73, %dma_start3A_80] : memref<91x112xi32, #tpu.memory_space<vmem>> -> memref<1x112xi32, #tpu.memory_space<vmem>>
      %dma_start3A_82 = tpu.memref_squeeze %dma_start3A_81 : memref<1x112xi32, #tpu.memory_space<vmem>> -> memref<112xi32, #tpu.memory_space<vmem>>
      %dma_start3A_83 = arith.constant 0 : i32
      %dma_start3A_84 = arith.constant 0 : i32
      %dma_start3A_85 = tpu.memref_slice %arg5[%dma_start3A_83, %dma_start3A_84] : memref<10240x128xf32, #tpu.memory_space<vmem_shared>> -> memref<10240x128xf32, #tpu.memory_space<vmem_shared>>
      tpu.enqueue_indirect_dma source(%dma_start3A_79 : memref<112x128xf32, #tpu.memory_space<vmem>>) target(%dma_start3A_85 : memref<10240x128xf32, #tpu.memory_space<vmem_shared>>) offsets(%dma_start3A_82 : memref<112xi32, #tpu.memory_space<vmem>>) semaphore(%run_scoped3A_75 : memref<!tpu.dma_semaphore, #tpu.memory_space<semaphore_mem>>) {add = true}
      %dma_wait3A_86 = arith.constant 0 : i32
      %dma_wait3A_87 = arith.constant 0 : i32
      %dma_wait3A_88 = tpu.memref_slice %arg8[%run_scoped3A_72, %dma_wait3A_86, %dma_wait3A_87] : memref<2x112x128xf32, #tpu.memory_space<vmem>> -> memref<1x112x128xf32, #tpu.memory_space<vmem>>
      %dma_wait3A_89 = tpu.memref_squeeze %dma_wait3A_88 : memref<1x112x128xf32, #tpu.memory_space<vmem>> -> memref<112x128xf32, #tpu.memory_space<vmem>>
      %dma_wait3A_90 = arith.constant 0 : i32
      %dma_wait3A_91 = tpu.memref_slice %arg7[%run_scoped3A_73, %dma_wait3A_90] : memref<91x112xi32, #tpu.memory_space<vmem>> -> memref<1x112xi32, #tpu.memory_space<vmem>>
      %dma_wait3A_92 = tpu.memref_squeeze %dma_wait3A_91 : memref<1x112xi32, #tpu.memory_space<vmem>> -> memref<112xi32, #tpu.memory_space<vmem>>
      %dma_wait3A_93 = arith.constant 0 : i32
      %dma_wait3A_94 = arith.constant 0 : i32
      %dma_wait3A_95 = tpu.memref_slice %arg5[%dma_wait3A_93, %dma_wait3A_94] : memref<10240x128xf32, #tpu.memory_space<vmem_shared>> -> memref<10240x128xf32, #tpu.memory_space<vmem_shared>>
      tpu.wait_indirect_dma semaphore(%run_scoped3A_75 : memref<!tpu.dma_semaphore, #tpu.memory_space<semaphore_mem>>) src(%dma_wait3A_89 : memref<112x128xf32, #tpu.memory_space<vmem>>) dst(%dma_wait3A_95 : memref<10240x128xf32, #tpu.memory_space<vmem_shared>>)
      tpu.yield
    }) : () -> ()
    %barrier3A_74 = arith.constant 0 : index
    tpu.barrier barrier_id(%barrier3A_74)
    "tpu.region"() ({
      %run_scoped3A_75 = tpu.sem_alloc : memref<!tpu.dma_semaphore, #tpu.memory_space<semaphore_mem>>
      %dma_start3A_76 = arith.constant 0 : i32
      %dma_start3A_77 = tpu.memref_slice %arg4[%arg0, %mul3A_9, %dma_start3A_76] : memref<2x10240x128xf32, #tpu.memory_space<hbm>> -> memref<1x640x128xf32, #tpu.memory_space<hbm>>
      %dma_start3A_78 = tpu.memref_squeeze %dma_start3A_77 : memref<1x640x128xf32, #tpu.memory_space<hbm>> -> memref<640x128xf32, #tpu.memory_space<hbm>>
      %dma_start3A_79 = arith.constant 0 : i32
      %dma_start3A_80 = tpu.memref_slice %arg5[%mul3A_9, %dma_start3A_79] : memref<10240x128xf32, #tpu.memory_space<vmem_shared>> -> memref<640x128xf32, #tpu.memory_space<vmem_shared>>
      tpu.enqueue_dma source(%dma_start3A_80 : memref<640x128xf32, #tpu.memory_space<vmem_shared>>) target(%dma_start3A_78 : memref<640x128xf32, #tpu.memory_space<hbm>>) target_semaphore(%run_scoped3A_75 : memref<!tpu.dma_semaphore, #tpu.memory_space<semaphore_mem>>)
      %dma_wait3A_81 = arith.constant 0 : i32
      %dma_wait3A_82 = tpu.memref_slice %arg4[%arg0, %mul3A_9, %dma_wait3A_81] : memref<2x10240x128xf32, #tpu.memory_space<hbm>> -> memref<1x640x128xf32, #tpu.memory_space<hbm>>
      %dma_wait3A_83 = tpu.memref_squeeze %dma_wait3A_82 : memref<1x640x128xf32, #tpu.memory_space<hbm>> -> memref<640x128xf32, #tpu.memory_space<hbm>>
      %dma_wait3A_84 = arith.constant 0 : i32
      %dma_wait3A_85 = tpu.memref_slice %arg5[%mul3A_9, %dma_wait3A_84] : memref<10240x128xf32, #tpu.memory_space<vmem_shared>> -> memref<640x128xf32, #tpu.memory_space<vmem_shared>>
      tpu.wait_dma2 semaphore(%run_scoped3A_75 : memref<!tpu.dma_semaphore, #tpu.memory_space<semaphore_mem>>) src(%dma_wait3A_85 : memref<640x128xf32, #tpu.memory_space<vmem_shared>>) dst(%dma_wait3A_83 : memref<640x128xf32, #tpu.memory_space<hbm>>)
      tpu.yield
    }) : () -> ()
    return
  }
}

#map = affine_map<(d0, d1) -> (0, 0, 0, 0)>
#map1 = affine_map<(d0, d1) -> (0)>
module attributes {stable_mosaic.version = 14 : i64} {
  func.func @deg_kernel(%arg0: i32, %arg1: i32, %arg2: memref<2x32x13x784xi32, #tpu.memory_space<hbm>>, %arg3: memref<20480xf32, #tpu.memory_space<hbm>>, %arg4: memref<10240xf32, #tpu.memory_space<vmem_shared>>, %arg5: memref<13x784xi32, #tpu.memory_space<vmem>>, %arg6: memref<640xf32, #tpu.memory_space<vmem>>, %arg7: memref<784xf32, #tpu.memory_space<vmem>>) attributes {dimension_semantics = [#tpu.dimension_semantics<core_parallel>, #tpu.dimension_semantics<subcore_parallel>], iteration_bounds = array<i64: 2, 16>, scalar_prefetch = 0 : i64, scratch_operands = 4 : i64, tpu.core_type = #tpu.core_type<sc_vector_subcore>, window_params = [{transform_indices = #map}, {transform_indices = #map1}]} {
    %mul3A = arith.constant 2 : i32
    %mul3A_0 = arith.muli %arg1, %mul3A : i32
    %add3A = arith.addi %mul3A_0, %arg0 : i32
    %broadcast_in_dim3A = arith.constant 0.000000e+00 : f32
    %broadcast_in_dim3A_1 = vector.broadcast %broadcast_in_dim3A : f32 to vector<16xf32>
    %broadcast_in_dim3A_2 = arith.constant 1.000000e+00 : f32
    %broadcast_in_dim3A_3 = vector.broadcast %broadcast_in_dim3A_2 : f32 to vector<16xf32>
    %scan3A = arith.constant 0 : i32
    %scan3A_4 = arith.constant 0 : i32
    %scan3A_5 = arith.constant 40 : i32
    %scan3A_6 = arith.addi %scan3A_4, %scan3A_5 : i32
    %scan3A_7 = arith.constant 1 : i32
    %scan3A_8 = scf.for %scan3A_218 = %scan3A_4 to %scan3A_6 step %scan3A_7 iter_args(%scan3A_219 = %scan3A) -> (i32)  : i32 {
      %mul3A_220 = arith.constant 16 : i32
      %mul3A_221 = arith.muli %scan3A_218, %mul3A_220 : i32
      %swap3A_222 = arith.index_cast %mul3A_221 : i32 to index
      %swap3A_223 = tpu.vector_load %arg6[%swap3A_222] {strides = array<i32>} : memref<640xf32, #tpu.memory_space<vmem>>, vector<16xf32>,
      %swap3A_224 = vector.shape_cast %swap3A_223 : vector<16xf32> to vector<16xf32>
      %swap3A_225 = vector.shape_cast %broadcast_in_dim3A_1 : vector<16xf32> to vector<16xf32>
      tpu.vector_store %arg6[%swap3A_222], %swap3A_225 {strides = array<i32>} : memref<640xf32, #tpu.memory_space<vmem>>, vector<16xf32>,
      %scan3A_226 = arith.constant 0 : i32
      scf.yield %scan3A_226 : i32
    }
    %scan3A_9 = arith.constant 40 : i32
    %swap3A = arith.constant 0 : index
    %swap3A_10 = tpu.vector_load %arg7[%swap3A] {strides = array<i32>} : memref<784xf32, #tpu.memory_space<vmem>>, vector<16xf32>,
    %swap3A_11 = vector.shape_cast %swap3A_10 : vector<16xf32> to vector<16xf32>
    %swap3A_12 = vector.shape_cast %broadcast_in_dim3A_3 : vector<16xf32> to vector<16xf32>
    tpu.vector_store %arg7[%swap3A], %swap3A_12 {strides = array<i32>} : memref<784xf32, #tpu.memory_space<vmem>>, vector<16xf32>,
    %swap3A_13 = arith.constant 16 : index
    %swap3A_14 = tpu.vector_load %arg7[%swap3A_13] {strides = array<i32>} : memref<784xf32, #tpu.memory_space<vmem>>, vector<16xf32>,
    %swap3A_15 = vector.shape_cast %swap3A_14 : vector<16xf32> to vector<16xf32>
    %swap3A_16 = vector.shape_cast %broadcast_in_dim3A_3 : vector<16xf32> to vector<16xf32>
    tpu.vector_store %arg7[%swap3A_13], %swap3A_16 {strides = array<i32>} : memref<784xf32, #tpu.memory_space<vmem>>, vector<16xf32>,
    %swap3A_17 = arith.constant 32 : index
    %swap3A_18 = tpu.vector_load %arg7[%swap3A_17] {strides = array<i32>} : memref<784xf32, #tpu.memory_space<vmem>>, vector<16xf32>,
    %swap3A_19 = vector.shape_cast %swap3A_18 : vector<16xf32> to vector<16xf32>
    %swap3A_20 = vector.shape_cast %broadcast_in_dim3A_3 : vector<16xf32> to vector<16xf32>
    tpu.vector_store %arg7[%swap3A_17], %swap3A_20 {strides = array<i32>} : memref<784xf32, #tpu.memory_space<vmem>>, vector<16xf32>,
    %swap3A_21 = arith.constant 48 : index
    %swap3A_22 = tpu.vector_load %arg7[%swap3A_21] {strides = array<i32>} : memref<784xf32, #tpu.memory_space<vmem>>, vector<16xf32>,
    %swap3A_23 = vector.shape_cast %swap3A_22 : vector<16xf32> to vector<16xf32>
    %swap3A_24 = vector.shape_cast %broadcast_in_dim3A_3 : vector<16xf32> to vector<16xf32>
    tpu.vector_store %arg7[%swap3A_21], %swap3A_24 {strides = array<i32>} : memref<784xf32, #tpu.memory_space<vmem>>, vector<16xf32>,
    %swap3A_25 = arith.constant 64 : index
    %swap3A_26 = tpu.vector_load %arg7[%swap3A_25] {strides = array<i32>} : memref<784xf32, #tpu.memory_space<vmem>>, vector<16xf32>,
    %swap3A_27 = vector.shape_cast %swap3A_26 : vector<16xf32> to vector<16xf32>
    %swap3A_28 = vector.shape_cast %broadcast_in_dim3A_3 : vector<16xf32> to vector<16xf32>
    tpu.vector_store %arg7[%swap3A_25], %swap3A_28 {strides = array<i32>} : memref<784xf32, #tpu.memory_space<vmem>>, vector<16xf32>,
    %swap3A_29 = arith.constant 80 : index
    %swap3A_30 = tpu.vector_load %arg7[%swap3A_29] {strides = array<i32>} : memref<784xf32, #tpu.memory_space<vmem>>, vector<16xf32>,
    %swap3A_31 = vector.shape_cast %swap3A_30 : vector<16xf32> to vector<16xf32>
    %swap3A_32 = vector.shape_cast %broadcast_in_dim3A_3 : vector<16xf32> to vector<16xf32>
    tpu.vector_store %arg7[%swap3A_29], %swap3A_32 {strides = array<i32>} : memref<784xf32, #tpu.memory_space<vmem>>, vector<16xf32>,
    %swap3A_33 = arith.constant 96 : index
    %swap3A_34 = tpu.vector_load %arg7[%swap3A_33] {strides = array<i32>} : memref<784xf32, #tpu.memory_space<vmem>>, vector<16xf32>,
    %swap3A_35 = vector.shape_cast %swap3A_34 : vector<16xf32> to vector<16xf32>
    %swap3A_36 = vector.shape_cast %broadcast_in_dim3A_3 : vector<16xf32> to vector<16xf32>
    tpu.vector_store %arg7[%swap3A_33], %swap3A_36 {strides = array<i32>} : memref<784xf32, #tpu.memory_space<vmem>>, vector<16xf32>,
    %swap3A_37 = arith.constant 112 : index
    %swap3A_38 = tpu.vector_load %arg7[%swap3A_37] {strides = array<i32>} : memref<784xf32, #tpu.memory_space<vmem>>, vector<16xf32>,
    %swap3A_39 = vector.shape_cast %swap3A_38 : vector<16xf32> to vector<16xf32>
    %swap3A_40 = vector.shape_cast %broadcast_in_dim3A_3 : vector<16xf32> to vector<16xf32>
    tpu.vector_store %arg7[%swap3A_37], %swap3A_40 {strides = array<i32>} : memref<784xf32, #tpu.memory_space<vmem>>, vector<16xf32>,
    %swap3A_41 = arith.constant 128 : index
    %swap3A_42 = tpu.vector_load %arg7[%swap3A_41] {strides = array<i32>} : memref<784xf32, #tpu.memory_space<vmem>>, vector<16xf32>,
    %swap3A_43 = vector.shape_cast %swap3A_42 : vector<16xf32> to vector<16xf32>
    %swap3A_44 = vector.shape_cast %broadcast_in_dim3A_3 : vector<16xf32> to vector<16xf32>
    tpu.vector_store %arg7[%swap3A_41], %swap3A_44 {strides = array<i32>} : memref<784xf32, #tpu.memory_space<vmem>>, vector<16xf32>,
    %swap3A_45 = arith.constant 144 : index
    %swap3A_46 = tpu.vector_load %arg7[%swap3A_45] {strides = array<i32>} : memref<784xf32, #tpu.memory_space<vmem>>, vector<16xf32>,
    %swap3A_47 = vector.shape_cast %swap3A_46 : vector<16xf32> to vector<16xf32>
    %swap3A_48 = vector.shape_cast %broadcast_in_dim3A_3 : vector<16xf32> to vector<16xf32>
    tpu.vector_store %arg7[%swap3A_45], %swap3A_48 {strides = array<i32>} : memref<784xf32, #tpu.memory_space<vmem>>, vector<16xf32>,
    %swap3A_49 = arith.constant 160 : index
    %swap3A_50 = tpu.vector_load %arg7[%swap3A_49] {strides = array<i32>} : memref<784xf32, #tpu.memory_space<vmem>>, vector<16xf32>,
    %swap3A_51 = vector.shape_cast %swap3A_50 : vector<16xf32> to vector<16xf32>
    %swap3A_52 = vector.shape_cast %broadcast_in_dim3A_3 : vector<16xf32> to vector<16xf32>
    tpu.vector_store %arg7[%swap3A_49], %swap3A_52 {strides = array<i32>} : memref<784xf32, #tpu.memory_space<vmem>>, vector<16xf32>,
    %swap3A_53 = arith.constant 176 : index
    %swap3A_54 = tpu.vector_load %arg7[%swap3A_53] {strides = array<i32>} : memref<784xf32, #tpu.memory_space<vmem>>, vector<16xf32>,
    %swap3A_55 = vector.shape_cast %swap3A_54 : vector<16xf32> to vector<16xf32>
    %swap3A_56 = vector.shape_cast %broadcast_in_dim3A_3 : vector<16xf32> to vector<16xf32>
    tpu.vector_store %arg7[%swap3A_53], %swap3A_56 {strides = array<i32>} : memref<784xf32, #tpu.memory_space<vmem>>, vector<16xf32>,
    %swap3A_57 = arith.constant 192 : index
    %swap3A_58 = tpu.vector_load %arg7[%swap3A_57] {strides = array<i32>} : memref<784xf32, #tpu.memory_space<vmem>>, vector<16xf32>,
    %swap3A_59 = vector.shape_cast %swap3A_58 : vector<16xf32> to vector<16xf32>
    %swap3A_60 = vector.shape_cast %broadcast_in_dim3A_3 : vector<16xf32> to vector<16xf32>
    tpu.vector_store %arg7[%swap3A_57], %swap3A_60 {strides = array<i32>} : memref<784xf32, #tpu.memory_space<vmem>>, vector<16xf32>,
    %swap3A_61 = arith.constant 208 : index
    %swap3A_62 = tpu.vector_load %arg7[%swap3A_61] {strides = array<i32>} : memref<784xf32, #tpu.memory_space<vmem>>, vector<16xf32>,
    %swap3A_63 = vector.shape_cast %swap3A_62 : vector<16xf32> to vector<16xf32>
    %swap3A_64 = vector.shape_cast %broadcast_in_dim3A_3 : vector<16xf32> to vector<16xf32>
    tpu.vector_store %arg7[%swap3A_61], %swap3A_64 {strides = array<i32>} : memref<784xf32, #tpu.memory_space<vmem>>, vector<16xf32>,
    %swap3A_65 = arith.constant 224 : index
    %swap3A_66 = tpu.vector_load %arg7[%swap3A_65] {strides = array<i32>} : memref<784xf32, #tpu.memory_space<vmem>>, vector<16xf32>,
    %swap3A_67 = vector.shape_cast %swap3A_66 : vector<16xf32> to vector<16xf32>
    %swap3A_68 = vector.shape_cast %broadcast_in_dim3A_3 : vector<16xf32> to vector<16xf32>
    tpu.vector_store %arg7[%swap3A_65], %swap3A_68 {strides = array<i32>} : memref<784xf32, #tpu.memory_space<vmem>>, vector<16xf32>,
    %swap3A_69 = arith.constant 240 : index
    %swap3A_70 = tpu.vector_load %arg7[%swap3A_69] {strides = array<i32>} : memref<784xf32, #tpu.memory_space<vmem>>, vector<16xf32>,
    %swap3A_71 = vector.shape_cast %swap3A_70 : vector<16xf32> to vector<16xf32>
    %swap3A_72 = vector.shape_cast %broadcast_in_dim3A_3 : vector<16xf32> to vector<16xf32>
    tpu.vector_store %arg7[%swap3A_69], %swap3A_72 {strides = array<i32>} : memref<784xf32, #tpu.memory_space<vmem>>, vector<16xf32>,
    %swap3A_73 = arith.constant 256 : index
    %swap3A_74 = tpu.vector_load %arg7[%swap3A_73] {strides = array<i32>} : memref<784xf32, #tpu.memory_space<vmem>>, vector<16xf32>,
    %swap3A_75 = vector.shape_cast %swap3A_74 : vector<16xf32> to vector<16xf32>
    %swap3A_76 = vector.shape_cast %broadcast_in_dim3A_3 : vector<16xf32> to vector<16xf32>
    tpu.vector_store %arg7[%swap3A_73], %swap3A_76 {strides = array<i32>} : memref<784xf32, #tpu.memory_space<vmem>>, vector<16xf32>,
    %swap3A_77 = arith.constant 272 : index
    %swap3A_78 = tpu.vector_load %arg7[%swap3A_77] {strides = array<i32>} : memref<784xf32, #tpu.memory_space<vmem>>, vector<16xf32>,
    %swap3A_79 = vector.shape_cast %swap3A_78 : vector<16xf32> to vector<16xf32>
    %swap3A_80 = vector.shape_cast %broadcast_in_dim3A_3 : vector<16xf32> to vector<16xf32>
    tpu.vector_store %arg7[%swap3A_77], %swap3A_80 {strides = array<i32>} : memref<784xf32, #tpu.memory_space<vmem>>, vector<16xf32>,
    %swap3A_81 = arith.constant 288 : index
    %swap3A_82 = tpu.vector_load %arg7[%swap3A_81] {strides = array<i32>} : memref<784xf32, #tpu.memory_space<vmem>>, vector<16xf32>,
    %swap3A_83 = vector.shape_cast %swap3A_82 : vector<16xf32> to vector<16xf32>
    %swap3A_84 = vector.shape_cast %broadcast_in_dim3A_3 : vector<16xf32> to vector<16xf32>
    tpu.vector_store %arg7[%swap3A_81], %swap3A_84 {strides = array<i32>} : memref<784xf32, #tpu.memory_space<vmem>>, vector<16xf32>,
    %swap3A_85 = arith.constant 304 : index
    %swap3A_86 = tpu.vector_load %arg7[%swap3A_85] {strides = array<i32>} : memref<784xf32, #tpu.memory_space<vmem>>, vector<16xf32>,
    %swap3A_87 = vector.shape_cast %swap3A_86 : vector<16xf32> to vector<16xf32>
    %swap3A_88 = vector.shape_cast %broadcast_in_dim3A_3 : vector<16xf32> to vector<16xf32>
    tpu.vector_store %arg7[%swap3A_85], %swap3A_88 {strides = array<i32>} : memref<784xf32, #tpu.memory_space<vmem>>, vector<16xf32>,
    %swap3A_89 = arith.constant 320 : index
    %swap3A_90 = tpu.vector_load %arg7[%swap3A_89] {strides = array<i32>} : memref<784xf32, #tpu.memory_space<vmem>>, vector<16xf32>,
    %swap3A_91 = vector.shape_cast %swap3A_90 : vector<16xf32> to vector<16xf32>
    %swap3A_92 = vector.shape_cast %broadcast_in_dim3A_3 : vector<16xf32> to vector<16xf32>
    tpu.vector_store %arg7[%swap3A_89], %swap3A_92 {strides = array<i32>} : memref<784xf32, #tpu.memory_space<vmem>>, vector<16xf32>,
    %swap3A_93 = arith.constant 336 : index
    %swap3A_94 = tpu.vector_load %arg7[%swap3A_93] {strides = array<i32>} : memref<784xf32, #tpu.memory_space<vmem>>, vector<16xf32>,
    %swap3A_95 = vector.shape_cast %swap3A_94 : vector<16xf32> to vector<16xf32>
    %swap3A_96 = vector.shape_cast %broadcast_in_dim3A_3 : vector<16xf32> to vector<16xf32>
    tpu.vector_store %arg7[%swap3A_93], %swap3A_96 {strides = array<i32>} : memref<784xf32, #tpu.memory_space<vmem>>, vector<16xf32>,
    %swap3A_97 = arith.constant 352 : index
    %swap3A_98 = tpu.vector_load %arg7[%swap3A_97] {strides = array<i32>} : memref<784xf32, #tpu.memory_space<vmem>>, vector<16xf32>,
    %swap3A_99 = vector.shape_cast %swap3A_98 : vector<16xf32> to vector<16xf32>
    %swap3A_100 = vector.shape_cast %broadcast_in_dim3A_3 : vector<16xf32> to vector<16xf32>
    tpu.vector_store %arg7[%swap3A_97], %swap3A_100 {strides = array<i32>} : memref<784xf32, #tpu.memory_space<vmem>>, vector<16xf32>,
    %swap3A_101 = arith.constant 368 : index
    %swap3A_102 = tpu.vector_load %arg7[%swap3A_101] {strides = array<i32>} : memref<784xf32, #tpu.memory_space<vmem>>, vector<16xf32>,
    %swap3A_103 = vector.shape_cast %swap3A_102 : vector<16xf32> to vector<16xf32>
    %swap3A_104 = vector.shape_cast %broadcast_in_dim3A_3 : vector<16xf32> to vector<16xf32>
    tpu.vector_store %arg7[%swap3A_101], %swap3A_104 {strides = array<i32>} : memref<784xf32, #tpu.memory_space<vmem>>, vector<16xf32>,
    %swap3A_105 = arith.constant 384 : index
    %swap3A_106 = tpu.vector_load %arg7[%swap3A_105] {strides = array<i32>} : memref<784xf32, #tpu.memory_space<vmem>>, vector<16xf32>,
    %swap3A_107 = vector.shape_cast %swap3A_106 : vector<16xf32> to vector<16xf32>
    %swap3A_108 = vector.shape_cast %broadcast_in_dim3A_3 : vector<16xf32> to vector<16xf32>
    tpu.vector_store %arg7[%swap3A_105], %swap3A_108 {strides = array<i32>} : memref<784xf32, #tpu.memory_space<vmem>>, vector<16xf32>,
    %swap3A_109 = arith.constant 400 : index
    %swap3A_110 = tpu.vector_load %arg7[%swap3A_109] {strides = array<i32>} : memref<784xf32, #tpu.memory_space<vmem>>, vector<16xf32>,
    %swap3A_111 = vector.shape_cast %swap3A_110 : vector<16xf32> to vector<16xf32>
    %swap3A_112 = vector.shape_cast %broadcast_in_dim3A_3 : vector<16xf32> to vector<16xf32>
    tpu.vector_store %arg7[%swap3A_109], %swap3A_112 {strides = array<i32>} : memref<784xf32, #tpu.memory_space<vmem>>, vector<16xf32>,
    %swap3A_113 = arith.constant 416 : index
    %swap3A_114 = tpu.vector_load %arg7[%swap3A_113] {strides = array<i32>} : memref<784xf32, #tpu.memory_space<vmem>>, vector<16xf32>,
    %swap3A_115 = vector.shape_cast %swap3A_114 : vector<16xf32> to vector<16xf32>
    %swap3A_116 = vector.shape_cast %broadcast_in_dim3A_3 : vector<16xf32> to vector<16xf32>
    tpu.vector_store %arg7[%swap3A_113], %swap3A_116 {strides = array<i32>} : memref<784xf32, #tpu.memory_space<vmem>>, vector<16xf32>,
    %swap3A_117 = arith.constant 432 : index
    %swap3A_118 = tpu.vector_load %arg7[%swap3A_117] {strides = array<i32>} : memref<784xf32, #tpu.memory_space<vmem>>, vector<16xf32>,
    %swap3A_119 = vector.shape_cast %swap3A_118 : vector<16xf32> to vector<16xf32>
    %swap3A_120 = vector.shape_cast %broadcast_in_dim3A_3 : vector<16xf32> to vector<16xf32>
    tpu.vector_store %arg7[%swap3A_117], %swap3A_120 {strides = array<i32>} : memref<784xf32, #tpu.memory_space<vmem>>, vector<16xf32>,
    %swap3A_121 = arith.constant 448 : index
    %swap3A_122 = tpu.vector_load %arg7[%swap3A_121] {strides = array<i32>} : memref<784xf32, #tpu.memory_space<vmem>>, vector<16xf32>,
    %swap3A_123 = vector.shape_cast %swap3A_122 : vector<16xf32> to vector<16xf32>
    %swap3A_124 = vector.shape_cast %broadcast_in_dim3A_3 : vector<16xf32> to vector<16xf32>
    tpu.vector_store %arg7[%swap3A_121], %swap3A_124 {strides = array<i32>} : memref<784xf32, #tpu.memory_space<vmem>>, vector<16xf32>,
    %swap3A_125 = arith.constant 464 : index
    %swap3A_126 = tpu.vector_load %arg7[%swap3A_125] {strides = array<i32>} : memref<784xf32, #tpu.memory_space<vmem>>, vector<16xf32>,
    %swap3A_127 = vector.shape_cast %swap3A_126 : vector<16xf32> to vector<16xf32>
    %swap3A_128 = vector.shape_cast %broadcast_in_dim3A_3 : vector<16xf32> to vector<16xf32>
    tpu.vector_store %arg7[%swap3A_125], %swap3A_128 {strides = array<i32>} : memref<784xf32, #tpu.memory_space<vmem>>, vector<16xf32>,
    %swap3A_129 = arith.constant 480 : index
    %swap3A_130 = tpu.vector_load %arg7[%swap3A_129] {strides = array<i32>} : memref<784xf32, #tpu.memory_space<vmem>>, vector<16xf32>,
    %swap3A_131 = vector.shape_cast %swap3A_130 : vector<16xf32> to vector<16xf32>
    %swap3A_132 = vector.shape_cast %broadcast_in_dim3A_3 : vector<16xf32> to vector<16xf32>
    tpu.vector_store %arg7[%swap3A_129], %swap3A_132 {strides = array<i32>} : memref<784xf32, #tpu.memory_space<vmem>>, vector<16xf32>,
    %swap3A_133 = arith.constant 496 : index
    %swap3A_134 = tpu.vector_load %arg7[%swap3A_133] {strides = array<i32>} : memref<784xf32, #tpu.memory_space<vmem>>, vector<16xf32>,
    %swap3A_135 = vector.shape_cast %swap3A_134 : vector<16xf32> to vector<16xf32>
    %swap3A_136 = vector.shape_cast %broadcast_in_dim3A_3 : vector<16xf32> to vector<16xf32>
    tpu.vector_store %arg7[%swap3A_133], %swap3A_136 {strides = array<i32>} : memref<784xf32, #tpu.memory_space<vmem>>, vector<16xf32>,
    %swap3A_137 = arith.constant 512 : index
    %swap3A_138 = tpu.vector_load %arg7[%swap3A_137] {strides = array<i32>} : memref<784xf32, #tpu.memory_space<vmem>>, vector<16xf32>,
    %swap3A_139 = vector.shape_cast %swap3A_138 : vector<16xf32> to vector<16xf32>
    %swap3A_140 = vector.shape_cast %broadcast_in_dim3A_3 : vector<16xf32> to vector<16xf32>
    tpu.vector_store %arg7[%swap3A_137], %swap3A_140 {strides = array<i32>} : memref<784xf32, #tpu.memory_space<vmem>>, vector<16xf32>,
    %swap3A_141 = arith.constant 528 : index
    %swap3A_142 = tpu.vector_load %arg7[%swap3A_141] {strides = array<i32>} : memref<784xf32, #tpu.memory_space<vmem>>, vector<16xf32>,
    %swap3A_143 = vector.shape_cast %swap3A_142 : vector<16xf32> to vector<16xf32>
    %swap3A_144 = vector.shape_cast %broadcast_in_dim3A_3 : vector<16xf32> to vector<16xf32>
    tpu.vector_store %arg7[%swap3A_141], %swap3A_144 {strides = array<i32>} : memref<784xf32, #tpu.memory_space<vmem>>, vector<16xf32>,
    %swap3A_145 = arith.constant 544 : index
    %swap3A_146 = tpu.vector_load %arg7[%swap3A_145] {strides = array<i32>} : memref<784xf32, #tpu.memory_space<vmem>>, vector<16xf32>,
    %swap3A_147 = vector.shape_cast %swap3A_146 : vector<16xf32> to vector<16xf32>
    %swap3A_148 = vector.shape_cast %broadcast_in_dim3A_3 : vector<16xf32> to vector<16xf32>
    tpu.vector_store %arg7[%swap3A_145], %swap3A_148 {strides = array<i32>} : memref<784xf32, #tpu.memory_space<vmem>>, vector<16xf32>,
    %swap3A_149 = arith.constant 560 : index
    %swap3A_150 = tpu.vector_load %arg7[%swap3A_149] {strides = array<i32>} : memref<784xf32, #tpu.memory_space<vmem>>, vector<16xf32>,
    %swap3A_151 = vector.shape_cast %swap3A_150 : vector<16xf32> to vector<16xf32>
    %swap3A_152 = vector.shape_cast %broadcast_in_dim3A_3 : vector<16xf32> to vector<16xf32>
    tpu.vector_store %arg7[%swap3A_149], %swap3A_152 {strides = array<i32>} : memref<784xf32, #tpu.memory_space<vmem>>, vector<16xf32>,
    %swap3A_153 = arith.constant 576 : index
    %swap3A_154 = tpu.vector_load %arg7[%swap3A_153] {strides = array<i32>} : memref<784xf32, #tpu.memory_space<vmem>>, vector<16xf32>,
    %swap3A_155 = vector.shape_cast %swap3A_154 : vector<16xf32> to vector<16xf32>
    %swap3A_156 = vector.shape_cast %broadcast_in_dim3A_3 : vector<16xf32> to vector<16xf32>
    tpu.vector_store %arg7[%swap3A_153], %swap3A_156 {strides = array<i32>} : memref<784xf32, #tpu.memory_space<vmem>>, vector<16xf32>,
    %swap3A_157 = arith.constant 592 : index
    %swap3A_158 = tpu.vector_load %arg7[%swap3A_157] {strides = array<i32>} : memref<784xf32, #tpu.memory_space<vmem>>, vector<16xf32>,
    %swap3A_159 = vector.shape_cast %swap3A_158 : vector<16xf32> to vector<16xf32>
    %swap3A_160 = vector.shape_cast %broadcast_in_dim3A_3 : vector<16xf32> to vector<16xf32>
    tpu.vector_store %arg7[%swap3A_157], %swap3A_160 {strides = array<i32>} : memref<784xf32, #tpu.memory_space<vmem>>, vector<16xf32>,
    %swap3A_161 = arith.constant 608 : index
    %swap3A_162 = tpu.vector_load %arg7[%swap3A_161] {strides = array<i32>} : memref<784xf32, #tpu.memory_space<vmem>>, vector<16xf32>,
    %swap3A_163 = vector.shape_cast %swap3A_162 : vector<16xf32> to vector<16xf32>
    %swap3A_164 = vector.shape_cast %broadcast_in_dim3A_3 : vector<16xf32> to vector<16xf32>
    tpu.vector_store %arg7[%swap3A_161], %swap3A_164 {strides = array<i32>} : memref<784xf32, #tpu.memory_space<vmem>>, vector<16xf32>,
    %swap3A_165 = arith.constant 624 : index
    %swap3A_166 = tpu.vector_load %arg7[%swap3A_165] {strides = array<i32>} : memref<784xf32, #tpu.memory_space<vmem>>, vector<16xf32>,
    %swap3A_167 = vector.shape_cast %swap3A_166 : vector<16xf32> to vector<16xf32>
    %swap3A_168 = vector.shape_cast %broadcast_in_dim3A_3 : vector<16xf32> to vector<16xf32>
    tpu.vector_store %arg7[%swap3A_165], %swap3A_168 {strides = array<i32>} : memref<784xf32, #tpu.memory_space<vmem>>, vector<16xf32>,
    %swap3A_169 = arith.constant 640 : index
    %swap3A_170 = tpu.vector_load %arg7[%swap3A_169] {strides = array<i32>} : memref<784xf32, #tpu.memory_space<vmem>>, vector<16xf32>,
    %swap3A_171 = vector.shape_cast %swap3A_170 : vector<16xf32> to vector<16xf32>
    %swap3A_172 = vector.shape_cast %broadcast_in_dim3A_3 : vector<16xf32> to vector<16xf32>
    tpu.vector_store %arg7[%swap3A_169], %swap3A_172 {strides = array<i32>} : memref<784xf32, #tpu.memory_space<vmem>>, vector<16xf32>,
    %swap3A_173 = arith.constant 656 : index
    %swap3A_174 = tpu.vector_load %arg7[%swap3A_173] {strides = array<i32>} : memref<784xf32, #tpu.memory_space<vmem>>, vector<16xf32>,
    %swap3A_175 = vector.shape_cast %swap3A_174 : vector<16xf32> to vector<16xf32>
    %swap3A_176 = vector.shape_cast %broadcast_in_dim3A_3 : vector<16xf32> to vector<16xf32>
    tpu.vector_store %arg7[%swap3A_173], %swap3A_176 {strides = array<i32>} : memref<784xf32, #tpu.memory_space<vmem>>, vector<16xf32>,
    %swap3A_177 = arith.constant 672 : index
    %swap3A_178 = tpu.vector_load %arg7[%swap3A_177] {strides = array<i32>} : memref<784xf32, #tpu.memory_space<vmem>>, vector<16xf32>,
    %swap3A_179 = vector.shape_cast %swap3A_178 : vector<16xf32> to vector<16xf32>
    %swap3A_180 = vector.shape_cast %broadcast_in_dim3A_3 : vector<16xf32> to vector<16xf32>
    tpu.vector_store %arg7[%swap3A_177], %swap3A_180 {strides = array<i32>} : memref<784xf32, #tpu.memory_space<vmem>>, vector<16xf32>,
    %swap3A_181 = arith.constant 688 : index
    %swap3A_182 = tpu.vector_load %arg7[%swap3A_181] {strides = array<i32>} : memref<784xf32, #tpu.memory_space<vmem>>, vector<16xf32>,
    %swap3A_183 = vector.shape_cast %swap3A_182 : vector<16xf32> to vector<16xf32>
    %swap3A_184 = vector.shape_cast %broadcast_in_dim3A_3 : vector<16xf32> to vector<16xf32>
    tpu.vector_store %arg7[%swap3A_181], %swap3A_184 {strides = array<i32>} : memref<784xf32, #tpu.memory_space<vmem>>, vector<16xf32>,
    %swap3A_185 = arith.constant 704 : index
    %swap3A_186 = tpu.vector_load %arg7[%swap3A_185] {strides = array<i32>} : memref<784xf32, #tpu.memory_space<vmem>>, vector<16xf32>,
    %swap3A_187 = vector.shape_cast %swap3A_186 : vector<16xf32> to vector<16xf32>
    %swap3A_188 = vector.shape_cast %broadcast_in_dim3A_3 : vector<16xf32> to vector<16xf32>
    tpu.vector_store %arg7[%swap3A_185], %swap3A_188 {strides = array<i32>} : memref<784xf32, #tpu.memory_space<vmem>>, vector<16xf32>,
    %swap3A_189 = arith.constant 720 : index
    %swap3A_190 = tpu.vector_load %arg7[%swap3A_189] {strides = array<i32>} : memref<784xf32, #tpu.memory_space<vmem>>, vector<16xf32>,
    %swap3A_191 = vector.shape_cast %swap3A_190 : vector<16xf32> to vector<16xf32>
    %swap3A_192 = vector.shape_cast %broadcast_in_dim3A_3 : vector<16xf32> to vector<16xf32>
    tpu.vector_store %arg7[%swap3A_189], %swap3A_192 {strides = array<i32>} : memref<784xf32, #tpu.memory_space<vmem>>, vector<16xf32>,
    %swap3A_193 = arith.constant 736 : index
    %swap3A_194 = tpu.vector_load %arg7[%swap3A_193] {strides = array<i32>} : memref<784xf32, #tpu.memory_space<vmem>>, vector<16xf32>,
    %swap3A_195 = vector.shape_cast %swap3A_194 : vector<16xf32> to vector<16xf32>
    %swap3A_196 = vector.shape_cast %broadcast_in_dim3A_3 : vector<16xf32> to vector<16xf32>
    tpu.vector_store %arg7[%swap3A_193], %swap3A_196 {strides = array<i32>} : memref<784xf32, #tpu.memory_space<vmem>>, vector<16xf32>,
    %swap3A_197 = arith.constant 752 : index
    %swap3A_198 = tpu.vector_load %arg7[%swap3A_197] {strides = array<i32>} : memref<784xf32, #tpu.memory_space<vmem>>, vector<16xf32>,
    %swap3A_199 = vector.shape_cast %swap3A_198 : vector<16xf32> to vector<16xf32>
    %swap3A_200 = vector.shape_cast %broadcast_in_dim3A_3 : vector<16xf32> to vector<16xf32>
    tpu.vector_store %arg7[%swap3A_197], %swap3A_200 {strides = array<i32>} : memref<784xf32, #tpu.memory_space<vmem>>, vector<16xf32>,
    %swap3A_201 = arith.constant 768 : index
    %swap3A_202 = tpu.vector_load %arg7[%swap3A_201] {strides = array<i32>} : memref<784xf32, #tpu.memory_space<vmem>>, vector<16xf32>,
    %swap3A_203 = vector.shape_cast %swap3A_202 : vector<16xf32> to vector<16xf32>
    %swap3A_204 = vector.shape_cast %broadcast_in_dim3A_3 : vector<16xf32> to vector<16xf32>
    tpu.vector_store %arg7[%swap3A_201], %swap3A_204 {strides = array<i32>} : memref<784xf32, #tpu.memory_space<vmem>>, vector<16xf32>,
    %mul3A_205 = arith.constant 640 : i32
    %mul3A_206 = arith.muli %arg1, %mul3A_205 : i32
    "tpu.region"() ({
      %run_scoped3A_218 = tpu.sem_alloc : memref<!tpu.dma_semaphore, #tpu.memory_space<semaphore_mem>>
      %dma_start3A = tpu.memref_slice %arg4[%mul3A_206] : memref<10240xf32, #tpu.memory_space<vmem_shared>> -> memref<640xf32, #tpu.memory_space<vmem_shared>>
      %dma_start3A_219 = tpu.memref_slice %arg4[%mul3A_206] : memref<10240xf32, #tpu.memory_space<vmem_shared>> -> memref<640xf32, #tpu.memory_space<vmem_shared>>
      tpu.enqueue_dma source(%arg6 : memref<640xf32, #tpu.memory_space<vmem>>) target(%dma_start3A_219 : memref<640xf32, #tpu.memory_space<vmem_shared>>) target_semaphore(%run_scoped3A_218 : memref<!tpu.dma_semaphore, #tpu.memory_space<semaphore_mem>>)
      %dma_wait3A = tpu.memref_slice %arg4[%mul3A_206] : memref<10240xf32, #tpu.memory_space<vmem_shared>> -> memref<640xf32, #tpu.memory_space<vmem_shared>>
      %dma_wait3A_220 = tpu.memref_slice %arg4[%mul3A_206] : memref<10240xf32, #tpu.memory_space<vmem_shared>> -> memref<640xf32, #tpu.memory_space<vmem_shared>>
      tpu.wait_dma2 semaphore(%run_scoped3A_218 : memref<!tpu.dma_semaphore, #tpu.memory_space<semaphore_mem>>) src(%arg6 : memref<640xf32, #tpu.memory_space<vmem>>) dst(%dma_wait3A_220 : memref<640xf32, #tpu.memory_space<vmem_shared>>)
      tpu.yield
    }) : () -> ()
    %run_scoped3A = arith.constant 1 : i32
    "tpu.region"() ({
      %run_scoped3A_218 = tpu.sem_alloc : memref<!tpu.dma_semaphore, #tpu.memory_space<semaphore_mem>>
      %dma_start3A = arith.constant 0 : i32
      %dma_start3A_219 = arith.constant 0 : i32
      %dma_start3A_220 = tpu.memref_slice %arg2[%run_scoped3A, %add3A, %dma_start3A, %dma_start3A_219] : memref<2x32x13x784xi32, #tpu.memory_space<hbm>> -> memref<1x1x13x784xi32, #tpu.memory_space<hbm>>
      %dma_start3A_221 = tpu.memref_squeeze %dma_start3A_220 : memref<1x1x13x784xi32, #tpu.memory_space<hbm>> -> memref<13x784xi32, #tpu.memory_space<hbm>>
      %dma_start3A_222 = arith.constant 0 : i32
      %dma_start3A_223 = arith.constant 0 : i32
      %dma_start3A_224 = tpu.memref_slice %arg2[%run_scoped3A, %add3A, %dma_start3A_222, %dma_start3A_223] : memref<2x32x13x784xi32, #tpu.memory_space<hbm>> -> memref<1x1x13x784xi32, #tpu.memory_space<hbm>>
      %dma_start3A_225 = tpu.memref_squeeze %dma_start3A_224 : memref<1x1x13x784xi32, #tpu.memory_space<hbm>> -> memref<13x784xi32, #tpu.memory_space<hbm>>
      tpu.enqueue_dma source(%dma_start3A_225 : memref<13x784xi32, #tpu.memory_space<hbm>>) target(%arg5 : memref<13x784xi32, #tpu.memory_space<vmem>>) target_semaphore(%run_scoped3A_218 : memref<!tpu.dma_semaphore, #tpu.memory_space<semaphore_mem>>)
      %dma_wait3A = arith.constant 0 : i32
      %dma_wait3A_226 = arith.constant 0 : i32
      %dma_wait3A_227 = tpu.memref_slice %arg2[%run_scoped3A, %add3A, %dma_wait3A, %dma_wait3A_226] : memref<2x32x13x784xi32, #tpu.memory_space<hbm>> -> memref<1x1x13x784xi32, #tpu.memory_space<hbm>>
      %dma_wait3A_228 = tpu.memref_squeeze %dma_wait3A_227 : memref<1x1x13x784xi32, #tpu.memory_space<hbm>> -> memref<13x784xi32, #tpu.memory_space<hbm>>
      %dma_wait3A_229 = arith.constant 0 : i32
      %dma_wait3A_230 = arith.constant 0 : i32
      %dma_wait3A_231 = tpu.memref_slice %arg2[%run_scoped3A, %add3A, %dma_wait3A_229, %dma_wait3A_230] : memref<2x32x13x784xi32, #tpu.memory_space<hbm>> -> memref<1x1x13x784xi32, #tpu.memory_space<hbm>>
      %dma_wait3A_232 = tpu.memref_squeeze %dma_wait3A_231 : memref<1x1x13x784xi32, #tpu.memory_space<hbm>> -> memref<13x784xi32, #tpu.memory_space<hbm>>
      tpu.wait_dma2 semaphore(%run_scoped3A_218 : memref<!tpu.dma_semaphore, #tpu.memory_space<semaphore_mem>>) src(%dma_wait3A_232 : memref<13x784xi32, #tpu.memory_space<hbm>>) dst(%arg5 : memref<13x784xi32, #tpu.memory_space<vmem>>)
      tpu.yield
    }) : () -> ()
    %barrier3A = arith.constant 0 : index
    tpu.barrier barrier_id(%barrier3A)
    %scan3A_207 = arith.constant 0 : i32
    %scan3A_208 = arith.constant 0 : i32
    %scan3A_209 = arith.constant 13 : i32
    %scan3A_210 = arith.addi %scan3A_208, %scan3A_209 : i32
    %scan3A_211 = arith.constant 1 : i32
    %scan3A_212 = scf.for %scan3A_218 = %scan3A_208 to %scan3A_210 step %scan3A_211 iter_args(%scan3A_219 = %scan3A_207) -> (i32)  : i32 {
      "tpu.region"() ({
        %run_scoped3A_221 = tpu.sem_alloc : memref<!tpu.dma_semaphore, #tpu.memory_space<semaphore_mem>>
        %dma_start3A = arith.constant 0 : i32
        %dma_start3A_222 = tpu.memref_slice %arg5[%scan3A_218, %dma_start3A] : memref<13x784xi32, #tpu.memory_space<vmem>> -> memref<1x784xi32, #tpu.memory_space<vmem>>
        %dma_start3A_223 = tpu.memref_squeeze %dma_start3A_222 : memref<1x784xi32, #tpu.memory_space<vmem>> -> memref<784xi32, #tpu.memory_space<vmem>>
        %dma_start3A_224 = arith.constant 0 : i32
        %dma_start3A_225 = tpu.memref_slice %arg4[%dma_start3A_224] : memref<10240xf32, #tpu.memory_space<vmem_shared>> -> memref<10240xf32, #tpu.memory_space<vmem_shared>>
        tpu.enqueue_indirect_dma source(%arg7 : memref<784xf32, #tpu.memory_space<vmem>>) target(%dma_start3A_225 : memref<10240xf32, #tpu.memory_space<vmem_shared>>) offsets(%dma_start3A_223 : memref<784xi32, #tpu.memory_space<vmem>>) semaphore(%run_scoped3A_221 : memref<!tpu.dma_semaphore, #tpu.memory_space<semaphore_mem>>) {add = true}
        %dma_wait3A = arith.constant 0 : i32
        %dma_wait3A_226 = tpu.memref_slice %arg5[%scan3A_218, %dma_wait3A] : memref<13x784xi32, #tpu.memory_space<vmem>> -> memref<1x784xi32, #tpu.memory_space<vmem>>
        %dma_wait3A_227 = tpu.memref_squeeze %dma_wait3A_226 : memref<1x784xi32, #tpu.memory_space<vmem>> -> memref<784xi32, #tpu.memory_space<vmem>>
        %dma_wait3A_228 = arith.constant 0 : i32
        %dma_wait3A_229 = tpu.memref_slice %arg4[%dma_wait3A_228] : memref<10240xf32, #tpu.memory_space<vmem_shared>> -> memref<10240xf32, #tpu.memory_space<vmem_shared>>
        tpu.wait_indirect_dma semaphore(%run_scoped3A_221 : memref<!tpu.dma_semaphore, #tpu.memory_space<semaphore_mem>>) src(%arg7 : memref<784xf32, #tpu.memory_space<vmem>>) dst(%dma_wait3A_229 : memref<10240xf32, #tpu.memory_space<vmem_shared>>)
        tpu.yield
      }) : () -> ()
      %scan3A_220 = arith.constant 0 : i32
      scf.yield %scan3A_220 : i32
    }
    %scan3A_213 = arith.constant 13 : i32
    %barrier3A_214 = arith.constant 0 : index
    tpu.barrier barrier_id(%barrier3A_214)
    %mul3A_215 = arith.constant 10240 : i32
    %mul3A_216 = arith.muli %arg0, %mul3A_215 : i32
    %add3A_217 = arith.addi %mul3A_216, %mul3A_206 : i32
    "tpu.region"() ({
      %run_scoped3A_218 = tpu.sem_alloc : memref<!tpu.dma_semaphore, #tpu.memory_space<semaphore_mem>>
      %dma_start3A = tpu.memref_slice %arg3[%add3A_217] : memref<20480xf32, #tpu.memory_space<hbm>> -> memref<640xf32, #tpu.memory_space<hbm>>
      %dma_start3A_219 = tpu.memref_slice %arg4[%mul3A_206] : memref<10240xf32, #tpu.memory_space<vmem_shared>> -> memref<640xf32, #tpu.memory_space<vmem_shared>>
      tpu.enqueue_dma source(%dma_start3A_219 : memref<640xf32, #tpu.memory_space<vmem_shared>>) target(%dma_start3A : memref<640xf32, #tpu.memory_space<hbm>>) target_semaphore(%run_scoped3A_218 : memref<!tpu.dma_semaphore, #tpu.memory_space<semaphore_mem>>)
      %dma_wait3A = tpu.memref_slice %arg3[%add3A_217] : memref<20480xf32, #tpu.memory_space<hbm>> -> memref<640xf32, #tpu.memory_space<hbm>>
      %dma_wait3A_220 = tpu.memref_slice %arg4[%mul3A_206] : memref<10240xf32, #tpu.memory_space<vmem_shared>> -> memref<640xf32, #tpu.memory_space<vmem_shared>>
      tpu.wait_dma2 semaphore(%run_scoped3A_218 : memref<!tpu.dma_semaphore, #tpu.memory_space<semaphore_mem>>) src(%dma_wait3A_220 : memref<640xf32, #tpu.memory_space<vmem_shared>>) dst(%dma_wait3A : memref<640xf32, #tpu.memory_space<hbm>>)
      tpu.yield
    }) : () -> ()
    return
  }
}

#map = affine_map<(d0, d1) -> (0, 0)>
#map1 = affine_map<(d0, d1) -> (0, 0, 0, 0)>
#map2 = affine_map<(d0, d1) -> (0, 0, 0)>
module attributes {stable_mosaic.version = 14 : i64} {
  func.func @seg_kernel(%arg0: i32, %arg1: i32, %arg2: memref<10240x16xf32, #tpu.memory_space<hbm>>, %arg3: memref<2x32x13x784xi32, #tpu.memory_space<hbm>>, %arg4: memref<2x10240x16xf32, #tpu.memory_space<hbm>>, %arg5: memref<10240x16xf32, #tpu.memory_space<vmem_shared>>, %arg6: memref<13x784xi32, #tpu.memory_space<vmem>>, %arg7: memref<13x784xi32, #tpu.memory_space<vmem>>, %arg8: memref<2x784x16xf32, #tpu.memory_space<vmem>>, %arg9: memref<!tpu.dma_semaphore, #tpu.memory_space<semaphore_mem>>, %arg10: memref<!tpu.dma_semaphore, #tpu.memory_space<semaphore_mem>>, %arg11: memref<!tpu.dma_semaphore, #tpu.memory_space<semaphore_mem>>, %arg12: memref<!tpu.dma_semaphore, #tpu.memory_space<semaphore_mem>>) attributes {dimension_semantics = [#tpu.dimension_semantics<core_parallel>, #tpu.dimension_semantics<subcore_parallel>], iteration_bounds = array<i64: 2, 16>, scalar_prefetch = 0 : i64, scratch_operands = 8 : i64, tpu.core_type = #tpu.core_type<sc_vector_subcore>, window_params = [{transform_indices = #map}, {transform_indices = #map1}, {transform_indices = #map2}]} {
    %mul3A = arith.constant 2 : i32
    %mul3A_0 = arith.muli %arg1, %mul3A : i32
    %add3A = arith.addi %mul3A_0, %arg0 : i32
    %broadcast_in_dim3A = arith.constant 0.000000e+00 : f32
    %broadcast_in_dim3A_1 = vector.broadcast %broadcast_in_dim3A : f32 to vector<16xf32>
    %scan3A = arith.constant 0 : i32
    %scan3A_2 = arith.constant 0 : i32
    %scan3A_3 = arith.constant 784 : i32
    %scan3A_4 = arith.addi %scan3A_2, %scan3A_3 : i32
    %scan3A_5 = arith.constant 1 : i32
    %scan3A_6 = scf.for %scan3A_60 = %scan3A_2 to %scan3A_4 step %scan3A_5 iter_args(%scan3A_61 = %scan3A) -> (i32)  : i32 {
      %swap3A = arith.constant 0 : i32
      %swap3A_62 = arith.index_cast %swap3A : i32 to index
      %swap3A_63 = arith.index_cast %scan3A_60 : i32 to index
      %swap3A_64 = arith.constant 0 : index
      %swap3A_65 = tpu.vector_load %arg8[%swap3A_62, %swap3A_63, %swap3A_64] {strides = array<i32>} : memref<2x784x16xf32, #tpu.memory_space<vmem>>, vector<1x1x16xf32>,
      %swap3A_66 = vector.shape_cast %swap3A_65 : vector<1x1x16xf32> to vector<16xf32>
      %swap3A_67 = vector.shape_cast %broadcast_in_dim3A_1 : vector<16xf32> to vector<1x1x16xf32>
      tpu.vector_store %arg8[%swap3A_62, %swap3A_63, %swap3A_64], %swap3A_67 {strides = array<i32>} : memref<2x784x16xf32, #tpu.memory_space<vmem>>, vector<1x1x16xf32>,
      %scan3A_68 = arith.constant 0 : i32
      scf.yield %scan3A_68 : i32
    }
    %scan3A_7 = arith.constant 784 : i32
    %mul3A_8 = arith.constant 640 : i32
    %mul3A_9 = arith.muli %arg1, %mul3A_8 : i32
    %add3A_10 = arith.constant 0 : i32
    %add3A_11 = arith.addi %mul3A_9, %add3A_10 : i32
    %run_scoped3A = arith.constant 0 : i32
    "tpu.region"() ({
      %run_scoped3A_60 = tpu.sem_alloc : memref<!tpu.dma_semaphore, #tpu.memory_space<semaphore_mem>>
      %dma_start3A_61 = arith.constant 0 : i32
      %dma_start3A_62 = arith.constant 0 : i32
      %dma_start3A_63 = tpu.memref_slice %arg8[%run_scoped3A, %dma_start3A_61, %dma_start3A_62] : memref<2x784x16xf32, #tpu.memory_space<vmem>> -> memref<1x640x16xf32, #tpu.memory_space<vmem>>
      %dma_start3A_64 = tpu.memref_squeeze %dma_start3A_63 : memref<1x640x16xf32, #tpu.memory_space<vmem>> -> memref<640x16xf32, #tpu.memory_space<vmem>>
      %dma_start3A_65 = arith.constant 0 : i32
      %dma_start3A_66 = tpu.memref_slice %arg5[%add3A_11, %dma_start3A_65] : memref<10240x16xf32, #tpu.memory_space<vmem_shared>> -> memref<640x16xf32, #tpu.memory_space<vmem_shared>>
      %dma_start3A_67 = arith.constant 0 : i32
      %dma_start3A_68 = tpu.memref_slice %arg5[%add3A_11, %dma_start3A_67] : memref<10240x16xf32, #tpu.memory_space<vmem_shared>> -> memref<640x16xf32, #tpu.memory_space<vmem_shared>>
      %dma_start3A_69 = arith.constant 0 : i32
      %dma_start3A_70 = arith.constant 0 : i32
      %dma_start3A_71 = tpu.memref_slice %arg8[%run_scoped3A, %dma_start3A_69, %dma_start3A_70] : memref<2x784x16xf32, #tpu.memory_space<vmem>> -> memref<1x640x16xf32, #tpu.memory_space<vmem>>
      %dma_start3A_72 = tpu.memref_squeeze %dma_start3A_71 : memref<1x640x16xf32, #tpu.memory_space<vmem>> -> memref<640x16xf32, #tpu.memory_space<vmem>>
      tpu.enqueue_dma source(%dma_start3A_72 : memref<640x16xf32, #tpu.memory_space<vmem>>) target(%dma_start3A_68 : memref<640x16xf32, #tpu.memory_space<vmem_shared>>) target_semaphore(%run_scoped3A_60 : memref<!tpu.dma_semaphore, #tpu.memory_space<semaphore_mem>>)
      %dma_wait3A_73 = arith.constant 0 : i32
      %dma_wait3A_74 = arith.constant 0 : i32
      %dma_wait3A_75 = tpu.memref_slice %arg8[%run_scoped3A, %dma_wait3A_73, %dma_wait3A_74] : memref<2x784x16xf32, #tpu.memory_space<vmem>> -> memref<1x640x16xf32, #tpu.memory_space<vmem>>
      %dma_wait3A_76 = tpu.memref_squeeze %dma_wait3A_75 : memref<1x640x16xf32, #tpu.memory_space<vmem>> -> memref<640x16xf32, #tpu.memory_space<vmem>>
      %dma_wait3A_77 = arith.constant 0 : i32
      %dma_wait3A_78 = tpu.memref_slice %arg5[%add3A_11, %dma_wait3A_77] : memref<10240x16xf32, #tpu.memory_space<vmem_shared>> -> memref<640x16xf32, #tpu.memory_space<vmem_shared>>
      %dma_wait3A_79 = arith.constant 0 : i32
      %dma_wait3A_80 = tpu.memref_slice %arg5[%add3A_11, %dma_wait3A_79] : memref<10240x16xf32, #tpu.memory_space<vmem_shared>> -> memref<640x16xf32, #tpu.memory_space<vmem_shared>>
      %dma_wait3A_81 = arith.constant 0 : i32
      %dma_wait3A_82 = arith.constant 0 : i32
      %dma_wait3A_83 = tpu.memref_slice %arg8[%run_scoped3A, %dma_wait3A_81, %dma_wait3A_82] : memref<2x784x16xf32, #tpu.memory_space<vmem>> -> memref<1x640x16xf32, #tpu.memory_space<vmem>>
      %dma_wait3A_84 = tpu.memref_squeeze %dma_wait3A_83 : memref<1x640x16xf32, #tpu.memory_space<vmem>> -> memref<640x16xf32, #tpu.memory_space<vmem>>
      tpu.wait_dma2 semaphore(%run_scoped3A_60 : memref<!tpu.dma_semaphore, #tpu.memory_space<semaphore_mem>>) src(%dma_wait3A_84 : memref<640x16xf32, #tpu.memory_space<vmem>>) dst(%dma_wait3A_80 : memref<640x16xf32, #tpu.memory_space<vmem_shared>>)
      tpu.yield
    }) : () -> ()
    %run_scoped3A_12 = arith.constant 0 : i32
    "tpu.region"() ({
      %run_scoped3A_60 = tpu.sem_alloc : memref<!tpu.dma_semaphore, #tpu.memory_space<semaphore_mem>>
      %dma_start3A_61 = arith.constant 0 : i32
      %dma_start3A_62 = arith.constant 0 : i32
      %dma_start3A_63 = tpu.memref_slice %arg3[%run_scoped3A_12, %add3A, %dma_start3A_61, %dma_start3A_62] : memref<2x32x13x784xi32, #tpu.memory_space<hbm>> -> memref<1x1x13x784xi32, #tpu.memory_space<hbm>>
      %dma_start3A_64 = tpu.memref_squeeze %dma_start3A_63 : memref<1x1x13x784xi32, #tpu.memory_space<hbm>> -> memref<13x784xi32, #tpu.memory_space<hbm>>
      %dma_start3A_65 = arith.constant 0 : i32
      %dma_start3A_66 = arith.constant 0 : i32
      %dma_start3A_67 = tpu.memref_slice %arg3[%run_scoped3A_12, %add3A, %dma_start3A_65, %dma_start3A_66] : memref<2x32x13x784xi32, #tpu.memory_space<hbm>> -> memref<1x1x13x784xi32, #tpu.memory_space<hbm>>
      %dma_start3A_68 = tpu.memref_squeeze %dma_start3A_67 : memref<1x1x13x784xi32, #tpu.memory_space<hbm>> -> memref<13x784xi32, #tpu.memory_space<hbm>>
      tpu.enqueue_dma source(%dma_start3A_68 : memref<13x784xi32, #tpu.memory_space<hbm>>) target(%arg6 : memref<13x784xi32, #tpu.memory_space<vmem>>) target_semaphore(%run_scoped3A_60 : memref<!tpu.dma_semaphore, #tpu.memory_space<semaphore_mem>>)
      %dma_wait3A_69 = arith.constant 0 : i32
      %dma_wait3A_70 = arith.constant 0 : i32
      %dma_wait3A_71 = tpu.memref_slice %arg3[%run_scoped3A_12, %add3A, %dma_wait3A_69, %dma_wait3A_70] : memref<2x32x13x784xi32, #tpu.memory_space<hbm>> -> memref<1x1x13x784xi32, #tpu.memory_space<hbm>>
      %dma_wait3A_72 = tpu.memref_squeeze %dma_wait3A_71 : memref<1x1x13x784xi32, #tpu.memory_space<hbm>> -> memref<13x784xi32, #tpu.memory_space<hbm>>
      %dma_wait3A_73 = arith.constant 0 : i32
      %dma_wait3A_74 = arith.constant 0 : i32
      %dma_wait3A_75 = tpu.memref_slice %arg3[%run_scoped3A_12, %add3A, %dma_wait3A_73, %dma_wait3A_74] : memref<2x32x13x784xi32, #tpu.memory_space<hbm>> -> memref<1x1x13x784xi32, #tpu.memory_space<hbm>>
      %dma_wait3A_76 = tpu.memref_squeeze %dma_wait3A_75 : memref<1x1x13x784xi32, #tpu.memory_space<hbm>> -> memref<13x784xi32, #tpu.memory_space<hbm>>
      tpu.wait_dma2 semaphore(%run_scoped3A_60 : memref<!tpu.dma_semaphore, #tpu.memory_space<semaphore_mem>>) src(%dma_wait3A_76 : memref<13x784xi32, #tpu.memory_space<hbm>>) dst(%arg6 : memref<13x784xi32, #tpu.memory_space<vmem>>)
      tpu.yield
    }) : () -> ()
    %run_scoped3A_13 = arith.constant 1 : i32
    "tpu.region"() ({
      %run_scoped3A_60 = tpu.sem_alloc : memref<!tpu.dma_semaphore, #tpu.memory_space<semaphore_mem>>
      %dma_start3A_61 = arith.constant 0 : i32
      %dma_start3A_62 = arith.constant 0 : i32
      %dma_start3A_63 = tpu.memref_slice %arg3[%run_scoped3A_13, %add3A, %dma_start3A_61, %dma_start3A_62] : memref<2x32x13x784xi32, #tpu.memory_space<hbm>> -> memref<1x1x13x784xi32, #tpu.memory_space<hbm>>
      %dma_start3A_64 = tpu.memref_squeeze %dma_start3A_63 : memref<1x1x13x784xi32, #tpu.memory_space<hbm>> -> memref<13x784xi32, #tpu.memory_space<hbm>>
      %dma_start3A_65 = arith.constant 0 : i32
      %dma_start3A_66 = arith.constant 0 : i32
      %dma_start3A_67 = tpu.memref_slice %arg3[%run_scoped3A_13, %add3A, %dma_start3A_65, %dma_start3A_66] : memref<2x32x13x784xi32, #tpu.memory_space<hbm>> -> memref<1x1x13x784xi32, #tpu.memory_space<hbm>>
      %dma_start3A_68 = tpu.memref_squeeze %dma_start3A_67 : memref<1x1x13x784xi32, #tpu.memory_space<hbm>> -> memref<13x784xi32, #tpu.memory_space<hbm>>
      tpu.enqueue_dma source(%dma_start3A_68 : memref<13x784xi32, #tpu.memory_space<hbm>>) target(%arg7 : memref<13x784xi32, #tpu.memory_space<vmem>>) target_semaphore(%run_scoped3A_60 : memref<!tpu.dma_semaphore, #tpu.memory_space<semaphore_mem>>)
      %dma_wait3A_69 = arith.constant 0 : i32
      %dma_wait3A_70 = arith.constant 0 : i32
      %dma_wait3A_71 = tpu.memref_slice %arg3[%run_scoped3A_13, %add3A, %dma_wait3A_69, %dma_wait3A_70] : memref<2x32x13x784xi32, #tpu.memory_space<hbm>> -> memref<1x1x13x784xi32, #tpu.memory_space<hbm>>
      %dma_wait3A_72 = tpu.memref_squeeze %dma_wait3A_71 : memref<1x1x13x784xi32, #tpu.memory_space<hbm>> -> memref<13x784xi32, #tpu.memory_space<hbm>>
      %dma_wait3A_73 = arith.constant 0 : i32
      %dma_wait3A_74 = arith.constant 0 : i32
      %dma_wait3A_75 = tpu.memref_slice %arg3[%run_scoped3A_13, %add3A, %dma_wait3A_73, %dma_wait3A_74] : memref<2x32x13x784xi32, #tpu.memory_space<hbm>> -> memref<1x1x13x784xi32, #tpu.memory_space<hbm>>
      %dma_wait3A_76 = tpu.memref_squeeze %dma_wait3A_75 : memref<1x1x13x784xi32, #tpu.memory_space<hbm>> -> memref<13x784xi32, #tpu.memory_space<hbm>>
      tpu.wait_dma2 semaphore(%run_scoped3A_60 : memref<!tpu.dma_semaphore, #tpu.memory_space<semaphore_mem>>) src(%dma_wait3A_76 : memref<13x784xi32, #tpu.memory_space<hbm>>) dst(%arg7 : memref<13x784xi32, #tpu.memory_space<vmem>>)
      tpu.yield
    }) : () -> ()
    %barrier3A = arith.constant 0 : index
    tpu.barrier barrier_id(%barrier3A)
    %dma_start3A = arith.constant 0 : i32
    %dma_start3A_14 = arith.constant 0 : i32
    %dma_start3A_15 = arith.constant 0 : i32
    %dma_start3A_16 = arith.constant 0 : i32
    %dma_start3A_17 = tpu.memref_slice %arg8[%dma_start3A_14, %dma_start3A_15, %dma_start3A_16] : memref<2x784x16xf32, #tpu.memory_space<vmem>> -> memref<1x784x16xf32, #tpu.memory_space<vmem>>
    %dma_start3A_18 = tpu.memref_squeeze %dma_start3A_17 : memref<1x784x16xf32, #tpu.memory_space<vmem>> -> memref<784x16xf32, #tpu.memory_space<vmem>>
    %dma_start3A_19 = arith.constant 0 : i32
    %dma_start3A_20 = tpu.memref_slice %arg6[%dma_start3A, %dma_start3A_19] : memref<13x784xi32, #tpu.memory_space<vmem>> -> memref<1x784xi32, #tpu.memory_space<vmem>>
    %dma_start3A_21 = tpu.memref_squeeze %dma_start3A_20 : memref<1x784xi32, #tpu.memory_space<vmem>> -> memref<784xi32, #tpu.memory_space<vmem>>
    %dma_start3A_22 = arith.constant 0 : i32
    %dma_start3A_23 = arith.constant 0 : i32
    %dma_start3A_24 = tpu.memref_slice %arg2[%dma_start3A_22, %dma_start3A_23] : memref<10240x16xf32, #tpu.memory_space<hbm>> -> memref<10240x16xf32, #tpu.memory_space<hbm>>
    tpu.enqueue_indirect_dma source(%dma_start3A_24 : memref<10240x16xf32, #tpu.memory_space<hbm>>) target(%dma_start3A_18 : memref<784x16xf32, #tpu.memory_space<vmem>>) offsets(%dma_start3A_21 : memref<784xi32, #tpu.memory_space<vmem>>) semaphore(%arg9 : memref<!tpu.dma_semaphore, #tpu.memory_space<semaphore_mem>>)
    %scan3A_25 = arith.constant 0 : i32
    %scan3A_26 = arith.constant 1 : i32
    %scan3A_27 = arith.constant 0 : i32
    %scan3A_28 = arith.constant 0 : i32
    %scan3A_29 = arith.constant 6 : i32
    %scan3A_30 = arith.addi %scan3A_28, %scan3A_29 : i32
    %scan3A_31 = arith.constant 1 : i32
    %scan3A_32 = scf.for %scan3A_60 = %scan3A_28 to %scan3A_30 step %scan3A_31 iter_args(%scan3A_61 = %scan3A_27) -> (i32)  : i32 {
      %mul3A_62 = arith.constant 2 : i32
      %mul3A_63 = arith.muli %mul3A_62, %scan3A_60 : i32
      %add3A_64 = arith.constant 1 : i32
      %add3A_65 = arith.addi %mul3A_63, %add3A_64 : i32
      %dma_wait3A_66 = arith.constant 0 : i32
      %dma_wait3A_67 = arith.constant 0 : i32
      %dma_wait3A_68 = tpu.memref_slice %arg8[%scan3A_25, %dma_wait3A_66, %dma_wait3A_67] : memref<2x784x16xf32, #tpu.memory_space<vmem>> -> memref<1x784x16xf32, #tpu.memory_space<vmem>>
      %dma_wait3A_69 = tpu.memref_squeeze %dma_wait3A_68 : memref<1x784x16xf32, #tpu.memory_space<vmem>> -> memref<784x16xf32, #tpu.memory_space<vmem>>
      %dma_wait3A_70 = arith.constant 0 : i32
      %dma_wait3A_71 = tpu.memref_slice %arg6[%mul3A_63, %dma_wait3A_70] : memref<13x784xi32, #tpu.memory_space<vmem>> -> memref<1x784xi32, #tpu.memory_space<vmem>>
      %dma_wait3A_72 = tpu.memref_squeeze %dma_wait3A_71 : memref<1x784xi32, #tpu.memory_space<vmem>> -> memref<784xi32, #tpu.memory_space<vmem>>
      %dma_wait3A_73 = arith.constant 0 : i32
      %dma_wait3A_74 = arith.constant 0 : i32
      %dma_wait3A_75 = tpu.memref_slice %arg2[%dma_wait3A_73, %dma_wait3A_74] : memref<10240x16xf32, #tpu.memory_space<hbm>> -> memref<10240x16xf32, #tpu.memory_space<hbm>>
      tpu.wait_indirect_dma semaphore(%arg9 : memref<!tpu.dma_semaphore, #tpu.memory_space<semaphore_mem>>) src(%dma_wait3A_75 : memref<10240x16xf32, #tpu.memory_space<hbm>>) dst(%dma_wait3A_69 : memref<784x16xf32, #tpu.memory_space<vmem>>)
      %dma_start3A_76 = arith.constant 0 : i32
      %dma_start3A_77 = arith.constant 0 : i32
      %dma_start3A_78 = tpu.memref_slice %arg8[%scan3A_25, %dma_start3A_76, %dma_start3A_77] : memref<2x784x16xf32, #tpu.memory_space<vmem>> -> memref<1x784x16xf32, #tpu.memory_space<vmem>>
      %dma_start3A_79 = tpu.memref_squeeze %dma_start3A_78 : memref<1x784x16xf32, #tpu.memory_space<vmem>> -> memref<784x16xf32, #tpu.memory_space<vmem>>
      %dma_start3A_80 = arith.constant 0 : i32
      %dma_start3A_81 = tpu.memref_slice %arg7[%mul3A_63, %dma_start3A_80] : memref<13x784xi32, #tpu.memory_space<vmem>> -> memref<1x784xi32, #tpu.memory_space<vmem>>
      %dma_start3A_82 = tpu.memref_squeeze %dma_start3A_81 : memref<1x784xi32, #tpu.memory_space<vmem>> -> memref<784xi32, #tpu.memory_space<vmem>>
      %dma_start3A_83 = arith.constant 0 : i32
      %dma_start3A_84 = arith.constant 0 : i32
      %dma_start3A_85 = tpu.memref_slice %arg5[%dma_start3A_83, %dma_start3A_84] : memref<10240x16xf32, #tpu.memory_space<vmem_shared>> -> memref<10240x16xf32, #tpu.memory_space<vmem_shared>>
      tpu.enqueue_indirect_dma source(%dma_start3A_79 : memref<784x16xf32, #tpu.memory_space<vmem>>) target(%dma_start3A_85 : memref<10240x16xf32, #tpu.memory_space<vmem_shared>>) offsets(%dma_start3A_82 : memref<784xi32, #tpu.memory_space<vmem>>) semaphore(%arg11 : memref<!tpu.dma_semaphore, #tpu.memory_space<semaphore_mem>>) {add = true}
      %gt3A = arith.constant 0 : i32
      %gt3A_86 = arith.cmpi sgt, %scan3A_60, %gt3A : i32
      %convert_element_type3A = arith.extui %gt3A_86 : i1 to i32
      %cond3A = arith.constant 0 : i32
      %cond3A_87 = arith.cmpi ne, %convert_element_type3A, %cond3A : i32
      scf.if %cond3A_87 {
        %dma_wait3A_141 = arith.constant 0 : i32
        %dma_wait3A_142 = arith.constant 0 : i32
        %dma_wait3A_143 = tpu.memref_slice %arg8[%scan3A_26, %dma_wait3A_141, %dma_wait3A_142] : memref<2x784x16xf32, #tpu.memory_space<vmem>> -> memref<1x784x16xf32, #tpu.memory_space<vmem>>
        %dma_wait3A_144 = tpu.memref_squeeze %dma_wait3A_143 : memref<1x784x16xf32, #tpu.memory_space<vmem>> -> memref<784x16xf32, #tpu.memory_space<vmem>>
        %dma_wait3A_145 = arith.constant 0 : i32
        %dma_wait3A_146 = tpu.memref_slice %arg7[%mul3A_63, %dma_wait3A_145] : memref<13x784xi32, #tpu.memory_space<vmem>> -> memref<1x784xi32, #tpu.memory_space<vmem>>
        %dma_wait3A_147 = tpu.memref_squeeze %dma_wait3A_146 : memref<1x784xi32, #tpu.memory_space<vmem>> -> memref<784xi32, #tpu.memory_space<vmem>>
        %dma_wait3A_148 = arith.constant 0 : i32
        %dma_wait3A_149 = arith.constant 0 : i32
        %dma_wait3A_150 = tpu.memref_slice %arg5[%dma_wait3A_148, %dma_wait3A_149] : memref<10240x16xf32, #tpu.memory_space<vmem_shared>> -> memref<10240x16xf32, #tpu.memory_space<vmem_shared>>
        tpu.wait_indirect_dma semaphore(%arg12 : memref<!tpu.dma_semaphore, #tpu.memory_space<semaphore_mem>>) src(%dma_wait3A_144 : memref<784x16xf32, #tpu.memory_space<vmem>>) dst(%dma_wait3A_150 : memref<10240x16xf32, #tpu.memory_space<vmem_shared>>)
      } else {
      }
      %dma_start3A_88 = arith.constant 0 : i32
      %dma_start3A_89 = arith.constant 0 : i32
      %dma_start3A_90 = tpu.memref_slice %arg8[%scan3A_26, %dma_start3A_88, %dma_start3A_89] : memref<2x784x16xf32, #tpu.memory_space<vmem>> -> memref<1x784x16xf32, #tpu.memory_space<vmem>>
      %dma_start3A_91 = tpu.memref_squeeze %dma_start3A_90 : memref<1x784x16xf32, #tpu.memory_space<vmem>> -> memref<784x16xf32, #tpu.memory_space<vmem>>
      %dma_start3A_92 = arith.constant 0 : i32
      %dma_start3A_93 = tpu.memref_slice %arg6[%add3A_65, %dma_start3A_92] : memref<13x784xi32, #tpu.memory_space<vmem>> -> memref<1x784xi32, #tpu.memory_space<vmem>>
      %dma_start3A_94 = tpu.memref_squeeze %dma_start3A_93 : memref<1x784xi32, #tpu.memory_space<vmem>> -> memref<784xi32, #tpu.memory_space<vmem>>
      %dma_start3A_95 = arith.constant 0 : i32
      %dma_start3A_96 = arith.constant 0 : i32
      %dma_start3A_97 = tpu.memref_slice %arg2[%dma_start3A_95, %dma_start3A_96] : memref<10240x16xf32, #tpu.memory_space<hbm>> -> memref<10240x16xf32, #tpu.memory_space<hbm>>
      tpu.enqueue_indirect_dma source(%dma_start3A_97 : memref<10240x16xf32, #tpu.memory_space<hbm>>) target(%dma_start3A_91 : memref<784x16xf32, #tpu.memory_space<vmem>>) offsets(%dma_start3A_94 : memref<784xi32, #tpu.memory_space<vmem>>) semaphore(%arg10 : memref<!tpu.dma_semaphore, #tpu.memory_space<semaphore_mem>>)
      %dma_wait3A_98 = arith.constant 0 : i32
      %dma_wait3A_99 = arith.constant 0 : i32
      %dma_wait3A_100 = tpu.memref_slice %arg8[%scan3A_25, %dma_wait3A_98, %dma_wait3A_99] : memref<2x784x16xf32, #tpu.memory_space<vmem>> -> memref<1x784x16xf32, #tpu.memory_space<vmem>>
      %dma_wait3A_101 = tpu.memref_squeeze %dma_wait3A_100 : memref<1x784x16xf32, #tpu.memory_space<vmem>> -> memref<784x16xf32, #tpu.memory_space<vmem>>
      %dma_wait3A_102 = arith.constant 0 : i32
      %dma_wait3A_103 = tpu.memref_slice %arg7[%mul3A_63, %dma_wait3A_102] : memref<13x784xi32, #tpu.memory_space<vmem>> -> memref<1x784xi32, #tpu.memory_space<vmem>>
      %dma_wait3A_104 = tpu.memref_squeeze %dma_wait3A_103 : memref<1x784xi32, #tpu.memory_space<vmem>> -> memref<784xi32, #tpu.memory_space<vmem>>
      %dma_wait3A_105 = arith.constant 0 : i32
      %dma_wait3A_106 = arith.constant 0 : i32
      %dma_wait3A_107 = tpu.memref_slice %arg5[%dma_wait3A_105, %dma_wait3A_106] : memref<10240x16xf32, #tpu.memory_space<vmem_shared>> -> memref<10240x16xf32, #tpu.memory_space<vmem_shared>>
      tpu.wait_indirect_dma semaphore(%arg11 : memref<!tpu.dma_semaphore, #tpu.memory_space<semaphore_mem>>) src(%dma_wait3A_101 : memref<784x16xf32, #tpu.memory_space<vmem>>) dst(%dma_wait3A_107 : memref<10240x16xf32, #tpu.memory_space<vmem_shared>>)
      %dma_wait3A_108 = arith.constant 0 : i32
      %dma_wait3A_109 = arith.constant 0 : i32
      %dma_wait3A_110 = tpu.memref_slice %arg8[%scan3A_26, %dma_wait3A_108, %dma_wait3A_109] : memref<2x784x16xf32, #tpu.memory_space<vmem>> -> memref<1x784x16xf32, #tpu.memory_space<vmem>>
      %dma_wait3A_111 = tpu.memref_squeeze %dma_wait3A_110 : memref<1x784x16xf32, #tpu.memory_space<vmem>> -> memref<784x16xf32, #tpu.memory_space<vmem>>
      %dma_wait3A_112 = arith.constant 0 : i32
      %dma_wait3A_113 = tpu.memref_slice %arg6[%add3A_65, %dma_wait3A_112] : memref<13x784xi32, #tpu.memory_space<vmem>> -> memref<1x784xi32, #tpu.memory_space<vmem>>
      %dma_wait3A_114 = tpu.memref_squeeze %dma_wait3A_113 : memref<1x784xi32, #tpu.memory_space<vmem>> -> memref<784xi32, #tpu.memory_space<vmem>>
      %dma_wait3A_115 = arith.constant 0 : i32
      %dma_wait3A_116 = arith.constant 0 : i32
      %dma_wait3A_117 = tpu.memref_slice %arg2[%dma_wait3A_115, %dma_wait3A_116] : memref<10240x16xf32, #tpu.memory_space<hbm>> -> memref<10240x16xf32, #tpu.memory_space<hbm>>
      tpu.wait_indirect_dma semaphore(%arg10 : memref<!tpu.dma_semaphore, #tpu.memory_space<semaphore_mem>>) src(%dma_wait3A_117 : memref<10240x16xf32, #tpu.memory_space<hbm>>) dst(%dma_wait3A_111 : memref<784x16xf32, #tpu.memory_space<vmem>>)
      %dma_start3A_118 = arith.constant 0 : i32
      %dma_start3A_119 = arith.constant 0 : i32
      %dma_start3A_120 = tpu.memref_slice %arg8[%scan3A_26, %dma_start3A_118, %dma_start3A_119] : memref<2x784x16xf32, #tpu.memory_space<vmem>> -> memref<1x784x16xf32, #tpu.memory_space<vmem>>
      %dma_start3A_121 = tpu.memref_squeeze %dma_start3A_120 : memref<1x784x16xf32, #tpu.memory_space<vmem>> -> memref<784x16xf32, #tpu.memory_space<vmem>>
      %dma_start3A_122 = arith.constant 0 : i32
      %dma_start3A_123 = tpu.memref_slice %arg7[%add3A_65, %dma_start3A_122] : memref<13x784xi32, #tpu.memory_space<vmem>> -> memref<1x784xi32, #tpu.memory_space<vmem>>
      %dma_start3A_124 = tpu.memref_squeeze %dma_start3A_123 : memref<1x784xi32, #tpu.memory_space<vmem>> -> memref<784xi32, #tpu.memory_space<vmem>>
      %dma_start3A_125 = arith.constant 0 : i32
      %dma_start3A_126 = arith.constant 0 : i32
      %dma_start3A_127 = tpu.memref_slice %arg5[%dma_start3A_125, %dma_start3A_126] : memref<10240x16xf32, #tpu.memory_space<vmem_shared>> -> memref<10240x16xf32, #tpu.memory_space<vmem_shared>>
      tpu.enqueue_indirect_dma source(%dma_start3A_121 : memref<784x16xf32, #tpu.memory_space<vmem>>) target(%dma_start3A_127 : memref<10240x16xf32, #tpu.memory_space<vmem_shared>>) offsets(%dma_start3A_124 : memref<784xi32, #tpu.memory_space<vmem>>) semaphore(%arg12 : memref<!tpu.dma_semaphore, #tpu.memory_space<semaphore_mem>>) {add = true}
      %add3A_128 = arith.constant 2 : i32
      %add3A_129 = arith.addi %mul3A_63, %add3A_128 : i32
      %dma_start3A_130 = arith.constant 0 : i32
      %dma_start3A_131 = arith.constant 0 : i32
      %dma_start3A_132 = tpu.memref_slice %arg8[%scan3A_25, %dma_start3A_130, %dma_start3A_131] : memref<2x784x16xf32, #tpu.memory_space<vmem>> -> memref<1x784x16xf32, #tpu.memory_space<vmem>>
      %dma_start3A_133 = tpu.memref_squeeze %dma_start3A_132 : memref<1x784x16xf32, #tpu.memory_space<vmem>> -> memref<784x16xf32, #tpu.memory_space<vmem>>
      %dma_start3A_134 = arith.constant 0 : i32
      %dma_start3A_135 = tpu.memref_slice %arg6[%add3A_129, %dma_start3A_134] : memref<13x784xi32, #tpu.memory_space<vmem>> -> memref<1x784xi32, #tpu.memory_space<vmem>>
      %dma_start3A_136 = tpu.memref_squeeze %dma_start3A_135 : memref<1x784xi32, #tpu.memory_space<vmem>> -> memref<784xi32, #tpu.memory_space<vmem>>
      %dma_start3A_137 = arith.constant 0 : i32
      %dma_start3A_138 = arith.constant 0 : i32
      %dma_start3A_139 = tpu.memref_slice %arg2[%dma_start3A_137, %dma_start3A_138] : memref<10240x16xf32, #tpu.memory_space<hbm>> -> memref<10240x16xf32, #tpu.memory_space<hbm>>
      tpu.enqueue_indirect_dma source(%dma_start3A_139 : memref<10240x16xf32, #tpu.memory_space<hbm>>) target(%dma_start3A_133 : memref<784x16xf32, #tpu.memory_space<vmem>>) offsets(%dma_start3A_136 : memref<784xi32, #tpu.memory_space<vmem>>) semaphore(%arg9 : memref<!tpu.dma_semaphore, #tpu.memory_space<semaphore_mem>>)
      %scan3A_140 = arith.constant 0 : i32
      scf.yield %scan3A_140 : i32
    }
    %scan3A_33 = arith.constant 6 : i32
    %dma_wait3A = arith.constant 1 : i32
    %dma_wait3A_34 = arith.constant 0 : i32
    %dma_wait3A_35 = arith.constant 0 : i32
    %dma_wait3A_36 = arith.constant 0 : i32
    %dma_wait3A_37 = tpu.memref_slice %arg8[%dma_wait3A, %dma_wait3A_35, %dma_wait3A_36] : memref<2x784x16xf32, #tpu.memory_space<vmem>> -> memref<1x784x16xf32, #tpu.memory_space<vmem>>
    %dma_wait3A_38 = tpu.memref_squeeze %dma_wait3A_37 : memref<1x784x16xf32, #tpu.memory_space<vmem>> -> memref<784x16xf32, #tpu.memory_space<vmem>>
    %dma_wait3A_39 = arith.constant 0 : i32
    %dma_wait3A_40 = tpu.memref_slice %arg7[%dma_wait3A_34, %dma_wait3A_39] : memref<13x784xi32, #tpu.memory_space<vmem>> -> memref<1x784xi32, #tpu.memory_space<vmem>>
    %dma_wait3A_41 = tpu.memref_squeeze %dma_wait3A_40 : memref<1x784xi32, #tpu.memory_space<vmem>> -> memref<784xi32, #tpu.memory_space<vmem>>
    %dma_wait3A_42 = arith.constant 0 : i32
    %dma_wait3A_43 = arith.constant 0 : i32
    %dma_wait3A_44 = tpu.memref_slice %arg5[%dma_wait3A_42, %dma_wait3A_43] : memref<10240x16xf32, #tpu.memory_space<vmem_shared>> -> memref<10240x16xf32, #tpu.memory_space<vmem_shared>>
    tpu.wait_indirect_dma semaphore(%arg12 : memref<!tpu.dma_semaphore, #tpu.memory_space<semaphore_mem>>) src(%dma_wait3A_38 : memref<784x16xf32, #tpu.memory_space<vmem>>) dst(%dma_wait3A_44 : memref<10240x16xf32, #tpu.memory_space<vmem_shared>>)
    %dma_wait3A_45 = arith.constant 12 : i32
    %dma_wait3A_46 = arith.constant 0 : i32
    %dma_wait3A_47 = arith.constant 0 : i32
    %dma_wait3A_48 = arith.constant 0 : i32
    %dma_wait3A_49 = tpu.memref_slice %arg8[%dma_wait3A_46, %dma_wait3A_47, %dma_wait3A_48] : memref<2x784x16xf32, #tpu.memory_space<vmem>> -> memref<1x784x16xf32, #tpu.memory_space<vmem>>
    %dma_wait3A_50 = tpu.memref_squeeze %dma_wait3A_49 : memref<1x784x16xf32, #tpu.memory_space<vmem>> -> memref<784x16xf32, #tpu.memory_space<vmem>>
    %dma_wait3A_51 = arith.constant 0 : i32
    %dma_wait3A_52 = tpu.memref_slice %arg6[%dma_wait3A_45, %dma_wait3A_51] : memref<13x784xi32, #tpu.memory_space<vmem>> -> memref<1x784xi32, #tpu.memory_space<vmem>>
    %dma_wait3A_53 = tpu.memref_squeeze %dma_wait3A_52 : memref<1x784xi32, #tpu.memory_space<vmem>> -> memref<784xi32, #tpu.memory_space<vmem>>
    %dma_wait3A_54 = arith.constant 0 : i32
    %dma_wait3A_55 = arith.constant 0 : i32
    %dma_wait3A_56 = tpu.memref_slice %arg2[%dma_wait3A_54, %dma_wait3A_55] : memref<10240x16xf32, #tpu.memory_space<hbm>> -> memref<10240x16xf32, #tpu.memory_space<hbm>>
    tpu.wait_indirect_dma semaphore(%arg9 : memref<!tpu.dma_semaphore, #tpu.memory_space<semaphore_mem>>) src(%dma_wait3A_56 : memref<10240x16xf32, #tpu.memory_space<hbm>>) dst(%dma_wait3A_50 : memref<784x16xf32, #tpu.memory_space<vmem>>)
    %run_scoped3A_57 = arith.constant 0 : i32
    %run_scoped3A_58 = arith.constant 12 : i32
    "tpu.region"() ({
      %run_scoped3A_60 = tpu.sem_alloc : memref<!tpu.dma_semaphore, #tpu.memory_space<semaphore_mem>>
      %dma_start3A_61 = arith.constant 0 : i32
      %dma_start3A_62 = arith.constant 0 : i32
      %dma_start3A_63 = tpu.memref_slice %arg8[%run_scoped3A_57, %dma_start3A_61, %dma_start3A_62] : memref<2x784x16xf32, #tpu.memory_space<vmem>> -> memref<1x784x16xf32, #tpu.memory_space<vmem>>
      %dma_start3A_64 = tpu.memref_squeeze %dma_start3A_63 : memref<1x784x16xf32, #tpu.memory_space<vmem>> -> memref<784x16xf32, #tpu.memory_space<vmem>>
      %dma_start3A_65 = arith.constant 0 : i32
      %dma_start3A_66 = tpu.memref_slice %arg7[%run_scoped3A_58, %dma_start3A_65] : memref<13x784xi32, #tpu.memory_space<vmem>> -> memref<1x784xi32, #tpu.memory_space<vmem>>
      %dma_start3A_67 = tpu.memref_squeeze %dma_start3A_66 : memref<1x784xi32, #tpu.memory_space<vmem>> -> memref<784xi32, #tpu.memory_space<vmem>>
      %dma_start3A_68 = arith.constant 0 : i32
      %dma_start3A_69 = arith.constant 0 : i32
      %dma_start3A_70 = tpu.memref_slice %arg5[%dma_start3A_68, %dma_start3A_69] : memref<10240x16xf32, #tpu.memory_space<vmem_shared>> -> memref<10240x16xf32, #tpu.memory_space<vmem_shared>>
      tpu.enqueue_indirect_dma source(%dma_start3A_64 : memref<784x16xf32, #tpu.memory_space<vmem>>) target(%dma_start3A_70 : memref<10240x16xf32, #tpu.memory_space<vmem_shared>>) offsets(%dma_start3A_67 : memref<784xi32, #tpu.memory_space<vmem>>) semaphore(%run_scoped3A_60 : memref<!tpu.dma_semaphore, #tpu.memory_space<semaphore_mem>>) {add = true}
      %dma_wait3A_71 = arith.constant 0 : i32
      %dma_wait3A_72 = arith.constant 0 : i32
      %dma_wait3A_73 = tpu.memref_slice %arg8[%run_scoped3A_57, %dma_wait3A_71, %dma_wait3A_72] : memref<2x784x16xf32, #tpu.memory_space<vmem>> -> memref<1x784x16xf32, #tpu.memory_space<vmem>>
      %dma_wait3A_74 = tpu.memref_squeeze %dma_wait3A_73 : memref<1x784x16xf32, #tpu.memory_space<vmem>> -> memref<784x16xf32, #tpu.memory_space<vmem>>
      %dma_wait3A_75 = arith.constant 0 : i32
      %dma_wait3A_76 = tpu.memref_slice %arg7[%run_scoped3A_58, %dma_wait3A_75] : memref<13x784xi32, #tpu.memory_space<vmem>> -> memref<1x784xi32, #tpu.memory_space<vmem>>
      %dma_wait3A_77 = tpu.memref_squeeze %dma_wait3A_76 : memref<1x784xi32, #tpu.memory_space<vmem>> -> memref<784xi32, #tpu.memory_space<vmem>>
      %dma_wait3A_78 = arith.constant 0 : i32
      %dma_wait3A_79 = arith.constant 0 : i32
      %dma_wait3A_80 = tpu.memref_slice %arg5[%dma_wait3A_78, %dma_wait3A_79] : memref<10240x16xf32, #tpu.memory_space<vmem_shared>> -> memref<10240x16xf32, #tpu.memory_space<vmem_shared>>
      tpu.wait_indirect_dma semaphore(%run_scoped3A_60 : memref<!tpu.dma_semaphore, #tpu.memory_space<semaphore_mem>>) src(%dma_wait3A_74 : memref<784x16xf32, #tpu.memory_space<vmem>>) dst(%dma_wait3A_80 : memref<10240x16xf32, #tpu.memory_space<vmem_shared>>)
      tpu.yield
    }) : () -> ()
    %barrier3A_59 = arith.constant 0 : index
    tpu.barrier barrier_id(%barrier3A_59)
    "tpu.region"() ({
      %run_scoped3A_60 = tpu.sem_alloc : memref<!tpu.dma_semaphore, #tpu.memory_space<semaphore_mem>>
      %dma_start3A_61 = arith.constant 0 : i32
      %dma_start3A_62 = tpu.memref_slice %arg4[%arg0, %mul3A_9, %dma_start3A_61] : memref<2x10240x16xf32, #tpu.memory_space<hbm>> -> memref<1x640x16xf32, #tpu.memory_space<hbm>>
      %dma_start3A_63 = tpu.memref_squeeze %dma_start3A_62 : memref<1x640x16xf32, #tpu.memory_space<hbm>> -> memref<640x16xf32, #tpu.memory_space<hbm>>
      %dma_start3A_64 = arith.constant 0 : i32
      %dma_start3A_65 = tpu.memref_slice %arg5[%mul3A_9, %dma_start3A_64] : memref<10240x16xf32, #tpu.memory_space<vmem_shared>> -> memref<640x16xf32, #tpu.memory_space<vmem_shared>>
      tpu.enqueue_dma source(%dma_start3A_65 : memref<640x16xf32, #tpu.memory_space<vmem_shared>>) target(%dma_start3A_63 : memref<640x16xf32, #tpu.memory_space<hbm>>) target_semaphore(%run_scoped3A_60 : memref<!tpu.dma_semaphore, #tpu.memory_space<semaphore_mem>>)
      %dma_wait3A_66 = arith.constant 0 : i32
      %dma_wait3A_67 = tpu.memref_slice %arg4[%arg0, %mul3A_9, %dma_wait3A_66] : memref<2x10240x16xf32, #tpu.memory_space<hbm>> -> memref<1x640x16xf32, #tpu.memory_space<hbm>>
      %dma_wait3A_68 = tpu.memref_squeeze %dma_wait3A_67 : memref<1x640x16xf32, #tpu.memory_space<hbm>> -> memref<640x16xf32, #tpu.memory_space<hbm>>
      %dma_wait3A_69 = arith.constant 0 : i32
      %dma_wait3A_70 = tpu.memref_slice %arg5[%mul3A_9, %dma_wait3A_69] : memref<10240x16xf32, #tpu.memory_space<vmem_shared>> -> memref<640x16xf32, #tpu.memory_space<vmem_shared>>
      tpu.wait_dma2 semaphore(%run_scoped3A_60 : memref<!tpu.dma_semaphore, #tpu.memory_space<semaphore_mem>>) src(%dma_wait3A_70 : memref<640x16xf32, #tpu.memory_space<vmem_shared>>) dst(%dma_wait3A_68 : memref<640x16xf32, #tpu.memory_space<hbm>>)
      tpu.yield
    }) : () -> ()
    return
  }
}

module attributes {stable_mosaic.version = 14 : i64} {
  func.func @body(%arg0: i32, %arg1: memref<2048x128xf32, #tpu.memory_space<vmem>>, %arg2: memref<128x128xf32, #tpu.memory_space<vmem>>, %arg3: memref<2048x1xf32, #tpu.memory_space<vmem>>, %arg4: memref<2048x128xf32, #tpu.memory_space<vmem>>) attributes {dimension_semantics = [#tpu.dimension_semantics<arbitrary>], iteration_bounds = array<i64: 5>, scalar_prefetch = 0 : i64, scratch_operands = 0 : i64, tpu.core_type = #tpu.core_type<tc>, window_params = [{transform_indices = @transform_0, window_bounds = array<i64: 2048, 128>}, {pipeline_mode = #tpu.pipeline_mode<synchronous>, transform_indices = @transform_1, window_bounds = array<i64: 128, 128>}, {transform_indices = @transform_2, window_bounds = array<i64: 2048, 1>}, {transform_indices = @transform_3, window_bounds = array<i64: 2048, 128>}]} {
    %get3A = arith.constant 0 : index
    %get3A_0 = arith.constant 0 : index
    %get3A_1 = vector.load %arg3[%get3A, %get3A_0] : memref<2048x1xf32, #tpu.memory_space<vmem>>, vector<2048x1xf32>
    %get3A_2 = arith.constant 0 : index
    %get3A_3 = arith.constant 0 : index
    %get3A_4 = vector.load %arg1[%get3A_2, %get3A_3] : memref<2048x128xf32, #tpu.memory_space<vmem>>, vector<2048x128xf32>
    %get3A_5 = arith.constant 0 : index
    %get3A_6 = arith.constant 0 : index
    %get3A_7 = vector.load %arg2[%get3A_5, %get3A_6] : memref<128x128xf32, #tpu.memory_space<vmem>>, vector<128x128xf32>
    %dot_general3A = arith.constant dense<0.000000e+00> : vector<2048x128xf32>
    %dot_general3A_8 = tpu.matmul %get3A_4, %get3A_7, %dot_general3A {dimension_numbers = #tpu.dot_dimension_numbers<[1], [0], [0], [1], [0, 0, 1, 1], [], []>, transpose_lhs_hint = false} : vector<2048x128xf32>, vector<128x128xf32>, vector<2048x128xf32> -> vector<2048x128xf32>
    %mul3A = vector.broadcast %get3A_1 : vector<2048x1xf32> to vector<2048x128xf32>
    %mul3A_9 = arith.mulf %dot_general3A_8, %mul3A : vector<2048x128xf32>
    %mul3A_10 = arith.constant 2048 : i32
    %mul3A_11 = arith.muli %arg0, %mul3A_10 : i32
    %iota3A = tpu.iota {dimensions = array<i32: 0>} : vector<2048x1xi32>
    %add3A = vector.broadcast %mul3A_11 : i32 to vector<2048x1xi32>
    %add3A_12 = arith.addi %add3A, %iota3A : vector<2048x1xi32>
    %lt3A = arith.constant 10000 : i32
    %lt3A_13 = vector.broadcast %lt3A : i32 to vector<2048x1xi32>
    %lt3A_14 = arith.cmpi slt, %add3A_12, %lt3A_13 : vector<2048x1xi32>
    %jit3A = arith.constant 0.000000e+00 : f32
    %broadcast_in_dim3A = vector.shape_cast %lt3A_14 : vector<2048x1xi1> to vector<2048x1xi1>
    %broadcast_in_dim3A_15 = vector.broadcast %broadcast_in_dim3A : vector<2048x1xi1> to vector<2048x128xi1>
    %broadcast_in_dim3A_16 = vector.broadcast %jit3A : f32 to vector<2048x128xf32>
    %select_n3A = arith.select %broadcast_in_dim3A_15, %mul3A_9, %broadcast_in_dim3A_16 : vector<2048x128xi1>, vector<2048x128xf32>
    %swap3A = arith.constant 0 : index
    %swap3A_17 = arith.constant 0 : index
    %swap3A_18 = vector.load %arg4[%swap3A, %swap3A_17] : memref<2048x128xf32, #tpu.memory_space<vmem>>, vector<2048x128xf32>
    tpu.vector_store %arg4[%swap3A, %swap3A_17], %select_n3A {strides = array<i32>} : memref<2048x128xf32, #tpu.memory_space<vmem>>, vector<2048x128xf32>,
    return
  }
  func.func @transform_0(%arg0: i32) -> (i32, i32) {
    %c0_i32 = arith.constant 0 : i32
    %c0_i32_0 = arith.constant 0 : i32
    return %arg0, %c0_i32 : i32, i32
  }
  func.func @transform_1(%arg0: i32) -> (i32, i32) {
    %c0_i32 = arith.constant 0 : i32
    %c0_i32_0 = arith.constant 0 : i32
    %c0_i32_1 = arith.constant 0 : i32
    return %c0_i32, %c0_i32_0 : i32, i32
  }
  func.func @transform_2(%arg0: i32) -> (i32, i32) {
    %c0_i32 = arith.constant 0 : i32
    %c0_i32_0 = arith.constant 0 : i32
    return %arg0, %c0_i32 : i32, i32
  }
  func.func @transform_3(%arg0: i32) -> (i32, i32) {
    %c0_i32 = arith.constant 0 : i32
    %c0_i32_0 = arith.constant 0 : i32
    return %arg0, %c0_i32 : i32, i32
  }
}

module attributes {stable_mosaic.version = 14 : i64} {
  func.func @body(%arg0: i32, %arg1: memref<2x2048x128xf32, #tpu.memory_space<vmem>>, %arg2: memref<2048x128xf32, #tpu.memory_space<vmem>>, %arg3: memref<2048x1xf32, #tpu.memory_space<vmem>>, %arg4: memref<1x128xf32, #tpu.memory_space<vmem>>, %arg5: memref<128x128xf32, #tpu.memory_space<vmem>>, %arg6: memref<2048x128xf32, #tpu.memory_space<vmem>>) attributes {dimension_semantics = [#tpu.dimension_semantics<arbitrary>], iteration_bounds = array<i64: 5>, scalar_prefetch = 0 : i64, scratch_operands = 0 : i64, tpu.core_type = #tpu.core_type<tc>, window_params = [{transform_indices = @transform_0, window_bounds = array<i64: 2, 2048, 128>}, {transform_indices = @transform_1, window_bounds = array<i64: 2048, 128>}, {transform_indices = @transform_2, window_bounds = array<i64: 2048, 1>}, {pipeline_mode = #tpu.pipeline_mode<synchronous>, transform_indices = @transform_3, window_bounds = array<i64: 1, 128>}, {pipeline_mode = #tpu.pipeline_mode<synchronous>, transform_indices = @transform_4, window_bounds = array<i64: 128, 128>}, {transform_indices = @transform_5, window_bounds = array<i64: 2048, 128>}]} {
    %get3A = arith.constant 0 : index
    %get3A_0 = arith.constant 0 : index
    %get3A_1 = vector.load %arg3[%get3A, %get3A_0] : memref<2048x1xf32, #tpu.memory_space<vmem>>, vector<2048x1xf32>
    %get3A_2 = arith.constant 0 : index
    %get3A_3 = arith.constant 0 : index
    %get3A_4 = arith.constant 0 : index
    %get3A_5 = vector.load %arg1[%get3A_2, %get3A_3, %get3A_4] : memref<2x2048x128xf32, #tpu.memory_space<vmem>>, vector<1x2048x128xf32>
    %get3A_6 = vector.shape_cast %get3A_5 : vector<1x2048x128xf32> to vector<2048x128xf32>
    %get3A_7 = arith.constant 1 : index
    %get3A_8 = arith.constant 0 : index
    %get3A_9 = arith.constant 0 : index
    %get3A_10 = vector.load %arg1[%get3A_7, %get3A_8, %get3A_9] : memref<2x2048x128xf32, #tpu.memory_space<vmem>>, vector<1x2048x128xf32>
    %get3A_11 = vector.shape_cast %get3A_10 : vector<1x2048x128xf32> to vector<2048x128xf32>
    %add3A = arith.addf %get3A_6, %get3A_11 : vector<2048x128xf32>
    %get3A_12 = arith.constant 0 : index
    %get3A_13 = arith.constant 0 : index
    %get3A_14 = vector.load %arg2[%get3A_12, %get3A_13] : memref<2048x128xf32, #tpu.memory_space<vmem>>, vector<2048x128xf32>
    %add3A_15 = arith.addf %add3A, %get3A_14 : vector<2048x128xf32>
    %mul3A = vector.broadcast %get3A_1 : vector<2048x1xf32> to vector<2048x128xf32>
    %mul3A_16 = arith.mulf %mul3A, %add3A_15 : vector<2048x128xf32>
    %get3A_17 = arith.constant 0 : index
    %get3A_18 = arith.constant 0 : index
    %get3A_19 = vector.load %arg4[%get3A_17, %get3A_18] : memref<1x128xf32, #tpu.memory_space<vmem>>, vector<1x128xf32>
    %add3A_20 = vector.broadcast %get3A_19 : vector<1x128xf32> to vector<2048x128xf32>
    %add3A_21 = arith.addf %mul3A_16, %add3A_20 : vector<2048x128xf32>
    %reduce_sum3A = arith.constant dense<0.000000e+00> : vector<2048xf32>
    %reduce_sum3A_22 = vector.multi_reduction <add>, %add3A_21, %reduce_sum3A [1] : vector<2048x128xf32> to vector<2048xf32>
    %broadcast_in_dim3A = vector.shape_cast %reduce_sum3A_22 : vector<2048xf32> to vector<2048x1xf32>
    %div3A = arith.constant 1.280000e+02 : f32
    %div3A_23 = vector.broadcast %div3A : f32 to vector<2048x1xf32>
    %div3A_24 = arith.divf %broadcast_in_dim3A, %div3A_23 : vector<2048x1xf32>
    %sub3A = vector.broadcast %div3A_24 : vector<2048x1xf32> to vector<2048x128xf32>
    %sub3A_25 = arith.subf %add3A_21, %sub3A : vector<2048x128xf32>
    %sub3A_26 = vector.broadcast %div3A_24 : vector<2048x1xf32> to vector<2048x128xf32>
    %sub3A_27 = arith.subf %add3A_21, %sub3A_26 : vector<2048x128xf32>
    %mul3A_28 = arith.mulf %sub3A_25, %sub3A_27 : vector<2048x128xf32>
    %reduce_sum3A_29 = arith.constant dense<0.000000e+00> : vector<2048xf32>
    %reduce_sum3A_30 = vector.multi_reduction <add>, %mul3A_28, %reduce_sum3A_29 [1] : vector<2048x128xf32> to vector<2048xf32>
    %broadcast_in_dim3A_31 = vector.shape_cast %reduce_sum3A_30 : vector<2048xf32> to vector<2048x1xf32>
    %div3A_32 = arith.constant 1.280000e+02 : f32
    %div3A_33 = vector.broadcast %div3A_32 : f32 to vector<2048x1xf32>
    %div3A_34 = arith.divf %broadcast_in_dim3A_31, %div3A_33 : vector<2048x1xf32>
    %sub3A_35 = vector.broadcast %div3A_24 : vector<2048x1xf32> to vector<2048x128xf32>
    %sub3A_36 = arith.subf %add3A_21, %sub3A_35 : vector<2048x128xf32>
    %add3A_37 = arith.constant 9.99999974E-6 : f32
    %add3A_38 = vector.broadcast %add3A_37 : f32 to vector<2048x1xf32>
    %add3A_39 = arith.addf %div3A_34, %add3A_38 : vector<2048x1xf32>
    %sqrt3A = math.sqrt %add3A_39 : vector<2048x1xf32>
    %div3A_40 = vector.broadcast %sqrt3A : vector<2048x1xf32> to vector<2048x128xf32>
    %div3A_41 = arith.divf %sub3A_36, %div3A_40 : vector<2048x128xf32>
    %max3A = arith.constant 0.000000e+00 : f32
    %max3A_42 = vector.broadcast %max3A : f32 to vector<2048x128xf32>
    %max3A_43 = arith.maximumf %div3A_41, %max3A_42 : vector<2048x128xf32>
    %get3A_44 = arith.constant 0 : index
    %get3A_45 = arith.constant 0 : index
    %get3A_46 = vector.load %arg5[%get3A_44, %get3A_45] : memref<128x128xf32, #tpu.memory_space<vmem>>, vector<128x128xf32>
    %dot_general3A = arith.constant dense<0.000000e+00> : vector<2048x128xf32>
    %dot_general3A_47 = tpu.matmul %max3A_43, %get3A_46, %dot_general3A {dimension_numbers = #tpu.dot_dimension_numbers<[1], [0], [0], [1], [0, 0, 1, 1], [], []>, transpose_lhs_hint = false} : vector<2048x128xf32>, vector<128x128xf32>, vector<2048x128xf32> -> vector<2048x128xf32>
    %mul3A_48 = vector.broadcast %get3A_1 : vector<2048x1xf32> to vector<2048x128xf32>
    %mul3A_49 = arith.mulf %dot_general3A_47, %mul3A_48 : vector<2048x128xf32>
    %mul3A_50 = arith.constant 2048 : i32
    %mul3A_51 = arith.muli %arg0, %mul3A_50 : i32
    %iota3A = tpu.iota {dimensions = array<i32: 0>} : vector<2048x1xi32>
    %add3A_52 = vector.broadcast %mul3A_51 : i32 to vector<2048x1xi32>
    %add3A_53 = arith.addi %add3A_52, %iota3A : vector<2048x1xi32>
    %lt3A = arith.constant 10000 : i32
    %lt3A_54 = vector.broadcast %lt3A : i32 to vector<2048x1xi32>
    %lt3A_55 = arith.cmpi slt, %add3A_53, %lt3A_54 : vector<2048x1xi32>
    %jit3A = arith.constant 0.000000e+00 : f32
    %broadcast_in_dim3A_56 = vector.shape_cast %lt3A_55 : vector<2048x1xi1> to vector<2048x1xi1>
    %broadcast_in_dim3A_57 = vector.broadcast %broadcast_in_dim3A_56 : vector<2048x1xi1> to vector<2048x128xi1>
    %broadcast_in_dim3A_58 = vector.broadcast %jit3A : f32 to vector<2048x128xf32>
    %select_n3A = arith.select %broadcast_in_dim3A_57, %mul3A_49, %broadcast_in_dim3A_58 : vector<2048x128xi1>, vector<2048x128xf32>
    %swap3A = arith.constant 0 : index
    %swap3A_59 = arith.constant 0 : index
    %swap3A_60 = vector.load %arg6[%swap3A, %swap3A_59] : memref<2048x128xf32, #tpu.memory_space<vmem>>, vector<2048x128xf32>
    tpu.vector_store %arg6[%swap3A, %swap3A_59], %select_n3A {strides = array<i32>} : memref<2048x128xf32, #tpu.memory_space<vmem>>, vector<2048x128xf32>,
    return
  }
  func.func @transform_0(%arg0: i32) -> (i32, i32, i32) {
    %c0_i32 = arith.constant 0 : i32
    %c0_i32_0 = arith.constant 0 : i32
    %c0_i32_1 = arith.constant 0 : i32
    return %c0_i32, %arg0, %c0_i32_0 : i32, i32, i32
  }
  func.func @transform_1(%arg0: i32) -> (i32, i32) {
    %c0_i32 = arith.constant 0 : i32
    %c0_i32_0 = arith.constant 0 : i32
    return %arg0, %c0_i32 : i32, i32
  }
  func.func @transform_2(%arg0: i32) -> (i32, i32) {
    %c0_i32 = arith.constant 0 : i32
    %c0_i32_0 = arith.constant 0 : i32
    return %arg0, %c0_i32 : i32, i32
  }
  func.func @transform_3(%arg0: i32) -> (i32, i32) {
    %c0_i32 = arith.constant 0 : i32
    %c0_i32_0 = arith.constant 0 : i32
    %c0_i32_1 = arith.constant 0 : i32
    return %c0_i32, %c0_i32_0 : i32, i32
  }
  func.func @transform_4(%arg0: i32) -> (i32, i32) {
    %c0_i32 = arith.constant 0 : i32
    %c0_i32_0 = arith.constant 0 : i32
    %c0_i32_1 = arith.constant 0 : i32
    return %c0_i32, %c0_i32_0 : i32, i32
  }
  func.func @transform_5(%arg0: i32) -> (i32, i32) {
    %c0_i32 = arith.constant 0 : i32
    %c0_i32_0 = arith.constant 0 : i32
    return %arg0, %c0_i32 : i32, i32
  }
}

module attributes {stable_mosaic.version = 14 : i64} {
  func.func @body(%arg0: i32, %arg1: memref<2x2048x128xf32, #tpu.memory_space<vmem>>, %arg2: memref<2048x128xf32, #tpu.memory_space<vmem>>, %arg3: memref<2048x1xf32, #tpu.memory_space<vmem>>, %arg4: memref<1x128xf32, #tpu.memory_space<vmem>>, %arg5: memref<2048x128xf32, #tpu.memory_space<vmem>>, %arg6: memref<128x128xf32, #tpu.memory_space<vmem>>, %arg7: memref<1x128xf32, #tpu.memory_space<vmem>>, %arg8: memref<128x16xf32, #tpu.memory_space<vmem>>, %arg9: memref<2048x128xf32, #tpu.memory_space<vmem>>, %arg10: memref<2048x16xf32, #tpu.memory_space<vmem>>) attributes {dimension_semantics = [#tpu.dimension_semantics<arbitrary>], iteration_bounds = array<i64: 5>, scalar_prefetch = 0 : i64, scratch_operands = 0 : i64, tpu.core_type = #tpu.core_type<tc>, window_params = [{transform_indices = @transform_0, window_bounds = array<i64: 2, 2048, 128>}, {transform_indices = @transform_1, window_bounds = array<i64: 2048, 128>}, {transform_indices = @transform_2, window_bounds = array<i64: 2048, 1>}, {pipeline_mode = #tpu.pipeline_mode<synchronous>, transform_indices = @transform_3, window_bounds = array<i64: 1, 128>}, {transform_indices = @transform_4, window_bounds = array<i64: 2048, 128>}, {pipeline_mode = #tpu.pipeline_mode<synchronous>, transform_indices = @transform_5, window_bounds = array<i64: 128, 128>}, {pipeline_mode = #tpu.pipeline_mode<synchronous>, transform_indices = @transform_6, window_bounds = array<i64: 1, 128>}, {pipeline_mode = #tpu.pipeline_mode<synchronous>, transform_indices = @transform_7, window_bounds = array<i64: 128, 16>}, {transform_indices = @transform_8, window_bounds = array<i64: 2048, 128>}, {transform_indices = @transform_9, window_bounds = array<i64: 2048, 16>}]} {
    %get3A = arith.constant 0 : index
    %get3A_0 = arith.constant 0 : index
    %get3A_1 = vector.load %arg3[%get3A, %get3A_0] : memref<2048x1xf32, #tpu.memory_space<vmem>>, vector<2048x1xf32>
    %get3A_2 = arith.constant 0 : index
    %get3A_3 = arith.constant 0 : index
    %get3A_4 = arith.constant 0 : index
    %get3A_5 = vector.load %arg1[%get3A_2, %get3A_3, %get3A_4] : memref<2x2048x128xf32, #tpu.memory_space<vmem>>, vector<1x2048x128xf32>
    %get3A_6 = vector.shape_cast %get3A_5 : vector<1x2048x128xf32> to vector<2048x128xf32>
    %get3A_7 = arith.constant 1 : index
    %get3A_8 = arith.constant 0 : index
    %get3A_9 = arith.constant 0 : index
    %get3A_10 = vector.load %arg1[%get3A_7, %get3A_8, %get3A_9] : memref<2x2048x128xf32, #tpu.memory_space<vmem>>, vector<1x2048x128xf32>
    %get3A_11 = vector.shape_cast %get3A_10 : vector<1x2048x128xf32> to vector<2048x128xf32>
    %add3A = arith.addf %get3A_6, %get3A_11 : vector<2048x128xf32>
    %get3A_12 = arith.constant 0 : index
    %get3A_13 = arith.constant 0 : index
    %get3A_14 = vector.load %arg2[%get3A_12, %get3A_13] : memref<2048x128xf32, #tpu.memory_space<vmem>>, vector<2048x128xf32>
    %add3A_15 = arith.addf %add3A, %get3A_14 : vector<2048x128xf32>
    %mul3A = vector.broadcast %get3A_1 : vector<2048x1xf32> to vector<2048x128xf32>
    %mul3A_16 = arith.mulf %mul3A, %add3A_15 : vector<2048x128xf32>
    %get3A_17 = arith.constant 0 : index
    %get3A_18 = arith.constant 0 : index
    %get3A_19 = vector.load %arg4[%get3A_17, %get3A_18] : memref<1x128xf32, #tpu.memory_space<vmem>>, vector<1x128xf32>
    %add3A_20 = vector.broadcast %get3A_19 : vector<1x128xf32> to vector<2048x128xf32>
    %add3A_21 = arith.addf %mul3A_16, %add3A_20 : vector<2048x128xf32>
    %reduce_sum3A = arith.constant dense<0.000000e+00> : vector<2048xf32>
    %reduce_sum3A_22 = vector.multi_reduction <add>, %add3A_21, %reduce_sum3A [1] : vector<2048x128xf32> to vector<2048xf32>
    %broadcast_in_dim3A = vector.shape_cast %reduce_sum3A_22 : vector<2048xf32> to vector<2048x1xf32>
    %div3A = arith.constant 1.280000e+02 : f32
    %div3A_23 = vector.broadcast %div3A : f32 to vector<2048x1xf32>
    %div3A_24 = arith.divf %broadcast_in_dim3A, %div3A_23 : vector<2048x1xf32>
    %sub3A = vector.broadcast %div3A_24 : vector<2048x1xf32> to vector<2048x128xf32>
    %sub3A_25 = arith.subf %add3A_21, %sub3A : vector<2048x128xf32>
    %sub3A_26 = vector.broadcast %div3A_24 : vector<2048x1xf32> to vector<2048x128xf32>
    %sub3A_27 = arith.subf %add3A_21, %sub3A_26 : vector<2048x128xf32>
    %mul3A_28 = arith.mulf %sub3A_25, %sub3A_27 : vector<2048x128xf32>
    %reduce_sum3A_29 = arith.constant dense<0.000000e+00> : vector<2048xf32>
    %reduce_sum3A_30 = vector.multi_reduction <add>, %mul3A_28, %reduce_sum3A_29 [1] : vector<2048x128xf32> to vector<2048xf32>
    %broadcast_in_dim3A_31 = vector.shape_cast %reduce_sum3A_30 : vector<2048xf32> to vector<2048x1xf32>
    %div3A_32 = arith.constant 1.280000e+02 : f32
    %div3A_33 = vector.broadcast %div3A_32 : f32 to vector<2048x1xf32>
    %div3A_34 = arith.divf %broadcast_in_dim3A_31, %div3A_33 : vector<2048x1xf32>
    %sub3A_35 = vector.broadcast %div3A_24 : vector<2048x1xf32> to vector<2048x128xf32>
    %sub3A_36 = arith.subf %add3A_21, %sub3A_35 : vector<2048x128xf32>
    %add3A_37 = arith.constant 9.99999974E-6 : f32
    %add3A_38 = vector.broadcast %add3A_37 : f32 to vector<2048x1xf32>
    %add3A_39 = arith.addf %div3A_34, %add3A_38 : vector<2048x1xf32>
    %sqrt3A = math.sqrt %add3A_39 : vector<2048x1xf32>
    %div3A_40 = vector.broadcast %sqrt3A : vector<2048x1xf32> to vector<2048x128xf32>
    %div3A_41 = arith.divf %sub3A_36, %div3A_40 : vector<2048x128xf32>
    %max3A = arith.constant 0.000000e+00 : f32
    %max3A_42 = vector.broadcast %max3A : f32 to vector<2048x128xf32>
    %max3A_43 = arith.maximumf %div3A_41, %max3A_42 : vector<2048x128xf32>
    %get3A_44 = arith.constant 0 : index
    %get3A_45 = arith.constant 0 : index
    %get3A_46 = vector.load %arg5[%get3A_44, %get3A_45] : memref<2048x128xf32, #tpu.memory_space<vmem>>, vector<2048x128xf32>
    %get3A_47 = arith.constant 0 : index
    %get3A_48 = arith.constant 0 : index
    %get3A_49 = vector.load %arg6[%get3A_47, %get3A_48] : memref<128x128xf32, #tpu.memory_space<vmem>>, vector<128x128xf32>
    %dot_general3A = arith.constant dense<0.000000e+00> : vector<2048x128xf32>
    %dot_general3A_50 = tpu.matmul %get3A_46, %get3A_49, %dot_general3A {dimension_numbers = #tpu.dot_dimension_numbers<[1], [0], [0], [1], [0, 0, 1, 1], [], []>, transpose_lhs_hint = false} : vector<2048x128xf32>, vector<128x128xf32>, vector<2048x128xf32> -> vector<2048x128xf32>
    %add3A_51 = arith.addf %max3A_43, %dot_general3A_50 : vector<2048x128xf32>
    %get3A_52 = arith.constant 0 : index
    %get3A_53 = arith.constant 0 : index
    %get3A_54 = vector.load %arg7[%get3A_52, %get3A_53] : memref<1x128xf32, #tpu.memory_space<vmem>>, vector<1x128xf32>
    %add3A_55 = vector.broadcast %get3A_54 : vector<1x128xf32> to vector<2048x128xf32>
    %add3A_56 = arith.addf %add3A_51, %add3A_55 : vector<2048x128xf32>
    %swap3A = arith.constant 0 : index
    %swap3A_57 = arith.constant 0 : index
    %swap3A_58 = vector.load %arg9[%swap3A, %swap3A_57] : memref<2048x128xf32, #tpu.memory_space<vmem>>, vector<2048x128xf32>
    tpu.vector_store %arg9[%swap3A, %swap3A_57], %add3A_56 {strides = array<i32>} : memref<2048x128xf32, #tpu.memory_space<vmem>>, vector<2048x128xf32>,
    %get3A_59 = arith.constant 0 : index
    %get3A_60 = arith.constant 0 : index
    %get3A_61 = vector.load %arg8[%get3A_59, %get3A_60] : memref<128x16xf32, #tpu.memory_space<vmem>>, vector<128x16xf32>
    %dot_general3A_62 = arith.constant dense<0.000000e+00> : vector<2048x16xf32>
    %dot_general3A_63 = tpu.matmul %add3A_56, %get3A_61, %dot_general3A_62 {dimension_numbers = #tpu.dot_dimension_numbers<[1], [0], [0], [1], [0, 0, 1, 1], [], []>, transpose_lhs_hint = false} : vector<2048x128xf32>, vector<128x16xf32>, vector<2048x16xf32> -> vector<2048x16xf32>
    %mul3A_64 = vector.broadcast %get3A_1 : vector<2048x1xf32> to vector<2048x16xf32>
    %mul3A_65 = arith.mulf %dot_general3A_63, %mul3A_64 : vector<2048x16xf32>
    %mul3A_66 = arith.constant 2048 : i32
    %mul3A_67 = arith.muli %arg0, %mul3A_66 : i32
    %iota3A = tpu.iota {dimensions = array<i32: 0>} : vector<2048x1xi32>
    %add3A_68 = vector.broadcast %mul3A_67 : i32 to vector<2048x1xi32>
    %add3A_69 = arith.addi %add3A_68, %iota3A : vector<2048x1xi32>
    %lt3A = arith.constant 10000 : i32
    %lt3A_70 = vector.broadcast %lt3A : i32 to vector<2048x1xi32>
    %lt3A_71 = arith.cmpi slt, %add3A_69, %lt3A_70 : vector<2048x1xi32>
    %jit3A = arith.constant 0.000000e+00 : f32
    %broadcast_in_dim3A_72 = vector.shape_cast %lt3A_71 : vector<2048x1xi1> to vector<2048x1xi1>
    %broadcast_in_dim3A_73 = vector.broadcast %broadcast_in_dim3A_72 : vector<2048x1xi1> to vector<2048x16xi1>
    %broadcast_in_dim3A_74 = vector.broadcast %jit3A : f32 to vector<2048x16xf32>
    %select_n3A = arith.select %broadcast_in_dim3A_73, %mul3A_65, %broadcast_in_dim3A_74 : vector<2048x16xi1>, vector<2048x16xf32>
    %swap3A_75 = arith.constant 0 : index
    %swap3A_76 = arith.constant 0 : index
    %swap3A_77 = vector.load %arg10[%swap3A_75, %swap3A_76] : memref<2048x16xf32, #tpu.memory_space<vmem>>, vector<2048x16xf32>
    tpu.vector_store %arg10[%swap3A_75, %swap3A_76], %select_n3A {strides = array<i32>} : memref<2048x16xf32, #tpu.memory_space<vmem>>, vector<2048x16xf32>,
    return
  }
  func.func @transform_0(%arg0: i32) -> (i32, i32, i32) {
    %c0_i32 = arith.constant 0 : i32
    %c0_i32_0 = arith.constant 0 : i32
    %c0_i32_1 = arith.constant 0 : i32
    return %c0_i32, %arg0, %c0_i32_0 : i32, i32, i32
  }
  func.func @transform_1(%arg0: i32) -> (i32, i32) {
    %c0_i32 = arith.constant 0 : i32
    %c0_i32_0 = arith.constant 0 : i32
    return %arg0, %c0_i32 : i32, i32
  }
  func.func @transform_2(%arg0: i32) -> (i32, i32) {
    %c0_i32 = arith.constant 0 : i32
    %c0_i32_0 = arith.constant 0 : i32
    return %arg0, %c0_i32 : i32, i32
  }
  func.func @transform_3(%arg0: i32) -> (i32, i32) {
    %c0_i32 = arith.constant 0 : i32
    %c0_i32_0 = arith.constant 0 : i32
    %c0_i32_1 = arith.constant 0 : i32
    return %c0_i32, %c0_i32_0 : i32, i32
  }
  func.func @transform_4(%arg0: i32) -> (i32, i32) {
    %c0_i32 = arith.constant 0 : i32
    %c0_i32_0 = arith.constant 0 : i32
    return %arg0, %c0_i32 : i32, i32
  }
  func.func @transform_5(%arg0: i32) -> (i32, i32) {
    %c0_i32 = arith.constant 0 : i32
    %c0_i32_0 = arith.constant 0 : i32
    %c0_i32_1 = arith.constant 0 : i32
    return %c0_i32, %c0_i32_0 : i32, i32
  }
  func.func @transform_6(%arg0: i32) -> (i32, i32) {
    %c0_i32 = arith.constant 0 : i32
    %c0_i32_0 = arith.constant 0 : i32
    %c0_i32_1 = arith.constant 0 : i32
    return %c0_i32, %c0_i32_0 : i32, i32
  }
  func.func @transform_7(%arg0: i32) -> (i32, i32) {
    %c0_i32 = arith.constant 0 : i32
    %c0_i32_0 = arith.constant 0 : i32
    %c0_i32_1 = arith.constant 0 : i32
    return %c0_i32, %c0_i32_0 : i32, i32
  }
  func.func @transform_8(%arg0: i32) -> (i32, i32) {
    %c0_i32 = arith.constant 0 : i32
    %c0_i32_0 = arith.constant 0 : i32
    return %arg0, %c0_i32 : i32, i32
  }
  func.func @transform_9(%arg0: i32) -> (i32, i32) {
    %c0_i32 = arith.constant 0 : i32
    %c0_i32_0 = arith.constant 0 : i32
    return %arg0, %c0_i32 : i32, i32
  }
}

module attributes {stable_mosaic.version = 14 : i64} {
  func.func @body(%arg0: i32, %arg1: memref<2x2048x16xf32, #tpu.memory_space<vmem>>, %arg2: memref<2048x16xf32, #tpu.memory_space<vmem>>, %arg3: memref<2048x1xf32, #tpu.memory_space<vmem>>, %arg4: memref<1x16xf32, #tpu.memory_space<vmem>>, %arg5: memref<2048x2xf32, #tpu.memory_space<vmem>>) attributes {dimension_semantics = [#tpu.dimension_semantics<arbitrary>], iteration_bounds = array<i64: 5>, scalar_prefetch = 0 : i64, scratch_operands = 0 : i64, tpu.core_type = #tpu.core_type<tc>, window_params = [{transform_indices = @transform_0, window_bounds = array<i64: 2, 2048, 16>}, {transform_indices = @transform_1, window_bounds = array<i64: 2048, 16>}, {transform_indices = @transform_2, window_bounds = array<i64: 2048, 1>}, {pipeline_mode = #tpu.pipeline_mode<synchronous>, transform_indices = @transform_3, window_bounds = array<i64: 1, 16>}, {transform_indices = @transform_4, window_bounds = array<i64: 2048, 2>}]} {
    %get3A = arith.constant 0 : index
    %get3A_0 = arith.constant 0 : index
    %get3A_1 = vector.load %arg3[%get3A, %get3A_0] : memref<2048x1xf32, #tpu.memory_space<vmem>>, vector<2048x1xf32>
    %get3A_2 = arith.constant 0 : index
    %get3A_3 = arith.constant 0 : index
    %get3A_4 = arith.constant 0 : index
    %get3A_5 = vector.load %arg1[%get3A_2, %get3A_3, %get3A_4] : memref<2x2048x16xf32, #tpu.memory_space<vmem>>, vector<1x2048x16xf32>
    %get3A_6 = vector.shape_cast %get3A_5 : vector<1x2048x16xf32> to vector<2048x16xf32>
    %get3A_7 = arith.constant 1 : index
    %get3A_8 = arith.constant 0 : index
    %get3A_9 = arith.constant 0 : index
    %get3A_10 = vector.load %arg1[%get3A_7, %get3A_8, %get3A_9] : memref<2x2048x16xf32, #tpu.memory_space<vmem>>, vector<1x2048x16xf32>
    %get3A_11 = vector.shape_cast %get3A_10 : vector<1x2048x16xf32> to vector<2048x16xf32>
    %add3A = arith.addf %get3A_6, %get3A_11 : vector<2048x16xf32>
    %get3A_12 = arith.constant 0 : index
    %get3A_13 = arith.constant 0 : index
    %get3A_14 = vector.load %arg2[%get3A_12, %get3A_13] : memref<2048x16xf32, #tpu.memory_space<vmem>>, vector<2048x16xf32>
    %add3A_15 = arith.addf %add3A, %get3A_14 : vector<2048x16xf32>
    %mul3A = vector.broadcast %get3A_1 : vector<2048x1xf32> to vector<2048x16xf32>
    %mul3A_16 = arith.mulf %mul3A, %add3A_15 : vector<2048x16xf32>
    %get3A_17 = arith.constant 0 : index
    %get3A_18 = arith.constant 0 : index
    %get3A_19 = vector.load %arg4[%get3A_17, %get3A_18] : memref<1x16xf32, #tpu.memory_space<vmem>>, vector<1x16xf32>
    %add3A_20 = vector.broadcast %get3A_19 : vector<1x16xf32> to vector<2048x16xf32>
    %add3A_21 = arith.addf %mul3A_16, %add3A_20 : vector<2048x16xf32>
    %logistic3A = arith.negf %add3A_21 : vector<2048x16xf32>
    %logistic3A_22 = math.exp %logistic3A : vector<2048x16xf32>
    %logistic3A_23 = arith.constant 1.000000e+00 : f32
    %logistic3A_24 = vector.broadcast %logistic3A_23 : f32 to vector<2048x16xf32>
    %logistic3A_25 = arith.addf %logistic3A_24, %logistic3A_22 : vector<2048x16xf32>
    %logistic3A_26 = arith.divf %logistic3A_24, %logistic3A_25 : vector<2048x16xf32>
    %sub3A = arith.constant 5.000000e-01 : f32
    %sub3A_27 = vector.broadcast %sub3A : f32 to vector<2048x16xf32>
    %sub3A_28 = arith.subf %logistic3A_26, %sub3A_27 : vector<2048x16xf32>
    %slice3A = vector.extract_strided_slice %sub3A_28 {offsets = [0, 0], sizes = [2048, 2], strides = [1, 1]} : vector<2048x16xf32> to vector<2048x2xf32>
    %swap3A = arith.constant 0 : index
    %swap3A_29 = arith.constant 0 : index
    %swap3A_30 = vector.load %arg5[%swap3A, %swap3A_29] : memref<2048x2xf32, #tpu.memory_space<vmem>>, vector<2048x2xf32>
    tpu.vector_store %arg5[%swap3A, %swap3A_29], %slice3A {strides = array<i32>} : memref<2048x2xf32, #tpu.memory_space<vmem>>, vector<2048x2xf32>,
    return
  }
  func.func @transform_0(%arg0: i32) -> (i32, i32, i32) {
    %c0_i32 = arith.constant 0 : i32
    %c0_i32_0 = arith.constant 0 : i32
    %c0_i32_1 = arith.constant 0 : i32
    return %c0_i32, %arg0, %c0_i32_0 : i32, i32, i32
  }
  func.func @transform_1(%arg0: i32) -> (i32, i32) {
    %c0_i32 = arith.constant 0 : i32
    %c0_i32_0 = arith.constant 0 : i32
    return %arg0, %c0_i32 : i32, i32
  }
  func.func @transform_2(%arg0: i32) -> (i32, i32) {
    %c0_i32 = arith.constant 0 : i32
    %c0_i32_0 = arith.constant 0 : i32
    return %arg0, %c0_i32 : i32, i32
  }
  func.func @transform_3(%arg0: i32) -> (i32, i32) {
    %c0_i32 = arith.constant 0 : i32
    %c0_i32_0 = arith.constant 0 : i32
    %c0_i32_1 = arith.constant 0 : i32
    return %c0_i32, %c0_i32_0 : i32, i32
  }
  func.func @transform_4(%arg0: i32) -> (i32, i32) {
    %c0_i32 = arith.constant 0 : i32
    %c0_i32_0 = arith.constant 0 : i32
    return %arg0, %c0_i32 : i32, i32
  }
}

</mosaic_0001>

<sc_bundles>
// kernel: kernel.10.cloned.1.call-start
scs
__scs_entry_jumppad:
0x0: {  	(pc) =	sbr.rel $0x88, $3  }
0x1: {  	(tag) =	ssettag $0x0;
	lr =	simm.s32 $0x1  }
0x2: {  	[smem:$0x3F97] =	sst lr;
	_ =	strace $0xD0000000  }
0x3: {  	_ = 	snop  }
0x4: {  	_ = 	snop  }
0x5: {  	_ = 	snop  }
0x6: {  	_ = 	snop  }
0x7: {  	_ = 	snop  }
__scs_overlays_trampoline_lowered:
0x8: {  	[smem:$0x3FA6] =	sst s0  }
0x9: {  	[smem:$0x3FA7] =	sst s1  }
0xa: {  	[smem:$0x3FA8] =	sst s2  }
0xb: {  	[smem:$0x3FA9] =	sst s3  }
0xc: {  	[smem:$0x3FAA] =	sst s4  }
0xd: {  	[smem:$0x3FAB] =	sst s5  }
0xe: {  	[smem:$0x3FAC] =	sst s6  }
0xf: {  	[smem:$0x3FAD] =	sst s7  }
0x10: {  	[smem:$0x3FAE] =	sst s8  }
0x11: {  	[smem:$0x3FAF] =	sst s9;
	s0 =	simm.s32 @!p0 $0x0  }
0x12: {  	s1 =	sld [smem:$0x3F95];
	s0 =	simm.s32 @p0 $0x1  }
0x13: {  	[smem:$0x3FB0] =	sst s0;
	s0 =	simm.s32 @!p1 $0x0  }
0x14: {  	s2 =	sld [smem:$0x3F94];
	s0 =	simm.s32 @p1 $0x1  }
0x15: {  	[smem:$0x3FB1] =	sst s0;
	s0 =	simm.s32 @!p2 $0x0  }
0x16: {  	s3 =	sld [smem:$0x3FDB];
	s0 =	simm.s32 @p2 $0x1  }
0x17: {  	s4 =	simm.s32 $0x1BF5;
	[smem:$0x3FB3] =	sst s0  }
0x18: {  	s0 =	sld [smem:$0x3F96];
	_ =	swait.ge [sflag:s4], $0x0  }
0x19: {  	s7 =	sld [smem:$0x3F97]  }
0x1a: {  	s8 =	sadd.s32 $0xFFFFE003, lr  }
0x1b: {  	s9 =	sadd.s32 $0xFFFFFEF7, lr;
	s5 =	simm.s32 $0xFFFFFFFF;
	p2 =	slt.u32 s8, $0xFFFFF086  }
0x1c: {  	p1 =	slt.u32 s9, $0xF7A;
	s5 =	simm.s32 @!p2 $0x0  }
0x1d: {  	s5 =	simm.s32 @p1 $0x1;
	p0 =	seq.s32 s7, s2  }
0x1e: {  	s7 =	smul.u32 @!p0 $0xF7A, s2;
	p2 =	seq.s32 @!p0 s5, $0x0  }
0x1f: {  	s9 =	smul.u32 $0xF7A, s1;
	s8 =	simm.s32 @!p0 $0x1BF5;
	p2 =	por !p2, p0  }
0x20: {  	[sflag:s8] =	ssyncset.s32 @!p0 $0xFFFFF086;
	s6 =	sadd.s32 @!p0 s3, s7;
	s7 =	simm.s32 @!p0 $0x108  }
0x21: {  	s3 =	sadd.s32 s3, s9;
	s6 =	sadd.s32 @!p0 $0x88, s6;
	s7 =	simm.s32 @p2 $0x1082  }
0x22: {  	[simem:s7], [sflag:s8] =	dma.local @!p0 [hbm:s6], $0xF7A  }
0x23: {  	s9 =	sor.u32 $0xD0000000, s2;
	s6 =	simm.s32 $0x108;
	_ =	swait.ge @!p0 [sflag:s8], $0x0  }
0x24: {  	s3 =	sadd.s32 $0x88, s3;
	s6 =	simm.s32 @!p1 $0x1082;
	[sflag:s4] =	ssyncset.s32 $0xFFFFF086  }
0x25: {  	[simem:s6], [sflag:s4] =	dma.local [hbm:s3], $0xF7A  }
0x26: {  	[smem:$0x3F97] =	sst s1;
	(tag) =	ssettag s2;
	_ =	strace s9  }
0x27: {  	s1 =	sld [smem:$0x3FA7]  }
0x28: {  	s2 =	sld [smem:$0x3FA8]  }
0x29: {  	s4 =	sld [smem:$0x3FAA]  }
0x2a: {  	p0 =	seq.s32 s5, $0x0;
	s5 =	sld [smem:$0x3FAB]  }
0x2b: {  	s6 =	sld [smem:$0x3FAC]  }
0x2c: {  	s7 =	sld [smem:$0x3FAD]  }
0x2d: {  	s3 =	simm.s32 $0x108;
	s8 =	sld [smem:$0x3FAE]  }
0x2e: {  	s3 =	simm.s32 @!p0 $0x1082;
	s9 =	sld [smem:$0x3FAF]  }
0x2f: {  	lr =	sadd.s32 s0, s3;
	s0 =	sld [smem:$0x3FA6]  }
0x30: {  	s3 =	sld [smem:$0x3FA9]  }
0x31: {  	[smem:$0x3FB2] =	sst s10  }
0x32: {  	s10 =	sld [smem:$0x3FB0];
	_ =	sdelay $0x3  }
0x33: {  	p0 =	seq.s32 s10, $0x1;
	s10 =	sld [smem:$0x3FB2];
	_ =	sdelay $0x3  }
0x34: {  	[smem:$0x3FB2] =	sst s10  }
0x35: {  	s10 =	sld [smem:$0x3FB1];
	_ =	sdelay $0x3  }
0x36: {  	p1 =	seq.s32 s10, $0x1;
	s10 =	sld [smem:$0x3FB2];
	_ =	sdelay $0x3  }
0x37: {  	[smem:$0x3FB2] =	sst s10  }
0x38: {  	s10 =	sld [smem:$0x3FB3]  }
0x39: {  	_ = 	snop;
	(pc) =	sbr.ind lr, $3  }
0x3a: {  	_ = 	snop  }
0x3b: {  	_ = 	snop  }
0x3c: {  	p2 =	seq.s32 s10, $0x1;
	s10 =	sld [smem:$0x3FB2]  }
0x3d: {  	_ =	shalt  }
0x3e: {  	_ =	shalt  }
0x3f: {  	_ =	shalt  }
0x40: {  	_ =	shalt  }
0x41: {  	_ =	shalt  }
0x42: {  	_ =	shalt  }
0x43: {  	_ =	shalt  }
0x44: {  	_ =	shalt  }
0x45: {  	_ =	shalt  }
0x46: {  	_ =	shalt  }
0x47: {  	_ =	shalt  }
0x48: {  	_ =	shalt  }
0x49: {  	_ =	shalt  }
0x4a: {  	_ =	shalt  }
0x4b: {  	_ =	shalt  }
0x4c: {  	_ =	shalt  }
0x4d: {  	_ =	shalt  }
0x4e: {  	_ =	shalt  }
0x4f: {  	_ =	shalt  }
0x50: {  	_ =	shalt  }
0x51: {  	_ =	shalt  }
0x52: {  	_ =	shalt  }
0x53: {  	_ =	shalt  }
0x54: {  	_ =	shalt  }
0x55: {  	_ =	shalt  }
0x56: {  	_ =	shalt  }
0x57: {  	_ =	shalt  }
0x58: {  	_ =	shalt  }
0x59: {  	_ =	shalt  }
0x5a: {  	_ =	shalt  }
0x5b: {  	_ =	shalt  }
0x5c: {  	_ =	shalt  }
0x5d: {  	_ =	shalt  }
0x5e: {  	_ =	shalt  }
0x5f: {  	_ =	shalt  }
0x60: {  	_ =	shalt  }
0x61: {  	_ =	shalt  }
0x62: {  	_ =	shalt  }
0x63: {  	_ =	shalt  }
0x64: {  	_ =	shalt  }
0x65: {  	_ =	shalt  }
0x66: {  	_ =	shalt  }
0x67: {  	_ =	shalt  }
0x68: {  	_ =	shalt  }
0x69: {  	_ =	shalt  }
0x6a: {  	_ =	shalt  }
0x6b: {  	_ =	shalt  }
0x6c: {  	_ =	shalt  }
0x6d: {  	_ =	shalt  }
0x6e: {  	_ =	shalt  }
0x6f: {  	_ =	shalt  }
0x70: {  	_ =	shalt  }
0x71: {  	_ =	shalt  }
0x72: {  	_ =	shalt  }
0x73: {  	_ =	shalt  }
0x74: {  	_ =	shalt  }
0x75: {  	_ =	shalt  }
0x76: {  	_ =	shalt  }
0x77: {  	_ =	shalt  }
0x78: {  	_ =	shalt  }
0x79: {  	_ =	shalt  }
0x7a: {  	_ =	shalt  }
0x7b: {  	_ =	shalt  }
0x7c: {  	_ =	shalt  }
0x7d: {  	_ =	shalt  }
0x7e: {  	_ =	shalt  }
0x7f: {  	_ =	shalt  }
0x80: {  	_ =	shalt  }
0x81: {  	_ =	shalt  }
0x82: {  	_ =	shalt  }
0x83: {  	_ =	shalt  }
0x84: {  	_ =	shalt  }
0x85: {  	_ =	shalt  }
0x86: {  	_ =	shalt  }
0x87: {  	_ =	shalt  }
.Lfunc_end0:
.L_simem_size_0:
called_computation_lowered:
.L_overlay_start_0:
0x88: {  	s2 =	sld [smem:$0x3FD9]  }
0x89: {  	s3 =	sld [smem:$0x3FFE];
	_ =	sdelay $0x1  }
0x8a: {  	s1 =	srdreg.scid  }
0x8b: {  	s0 =	sand.u32 $0x1, s1  }
0x8c: {  	s14 =	sshll.u32 s0, $0xA;
	s2 =	sadd.s32 s3, s2  }
0x8d: {  	s2 =	sadd.s32 s2, s14  }
0x8e: {  	[smem:$0x3FBE] =	sst s2  }
0x8f: {  	_ = 	snop  }
0x90: {  	s2 =	sld [smem:$0x3FD0];
	_ =	sdelay $0x2  }
0x91: {  	s15 =	simm.s32 $0xA;
	s4 =	simm.s32 $0x10  }
0x92: {  	[smem:s4], [sflag:s15] =	dma.local [hbm:s2], $0x1  }
0x93: {  	_ =	swait.eq [sflag:s15], $0x1  }
0x94: {  	[sflag:s15] =	ssyncset.done $0x0  }
0x95: {  	[sflag:s15] =	ssyncadd.s32 $0xFFFFFFFF  }
0x96: {  	s16 =	sld [smem:$0x10];
	(tm) =	ssettm $0x1  }
0x97: {  	s17 =	sld [smem:$0x3FFB];
	_ =	sdelay $0x3  }
0x98: {  	_ =	strace s17  }
0x99: {  	s3 =	sld [smem:$0x3FFC];
	_ =	sdelay $0x3  }
0x9a: {  	_ =	strace s3  }
0x9b: {  	s3 =	sld [smem:$0x3FFD];
	_ =	sdelay $0x3  }
0x9c: {  	_ =	strace s3  }
0x9d: {  	_ =	strace $0x8FFFFFFF  }
0x9e: {  	s18 =	sld [smem:$0x3FDB];
	_ =	sdelay $0x1  }
0x9f: {  	s19 =	simm.s32 $_scs_section_size  }
0xa0: {  	s5 =	simm.s32 $_size__tile_overlayer_lowered;
	s6 =	simm.s32 $_tile_overlayer_lowered  }
0xa1: {  	s22 =	simm.s32 $0x1BFF;
	s21 =	sshll.u32 s6, $0x1;
	s3 =	sadd.s32 s19, s18  }
0xa2: {  	s7 =	simm.s32 $0x0;
	s20 =	sshll.u32 s5, $0x1;
	s5 =	sadd.s32 s21, s3  }
0xa3: {  	[timem:s7], [sflag:s22] =	dma.local [hbm:s5], s20  }
0xa4: {  	_ =	swait.ge [sflag:s22], s20  }
0xa5: {  	s4 =	ssub.s32 $0x0, s20;
	[sflag:s22] =	ssyncset.done $0x0  }
0xa6: {  	[sflag:s22] =	ssyncadd.s32 s4;
	_ =	sdelay $0x1  }
0xa7: {  	s23 =	simm.s32 $0x1B8B  }
0xa8: {  	_ =	swait.ge [sflag:s23], $0x1  }
0xa9: {  	[sflag:s23] =	ssyncset.done $0x0  }
0xaa: {  	s25 =	simm.s32 $0x1B8E;
	s24 =	sld [smem:$0x3FFE];
	[sflag:s23] =	ssyncadd.s32 $0xFFFFFFFF  }
0xab: {  	s26 =	simm.s32 $execute0_lowered;
	[smem:$0x3FD2] =	sst s25  }
0xac: {  	s5 =	sshll.u32 s26, $0x1;
	_ =	strace $0x80000046;
	[dreg:$0x1] =	wrdreg $0xFFFFFFFF  }
0xad: {  	s28 =	simm.s32 $_size_execute0_lowered;
	s3 =	sadd.s32 s3, s5;
	[dreg:$0x0] =	wrdreg $0x0  }
0xae: {  	s5 =	sshll.u32 s28, $0x1;
	[dreg:$0x2] =	wrdreg s3  }
0xaf: {  	[dreg:$0x3] =	wrdreg s5  }
0xb0: {  	[dreg:$0x4] =	wrdreg $0xC0  }
0xb1: {  	_ =	task [dreg:s7], $0x5FFFF  }
0xb2: {  	[dreg:$0x1] =	wrdreg $0xFFFFFFFF  }
0xb3: {  	[dreg:$0x0] =	wrdreg $0x60  }
0xb4: {  	[dreg:$0x2] =	wrdreg s24  }
0xb5: {  	[dreg:$0x3] =	wrdreg s16  }
0xb6: {  	[dreg:$0x4] =	wrdreg $0x0  }
0xb7: {  	[dreg:$0x5] =	wrdreg $0x9  }
0xb8: {  	_ =	task.clear_ibuf [dreg:s7], $0x6FFFF;
	_ =	strace $0x90000046  }
0xb9: {  	s29 =	simm.s32 $0x9;
	_ =	strace $0x80000048  }
0xba: {  	_ =	swait.ge [sflag:s29], $0x1  }
0xbb: {  	[sflag:s29] =	ssyncadd.s32 $0xFFFFFFFF  }
0xbc: {  	_ =	strace $0x90000048  }
0xbd: {  	_ =	sfence  }
0xbe: {  	s30 =	sld [smem:$0x0];
	_ =	sdelay $0x2  }
0xbf: {  	s31 =	sshll.u32 s1, $0xD;
	s1 =	sshrl.u32 s1, $0x2  }
0xc0: {  	s3 =	sand.u32 $0x4000, s31;
	s1 =	sadd.s32 s1, s30  }
0xc1: {  	s0 =	sor.u32 s3, s0;
	s1 =	sshll.u32 s1, $0x11  }
0xc2: {  	s0 =	sor.u32 s1, s0  }
0xc3: {  	s0 =	sadd.s32 $0x8F2B, s0  }
0xc4: {  	[sflag:s0] =	ssyncadd.remote.s32 $0x1  }
0xc5: {  	_ =	sfence.sel $0xFFFF  }
0xc6: {  	[dreg:$0x0] =	wrdreg $0xFFFFFFFF;
	(pc) =	sbr.abs _section_cstart, $3  }
0xc7: {  	[dreg:$0x1] =	wrdreg $0xFFFFFFFF  }
0xc8: {  	_ =	task.clear_ibuf [dreg:s7], $0x2FFFF;
	_ =	strace $0x9FFFFFFF  }
0xc9: {  	(tm) =	ssettm $0x7FFFFFFF  }
tec
execute0_lowered:
.L_overlay_start_1:
0x0: {  	(tag) =	ssettag $0x1  }
0x1: {  	s7 =	rddreg [dreg:$0x0]  }
0x2: {  	s23 =	rddreg [dreg:$0x1]  }
0x3: {  	s1 =	rddreg [dreg:$0x2];
	s2 =	simm.s32 $0x0  }
0x4: {  	v0 =	vimm.f32 $0.0e+00;
	[smem:$0x7FF] =	sst s2  }
0x5: {  	s0 =	rddreg [dreg:$0x3];
	_ =	strace $0x80000047;
	[tilespmem:$0x2A70] =	vst v0  }
0x6: {  	[tilespmem:$0x2A80] =	vst v0  }
0x7: {  	[tilespmem:$0x2A90] =	vst v0  }
0x8: {  	[tilespmem:$0x2AA0] =	vst v0  }
0x9: {  	[tilespmem:$0x2AB0] =	vst v0  }
0xa: {  	[tilespmem:$0x2AC0] =	vst v0  }
0xb: {  	[tilespmem:$0x2AD0] =	vst v0  }
0xc: {  	v1 =	vimm.f32 $1.000000000e+00;
	[tilespmem:$0x2A50] =	vst v0  }
0xd: {  	[tilespmem:$0x2FD0] =	vst v1  }
0xe: {  	[tilespmem:$0x2FC0] =	vst v1  }
0xf: {  	[tilespmem:$0x2FB0] =	vst v1  }
0x10: {  	[tilespmem:$0x2FA0] =	vst v1  }
0x11: {  	[tilespmem:$0x2F90] =	vst v1  }
0x12: {  	[tilespmem:$0x2F80] =	vst v1  }
0x13: {  	[tilespmem:$0x2F70] =	vst v1  }
0x14: {  	[tilespmem:$0x2F60] =	vst v1  }
0x15: {  	[tilespmem:$0x2F50] =	vst v1  }
0x16: {  	[tilespmem:$0x2F40] =	vst v1  }
0x17: {  	[tilespmem:$0x2F30] =	vst v1  }
0x18: {  	[tilespmem:$0x2F20] =	vst v1  }
0x19: {  	[tilespmem:$0x2F10] =	vst v1  }
0x1a: {  	[tilespmem:$0x2F00] =	vst v1  }
0x1b: {  	[tilespmem:$0x2EF0] =	vst v1  }
0x1c: {  	[tilespmem:$0x2EE0] =	vst v1  }
0x1d: {  	[tilespmem:$0x2ED0] =	vst v1  }
0x1e: {  	[tilespmem:$0x2EC0] =	vst v1  }
0x1f: {  	[tilespmem:$0x2EB0] =	vst v1  }
0x20: {  	[tilespmem:$0x2EA0] =	vst v1  }
0x21: {  	[tilespmem:$0x2E90] =	vst v1  }
0x22: {  	[tilespmem:$0x2E80] =	vst v1  }
0x23: {  	[tilespmem:$0x2E70] =	vst v1  }
0x24: {  	[tilespmem:$0x2E60] =	vst v1  }
0x25: {  	[tilespmem:$0x2E50] =	vst v1  }
0x26: {  	[tilespmem:$0x2E40] =	vst v1  }
0x27: {  	[tilespmem:$0x2E30] =	vst v1  }
0x28: {  	[tilespmem:$0x2E20] =	vst v1  }
0x29: {  	[tilespmem:$0x2E10] =	vst v1  }
0x2a: {  	[tilespmem:$0x2E00] =	vst v1  }
0x2b: {  	[tilespmem:$0x2DF0] =	vst v1  }
0x2c: {  	[tilespmem:$0x2DE0] =	vst v1  }
0x2d: {  	[tilespmem:$0x2DD0] =	vst v1  }
0x2e: {  	[tilespmem:$0x2DC0] =	vst v1  }
0x2f: {  	[tilespmem:$0x2DB0] =	vst v1  }
0x30: {  	[tilespmem:$0x2DA0] =	vst v1  }
0x31: {  	[tilespmem:$0x2D90] =	vst v1  }
0x32: {  	[tilespmem:$0x2D80] =	vst v1  }
0x33: {  	[tilespmem:$0x2D70] =	vst v1  }
0x34: {  	[tilespmem:$0x2D60] =	vst v1  }
0x35: {  	[tilespmem:$0x2D50] =	vst v1  }
0x36: {  	[tilespmem:$0x2D40] =	vst v1  }
0x37: {  	[tilespmem:$0x2D30] =	vst v1  }
0x38: {  	[tilespmem:$0x2D20] =	vst v1  }
0x39: {  	[tilespmem:$0x2D10] =	vst v1  }
0x3a: {  	[tilespmem:$0x2D00] =	vst v1  }
0x3b: {  	[tilespmem:$0x2CF0] =	vst v1  }
0x3c: {  	[tilespmem:$0x2CE0] =	vst v1  }
0x3d: {  	[tilespmem:$0x2CD0] =	vst v1  }
0x3e: {  	[tilespmem:$0x2CC0] =	vst v0  }
0x3f: {  	[tilespmem:$0x2CB0] =	vst v0  }
0x40: {  	[tilespmem:$0x2CA0] =	vst v0  }
0x41: {  	[tilespmem:$0x2C90] =	vst v0  }
0x42: {  	[tilespmem:$0x2C80] =	vst v0  }
0x43: {  	[tilespmem:$0x2C70] =	vst v0  }
0x44: {  	[tilespmem:$0x2C60] =	vst v0  }
0x45: {  	[tilespmem:$0x2C50] =	vst v0  }
0x46: {  	[tilespmem:$0x2C40] =	vst v0  }
0x47: {  	[tilespmem:$0x2C30] =	vst v0  }
0x48: {  	[tilespmem:$0x2C20] =	vst v0  }
0x49: {  	[tilespmem:$0x2C10] =	vst v0  }
0x4a: {  	[tilespmem:$0x2C00] =	vst v0  }
0x4b: {  	[tilespmem:$0x2BF0] =	vst v0  }
0x4c: {  	[tilespmem:$0x2BE0] =	vst v0  }
0x4d: {  	[tilespmem:$0x2BD0] =	vst v0  }
0x4e: {  	[tilespmem:$0x2BC0] =	vst v0  }
0x4f: {  	[tilespmem:$0x2BB0] =	vst v0  }
0x50: {  	[tilespmem:$0x2BA0] =	vst v0  }
0x51: {  	[tilespmem:$0x2B90] =	vst v0  }
0x52: {  	[tilespmem:$0x2B80] =	vst v0  }
0x53: {  	[tilespmem:$0x2B70] =	vst v0  }
0x54: {  	[tilespmem:$0x2B60] =	vst v0  }
0x55: {  	[tilespmem:$0x2B50] =	vst v0  }
0x56: {  	[tilespmem:$0x2B40] =	vst v0  }
0x57: {  	[tilespmem:$0x2B30] =	vst v0  }
0x58: {  	[tilespmem:$0x2B20] =	vst v0  }
0x59: {  	[tilespmem:$0x2B10] =	vst v0  }
0x5a: {  	s3 =	stileid.u32;
	s4 =	srdreg.scid;
	[tilespmem:$0x2B00] =	vst v0  }
0x5b: {  	s22 =	smul.u32 $0x280, s3;
	s24 =	sand.u32 $0x1, s4;
	s30 =	sshll.u32 s3, $0x1;
	[tilespmem:$0x2AF0] =	vst v0  }
0x5c: {  	s6 =	simm.s32 $0x2A50;
	s5 =	sor.u32 s24, s30;
	[tilespmem:$0x2AE0] =	vst v0  }
0x5d: {  	[tilespmem:$0x2A60] =	vst v0;
	s4 =	sadd.s32 s22, s1;
	s8 =	smul.u32 $0x27D0, s5;
	s5 =	simm.s32 $0x1  }
0x5e: {  	[spmem:s4] =	stream.linear.scatter [tilespmem:s6], [sflag:$0x1], $0x280, $0x38;
	[tilespmem:$0x2FE0] =	vst v63  }
0x5f: {  	s8 =	sshrl.u32 s8, $0x3;
	_ =	swait.ge [sflag:s5], $0x280  }
0x60: {  	s7 =	sadd.s32 s7, s8;
	[sflag:s5] =	ssyncset.done $0x0  }
0x61: {  	s8 =	simm.s32 $0x280;
	s7 =	sadd.s32 $0xCD40, s7;
	[sflag:s5] =	ssyncadd.s32 $0xFFFFFD80  }
0x62: {  	[tilespmem:s8], [sflag:$0x1] =	stream.linear.gather [hbm4b:s7+s2], $0x27D0, $0x38;
	[tilespmem:$0x2FE0] =	vst v63  }
0x63: {  	_ =	swait.ge [sflag:s5], $0x27D0  }
0x64: {  	[sflag:s5] =	ssyncset.done $0x0  }
0x65: {  	[sflag:s5] =	ssyncadd.s32 $0xFFFFD830  }
0x66: {  	s9 =	simm.s32 $0x310;
	s10 =	simm.s32 $0x2CD0;
	[bflag:$0x0] =	sbarrier.arrive $0xFFFF  }
0x67: {  	[spmem:s1] =	stream.indirect.scatter.add.f32 [tilespmem:s10], [sflag:$0x1], $0x1, s8, s9, $0xb8;
	[tilespmem:$0x2FE0] =	vst v63  }
0x68: {  	_ =	swait.ge [sflag:s5], $0x310  }
0x69: {  	[sflag:s5] =	ssyncset.done $0x0  }
0x6a: {  	s11 =	simm.s32 $0x590;
	[sflag:s5] =	ssyncadd.s32 $0xFFFFFCF0  }
0x6b: {  	[spmem:s1] =	stream.indirect.scatter.add.f32 [tilespmem:s10], [sflag:$0x1], $0x1, s11, s9, $0xb8;
	[tilespmem:$0x2FE0] =	vst v63  }
0x6c: {  	_ =	swait.ge [sflag:s5], $0x310  }
0x6d: {  	[sflag:s5] =	ssyncset.done $0x0  }
0x6e: {  	s12 =	simm.s32 $0x8A0;
	[sflag:s5] =	ssyncadd.s32 $0xFFFFFCF0  }
0x6f: {  	[spmem:s1] =	stream.indirect.scatter.add.f32 [tilespmem:s10], [sflag:$0x1], $0x1, s12, s9, $0xb8;
	[tilespmem:$0x2FE0] =	vst v63  }
0x70: {  	_ =	swait.ge [sflag:s5], $0x310  }
0x71: {  	[sflag:s5] =	ssyncset.done $0x0  }
0x72: {  	s13 =	simm.s32 $0xBB0;
	[sflag:s5] =	ssyncadd.s32 $0xFFFFFCF0  }
0x73: {  	[spmem:s1] =	stream.indirect.scatter.add.f32 [tilespmem:s10], [sflag:$0x1], $0x1, s13, s9, $0xb8;
	[tilespmem:$0x2FE0] =	vst v63  }
0x74: {  	_ =	swait.ge [sflag:s5], $0x310  }
0x75: {  	[sflag:s5] =	ssyncset.done $0x0  }
0x76: {  	s14 =	simm.s32 $0xEC0;
	[sflag:s5] =	ssyncadd.s32 $0xFFFFFCF0  }
0x77: {  	[spmem:s1] =	stream.indirect.scatter.add.f32 [tilespmem:s10], [sflag:$0x1], $0x1, s14, s9, $0xb8;
	[tilespmem:$0x2FE0] =	vst v63  }
0x78: {  	_ =	swait.ge [sflag:s5], $0x310  }
0x79: {  	[sflag:s5] =	ssyncset.done $0x0  }
0x7a: {  	s15 =	simm.s32 $0x11D0;
	[sflag:s5] =	ssyncadd.s32 $0xFFFFFCF0  }
0x7b: {  	[spmem:s1] =	stream.indirect.scatter.add.f32 [tilespmem:s10], [sflag:$0x1], $0x1, s15, s9, $0xb8;
	[tilespmem:$0x2FE0] =	vst v63  }
0x7c: {  	_ =	swait.ge [sflag:s5], $0x310  }
0x7d: {  	[sflag:s5] =	ssyncset.done $0x0  }
0x7e: {  	s16 =	simm.s32 $0x14E0;
	[sflag:s5] =	ssyncadd.s32 $0xFFFFFCF0  }
0x7f: {  	[spmem:s1] =	stream.indirect.scatter.add.f32 [tilespmem:s10], [sflag:$0x1], $0x1, s16, s9, $0xb8;
	[tilespmem:$0x2FE0] =	vst v63  }
0x80: {  	_ =	swait.ge [sflag:s5], $0x310  }
0x81: {  	[sflag:s5] =	ssyncset.done $0x0  }
0x82: {  	s17 =	simm.s32 $0x17F0;
	[sflag:s5] =	ssyncadd.s32 $0xFFFFFCF0  }
0x83: {  	[spmem:s1] =	stream.indirect.scatter.add.f32 [tilespmem:s10], [sflag:$0x1], $0x1, s17, s9, $0xb8;
	[tilespmem:$0x2FE0] =	vst v63  }
0x84: {  	_ =	swait.ge [sflag:s5], $0x310  }
0x85: {  	[sflag:s5] =	ssyncset.done $0x0  }
0x86: {  	s18 =	simm.s32 $0x1B00;
	[sflag:s5] =	ssyncadd.s32 $0xFFFFFCF0  }
0x87: {  	[spmem:s1] =	stream.indirect.scatter.add.f32 [tilespmem:s10], [sflag:$0x1], $0x1, s18, s9, $0xb8;
	[tilespmem:$0x2FE0] =	vst v63  }
0x88: {  	_ =	swait.ge [sflag:s5], $0x310  }
0x89: {  	[sflag:s5] =	ssyncset.done $0x0  }
0x8a: {  	s19 =	simm.s32 $0x1E10;
	[sflag:s5] =	ssyncadd.s32 $0xFFFFFCF0  }
0x8b: {  	[spmem:s1] =	stream.indirect.scatter.add.f32 [tilespmem:s10], [sflag:$0x1], $0x1, s19, s9, $0xb8;
	[tilespmem:$0x2FE0] =	vst v63  }
0x8c: {  	_ =	swait.ge [sflag:s5], $0x310  }
0x8d: {  	[sflag:s5] =	ssyncset.done $0x0  }
0x8e: {  	s20 =	simm.s32 $0x2120;
	[sflag:s5] =	ssyncadd.s32 $0xFFFFFCF0  }
0x8f: {  	[spmem:s1] =	stream.indirect.scatter.add.f32 [tilespmem:s10], [sflag:$0x1], $0x1, s20, s9, $0xb8;
	[tilespmem:$0x2FE0] =	vst v63  }
0x90: {  	_ =	swait.ge [sflag:s5], $0x310  }
0x91: {  	[sflag:s5] =	ssyncset.done $0x0  }
0x92: {  	s21 =	simm.s32 $0x2430;
	s25 =	smul.u32 $0x2800, s24;
	[sflag:s5] =	ssyncadd.s32 $0xFFFFFCF0  }
0x93: {  	[spmem:s1] =	stream.indirect.scatter.add.f32 [tilespmem:s10], [sflag:$0x1], $0x1, s21, s9, $0xb8;
	[tilespmem:$0x2FE0] =	vst v63  }
0x94: {  	s24 =	ssub.s32 $0x2, s24;
	_ =	swait.ge [sflag:s5], $0x310  }
0x95: {  	s26 =	sshrl.u32 s24, $0x1;
	s25 =	sadd.s32 s22, s25;
	[sflag:s5] =	ssyncset.done $0x0  }
0x96: {  	s22 =	simm.s32 $0x2740;
	s24 =	ssub.s32 s24, s26;
	[sflag:s5] =	ssyncadd.s32 $0xFFFFFCF0  }
0x97: {  	[spmem:s1] =	stream.indirect.scatter.add.f32 [tilespmem:s10], [sflag:$0x1], $0x1, s22, s9, $0xb8;
	[tilespmem:$0x2FE0] =	vst v63  }
0x98: {  	s31 =	sshll.u32 s3, $0x6;
	s26 =	smax.u32 s24, $0x1;
	_ =	swait.ge [sflag:s5], $0x310  }
0x99: {  	s25 =	sshrl.u32 s25, $0x3;
	p0 =	sne.s32 s26, $0x1;
	[sflag:s5] =	ssyncset.done $0x0  }
.Ltmp0:
0x9a: {  	s24 =	sor.u32 $0x1C01, s31;
	[sflag:s5] =	ssyncadd.s32 $0xFFFFFCF0;
	(pc) =	sbr.rel @!p0 .LBB2_2-.Ltmp0, $4  }
0x9b: {  	s23 =	sadd.s32 s23, s25;
	s25 =	sshrl.u32 s4, $0x3;
	[bflag:$0x0] =	sbarrier.arrive $0xFFFF  }
0x9c: {  	[hbm:s23], [sflag:s24] =	dma.local [spmem:s25], $0x50  }
0x9d: {  	_ =	swait.ge [sflag:s5], $0x50  }
0x9e: {  	s26 =	sadd.s32 $0xFFFFFFFF, s26;
	[sflag:s5] =	ssyncset.done $0x0  }
.LBB2_1:
0x9f: {  	p0 =	sne.s32 s26, $0x1;
	s26 =	sadd.s32 $0xFFFFFFFF, s26;
	[sflag:s5] =	ssyncadd.s32 $0xFFFFFFB0  }
0xa0: {  	[tilespmem:$0x2A70] =	vst v0  }
0xa1: {  	[tilespmem:$0x2A80] =	vst v0  }
0xa2: {  	[tilespmem:$0x2A90] =	vst v0  }
0xa3: {  	[tilespmem:$0x2AA0] =	vst v0  }
0xa4: {  	[tilespmem:$0x2AB0] =	vst v0  }
0xa5: {  	[tilespmem:$0x2AC0] =	vst v0  }
0xa6: {  	[tilespmem:$0x2AD0] =	vst v0  }
0xa7: {  	[tilespmem:$0x2A50] =	vst v0  }
0xa8: {  	[tilespmem:$0x2FD0] =	vst v1  }
0xa9: {  	[tilespmem:$0x2FC0] =	vst v1  }
0xaa: {  	[tilespmem:$0x2FB0] =	vst v1  }
0xab: {  	[tilespmem:$0x2FA0] =	vst v1  }
0xac: {  	[tilespmem:$0x2F90] =	vst v1  }
0xad: {  	[tilespmem:$0x2F80] =	vst v1  }
0xae: {  	[tilespmem:$0x2F70] =	vst v1  }
0xaf: {  	[tilespmem:$0x2F60] =	vst v1  }
0xb0: {  	[tilespmem:$0x2F50] =	vst v1  }
0xb1: {  	[tilespmem:$0x2F40] =	vst v1  }
0xb2: {  	[tilespmem:$0x2F30] =	vst v1  }
0xb3: {  	[tilespmem:$0x2F20] =	vst v1  }
0xb4: {  	[tilespmem:$0x2F10] =	vst v1  }
0xb5: {  	[tilespmem:$0x2F00] =	vst v1  }
0xb6: {  	[tilespmem:$0x2EF0] =	vst v1  }
0xb7: {  	[tilespmem:$0x2EE0] =	vst v1  }
0xb8: {  	[tilespmem:$0x2ED0] =	vst v1  }
0xb9: {  	[tilespmem:$0x2EC0] =	vst v1  }
0xba: {  	[tilespmem:$0x2EB0] =	vst v1  }
0xbb: {  	[tilespmem:$0x2EA0] =	vst v1  }
0xbc: {  	[tilespmem:$0x2E90] =	vst v1  }
0xbd: {  	[tilespmem:$0x2E80] =	vst v1  }
0xbe: {  	[tilespmem:$0x2E70] =	vst v1  }
0xbf: {  	[tilespmem:$0x2E60] =	vst v1  }
0xc0: {  	[tilespmem:$0x2E50] =	vst v1  }
0xc1: {  	[tilespmem:$0x2E40] =	vst v1  }
0xc2: {  	[tilespmem:$0x2E30] =	vst v1  }
0xc3: {  	[tilespmem:$0x2E20] =	vst v1  }
0xc4: {  	[tilespmem:$0x2E10] =	vst v1  }
0xc5: {  	[tilespmem:$0x2E00] =	vst v1  }
0xc6: {  	[tilespmem:$0x2DF0] =	vst v1  }
0xc7: {  	[tilespmem:$0x2DE0] =	vst v1  }
0xc8: {  	[tilespmem:$0x2DD0] =	vst v1  }
0xc9: {  	[tilespmem:$0x2DC0] =	vst v1  }
0xca: {  	[tilespmem:$0x2DB0] =	vst v1  }
0xcb: {  	[tilespmem:$0x2DA0] =	vst v1  }
0xcc: {  	[tilespmem:$0x2D90] =	vst v1  }
0xcd: {  	[tilespmem:$0x2D80] =	vst v1  }
0xce: {  	[tilespmem:$0x2D70] =	vst v1  }
0xcf: {  	[tilespmem:$0x2D60] =	vst v1  }
0xd0: {  	[tilespmem:$0x2D50] =	vst v1  }
0xd1: {  	[tilespmem:$0x2D40] =	vst v1  }
0xd2: {  	[tilespmem:$0x2D30] =	vst v1  }
0xd3: {  	[tilespmem:$0x2D20] =	vst v1  }
0xd4: {  	[tilespmem:$0x2D10] =	vst v1  }
0xd5: {  	[tilespmem:$0x2D00] =	vst v1  }
0xd6: {  	[tilespmem:$0x2CF0] =	vst v1  }
0xd7: {  	[tilespmem:$0x2CE0] =	vst v1  }
0xd8: {  	[tilespmem:$0x2CD0] =	vst v1  }
0xd9: {  	[tilespmem:$0x2CC0] =	vst v0  }
0xda: {  	[tilespmem:$0x2CB0] =	vst v0  }
0xdb: {  	[tilespmem:$0x2CA0] =	vst v0  }
0xdc: {  	[tilespmem:$0x2C90] =	vst v0  }
0xdd: {  	[tilespmem:$0x2C80] =	vst v0  }
0xde: {  	[tilespmem:$0x2C70] =	vst v0  }
0xdf: {  	[tilespmem:$0x2C60] =	vst v0  }
0xe0: {  	[tilespmem:$0x2C50] =	vst v0  }
0xe1: {  	[tilespmem:$0x2C40] =	vst v0  }
0xe2: {  	[tilespmem:$0x2C30] =	vst v0  }
0xe3: {  	[tilespmem:$0x2C20] =	vst v0  }
0xe4: {  	[tilespmem:$0x2C10] =	vst v0  }
0xe5: {  	[tilespmem:$0x2C00] =	vst v0  }
0xe6: {  	[tilespmem:$0x2BF0] =	vst v0  }
0xe7: {  	[tilespmem:$0x2BE0] =	vst v0  }
0xe8: {  	[tilespmem:$0x2BD0] =	vst v0  }
0xe9: {  	[tilespmem:$0x2BC0] =	vst v0  }
0xea: {  	[tilespmem:$0x2BB0] =	vst v0  }
0xeb: {  	[tilespmem:$0x2BA0] =	vst v0  }
0xec: {  	[tilespmem:$0x2B90] =	vst v0  }
0xed: {  	[tilespmem:$0x2B80] =	vst v0  }
0xee: {  	[tilespmem:$0x2B70] =	vst v0  }
0xef: {  	[tilespmem:$0x2B60] =	vst v0  }
0xf0: {  	[tilespmem:$0x2B50] =	vst v0  }
0xf1: {  	[tilespmem:$0x2B40] =	vst v0  }
0xf2: {  	[tilespmem:$0x2B30] =	vst v0  }
0xf3: {  	[tilespmem:$0x2B20] =	vst v0  }
0xf4: {  	[tilespmem:$0x2B10] =	vst v0  }
0xf5: {  	[tilespmem:$0x2B00] =	vst v0  }
0xf6: {  	[tilespmem:$0x2AF0] =	vst v0  }
0xf7: {  	[tilespmem:$0x2AE0] =	vst v0  }
0xf8: {  	[tilespmem:$0x2A60] =	vst v0  }
0xf9: {  	[spmem:s4] =	stream.linear.scatter [tilespmem:s6], [sflag:$0x1], $0x280, $0x38;
	[tilespmem:$0x2FE0] =	vst v63  }
0xfa: {  	_ =	swait.ge [sflag:s5], $0x280  }
0xfb: {  	[sflag:s5] =	ssyncset.done $0x0  }
0xfc: {  	[sflag:s5] =	ssyncadd.s32 $0xFFFFFD80  }
0xfd: {  	[tilespmem:s8], [sflag:$0x1] =	stream.linear.gather [hbm4b:s7+s2], $0x27D0, $0x38;
	[tilespmem:$0x2FE0] =	vst v63  }
0xfe: {  	_ =	swait.ge [sflag:s5], $0x27D0  }
0xff: {  	[sflag:s5] =	ssyncset.done $0x0  }
0x100: {  	[sflag:s5] =	ssyncadd.s32 $0xFFFFD830  }
0x101: {  	[bflag:$0x0] =	sbarrier.arrive $0xFFFF  }
0x102: {  	[spmem:s1] =	stream.indirect.scatter.add.f32 [tilespmem:s10], [sflag:$0x1], $0x1, s8, s9, $0xb8;
	[tilespmem:$0x2FE0] =	vst v63  }
0x103: {  	_ =	swait.ge [sflag:s5], $0x310  }
0x104: {  	[sflag:s5] =	ssyncset.done $0x0  }
0x105: {  	[sflag:s5] =	ssyncadd.s32 $0xFFFFFCF0  }
0x106: {  	[spmem:s1] =	stream.indirect.scatter.add.f32 [tilespmem:s10], [sflag:$0x1], $0x1, s11, s9, $0xb8;
	[tilespmem:$0x2FE0] =	vst v63  }
0x107: {  	_ =	swait.ge [sflag:s5], $0x310  }
0x108: {  	[sflag:s5] =	ssyncset.done $0x0  }
0x109: {  	[sflag:s5] =	ssyncadd.s32 $0xFFFFFCF0  }
0x10a: {  	[spmem:s1] =	stream.indirect.scatter.add.f32 [tilespmem:s10], [sflag:$0x1], $0x1, s12, s9, $0xb8;
	[tilespmem:$0x2FE0] =	vst v63  }
0x10b: {  	_ =	swait.ge [sflag:s5], $0x310  }
0x10c: {  	[sflag:s5] =	ssyncset.done $0x0  }
0x10d: {  	[sflag:s5] =	ssyncadd.s32 $0xFFFFFCF0  }
0x10e: {  	[spmem:s1] =	stream.indirect.scatter.add.f32 [tilespmem:s10], [sflag:$0x1], $0x1, s13, s9, $0xb8;
	[tilespmem:$0x2FE0] =	vst v63  }
0x10f: {  	_ =	swait.ge [sflag:s5], $0x310  }
0x110: {  	[sflag:s5] =	ssyncset.done $0x0  }
0x111: {  	[sflag:s5] =	ssyncadd.s32 $0xFFFFFCF0  }
0x112: {  	[spmem:s1] =	stream.indirect.scatter.add.f32 [tilespmem:s10], [sflag:$0x1], $0x1, s14, s9, $0xb8;
	[tilespmem:$0x2FE0] =	vst v63  }
0x113: {  	_ =	swait.ge [sflag:s5], $0x310  }
0x114: {  	[sflag:s5] =	ssyncset.done $0x0  }
0x115: {  	[sflag:s5] =	ssyncadd.s32 $0xFFFFFCF0  }
0x116: {  	[spmem:s1] =	stream.indirect.scatter.add.f32 [tilespmem:s10], [sflag:$0x1], $0x1, s15, s9, $0xb8;
	[tilespmem:$0x2FE0] =	vst v63  }
0x117: {  	_ =	swait.ge [sflag:s5], $0x310  }
0x118: {  	[sflag:s5] =	ssyncset.done $0x0  }
0x119: {  	[sflag:s5] =	ssyncadd.s32 $0xFFFFFCF0  }
0x11a: {  	[spmem:s1] =	stream.indirect.scatter.add.f32 [tilespmem:s10], [sflag:$0x1], $0x1, s16, s9, $0xb8;
	[tilespmem:$0x2FE0] =	vst v63  }
0x11b: {  	_ =	swait.ge [sflag:s5], $0x310  }
0x11c: {  	[sflag:s5] =	ssyncset.done $0x0  }
0x11d: {  	[sflag:s5] =	ssyncadd.s32 $0xFFFFFCF0  }
0x11e: {  	[spmem:s1] =	stream.indirect.scatter.add.f32 [tilespmem:s10], [sflag:$0x1], $0x1, s17, s9, $0xb8;
	[tilespmem:$0x2FE0] =	vst v63  }
0x11f: {  	_ =	swait.ge [sflag:s5], $0x310  }
0x120: {  	[sflag:s5] =	ssyncset.done $0x0  }
0x121: {  	[sflag:s5] =	ssyncadd.s32 $0xFFFFFCF0  }
0x122: {  	[spmem:s1] =	stream.indirect.scatter.add.f32 [tilespmem:s10], [sflag:$0x1], $0x1, s18, s9, $0xb8;
	[tilespmem:$0x2FE0] =	vst v63  }
0x123: {  	_ =	swait.ge [sflag:s5], $0x310  }
0x124: {  	[sflag:s5] =	ssyncset.done $0x0  }
0x125: {  	[sflag:s5] =	ssyncadd.s32 $0xFFFFFCF0  }
0x126: {  	[spmem:s1] =	stream.indirect.scatter.add.f32 [tilespmem:s10], [sflag:$0x1], $0x1, s19, s9, $0xb8;
	[tilespmem:$0x2FE0] =	vst v63  }
0x127: {  	_ =	swait.ge [sflag:s5], $0x310  }
0x128: {  	[sflag:s5] =	ssyncset.done $0x0  }
0x129: {  	[sflag:s5] =	ssyncadd.s32 $0xFFFFFCF0  }
0x12a: {  	[spmem:s1] =	stream.indirect.scatter.add.f32 [tilespmem:s10], [sflag:$0x1], $0x1, s20, s9, $0xb8;
	[tilespmem:$0x2FE0] =	vst v63  }
0x12b: {  	_ =	swait.ge [sflag:s5], $0x310  }
0x12c: {  	[sflag:s5] =	ssyncset.done $0x0  }
0x12d: {  	[sflag:s5] =	ssyncadd.s32 $0xFFFFFCF0  }
0x12e: {  	[spmem:s1] =	stream.indirect.scatter.add.f32 [tilespmem:s10], [sflag:$0x1], $0x1, s21, s9, $0xb8;
	[tilespmem:$0x2FE0] =	vst v63  }
0x12f: {  	_ =	swait.ge [sflag:s5], $0x310  }
0x130: {  	[sflag:s5] =	ssyncset.done $0x0  }
0x131: {  	[sflag:s5] =	ssyncadd.s32 $0xFFFFFCF0  }
0x132: {  	[spmem:s1] =	stream.indirect.scatter.add.f32 [tilespmem:s10], [sflag:$0x1], $0x1, s22, s9, $0xb8;
	[tilespmem:$0x2FE0] =	vst v63  }
0x133: {  	_ =	swait.ge [sflag:s5], $0x310  }
0x134: {  	[sflag:s5] =	ssyncset.done $0x0  }
.Ltmp1:
0x135: {  	[sflag:s5] =	ssyncadd.s32 $0xFFFFFCF0;
	(pc) =	sbr.rel @p0 .LBB2_1-.Ltmp1, $4  }
0x136: {  	[bflag:$0x0] =	sbarrier.arrive $0xFFFF  }
0x137: {  	[hbm:s23], [sflag:s24] =	dma.local [spmem:s25], $0x50  }
0x138: {  	_ =	swait.ge [sflag:s5], $0x50  }
0x139: {  	[sflag:s5] =	ssyncset.done $0x0  }
.LBB2_2:
0x13a: {  	[sflag:s5] =	ssyncadd.s32 $0xFFFFFFB0  }
0x13b: {  	_ =	sfence.sel $0x180000  }
0x13c: {  	[bflag:$0x0] =	sbarrier.arrive $0xFFFF  }
0x13d: {  	p0 =	sne.s32 s3, $0x0;
	_ =	strace $0x90000047  }
0x13e: {  	s0 =	sadd.s32 @!p0 $0x100000, s0;
	[bflag:$0x2] =	sbarrier.arrive $0xFFFF  }
0x13f: {  	[sflag:s0] =	ssyncadd.tile.s32 @!p0 $0x1;
	_ =	shalt  }
.Lfunc_end2:
_tile_overlayer_lowered:
.L_overlay_start_2:
0x140: {  	(tag) =	ssettag $0x2  }
0x141: {  	s0 =	rddreg [dreg:$0x0];
	s2 =	stileid.u32  }
0x142: {  	s1 =	rddreg [dreg:$0x1];
	p0 =	sne.s32 s2, $0x0  }
0x143: {  	s3 =	rddreg [dreg:$0x2];
	[bflag:$0x3] =	sbarrier.arrive $0xFFFF;
	s2 =	simm.s32 @!p0 $0x1C01  }
0x144: {  	[timem:s3], [sflag:s2] =	dma.local @!p0 [hbm:s0], s1  }
0x145: {  	s0 =	simm.s32 @!p0 $0x1  }
0x146: {  	_ =	swait.ge @!p0 [sflag:s0], s1  }
0x147: {  	s1 =	ssub.s32 @!p0 $0x0, s1;
	[sflag:s0] =	ssyncset.done @!p0 $0x0  }
0x148: {  	[sflag:s0] =	ssyncadd.s32 @!p0 s1  }
0x149: {  	[bflag:$0x3] =	sbarrier.arrive $0xFFFF  }
0x14a: {  	_ =	shalt  }

// kernel: kernel.13.cloned.1.call-start
scs
__scs_entry_jumppad:
0x0: {  	(pc) =	sbr.rel $0x88, $3  }
0x1: {  	(tag) =	ssettag $0x0;
	lr =	simm.s32 $0x1  }
0x2: {  	[smem:$0x3F97] =	sst lr;
	_ =	strace $0xD0000000  }
0x3: {  	_ = 	snop  }
0x4: {  	_ = 	snop  }
0x5: {  	_ = 	snop  }
0x6: {  	_ = 	snop  }
0x7: {  	_ = 	snop  }
__scs_overlays_trampoline_lowered:
0x8: {  	[smem:$0x3FA6] =	sst s0  }
0x9: {  	[smem:$0x3FA7] =	sst s1  }
0xa: {  	[smem:$0x3FA8] =	sst s2  }
0xb: {  	[smem:$0x3FA9] =	sst s3  }
0xc: {  	[smem:$0x3FAA] =	sst s4  }
0xd: {  	[smem:$0x3FAB] =	sst s5  }
0xe: {  	[smem:$0x3FAC] =	sst s6  }
0xf: {  	[smem:$0x3FAD] =	sst s7  }
0x10: {  	[smem:$0x3FAE] =	sst s8  }
0x11: {  	[smem:$0x3FAF] =	sst s9;
	s0 =	simm.s32 @!p0 $0x0  }
0x12: {  	s1 =	sld [smem:$0x3F95];
	s0 =	simm.s32 @p0 $0x1  }
0x13: {  	[smem:$0x3FB0] =	sst s0;
	s0 =	simm.s32 @!p1 $0x0  }
0x14: {  	s2 =	sld [smem:$0x3F94];
	s0 =	simm.s32 @p1 $0x1  }
0x15: {  	[smem:$0x3FB1] =	sst s0;
	s0 =	simm.s32 @!p2 $0x0  }
0x16: {  	s3 =	sld [smem:$0x3FDB];
	s0 =	simm.s32 @p2 $0x1  }
0x17: {  	s4 =	simm.s32 $0x1BF5;
	[smem:$0x3FB3] =	sst s0  }
0x18: {  	s0 =	sld [smem:$0x3F96];
	_ =	swait.ge [sflag:s4], $0x0  }
0x19: {  	s7 =	sld [smem:$0x3F97]  }
0x1a: {  	s8 =	sadd.s32 $0xFFFFE003, lr  }
0x1b: {  	s9 =	sadd.s32 $0xFFFFFEF7, lr;
	s5 =	simm.s32 $0xFFFFFFFF;
	p2 =	slt.u32 s8, $0xFFFFF086  }
0x1c: {  	p1 =	slt.u32 s9, $0xF7A;
	s5 =	simm.s32 @!p2 $0x0  }
0x1d: {  	s5 =	simm.s32 @p1 $0x1;
	p0 =	seq.s32 s7, s2  }
0x1e: {  	s7 =	smul.u32 @!p0 $0xF7A, s2;
	p2 =	seq.s32 @!p0 s5, $0x0  }
0x1f: {  	s9 =	smul.u32 $0xF7A, s1;
	s8 =	simm.s32 @!p0 $0x1BF5;
	p2 =	por !p2, p0  }
0x20: {  	[sflag:s8] =	ssyncset.s32 @!p0 $0xFFFFF086;
	s6 =	sadd.s32 @!p0 s3, s7;
	s7 =	simm.s32 @!p0 $0x108  }
0x21: {  	s3 =	sadd.s32 s3, s9;
	s6 =	sadd.s32 @!p0 $0x88, s6;
	s7 =	simm.s32 @p2 $0x1082  }
0x22: {  	[simem:s7], [sflag:s8] =	dma.local @!p0 [hbm:s6], $0xF7A  }
0x23: {  	s9 =	sor.u32 $0xD0000000, s2;
	s6 =	simm.s32 $0x108;
	_ =	swait.ge @!p0 [sflag:s8], $0x0  }
0x24: {  	s3 =	sadd.s32 $0x88, s3;
	s6 =	simm.s32 @!p1 $0x1082;
	[sflag:s4] =	ssyncset.s32 $0xFFFFF086  }
0x25: {  	[simem:s6], [sflag:s4] =	dma.local [hbm:s3], $0xF7A  }
0x26: {  	[smem:$0x3F97] =	sst s1;
	(tag) =	ssettag s2;
	_ =	strace s9  }
0x27: {  	s1 =	sld [smem:$0x3FA7]  }
0x28: {  	s2 =	sld [smem:$0x3FA8]  }
0x29: {  	s4 =	sld [smem:$0x3FAA]  }
0x2a: {  	p0 =	seq.s32 s5, $0x0;
	s5 =	sld [smem:$0x3FAB]  }
0x2b: {  	s6 =	sld [smem:$0x3FAC]  }
0x2c: {  	s7 =	sld [smem:$0x3FAD]  }
0x2d: {  	s3 =	simm.s32 $0x108;
	s8 =	sld [smem:$0x3FAE]  }
0x2e: {  	s3 =	simm.s32 @!p0 $0x1082;
	s9 =	sld [smem:$0x3FAF]  }
0x2f: {  	lr =	sadd.s32 s0, s3;
	s0 =	sld [smem:$0x3FA6]  }
0x30: {  	s3 =	sld [smem:$0x3FA9]  }
0x31: {  	[smem:$0x3FB2] =	sst s10  }
0x32: {  	s10 =	sld [smem:$0x3FB0];
	_ =	sdelay $0x3  }
0x33: {  	p0 =	seq.s32 s10, $0x1;
	s10 =	sld [smem:$0x3FB2];
	_ =	sdelay $0x3  }
0x34: {  	[smem:$0x3FB2] =	sst s10  }
0x35: {  	s10 =	sld [smem:$0x3FB1];
	_ =	sdelay $0x3  }
0x36: {  	p1 =	seq.s32 s10, $0x1;
	s10 =	sld [smem:$0x3FB2];
	_ =	sdelay $0x3  }
0x37: {  	[smem:$0x3FB2] =	sst s10  }
0x38: {  	s10 =	sld [smem:$0x3FB3]  }
0x39: {  	_ = 	snop;
	(pc) =	sbr.ind lr, $3  }
0x3a: {  	_ = 	snop  }
0x3b: {  	_ = 	snop  }
0x3c: {  	p2 =	seq.s32 s10, $0x1;
	s10 =	sld [smem:$0x3FB2]  }
0x3d: {  	_ =	shalt  }
0x3e: {  	_ =	shalt  }
0x3f: {  	_ =	shalt  }
0x40: {  	_ =	shalt  }
0x41: {  	_ =	shalt  }
0x42: {  	_ =	shalt  }
0x43: {  	_ =	shalt  }
0x44: {  	_ =	shalt  }
0x45: {  	_ =	shalt  }
0x46: {  	_ =	shalt  }
0x47: {  	_ =	shalt  }
0x48: {  	_ =	shalt  }
0x49: {  	_ =	shalt  }
0x4a: {  	_ =	shalt  }
0x4b: {  	_ =	shalt  }
0x4c: {  	_ =	shalt  }
0x4d: {  	_ =	shalt  }
0x4e: {  	_ =	shalt  }
0x4f: {  	_ =	shalt  }
0x50: {  	_ =	shalt  }
0x51: {  	_ =	shalt  }
0x52: {  	_ =	shalt  }
0x53: {  	_ =	shalt  }
0x54: {  	_ =	shalt  }
0x55: {  	_ =	shalt  }
0x56: {  	_ =	shalt  }
0x57: {  	_ =	shalt  }
0x58: {  	_ =	shalt  }
0x59: {  	_ =	shalt  }
0x5a: {  	_ =	shalt  }
0x5b: {  	_ =	shalt  }
0x5c: {  	_ =	shalt  }
0x5d: {  	_ =	shalt  }
0x5e: {  	_ =	shalt  }
0x5f: {  	_ =	shalt  }
0x60: {  	_ =	shalt  }
0x61: {  	_ =	shalt  }
0x62: {  	_ =	shalt  }
0x63: {  	_ =	shalt  }
0x64: {  	_ =	shalt  }
0x65: {  	_ =	shalt  }
0x66: {  	_ =	shalt  }
0x67: {  	_ =	shalt  }
0x68: {  	_ =	shalt  }
0x69: {  	_ =	shalt  }
0x6a: {  	_ =	shalt  }
0x6b: {  	_ =	shalt  }
0x6c: {  	_ =	shalt  }
0x6d: {  	_ =	shalt  }
0x6e: {  	_ =	shalt  }
0x6f: {  	_ =	shalt  }
0x70: {  	_ =	shalt  }
0x71: {  	_ =	shalt  }
0x72: {  	_ =	shalt  }
0x73: {  	_ =	shalt  }
0x74: {  	_ =	shalt  }
0x75: {  	_ =	shalt  }
0x76: {  	_ =	shalt  }
0x77: {  	_ =	shalt  }
0x78: {  	_ =	shalt  }
0x79: {  	_ =	shalt  }
0x7a: {  	_ =	shalt  }
0x7b: {  	_ =	shalt  }
0x7c: {  	_ =	shalt  }
0x7d: {  	_ =	shalt  }
0x7e: {  	_ =	shalt  }
0x7f: {  	_ =	shalt  }
0x80: {  	_ =	shalt  }
0x81: {  	_ =	shalt  }
0x82: {  	_ =	shalt  }
0x83: {  	_ =	shalt  }
0x84: {  	_ =	shalt  }
0x85: {  	_ =	shalt  }
0x86: {  	_ =	shalt  }
0x87: {  	_ =	shalt  }
.Lfunc_end0:
.L_simem_size_0:
called_computation.1_lowered:
.L_overlay_start_0:
0x88: {  	s2 =	sld [smem:$0x3FD9]  }
0x89: {  	s3 =	sld [smem:$0x3FFE];
	_ =	sdelay $0x1  }
0x8a: {  	s1 =	srdreg.scid  }
0x8b: {  	s0 =	sand.u32 $0x1, s1  }
0x8c: {  	s16 =	sshll.u32 s0, $0xA;
	s2 =	sadd.s32 s3, s2  }
0x8d: {  	s2 =	sadd.s32 s2, s16  }
0x8e: {  	[smem:$0x3FBE] =	sst s2  }
0x8f: {  	_ = 	snop  }
0x90: {  	(tm) =	ssettm $0x1  }
0x91: {  	s17 =	sld [smem:$0x3FFB];
	_ =	sdelay $0x3  }
0x92: {  	_ =	strace s17  }
0x93: {  	s2 =	sld [smem:$0x3FFC];
	_ =	sdelay $0x3  }
0x94: {  	_ =	strace s2  }
0x95: {  	s2 =	sld [smem:$0x3FFD];
	_ =	sdelay $0x3  }
0x96: {  	_ =	strace s2  }
0x97: {  	_ =	strace $0x8FFFFFFF  }
0x98: {  	s18 =	sld [smem:$0x3FDB];
	_ =	sdelay $0x1  }
0x99: {  	s19 =	simm.s32 $_scs_section_size  }
0x9a: {  	s4 =	simm.s32 $_size__tile_overlayer_lowered;
	s5 =	simm.s32 $_tile_overlayer_lowered  }
0x9b: {  	s22 =	simm.s32 $0x1BFF;
	s21 =	sshll.u32 s5, $0x1;
	s2 =	sadd.s32 s19, s18  }
0x9c: {  	s6 =	simm.s32 $0x0;
	s20 =	sshll.u32 s4, $0x1;
	s4 =	sadd.s32 s21, s2  }
0x9d: {  	[timem:s6], [sflag:s22] =	dma.local [hbm:s4], s20  }
0x9e: {  	_ =	swait.ge [sflag:s22], s20  }
0x9f: {  	s3 =	ssub.s32 $0x0, s20;
	[sflag:s22] =	ssyncset.done $0x0  }
0xa0: {  	[sflag:s22] =	ssyncadd.s32 s3;
	_ =	sdelay $0x1  }
0xa1: {  	s23 =	simm.s32 $0x1B8B  }
0xa2: {  	_ =	swait.ge [sflag:s23], $0x1  }
0xa3: {  	[sflag:s23] =	ssyncset.done $0x0  }
0xa4: {  	s25 =	simm.s32 $0x1B8E;
	s24 =	sld [smem:$0x3FFE];
	[sflag:s23] =	ssyncadd.s32 $0xFFFFFFFF  }
0xa5: {  	s26 =	simm.s32 $execute0_lowered;
	[smem:$0x3FD2] =	sst s25  }
0xa6: {  	s4 =	sshll.u32 s26, $0x1;
	_ =	strace $0x80000049;
	[dreg:$0x1] =	wrdreg $0xFFFFFFFF  }
0xa7: {  	s28 =	simm.s32 $_size_execute0_lowered;
	s2 =	sadd.s32 s2, s4;
	[dreg:$0x0] =	wrdreg $0x0  }
0xa8: {  	s4 =	sshll.u32 s28, $0x1;
	[dreg:$0x2] =	wrdreg s2  }
0xa9: {  	[dreg:$0x3] =	wrdreg s4  }
0xaa: {  	[dreg:$0x4] =	wrdreg $0xC0  }
0xab: {  	_ =	task [dreg:s6], $0x5FFFF  }
0xac: {  	[dreg:$0x1] =	wrdreg $0xFFFFFFFF  }
0xad: {  	[dreg:$0x0] =	wrdreg $0x60  }
0xae: {  	[dreg:$0x2] =	wrdreg s24  }
0xaf: {  	[dreg:$0x3] =	wrdreg $0x0  }
0xb0: {  	[dreg:$0x4] =	wrdreg $0x9  }
0xb1: {  	_ =	task.clear_ibuf [dreg:s6], $0x5FFFF;
	_ =	strace $0x90000049  }
0xb2: {  	s29 =	simm.s32 $0x9;
	_ =	strace $0x8000004B  }
0xb3: {  	_ =	swait.ge [sflag:s29], $0x1  }
0xb4: {  	[sflag:s29] =	ssyncadd.s32 $0xFFFFFFFF  }
0xb5: {  	_ =	strace $0x9000004B  }
0xb6: {  	_ =	sfence  }
0xb7: {  	s30 =	sld [smem:$0x0];
	_ =	sdelay $0x2  }
0xb8: {  	s31 =	sshll.u32 s1, $0xD;
	s1 =	sshrl.u32 s1, $0x2  }
0xb9: {  	s3 =	sand.u32 $0x4000, s31;
	s1 =	sadd.s32 s1, s30  }
0xba: {  	s0 =	sor.u32 s3, s0;
	s1 =	sshll.u32 s1, $0x11  }
0xbb: {  	s0 =	sor.u32 s1, s0  }
0xbc: {  	s0 =	sadd.s32 $0x8F2B, s0  }
0xbd: {  	[sflag:s0] =	ssyncadd.remote.s32 $0x1  }
0xbe: {  	_ =	sfence.sel $0xFFFF  }
0xbf: {  	[dreg:$0x0] =	wrdreg $0xFFFFFFFF;
	(pc) =	sbr.abs _section_cstart, $3  }
0xc0: {  	[dreg:$0x1] =	wrdreg $0xFFFFFFFF  }
0xc1: {  	_ =	task.clear_ibuf [dreg:s6], $0x2FFFF;
	_ =	strace $0x9FFFFFFF  }
0xc2: {  	(tm) =	ssettm $0x7FFFFFFF  }
0xc3: {  	_ =	shalt  }
tec
execute0_lowered:
.L_overlay_start_1:
0x0: {  	(tag) =	ssettag $0x1  }
0x1: {  	s1 =	srdreg.scid;
	s0 =	stileid.u32  }
0x2: {  	s5 =	rddreg [dreg:$0x0];
	s15 =	simm.s32 $0x18FA0;
	s16 =	simm.s32 $0x5  }
0x3: {  	s17 =	simm.s32 $0x14000;
	s18 =	simm.s32 $0x167D0;
	s19 =	simm.s32 $0x70  }
0x4: {  	s20 =	simm.s32 $0x1;
	s21 =	simm.s32 $0x14070;
	s22 =	simm.s32 $0x1C7A0  }
0x5: {  	s23 =	simm.s32 $0x3;
	s24 =	simm.s32 $0x2;
	s28 =	simm.s32 $0x4  }
0x6: {  	s29 =	simm.s32 $0x18F30;
	s30 =	simm.s32 $0x0;
	s7 =	smul.u32 $0x14000, s0  }
0x7: {  	s1 =	sand.u32 $0x1, s1;
	s2 =	sshll.u32 s0, $0x1;
	s9 =	smul.u32 $0x50000, s0  }
0x8: {  	s4 =	sadd.s32 $0x16E00, s5;
	s3 =	sor.u32 s1, s2;
	s8 =	smul.u32 $0x140000, s1  }
0x9: {  	s2 =	rddreg [dreg:$0x1];
	s1 =	ssub.s32 $0x2, s1;
	s6 =	smul.u32 $0x27D0, s3  }
0xa: {  	s3 =	simm.s32 $0x0;
	s26 =	sshrl.u32 s1, $0x1;
	s31 =	sshrl.u32 s9, $0x2  }
0xb: {  	[smem:$0x7FF] =	sst s3;
	s8 =	sadd.s32 s7, s8;
	s1 =	ssub.s32 s1, s26  }
0xc: {  	s10 =	sadd.s32 s31, s2;
	s26 =	simm.s32 $0x140E0;
	_ =	strace $0x8000004A  }
0xd: {  	s6 =	sshrl.u32 s6, $0x3;
	s25 =	sshrl.u32 s8, $0x3;
	s8 =	sadd.s32 $0xA800, s10  }
0xe: {  	s9 =	sadd.s32 $0xE000, s10;
	s14 =	smax.u32 s1, $0x1;
	s12 =	sadd.s32 s6, s5  }
0xf: {  	s13 =	sadd.s32 s25, s5;
	s5 =	sadd.s32 s7, s2;
	s6 =	sadd.s32 $0x3800, s10  }
0x10: {  	s7 =	sadd.s32 $0x7000, s10;
	s10 =	sadd.s32 $0x11800, s10;
	s25 =	simm.s32 $0x16840  }
0x11: {  	v0 =	vimm.f32 $0.0e+00;
	s11 =	sadd.s32 $0x2E00, s12;
	s12 =	sadd.s32 $0xCD40, s12;
	s13 =	sadd.s32 $0x3EE00, s13  }
.LBB2_1:
0x12: {  	s31 =	simm.s32 $0x0;
	s1 =	simm.s32 $0x200  }
.LBB2_2:
0x13: {  	p0 =	sne.s32 s1, $0xDE00;
	[tilespmem:s31+$0x19010] =	vst v0  }
0x14: {  	[tilespmem:s31+$0x18FA0] =	vst v0  }
0x15: {  	[tilespmem:s31+$0x18FB0] =	vst v0  }
.Ltmp0:
0x16: {  	[tilespmem:s31+$0x18FC0] =	vst v0;
	(pc) =	sbr.rel @p0 .LBB2_2-.Ltmp0, $4  }
0x17: {  	[tilespmem:s31+$0x18FD0] =	vst v0  }
0x18: {  	[tilespmem:s31+$0x18FE0] =	vst v0  }
0x19: {  	[tilespmem:s31+$0x18FF0] =	vst v0  }
0x1a: {  	[tilespmem:s31+$0x19000] =	vst v0;
	s31 =	sshra.s32 s1, $0x2;
	s1 =	sadd.s32 $0x200, s1  }
0x1b: {  	[tilespmem:s31+$0x19010] =	vst v0  }
0x1c: {  	[tilespmem:s31+$0x18FA0] =	vst v0  }
0x1d: {  	[tilespmem:s31+$0x18FB0] =	vst v0  }
0x1e: {  	[tilespmem:s31+$0x18FC0] =	vst v0  }
0x1f: {  	[tilespmem:s31+$0x18FD0] =	vst v0  }
0x20: {  	[tilespmem:s31+$0x18FE0] =	vst v0  }
0x21: {  	[tilespmem:s31+$0x18FF0] =	vst v0  }
0x22: {  	[tilespmem:s31+$0x19000] =	vst v0  }
0x23: {  	[spmem:s5] =	stream.linear.scatter [tilespmem:s15], [sflag:$0x5], $0x3800, $0x38;
	[tilespmem:$0x1FFA0] =	vst v63  }
0x24: {  	_ =	swait.ge [sflag:s16], $0x3800  }
0x25: {  	[sflag:s16] =	ssyncset.done $0x0  }
0x26: {  	[sflag:s16] =	ssyncadd.s32 $0xFFFFC800  }
0x27: {  	[spmem:s6] =	stream.linear.scatter [tilespmem:s15], [sflag:$0x5], $0x3800, $0x38;
	[tilespmem:$0x1FFA0] =	vst v63  }
0x28: {  	_ =	swait.ge [sflag:s16], $0x3800  }
0x29: {  	[sflag:s16] =	ssyncset.done $0x0  }
0x2a: {  	[sflag:s16] =	ssyncadd.s32 $0xFFFFC800  }
0x2b: {  	[spmem:s7] =	stream.linear.scatter [tilespmem:s15], [sflag:$0x5], $0x3800, $0x38;
	[tilespmem:$0x1FFA0] =	vst v63  }
0x2c: {  	_ =	swait.ge [sflag:s16], $0x3800  }
0x2d: {  	[sflag:s16] =	ssyncset.done $0x0  }
0x2e: {  	[sflag:s16] =	ssyncadd.s32 $0xFFFFC800  }
0x2f: {  	[spmem:s8] =	stream.linear.scatter [tilespmem:s15], [sflag:$0x5], $0x3800, $0x38;
	[tilespmem:$0x1FFA0] =	vst v63  }
0x30: {  	_ =	swait.ge [sflag:s16], $0x3800  }
0x31: {  	[sflag:s16] =	ssyncset.done $0x0  }
0x32: {  	[sflag:s16] =	ssyncadd.s32 $0xFFFFC800  }
0x33: {  	[spmem:s9] =	stream.linear.scatter [tilespmem:s15], [sflag:$0x5], $0x3800, $0x38;
	[tilespmem:$0x1FFA0] =	vst v63  }
0x34: {  	_ =	swait.ge [sflag:s16], $0x3800  }
0x35: {  	[sflag:s16] =	ssyncset.done $0x0  }
0x36: {  	[sflag:s16] =	ssyncadd.s32 $0xFFFFC800  }
0x37: {  	[spmem:s10] =	stream.linear.scatter [tilespmem:s15], [sflag:$0x5], $0x2800, $0x38;
	[tilespmem:$0x1FFA0] =	vst v63  }
0x38: {  	_ =	swait.ge [sflag:s16], $0x2800  }
0x39: {  	[sflag:s16] =	ssyncset.done $0x0  }
0x3a: {  	[sflag:s16] =	ssyncadd.s32 $0xFFFFD800  }
0x3b: {  	[tilespmem:s17], [sflag:$0x5] =	stream.linear.gather [hbm4b:s11+s3], $0x27D0, $0x38;
	[tilespmem:$0x1FFA0] =	vst v63  }
0x3c: {  	_ =	swait.ge [sflag:s16], $0x27D0  }
0x3d: {  	[sflag:s16] =	ssyncset.done $0x0  }
0x3e: {  	[sflag:s16] =	ssyncadd.s32 $0xFFFFD830  }
0x3f: {  	[tilespmem:s18], [sflag:$0x5] =	stream.linear.gather [hbm4b:s12+s3], $0x27D0, $0x38;
	[tilespmem:$0x1FFA0] =	vst v63  }
0x40: {  	_ =	swait.ge [sflag:s16], $0x27D0  }
0x41: {  	[sflag:s16] =	ssyncset.done $0x0  }
0x42: {  	[sflag:s16] =	ssyncadd.s32 $0xFFFFD830  }
0x43: {  	[bflag:$0x0] =	sbarrier.arrive $0xFFFF  }
0x44: {  	[tilespmem:s15], [sflag:$0x1] =	stream.indirect.gather [hbm4b:s4+s19], $0x80, s17, s19, $0xb8;
	[tilespmem:$0x1FFA0] =	vst v63  }
0x45: {  	_ =	swait.ge [sflag:s20], $0x3800  }
0x46: {  	[sflag:s20] =	ssyncset.done $0x0  }
0x47: {  	[sflag:s20] =	ssyncadd.s32 $0xFFFFC800  }
0x48: {  	[spmem:s2] =	stream.indirect.scatter.add.f32 [tilespmem:s15], [sflag:$0x3], $0x80, s18, s19, $0xb8;
	[tilespmem:$0x1FFA0] =	vst v63  }
0x49: {  	_ = 	snop  }
0x4a: {  	[tilespmem:s22], [sflag:$0x2] =	stream.indirect.gather [hbm4b:s4+s19], $0x80, s21, s19, $0xb8;
	[tilespmem:$0x1FFA0] =	vst v63  }
0x4b: {  	_ =	swait.ge [sflag:s23], $0x3800  }
0x4c: {  	[sflag:s23] =	ssyncset.done $0x0  }
0x4d: {  	[sflag:s23] =	ssyncadd.s32 $0xFFFFC800  }
0x4e: {  	_ =	swait.ge [sflag:s24], $0x3800  }
0x4f: {  	[sflag:s24] =	ssyncset.done $0x0  }
0x50: {  	[sflag:s24] =	ssyncadd.s32 $0xFFFFC800  }
0x51: {  	[spmem:s2] =	stream.indirect.scatter.add.f32 [tilespmem:s22], [sflag:$0x4], $0x80, s25, s19, $0xb8;
	[tilespmem:$0x1FFA0] =	vst v63  }
0x52: {  	_ = 	snop  }
0x53: {  	[tilespmem:s15], [sflag:$0x1] =	stream.indirect.gather [hbm4b:s4+s19], $0x80, s26, s19, $0xb8;
	[tilespmem:$0x1FFA0] =	vst v63  }
0x54: {  	_ =	swait.ge [sflag:s20], $0x3800  }
0x55: {  	[sflag:s20] =	ssyncset.done $0x0  }
0x56: {  	s1 =	simm.s32 $0x168B0;
	[sflag:s20] =	ssyncadd.s32 $0xFFFFC800  }
0x57: {  	[spmem:s2] =	stream.indirect.scatter.add.f32 [tilespmem:s15], [sflag:$0x3], $0x80, s1, s19, $0xb8;
	[tilespmem:$0x1FFA0] =	vst v63  }
0x58: {  	_ =	swait.ge [sflag:s28], $0x3800  }
0x59: {  	[sflag:s28] =	ssyncset.done $0x0  }
0x5a: {  	s0 =	simm.s32 $0x14150;
	[sflag:s28] =	ssyncadd.s32 $0xFFFFC800  }
0x5b: {  	[tilespmem:s22], [sflag:$0x2] =	stream.indirect.gather [hbm4b:s4+s19], $0x80, s0, s19, $0xb8;
	[tilespmem:$0x1FFA0] =	vst v63  }
0x5c: {  	_ =	swait.ge [sflag:s23], $0x3800  }
0x5d: {  	[sflag:s23] =	ssyncset.done $0x0  }
0x5e: {  	[sflag:s23] =	ssyncadd.s32 $0xFFFFC800  }
0x5f: {  	_ =	swait.ge [sflag:s24], $0x3800  }
0x60: {  	s31 =	simm.s32 $0xFFFF6980;
	[sflag:s24] =	ssyncset.done $0x0  }
0x61: {  	s1 =	simm.s32 $0x141C0;
	s0 =	simm.s32 $0x16920;
	[sflag:s24] =	ssyncadd.s32 $0xFFFFC800  }
0x62: {  	[spmem:s2] =	stream.indirect.scatter.add.f32 [tilespmem:s22], [sflag:$0x4], $0x80, s0, s19, $0xb8;
	[tilespmem:$0x1FFA0] =	vst v63  }
.LBB2_4:
0x63: {  	[tilespmem:s15], [sflag:$0x1] =	stream.indirect.gather [hbm4b:s4+s19], $0x80, s1, s19, $0xb8;
	[tilespmem:$0x1FFA0] =	vst v63  }
0x64: {  	s1 =	smov.u32 s31  }
0x65: {  	p0 =	sne.s32 s31, $0xFFFFFC80;
	s31 =	sadd.s32 $0x380, s31;
	_ =	swait.ge [sflag:s20], $0x3800  }
0x66: {  	s1 =	sshra.s32 s1, $0x2;
	[sflag:s20] =	ssyncset.done $0x0  }
0x67: {  	s0 =	sadd.s32 $0x18F30, s1;
	[sflag:s20] =	ssyncadd.s32 $0xFFFFC800  }
0x68: {  	[spmem:s2] =	stream.indirect.scatter.add.f32 [tilespmem:s15], [sflag:$0x3], $0x80, s0, s19, $0xb8;
	[tilespmem:$0x1FFA0] =	vst v63  }
0x69: {  	_ =	swait.ge [sflag:s28], $0x3800  }
0x6a: {  	[sflag:s28] =	ssyncset.done $0x0  }
0x6b: {  	s0 =	sadd.s32 $0x167D0, s1;
	[sflag:s28] =	ssyncadd.s32 $0xFFFFC800  }
0x6c: {  	[tilespmem:s22], [sflag:$0x2] =	stream.indirect.gather [hbm4b:s4+s19], $0x80, s0, s19, $0xb8;
	[tilespmem:$0x1FFA0] =	vst v63  }
0x6d: {  	_ =	swait.ge [sflag:s23], $0x3800  }
0x6e: {  	[sflag:s23] =	ssyncset.done $0x0  }
0x6f: {  	[sflag:s23] =	ssyncadd.s32 $0xFFFFC800  }
.Ltmp1:
0x70: {  	_ =	swait.ge [sflag:s24], $0x3800;
	(pc) =	sbr.rel @p0 .LBB2_4-.Ltmp1, $4  }
0x71: {  	[sflag:s24] =	ssyncset.done $0x0  }
0x72: {  	s0 =	sadd.s32 $0x18FA0, s1;
	[sflag:s24] =	ssyncadd.s32 $0xFFFFC800  }
0x73: {  	[spmem:s2] =	stream.indirect.scatter.add.f32 [tilespmem:s22], [sflag:$0x4], $0x80, s0, s19, $0xb8;
	[tilespmem:$0x1FFA0] =	vst v63  }
0x74: {  	s1 =	sadd.s32 $0x16840, s1  }
0x75: {  	[tilespmem:s15], [sflag:$0x1] =	stream.indirect.gather [hbm4b:s4+s19], $0x80, s1, s19, $0xb8;
	[tilespmem:$0x1FFA0] =	vst v63  }
0x76: {  	_ =	swait.ge [sflag:s28], $0x3800  }
0x77: {  	[sflag:s28] =	ssyncset.done $0x0  }
0x78: {  	[sflag:s28] =	ssyncadd.s32 $0xFFFFC800  }
0x79: {  	_ =	swait.ge [sflag:s20], $0x3800  }
0x7a: {  	[sflag:s20] =	ssyncset.done $0x0  }
0x7b: {  	[sflag:s20] =	ssyncadd.s32 $0xFFFFC800  }
0x7c: {  	[spmem:s2] =	stream.indirect.scatter.add.f32 [tilespmem:s15], [sflag:$0x5], $0x80, s29, s19, $0xb8;
	[tilespmem:$0x1FFA0] =	vst v63  }
0x7d: {  	s0 =	stileid.u32;
	_ =	swait.ge [sflag:s16], $0x3800  }
0x7e: {  	s31 =	sshrl.u32 s5, $0x3;
	s30 =	sadd.s32 $0x1, s30;
	[sflag:s16] =	ssyncset.done $0x0  }
0x7f: {  	s0 =	sshll.u32 s0, $0x6;
	p0 =	sne.s32 s30, s14;
	[sflag:s16] =	ssyncadd.s32 $0xFFFFC800  }
.Ltmp2:
0x80: {  	s0 =	sor.u32 $0x1C05, s0;
	[bflag:$0x0] =	sbarrier.arrive $0xFFFF;
	(pc) =	sbr.rel @p0 .LBB2_1-.Ltmp2, $4  }
0x81: {  	[hbm:s13], [sflag:s0] =	dma.local [spmem:s31], $0x2800  }
0x82: {  	_ =	swait.ge [sflag:s16], $0x2800  }
0x83: {  	[sflag:s16] =	ssyncset.done $0x0  }
0x84: {  	[sflag:s16] =	ssyncadd.s32 $0xFFFFD800  }
0x85: {  	_ =	sfence.sel $0x180000  }
0x86: {  	[bflag:$0x0] =	sbarrier.arrive $0xFFFF  }
0x87: {  	_ =	strace $0x9000004A  }
0x88: {  	s0 =	stileid.u32;
	[bflag:$0x2] =	sbarrier.arrive $0xFFFF  }
0x89: {  	p0 =	sne.s32 s0, $0x0;
	s0 =	rddreg [dreg:$0x2]  }
0x8a: {  	s0 =	sadd.s32 @!p0 $0x100000, s0  }
0x8b: {  	[sflag:s0] =	ssyncadd.tile.s32 @!p0 $0x1;
	_ =	shalt  }
.Lfunc_end2:
_tile_overlayer_lowered:
.L_overlay_start_2:
0x8c: {  	(tag) =	ssettag $0x2  }
0x8d: {  	s0 =	rddreg [dreg:$0x0];
	s2 =	stileid.u32  }
0x8e: {  	s1 =	rddreg [dreg:$0x1];
	p0 =	sne.s32 s2, $0x0  }
0x8f: {  	s3 =	rddreg [dreg:$0x2];
	[bflag:$0x3] =	sbarrier.arrive $0xFFFF;
	s2 =	simm.s32 @!p0 $0x1C05  }
0x90: {  	[timem:s3], [sflag:s2] =	dma.local @!p0 [hbm:s0], s1  }
0x91: {  	s0 =	simm.s32 @!p0 $0x5  }
0x92: {  	_ =	swait.ge @!p0 [sflag:s0], s1  }
0x93: {  	s1 =	ssub.s32 @!p0 $0x0, s1;
	[sflag:s0] =	ssyncset.done @!p0 $0x0  }
0x94: {  	[sflag:s0] =	ssyncadd.s32 @!p0 s1  }
0x95: {  	[bflag:$0x3] =	sbarrier.arrive $0xFFFF  }
0x96: {  	_ =	shalt  }

// kernel: kernel.16.cloned.1.call-start
scs
__scs_entry_jumppad:
0x0: {  	(pc) =	sbr.rel $0x88, $3  }
0x1: {  	(tag) =	ssettag $0x0;
	lr =	simm.s32 $0x1  }
0x2: {  	[smem:$0x3F97] =	sst lr;
	_ =	strace $0xD0000000  }
0x3: {  	_ = 	snop  }
0x4: {  	_ = 	snop  }
0x5: {  	_ = 	snop  }
0x6: {  	_ = 	snop  }
0x7: {  	_ = 	snop  }
__scs_overlays_trampoline_lowered:
0x8: {  	[smem:$0x3FA6] =	sst s0  }
0x9: {  	[smem:$0x3FA7] =	sst s1  }
0xa: {  	[smem:$0x3FA8] =	sst s2  }
0xb: {  	[smem:$0x3FA9] =	sst s3  }
0xc: {  	[smem:$0x3FAA] =	sst s4  }
0xd: {  	[smem:$0x3FAB] =	sst s5  }
0xe: {  	[smem:$0x3FAC] =	sst s6  }
0xf: {  	[smem:$0x3FAD] =	sst s7  }
0x10: {  	[smem:$0x3FAE] =	sst s8  }
0x11: {  	[smem:$0x3FAF] =	sst s9;
	s0 =	simm.s32 @!p0 $0x0  }
0x12: {  	s1 =	sld [smem:$0x3F95];
	s0 =	simm.s32 @p0 $0x1  }
0x13: {  	[smem:$0x3FB0] =	sst s0;
	s0 =	simm.s32 @!p1 $0x0  }
0x14: {  	s2 =	sld [smem:$0x3F94];
	s0 =	simm.s32 @p1 $0x1  }
0x15: {  	[smem:$0x3FB1] =	sst s0;
	s0 =	simm.s32 @!p2 $0x0  }
0x16: {  	s3 =	sld [smem:$0x3FDB];
	s0 =	simm.s32 @p2 $0x1  }
0x17: {  	s4 =	simm.s32 $0x1BF5;
	[smem:$0x3FB3] =	sst s0  }
0x18: {  	s0 =	sld [smem:$0x3F96];
	_ =	swait.ge [sflag:s4], $0x0  }
0x19: {  	s7 =	sld [smem:$0x3F97]  }
0x1a: {  	s8 =	sadd.s32 $0xFFFFE003, lr  }
0x1b: {  	s9 =	sadd.s32 $0xFFFFFEF7, lr;
	s5 =	simm.s32 $0xFFFFFFFF;
	p2 =	slt.u32 s8, $0xFFFFF086  }
0x1c: {  	p1 =	slt.u32 s9, $0xF7A;
	s5 =	simm.s32 @!p2 $0x0  }
0x1d: {  	s5 =	simm.s32 @p1 $0x1;
	p0 =	seq.s32 s7, s2  }
0x1e: {  	s7 =	smul.u32 @!p0 $0xF7A, s2;
	p2 =	seq.s32 @!p0 s5, $0x0  }
0x1f: {  	s9 =	smul.u32 $0xF7A, s1;
	s8 =	simm.s32 @!p0 $0x1BF5;
	p2 =	por !p2, p0  }
0x20: {  	[sflag:s8] =	ssyncset.s32 @!p0 $0xFFFFF086;
	s6 =	sadd.s32 @!p0 s3, s7;
	s7 =	simm.s32 @!p0 $0x108  }
0x21: {  	s3 =	sadd.s32 s3, s9;
	s6 =	sadd.s32 @!p0 $0x88, s6;
	s7 =	simm.s32 @p2 $0x1082  }
0x22: {  	[simem:s7], [sflag:s8] =	dma.local @!p0 [hbm:s6], $0xF7A  }
0x23: {  	s9 =	sor.u32 $0xD0000000, s2;
	s6 =	simm.s32 $0x108;
	_ =	swait.ge @!p0 [sflag:s8], $0x0  }
0x24: {  	s3 =	sadd.s32 $0x88, s3;
	s6 =	simm.s32 @!p1 $0x1082;
	[sflag:s4] =	ssyncset.s32 $0xFFFFF086  }
0x25: {  	[simem:s6], [sflag:s4] =	dma.local [hbm:s3], $0xF7A  }
0x26: {  	[smem:$0x3F97] =	sst s1;
	(tag) =	ssettag s2;
	_ =	strace s9  }
0x27: {  	s1 =	sld [smem:$0x3FA7]  }
0x28: {  	s2 =	sld [smem:$0x3FA8]  }
0x29: {  	s4 =	sld [smem:$0x3FAA]  }
0x2a: {  	p0 =	seq.s32 s5, $0x0;
	s5 =	sld [smem:$0x3FAB]  }
0x2b: {  	s6 =	sld [smem:$0x3FAC]  }
0x2c: {  	s7 =	sld [smem:$0x3FAD]  }
0x2d: {  	s3 =	simm.s32 $0x108;
	s8 =	sld [smem:$0x3FAE]  }
0x2e: {  	s3 =	simm.s32 @!p0 $0x1082;
	s9 =	sld [smem:$0x3FAF]  }
0x2f: {  	lr =	sadd.s32 s0, s3;
	s0 =	sld [smem:$0x3FA6]  }
0x30: {  	s3 =	sld [smem:$0x3FA9]  }
0x31: {  	[smem:$0x3FB2] =	sst s10  }
0x32: {  	s10 =	sld [smem:$0x3FB0];
	_ =	sdelay $0x3  }
0x33: {  	p0 =	seq.s32 s10, $0x1;
	s10 =	sld [smem:$0x3FB2];
	_ =	sdelay $0x3  }
0x34: {  	[smem:$0x3FB2] =	sst s10  }
0x35: {  	s10 =	sld [smem:$0x3FB1];
	_ =	sdelay $0x3  }
0x36: {  	p1 =	seq.s32 s10, $0x1;
	s10 =	sld [smem:$0x3FB2];
	_ =	sdelay $0x3  }
0x37: {  	[smem:$0x3FB2] =	sst s10  }
0x38: {  	s10 =	sld [smem:$0x3FB3]  }
0x39: {  	_ = 	snop;
	(pc) =	sbr.ind lr, $3  }
0x3a: {  	_ = 	snop  }
0x3b: {  	_ = 	snop  }
0x3c: {  	p2 =	seq.s32 s10, $0x1;
	s10 =	sld [smem:$0x3FB2]  }
0x3d: {  	_ =	shalt  }
0x3e: {  	_ =	shalt  }
0x3f: {  	_ =	shalt  }
0x40: {  	_ =	shalt  }
0x41: {  	_ =	shalt  }
0x42: {  	_ =	shalt  }
0x43: {  	_ =	shalt  }
0x44: {  	_ =	shalt  }
0x45: {  	_ =	shalt  }
0x46: {  	_ =	shalt  }
0x47: {  	_ =	shalt  }
0x48: {  	_ =	shalt  }
0x49: {  	_ =	shalt  }
0x4a: {  	_ =	shalt  }
0x4b: {  	_ =	shalt  }
0x4c: {  	_ =	shalt  }
0x4d: {  	_ =	shalt  }
0x4e: {  	_ =	shalt  }
0x4f: {  	_ =	shalt  }
0x50: {  	_ =	shalt  }
0x51: {  	_ =	shalt  }
0x52: {  	_ =	shalt  }
0x53: {  	_ =	shalt  }
0x54: {  	_ =	shalt  }
0x55: {  	_ =	shalt  }
0x56: {  	_ =	shalt  }
0x57: {  	_ =	shalt  }
0x58: {  	_ =	shalt  }
0x59: {  	_ =	shalt  }
0x5a: {  	_ =	shalt  }
0x5b: {  	_ =	shalt  }
0x5c: {  	_ =	shalt  }
0x5d: {  	_ =	shalt  }
0x5e: {  	_ =	shalt  }
0x5f: {  	_ =	shalt  }
0x60: {  	_ =	shalt  }
0x61: {  	_ =	shalt  }
0x62: {  	_ =	shalt  }
0x63: {  	_ =	shalt  }
0x64: {  	_ =	shalt  }
0x65: {  	_ =	shalt  }
0x66: {  	_ =	shalt  }
0x67: {  	_ =	shalt  }
0x68: {  	_ =	shalt  }
0x69: {  	_ =	shalt  }
0x6a: {  	_ =	shalt  }
0x6b: {  	_ =	shalt  }
0x6c: {  	_ =	shalt  }
0x6d: {  	_ =	shalt  }
0x6e: {  	_ =	shalt  }
0x6f: {  	_ =	shalt  }
0x70: {  	_ =	shalt  }
0x71: {  	_ =	shalt  }
0x72: {  	_ =	shalt  }
0x73: {  	_ =	shalt  }
0x74: {  	_ =	shalt  }
0x75: {  	_ =	shalt  }
0x76: {  	_ =	shalt  }
0x77: {  	_ =	shalt  }
0x78: {  	_ =	shalt  }
0x79: {  	_ =	shalt  }
0x7a: {  	_ =	shalt  }
0x7b: {  	_ =	shalt  }
0x7c: {  	_ =	shalt  }
0x7d: {  	_ =	shalt  }
0x7e: {  	_ =	shalt  }
0x7f: {  	_ =	shalt  }
0x80: {  	_ =	shalt  }
0x81: {  	_ =	shalt  }
0x82: {  	_ =	shalt  }
0x83: {  	_ =	shalt  }
0x84: {  	_ =	shalt  }
0x85: {  	_ =	shalt  }
0x86: {  	_ =	shalt  }
0x87: {  	_ =	shalt  }
.Lfunc_end0:
.L_simem_size_0:
called_computation.2_lowered:
.L_overlay_start_0:
0x88: {  	s2 =	sld [smem:$0x3FD9]  }
0x89: {  	s3 =	sld [smem:$0x3FFE];
	_ =	sdelay $0x1  }
0x8a: {  	s1 =	srdreg.scid  }
0x8b: {  	s0 =	sand.u32 $0x1, s1  }
0x8c: {  	s16 =	sshll.u32 s0, $0xA;
	s2 =	sadd.s32 s3, s2  }
0x8d: {  	s2 =	sadd.s32 s2, s16  }
0x8e: {  	[smem:$0x3FBE] =	sst s2  }
0x8f: {  	_ = 	snop  }
0x90: {  	(tm) =	ssettm $0x1  }
0x91: {  	s17 =	sld [smem:$0x3FFB];
	_ =	sdelay $0x3  }
0x92: {  	_ =	strace s17  }
0x93: {  	s2 =	sld [smem:$0x3FFC];
	_ =	sdelay $0x3  }
0x94: {  	_ =	strace s2  }
0x95: {  	s2 =	sld [smem:$0x3FFD];
	_ =	sdelay $0x3  }
0x96: {  	_ =	strace s2  }
0x97: {  	_ =	strace $0x8FFFFFFF  }
0x98: {  	s18 =	sld [smem:$0x3FDB];
	_ =	sdelay $0x1  }
0x99: {  	s19 =	simm.s32 $_scs_section_size  }
0x9a: {  	s4 =	simm.s32 $_size__tile_overlayer_lowered;
	s5 =	simm.s32 $_tile_overlayer_lowered  }
0x9b: {  	s22 =	simm.s32 $0x1BFF;
	s21 =	sshll.u32 s5, $0x1;
	s2 =	sadd.s32 s19, s18  }
0x9c: {  	s6 =	simm.s32 $0x0;
	s20 =	sshll.u32 s4, $0x1;
	s4 =	sadd.s32 s21, s2  }
0x9d: {  	[timem:s6], [sflag:s22] =	dma.local [hbm:s4], s20  }
0x9e: {  	_ =	swait.ge [sflag:s22], s20  }
0x9f: {  	s3 =	ssub.s32 $0x0, s20;
	[sflag:s22] =	ssyncset.done $0x0  }
0xa0: {  	[sflag:s22] =	ssyncadd.s32 s3;
	_ =	sdelay $0x1  }
0xa1: {  	s23 =	simm.s32 $0x1B8B  }
0xa2: {  	_ =	swait.ge [sflag:s23], $0x1  }
0xa3: {  	[sflag:s23] =	ssyncset.done $0x0  }
0xa4: {  	s25 =	simm.s32 $0x1B8E;
	s24 =	sld [smem:$0x3FFE];
	[sflag:s23] =	ssyncadd.s32 $0xFFFFFFFF  }
0xa5: {  	s26 =	simm.s32 $execute0_lowered;
	[smem:$0x3FD2] =	sst s25  }
0xa6: {  	s4 =	sshll.u32 s26, $0x1;
	_ =	strace $0x8000004C;
	[dreg:$0x1] =	wrdreg $0xFFFFFFFF  }
0xa7: {  	s28 =	simm.s32 $_size_execute0_lowered;
	s2 =	sadd.s32 s2, s4;
	[dreg:$0x0] =	wrdreg $0x0  }
0xa8: {  	s4 =	sshll.u32 s28, $0x1;
	[dreg:$0x2] =	wrdreg s2  }
0xa9: {  	[dreg:$0x3] =	wrdreg s4  }
0xaa: {  	[dreg:$0x4] =	wrdreg $0xC0  }
0xab: {  	_ =	task [dreg:s6], $0x5FFFF  }
0xac: {  	[dreg:$0x1] =	wrdreg $0xFFFFFFFF  }
0xad: {  	[dreg:$0x0] =	wrdreg $0x60  }
0xae: {  	[dreg:$0x2] =	wrdreg s24  }
0xaf: {  	[dreg:$0x3] =	wrdreg $0x0  }
0xb0: {  	[dreg:$0x4] =	wrdreg $0x9  }
0xb1: {  	_ =	task.clear_ibuf [dreg:s6], $0x5FFFF;
	_ =	strace $0x9000004C  }
0xb2: {  	s29 =	simm.s32 $0x9;
	_ =	strace $0x8000004E  }
0xb3: {  	_ =	swait.ge [sflag:s29], $0x1  }
0xb4: {  	[sflag:s29] =	ssyncadd.s32 $0xFFFFFFFF  }
0xb5: {  	_ =	strace $0x9000004E  }
0xb6: {  	_ =	sfence  }
0xb7: {  	s30 =	sld [smem:$0x0];
	_ =	sdelay $0x2  }
0xb8: {  	s31 =	sshll.u32 s1, $0xD;
	s1 =	sshrl.u32 s1, $0x2  }
0xb9: {  	s3 =	sand.u32 $0x4000, s31;
	s1 =	sadd.s32 s1, s30  }
0xba: {  	s0 =	sor.u32 s3, s0;
	s1 =	sshll.u32 s1, $0x11  }
0xbb: {  	s0 =	sor.u32 s1, s0  }
0xbc: {  	s0 =	sadd.s32 $0x8F2B, s0  }
0xbd: {  	[sflag:s0] =	ssyncadd.remote.s32 $0x1  }
0xbe: {  	_ =	sfence.sel $0xFFFF  }
0xbf: {  	[dreg:$0x0] =	wrdreg $0xFFFFFFFF;
	(pc) =	sbr.abs _section_cstart, $3  }
0xc0: {  	[dreg:$0x1] =	wrdreg $0xFFFFFFFF  }
0xc1: {  	_ =	task.clear_ibuf [dreg:s6], $0x2FFFF;
	_ =	strace $0x9FFFFFFF  }
0xc2: {  	(tm) =	ssettm $0x7FFFFFFF  }
0xc3: {  	_ =	shalt  }
tec
execute0_lowered:
.L_overlay_start_1:
0x0: {  	(tag) =	ssettag $0x1  }
0x1: {  	s1 =	srdreg.scid;
	s0 =	stileid.u32  }
0x2: {  	s5 =	rddreg [dreg:$0x0];
	s15 =	simm.s32 $0x18FA0;
	s16 =	simm.s32 $0x5  }
0x3: {  	s17 =	simm.s32 $0x14000;
	s18 =	simm.s32 $0x167D0;
	s19 =	simm.s32 $0x70  }
0x4: {  	s20 =	simm.s32 $0x1;
	s21 =	simm.s32 $0x14070;
	s22 =	simm.s32 $0x1C7A0  }
0x5: {  	s23 =	simm.s32 $0x3;
	s24 =	simm.s32 $0x2;
	s28 =	simm.s32 $0x4  }
0x6: {  	s29 =	simm.s32 $0x18F30;
	s30 =	simm.s32 $0x0;
	s7 =	smul.u32 $0x14000, s0  }
0x7: {  	s1 =	sand.u32 $0x1, s1;
	s2 =	sshll.u32 s0, $0x1;
	s9 =	smul.u32 $0x50000, s0  }
0x8: {  	s4 =	sadd.s32 $0x16E00, s5;
	s3 =	sor.u32 s1, s2;
	s8 =	smul.u32 $0x140000, s1  }
0x9: {  	s2 =	rddreg [dreg:$0x1];
	s1 =	ssub.s32 $0x2, s1;
	s6 =	smul.u32 $0x27D0, s3  }
0xa: {  	s3 =	simm.s32 $0x0;
	s26 =	sshrl.u32 s1, $0x1;
	s31 =	sshrl.u32 s9, $0x2  }
0xb: {  	[smem:$0x7FF] =	sst s3;
	s8 =	sadd.s32 s7, s8;
	s1 =	ssub.s32 s1, s26  }
0xc: {  	s10 =	sadd.s32 s31, s2;
	s26 =	simm.s32 $0x140E0;
	_ =	strace $0x8000004D  }
0xd: {  	s6 =	sshrl.u32 s6, $0x3;
	s25 =	sshrl.u32 s8, $0x3;
	s8 =	sadd.s32 $0xA800, s10  }
0xe: {  	s9 =	sadd.s32 $0xE000, s10;
	s14 =	smax.u32 s1, $0x1;
	s12 =	sadd.s32 s6, s5  }
0xf: {  	s13 =	sadd.s32 s25, s5;
	s5 =	sadd.s32 s7, s2;
	s6 =	sadd.s32 $0x3800, s10  }
0x10: {  	s7 =	sadd.s32 $0x7000, s10;
	s10 =	sadd.s32 $0x11800, s10;
	s25 =	simm.s32 $0x16840  }
0x11: {  	v0 =	vimm.f32 $0.0e+00;
	s11 =	sadd.s32 $0x2E00, s12;
	s12 =	sadd.s32 $0xCD40, s12;
	s13 =	sadd.s32 $0x3EE00, s13  }
.LBB2_1:
0x12: {  	s31 =	simm.s32 $0x0;
	s1 =	simm.s32 $0x200  }
.LBB2_2:
0x13: {  	p0 =	sne.s32 s1, $0xDE00;
	[tilespmem:s31+$0x19010] =	vst v0  }
0x14: {  	[tilespmem:s31+$0x18FA0] =	vst v0  }
0x15: {  	[tilespmem:s31+$0x18FB0] =	vst v0  }
.Ltmp0:
0x16: {  	[tilespmem:s31+$0x18FC0] =	vst v0;
	(pc) =	sbr.rel @p0 .LBB2_2-.Ltmp0, $4  }
0x17: {  	[tilespmem:s31+$0x18FD0] =	vst v0  }
0x18: {  	[tilespmem:s31+$0x18FE0] =	vst v0  }
0x19: {  	[tilespmem:s31+$0x18FF0] =	vst v0  }
0x1a: {  	[tilespmem:s31+$0x19000] =	vst v0;
	s31 =	sshra.s32 s1, $0x2;
	s1 =	sadd.s32 $0x200, s1  }
0x1b: {  	[tilespmem:s31+$0x19010] =	vst v0  }
0x1c: {  	[tilespmem:s31+$0x18FA0] =	vst v0  }
0x1d: {  	[tilespmem:s31+$0x18FB0] =	vst v0  }
0x1e: {  	[tilespmem:s31+$0x18FC0] =	vst v0  }
0x1f: {  	[tilespmem:s31+$0x18FD0] =	vst v0  }
0x20: {  	[tilespmem:s31+$0x18FE0] =	vst v0  }
0x21: {  	[tilespmem:s31+$0x18FF0] =	vst v0  }
0x22: {  	[tilespmem:s31+$0x19000] =	vst v0  }
0x23: {  	[spmem:s5] =	stream.linear.scatter [tilespmem:s15], [sflag:$0x5], $0x3800, $0x38;
	[tilespmem:$0x1FFA0] =	vst v63  }
0x24: {  	_ =	swait.ge [sflag:s16], $0x3800  }
0x25: {  	[sflag:s16] =	ssyncset.done $0x0  }
0x26: {  	[sflag:s16] =	ssyncadd.s32 $0xFFFFC800  }
0x27: {  	[spmem:s6] =	stream.linear.scatter [tilespmem:s15], [sflag:$0x5], $0x3800, $0x38;
	[tilespmem:$0x1FFA0] =	vst v63  }
0x28: {  	_ =	swait.ge [sflag:s16], $0x3800  }
0x29: {  	[sflag:s16] =	ssyncset.done $0x0  }
0x2a: {  	[sflag:s16] =	ssyncadd.s32 $0xFFFFC800  }
0x2b: {  	[spmem:s7] =	stream.linear.scatter [tilespmem:s15], [sflag:$0x5], $0x3800, $0x38;
	[tilespmem:$0x1FFA0] =	vst v63  }
0x2c: {  	_ =	swait.ge [sflag:s16], $0x3800  }
0x2d: {  	[sflag:s16] =	ssyncset.done $0x0  }
0x2e: {  	[sflag:s16] =	ssyncadd.s32 $0xFFFFC800  }
0x2f: {  	[spmem:s8] =	stream.linear.scatter [tilespmem:s15], [sflag:$0x5], $0x3800, $0x38;
	[tilespmem:$0x1FFA0] =	vst v63  }
0x30: {  	_ =	swait.ge [sflag:s16], $0x3800  }
0x31: {  	[sflag:s16] =	ssyncset.done $0x0  }
0x32: {  	[sflag:s16] =	ssyncadd.s32 $0xFFFFC800  }
0x33: {  	[spmem:s9] =	stream.linear.scatter [tilespmem:s15], [sflag:$0x5], $0x3800, $0x38;
	[tilespmem:$0x1FFA0] =	vst v63  }
0x34: {  	_ =	swait.ge [sflag:s16], $0x3800  }
0x35: {  	[sflag:s16] =	ssyncset.done $0x0  }
0x36: {  	[sflag:s16] =	ssyncadd.s32 $0xFFFFC800  }
0x37: {  	[spmem:s10] =	stream.linear.scatter [tilespmem:s15], [sflag:$0x5], $0x2800, $0x38;
	[tilespmem:$0x1FFA0] =	vst v63  }
0x38: {  	_ =	swait.ge [sflag:s16], $0x2800  }
0x39: {  	[sflag:s16] =	ssyncset.done $0x0  }
0x3a: {  	[sflag:s16] =	ssyncadd.s32 $0xFFFFD800  }
0x3b: {  	[tilespmem:s17], [sflag:$0x5] =	stream.linear.gather [hbm4b:s11+s3], $0x27D0, $0x38;
	[tilespmem:$0x1FFA0] =	vst v63  }
0x3c: {  	_ =	swait.ge [sflag:s16], $0x27D0  }
0x3d: {  	[sflag:s16] =	ssyncset.done $0x0  }
0x3e: {  	[sflag:s16] =	ssyncadd.s32 $0xFFFFD830  }
0x3f: {  	[tilespmem:s18], [sflag:$0x5] =	stream.linear.gather [hbm4b:s12+s3], $0x27D0, $0x38;
	[tilespmem:$0x1FFA0] =	vst v63  }
0x40: {  	_ =	swait.ge [sflag:s16], $0x27D0  }
0x41: {  	[sflag:s16] =	ssyncset.done $0x0  }
0x42: {  	[sflag:s16] =	ssyncadd.s32 $0xFFFFD830  }
0x43: {  	[bflag:$0x0] =	sbarrier.arrive $0xFFFF  }
0x44: {  	[tilespmem:s15], [sflag:$0x1] =	stream.indirect.gather [hbm4b:s4+s19], $0x80, s17, s19, $0xb8;
	[tilespmem:$0x1FFA0] =	vst v63  }
0x45: {  	_ =	swait.ge [sflag:s20], $0x3800  }
0x46: {  	[sflag:s20] =	ssyncset.done $0x0  }
0x47: {  	[sflag:s20] =	ssyncadd.s32 $0xFFFFC800  }
0x48: {  	[spmem:s2] =	stream.indirect.scatter.add.f32 [tilespmem:s15], [sflag:$0x3], $0x80, s18, s19, $0xb8;
	[tilespmem:$0x1FFA0] =	vst v63  }
0x49: {  	_ = 	snop  }
0x4a: {  	[tilespmem:s22], [sflag:$0x2] =	stream.indirect.gather [hbm4b:s4+s19], $0x80, s21, s19, $0xb8;
	[tilespmem:$0x1FFA0] =	vst v63  }
0x4b: {  	_ =	swait.ge [sflag:s23], $0x3800  }
0x4c: {  	[sflag:s23] =	ssyncset.done $0x0  }
0x4d: {  	[sflag:s23] =	ssyncadd.s32 $0xFFFFC800  }
0x4e: {  	_ =	swait.ge [sflag:s24], $0x3800  }
0x4f: {  	[sflag:s24] =	ssyncset.done $0x0  }
0x50: {  	[sflag:s24] =	ssyncadd.s32 $0xFFFFC800  }
0x51: {  	[spmem:s2] =	stream.indirect.scatter.add.f32 [tilespmem:s22], [sflag:$0x4], $0x80, s25, s19, $0xb8;
	[tilespmem:$0x1FFA0] =	vst v63  }
0x52: {  	_ = 	snop  }
0x53: {  	[tilespmem:s15], [sflag:$0x1] =	stream.indirect.gather [hbm4b:s4+s19], $0x80, s26, s19, $0xb8;
	[tilespmem:$0x1FFA0] =	vst v63  }
0x54: {  	_ =	swait.ge [sflag:s20], $0x3800  }
0x55: {  	[sflag:s20] =	ssyncset.done $0x0  }
0x56: {  	s1 =	simm.s32 $0x168B0;
	[sflag:s20] =	ssyncadd.s32 $0xFFFFC800  }
0x57: {  	[spmem:s2] =	stream.indirect.scatter.add.f32 [tilespmem:s15], [sflag:$0x3], $0x80, s1, s19, $0xb8;
	[tilespmem:$0x1FFA0] =	vst v63  }
0x58: {  	_ =	swait.ge [sflag:s28], $0x3800  }
0x59: {  	[sflag:s28] =	ssyncset.done $0x0  }
0x5a: {  	s0 =	simm.s32 $0x14150;
	[sflag:s28] =	ssyncadd.s32 $0xFFFFC800  }
0x5b: {  	[tilespmem:s22], [sflag:$0x2] =	stream.indirect.gather [hbm4b:s4+s19], $0x80, s0, s19, $0xb8;
	[tilespmem:$0x1FFA0] =	vst v63  }
0x5c: {  	_ =	swait.ge [sflag:s23], $0x3800  }
0x5d: {  	[sflag:s23] =	ssyncset.done $0x0  }
0x5e: {  	[sflag:s23] =	ssyncadd.s32 $0xFFFFC800  }
0x5f: {  	_ =	swait.ge [sflag:s24], $0x3800  }
0x60: {  	s31 =	simm.s32 $0xFFFF6980;
	[sflag:s24] =	ssyncset.done $0x0  }
0x61: {  	s1 =	simm.s32 $0x141C0;
	s0 =	simm.s32 $0x16920;
	[sflag:s24] =	ssyncadd.s32 $0xFFFFC800  }
0x62: {  	[spmem:s2] =	stream.indirect.scatter.add.f32 [tilespmem:s22], [sflag:$0x4], $0x80, s0, s19, $0xb8;
	[tilespmem:$0x1FFA0] =	vst v63  }
.LBB2_4:
0x63: {  	[tilespmem:s15], [sflag:$0x1] =	stream.indirect.gather [hbm4b:s4+s19], $0x80, s1, s19, $0xb8;
	[tilespmem:$0x1FFA0] =	vst v63  }
0x64: {  	s1 =	smov.u32 s31  }
0x65: {  	p0 =	sne.s32 s31, $0xFFFFFC80;
	s31 =	sadd.s32 $0x380, s31;
	_ =	swait.ge [sflag:s20], $0x3800  }
0x66: {  	s1 =	sshra.s32 s1, $0x2;
	[sflag:s20] =	ssyncset.done $0x0  }
0x67: {  	s0 =	sadd.s32 $0x18F30, s1;
	[sflag:s20] =	ssyncadd.s32 $0xFFFFC800  }
0x68: {  	[spmem:s2] =	stream.indirect.scatter.add.f32 [tilespmem:s15], [sflag:$0x3], $0x80, s0, s19, $0xb8;
	[tilespmem:$0x1FFA0] =	vst v63  }
0x69: {  	_ =	swait.ge [sflag:s28], $0x3800  }
0x6a: {  	[sflag:s28] =	ssyncset.done $0x0  }
0x6b: {  	s0 =	sadd.s32 $0x167D0, s1;
	[sflag:s28] =	ssyncadd.s32 $0xFFFFC800  }
0x6c: {  	[tilespmem:s22], [sflag:$0x2] =	stream.indirect.gather [hbm4b:s4+s19], $0x80, s0, s19, $0xb8;
	[tilespmem:$0x1FFA0] =	vst v63  }
0x6d: {  	_ =	swait.ge [sflag:s23], $0x3800  }
0x6e: {  	[sflag:s23] =	ssyncset.done $0x0  }
0x6f: {  	[sflag:s23] =	ssyncadd.s32 $0xFFFFC800  }
.Ltmp1:
0x70: {  	_ =	swait.ge [sflag:s24], $0x3800;
	(pc) =	sbr.rel @p0 .LBB2_4-.Ltmp1, $4  }
0x71: {  	[sflag:s24] =	ssyncset.done $0x0  }
0x72: {  	s0 =	sadd.s32 $0x18FA0, s1;
	[sflag:s24] =	ssyncadd.s32 $0xFFFFC800  }
0x73: {  	[spmem:s2] =	stream.indirect.scatter.add.f32 [tilespmem:s22], [sflag:$0x4], $0x80, s0, s19, $0xb8;
	[tilespmem:$0x1FFA0] =	vst v63  }
0x74: {  	s1 =	sadd.s32 $0x16840, s1  }
0x75: {  	[tilespmem:s15], [sflag:$0x1] =	stream.indirect.gather [hbm4b:s4+s19], $0x80, s1, s19, $0xb8;
	[tilespmem:$0x1FFA0] =	vst v63  }
0x76: {  	_ =	swait.ge [sflag:s28], $0x3800  }
0x77: {  	[sflag:s28] =	ssyncset.done $0x0  }
0x78: {  	[sflag:s28] =	ssyncadd.s32 $0xFFFFC800  }
0x79: {  	_ =	swait.ge [sflag:s20], $0x3800  }
0x7a: {  	[sflag:s20] =	ssyncset.done $0x0  }
0x7b: {  	[sflag:s20] =	ssyncadd.s32 $0xFFFFC800  }
0x7c: {  	[spmem:s2] =	stream.indirect.scatter.add.f32 [tilespmem:s15], [sflag:$0x5], $0x80, s29, s19, $0xb8;
	[tilespmem:$0x1FFA0] =	vst v63  }
0x7d: {  	s0 =	stileid.u32;
	_ =	swait.ge [sflag:s16], $0x3800  }
0x7e: {  	s31 =	sshrl.u32 s5, $0x3;
	s30 =	sadd.s32 $0x1, s30;
	[sflag:s16] =	ssyncset.done $0x0  }
0x7f: {  	s0 =	sshll.u32 s0, $0x6;
	p0 =	sne.s32 s30, s14;
	[sflag:s16] =	ssyncadd.s32 $0xFFFFC800  }
.Ltmp2:
0x80: {  	s0 =	sor.u32 $0x1C05, s0;
	[bflag:$0x0] =	sbarrier.arrive $0xFFFF;
	(pc) =	sbr.rel @p0 .LBB2_1-.Ltmp2, $4  }
0x81: {  	[hbm:s13], [sflag:s0] =	dma.local [spmem:s31], $0x2800  }
0x82: {  	_ =	swait.ge [sflag:s16], $0x2800  }
0x83: {  	[sflag:s16] =	ssyncset.done $0x0  }
0x84: {  	[sflag:s16] =	ssyncadd.s32 $0xFFFFD800  }
0x85: {  	_ =	sfence.sel $0x180000  }
0x86: {  	[bflag:$0x0] =	sbarrier.arrive $0xFFFF  }
0x87: {  	_ =	strace $0x9000004D  }
0x88: {  	s0 =	stileid.u32;
	[bflag:$0x2] =	sbarrier.arrive $0xFFFF  }
0x89: {  	p0 =	sne.s32 s0, $0x0;
	s0 =	rddreg [dreg:$0x2]  }
0x8a: {  	s0 =	sadd.s32 @!p0 $0x100000, s0  }
0x8b: {  	[sflag:s0] =	ssyncadd.tile.s32 @!p0 $0x1;
	_ =	shalt  }
.Lfunc_end2:
_tile_overlayer_lowered:
.L_overlay_start_2:
0x8c: {  	(tag) =	ssettag $0x2  }
0x8d: {  	s0 =	rddreg [dreg:$0x0];
	s2 =	stileid.u32  }
0x8e: {  	s1 =	rddreg [dreg:$0x1];
	p0 =	sne.s32 s2, $0x0  }
0x8f: {  	s3 =	rddreg [dreg:$0x2];
	[bflag:$0x3] =	sbarrier.arrive $0xFFFF;
	s2 =	simm.s32 @!p0 $0x1C05  }
0x90: {  	[timem:s3], [sflag:s2] =	dma.local @!p0 [hbm:s0], s1  }
0x91: {  	s0 =	simm.s32 @!p0 $0x5  }
0x92: {  	_ =	swait.ge @!p0 [sflag:s0], s1  }
0x93: {  	s1 =	ssub.s32 @!p0 $0x0, s1;
	[sflag:s0] =	ssyncset.done @!p0 $0x0  }
0x94: {  	[sflag:s0] =	ssyncadd.s32 @!p0 s1  }
0x95: {  	[bflag:$0x3] =	sbarrier.arrive $0xFFFF  }
0x96: {  	_ =	shalt  }

// kernel: kernel.19.cloned.1.call-start
scs
__scs_entry_jumppad:
0x0: {  	(pc) =	sbr.rel $0x88, $3  }
0x1: {  	(tag) =	ssettag $0x0;
	lr =	simm.s32 $0x1  }
0x2: {  	[smem:$0x3F97] =	sst lr;
	_ =	strace $0xD0000000  }
0x3: {  	_ = 	snop  }
0x4: {  	_ = 	snop  }
0x5: {  	_ = 	snop  }
0x6: {  	_ = 	snop  }
0x7: {  	_ = 	snop  }
__scs_overlays_trampoline_lowered:
0x8: {  	[smem:$0x3FA6] =	sst s0  }
0x9: {  	[smem:$0x3FA7] =	sst s1  }
0xa: {  	[smem:$0x3FA8] =	sst s2  }
0xb: {  	[smem:$0x3FA9] =	sst s3  }
0xc: {  	[smem:$0x3FAA] =	sst s4  }
0xd: {  	[smem:$0x3FAB] =	sst s5  }
0xe: {  	[smem:$0x3FAC] =	sst s6  }
0xf: {  	[smem:$0x3FAD] =	sst s7  }
0x10: {  	[smem:$0x3FAE] =	sst s8  }
0x11: {  	[smem:$0x3FAF] =	sst s9;
	s0 =	simm.s32 @!p0 $0x0  }
0x12: {  	s1 =	sld [smem:$0x3F95];
	s0 =	simm.s32 @p0 $0x1  }
0x13: {  	[smem:$0x3FB0] =	sst s0;
	s0 =	simm.s32 @!p1 $0x0  }
0x14: {  	s2 =	sld [smem:$0x3F94];
	s0 =	simm.s32 @p1 $0x1  }
0x15: {  	[smem:$0x3FB1] =	sst s0;
	s0 =	simm.s32 @!p2 $0x0  }
0x16: {  	s3 =	sld [smem:$0x3FDB];
	s0 =	simm.s32 @p2 $0x1  }
0x17: {  	s4 =	simm.s32 $0x1BF5;
	[smem:$0x3FB3] =	sst s0  }
0x18: {  	s0 =	sld [smem:$0x3F96];
	_ =	swait.ge [sflag:s4], $0x0  }
0x19: {  	s7 =	sld [smem:$0x3F97]  }
0x1a: {  	s8 =	sadd.s32 $0xFFFFE003, lr  }
0x1b: {  	s9 =	sadd.s32 $0xFFFFFEF7, lr;
	s5 =	simm.s32 $0xFFFFFFFF;
	p2 =	slt.u32 s8, $0xFFFFF086  }
0x1c: {  	p1 =	slt.u32 s9, $0xF7A;
	s5 =	simm.s32 @!p2 $0x0  }
0x1d: {  	s5 =	simm.s32 @p1 $0x1;
	p0 =	seq.s32 s7, s2  }
0x1e: {  	s7 =	smul.u32 @!p0 $0xF7A, s2;
	p2 =	seq.s32 @!p0 s5, $0x0  }
0x1f: {  	s9 =	smul.u32 $0xF7A, s1;
	s8 =	simm.s32 @!p0 $0x1BF5;
	p2 =	por !p2, p0  }
0x20: {  	[sflag:s8] =	ssyncset.s32 @!p0 $0xFFFFF086;
	s6 =	sadd.s32 @!p0 s3, s7;
	s7 =	simm.s32 @!p0 $0x108  }
0x21: {  	s3 =	sadd.s32 s3, s9;
	s6 =	sadd.s32 @!p0 $0x88, s6;
	s7 =	simm.s32 @p2 $0x1082  }
0x22: {  	[simem:s7], [sflag:s8] =	dma.local @!p0 [hbm:s6], $0xF7A  }
0x23: {  	s9 =	sor.u32 $0xD0000000, s2;
	s6 =	simm.s32 $0x108;
	_ =	swait.ge @!p0 [sflag:s8], $0x0  }
0x24: {  	s3 =	sadd.s32 $0x88, s3;
	s6 =	simm.s32 @!p1 $0x1082;
	[sflag:s4] =	ssyncset.s32 $0xFFFFF086  }
0x25: {  	[simem:s6], [sflag:s4] =	dma.local [hbm:s3], $0xF7A  }
0x26: {  	[smem:$0x3F97] =	sst s1;
	(tag) =	ssettag s2;
	_ =	strace s9  }
0x27: {  	s1 =	sld [smem:$0x3FA7]  }
0x28: {  	s2 =	sld [smem:$0x3FA8]  }
0x29: {  	s4 =	sld [smem:$0x3FAA]  }
0x2a: {  	p0 =	seq.s32 s5, $0x0;
	s5 =	sld [smem:$0x3FAB]  }
0x2b: {  	s6 =	sld [smem:$0x3FAC]  }
0x2c: {  	s7 =	sld [smem:$0x3FAD]  }
0x2d: {  	s3 =	simm.s32 $0x108;
	s8 =	sld [smem:$0x3FAE]  }
0x2e: {  	s3 =	simm.s32 @!p0 $0x1082;
	s9 =	sld [smem:$0x3FAF]  }
0x2f: {  	lr =	sadd.s32 s0, s3;
	s0 =	sld [smem:$0x3FA6]  }
0x30: {  	s3 =	sld [smem:$0x3FA9]  }
0x31: {  	[smem:$0x3FB2] =	sst s10  }
0x32: {  	s10 =	sld [smem:$0x3FB0];
	_ =	sdelay $0x3  }
0x33: {  	p0 =	seq.s32 s10, $0x1;
	s10 =	sld [smem:$0x3FB2];
	_ =	sdelay $0x3  }
0x34: {  	[smem:$0x3FB2] =	sst s10  }
0x35: {  	s10 =	sld [smem:$0x3FB1];
	_ =	sdelay $0x3  }
0x36: {  	p1 =	seq.s32 s10, $0x1;
	s10 =	sld [smem:$0x3FB2];
	_ =	sdelay $0x3  }
0x37: {  	[smem:$0x3FB2] =	sst s10  }
0x38: {  	s10 =	sld [smem:$0x3FB3]  }
0x39: {  	_ = 	snop;
	(pc) =	sbr.ind lr, $3  }
0x3a: {  	_ = 	snop  }
0x3b: {  	_ = 	snop  }
0x3c: {  	p2 =	seq.s32 s10, $0x1;
	s10 =	sld [smem:$0x3FB2]  }
0x3d: {  	_ =	shalt  }
0x3e: {  	_ =	shalt  }
0x3f: {  	_ =	shalt  }
0x40: {  	_ =	shalt  }
0x41: {  	_ =	shalt  }
0x42: {  	_ =	shalt  }
0x43: {  	_ =	shalt  }
0x44: {  	_ =	shalt  }
0x45: {  	_ =	shalt  }
0x46: {  	_ =	shalt  }
0x47: {  	_ =	shalt  }
0x48: {  	_ =	shalt  }
0x49: {  	_ =	shalt  }
0x4a: {  	_ =	shalt  }
0x4b: {  	_ =	shalt  }
0x4c: {  	_ =	shalt  }
0x4d: {  	_ =	shalt  }
0x4e: {  	_ =	shalt  }
0x4f: {  	_ =	shalt  }
0x50: {  	_ =	shalt  }
0x51: {  	_ =	shalt  }
0x52: {  	_ =	shalt  }
0x53: {  	_ =	shalt  }
0x54: {  	_ =	shalt  }
0x55: {  	_ =	shalt  }
0x56: {  	_ =	shalt  }
0x57: {  	_ =	shalt  }
0x58: {  	_ =	shalt  }
0x59: {  	_ =	shalt  }
0x5a: {  	_ =	shalt  }
0x5b: {  	_ =	shalt  }
0x5c: {  	_ =	shalt  }
0x5d: {  	_ =	shalt  }
0x5e: {  	_ =	shalt  }
0x5f: {  	_ =	shalt  }
0x60: {  	_ =	shalt  }
0x61: {  	_ =	shalt  }
0x62: {  	_ =	shalt  }
0x63: {  	_ =	shalt  }
0x64: {  	_ =	shalt  }
0x65: {  	_ =	shalt  }
0x66: {  	_ =	shalt  }
0x67: {  	_ =	shalt  }
0x68: {  	_ =	shalt  }
0x69: {  	_ =	shalt  }
0x6a: {  	_ =	shalt  }
0x6b: {  	_ =	shalt  }
0x6c: {  	_ =	shalt  }
0x6d: {  	_ =	shalt  }
0x6e: {  	_ =	shalt  }
0x6f: {  	_ =	shalt  }
0x70: {  	_ =	shalt  }
0x71: {  	_ =	shalt  }
0x72: {  	_ =	shalt  }
0x73: {  	_ =	shalt  }
0x74: {  	_ =	shalt  }
0x75: {  	_ =	shalt  }
0x76: {  	_ =	shalt  }
0x77: {  	_ =	shalt  }
0x78: {  	_ =	shalt  }
0x79: {  	_ =	shalt  }
0x7a: {  	_ =	shalt  }
0x7b: {  	_ =	shalt  }
0x7c: {  	_ =	shalt  }
0x7d: {  	_ =	shalt  }
0x7e: {  	_ =	shalt  }
0x7f: {  	_ =	shalt  }
0x80: {  	_ =	shalt  }
0x81: {  	_ =	shalt  }
0x82: {  	_ =	shalt  }
0x83: {  	_ =	shalt  }
0x84: {  	_ =	shalt  }
0x85: {  	_ =	shalt  }
0x86: {  	_ =	shalt  }
0x87: {  	_ =	shalt  }
.Lfunc_end0:
.L_simem_size_0:
called_computation.3_lowered:
.L_overlay_start_0:
0x88: {  	s2 =	sld [smem:$0x3FD9]  }
0x89: {  	s3 =	sld [smem:$0x3FFE];
	_ =	sdelay $0x1  }
0x8a: {  	s1 =	srdreg.scid  }
0x8b: {  	s0 =	sand.u32 $0x1, s1  }
0x8c: {  	s16 =	sshll.u32 s0, $0xA;
	s2 =	sadd.s32 s3, s2  }
0x8d: {  	s2 =	sadd.s32 s2, s16  }
0x8e: {  	[smem:$0x3FBE] =	sst s2  }
0x8f: {  	_ = 	snop  }
0x90: {  	(tm) =	ssettm $0x1  }
0x91: {  	s17 =	sld [smem:$0x3FFB];
	_ =	sdelay $0x3  }
0x92: {  	_ =	strace s17  }
0x93: {  	s2 =	sld [smem:$0x3FFC];
	_ =	sdelay $0x3  }
0x94: {  	_ =	strace s2  }
0x95: {  	s2 =	sld [smem:$0x3FFD];
	_ =	sdelay $0x3  }
0x96: {  	_ =	strace s2  }
0x97: {  	_ =	strace $0x8FFFFFFF  }
0x98: {  	s18 =	sld [smem:$0x3FDB];
	_ =	sdelay $0x1  }
0x99: {  	s19 =	simm.s32 $_scs_section_size  }
0x9a: {  	s4 =	simm.s32 $_size__tile_overlayer_lowered;
	s5 =	simm.s32 $_tile_overlayer_lowered  }
0x9b: {  	s22 =	simm.s32 $0x1BFF;
	s21 =	sshll.u32 s5, $0x1;
	s2 =	sadd.s32 s19, s18  }
0x9c: {  	s6 =	simm.s32 $0x0;
	s20 =	sshll.u32 s4, $0x1;
	s4 =	sadd.s32 s21, s2  }
0x9d: {  	[timem:s6], [sflag:s22] =	dma.local [hbm:s4], s20  }
0x9e: {  	_ =	swait.ge [sflag:s22], s20  }
0x9f: {  	s3 =	ssub.s32 $0x0, s20;
	[sflag:s22] =	ssyncset.done $0x0  }
0xa0: {  	[sflag:s22] =	ssyncadd.s32 s3;
	_ =	sdelay $0x1  }
0xa1: {  	s23 =	simm.s32 $0x1B8B  }
0xa2: {  	_ =	swait.ge [sflag:s23], $0x1  }
0xa3: {  	[sflag:s23] =	ssyncset.done $0x0  }
0xa4: {  	s25 =	simm.s32 $0x1B8E;
	s24 =	sld [smem:$0x3FFE];
	[sflag:s23] =	ssyncadd.s32 $0xFFFFFFFF  }
0xa5: {  	s26 =	simm.s32 $execute0_lowered;
	[smem:$0x3FD2] =	sst s25  }
0xa6: {  	s4 =	sshll.u32 s26, $0x1;
	_ =	strace $0x8000004F;
	[dreg:$0x1] =	wrdreg $0xFFFFFFFF  }
0xa7: {  	s28 =	simm.s32 $_size_execute0_lowered;
	s2 =	sadd.s32 s2, s4;
	[dreg:$0x0] =	wrdreg $0x0  }
0xa8: {  	s4 =	sshll.u32 s28, $0x1;
	[dreg:$0x2] =	wrdreg s2  }
0xa9: {  	[dreg:$0x3] =	wrdreg s4  }
0xaa: {  	[dreg:$0x4] =	wrdreg $0xC0  }
0xab: {  	_ =	task [dreg:s6], $0x5FFFF  }
0xac: {  	[dreg:$0x1] =	wrdreg $0xFFFFFFFF  }
0xad: {  	[dreg:$0x0] =	wrdreg $0x60  }
0xae: {  	[dreg:$0x2] =	wrdreg s24  }
0xaf: {  	[dreg:$0x3] =	wrdreg $0x0  }
0xb0: {  	[dreg:$0x4] =	wrdreg $0x9  }
0xb1: {  	_ =	task.clear_ibuf [dreg:s6], $0x5FFFF;
	_ =	strace $0x9000004F  }
0xb2: {  	s29 =	simm.s32 $0x9;
	_ =	strace $0x80000051  }
0xb3: {  	_ =	swait.ge [sflag:s29], $0x1  }
0xb4: {  	[sflag:s29] =	ssyncadd.s32 $0xFFFFFFFF  }
0xb5: {  	_ =	strace $0x90000051  }
0xb6: {  	_ =	sfence  }
0xb7: {  	s30 =	sld [smem:$0x0];
	_ =	sdelay $0x2  }
0xb8: {  	s31 =	sshll.u32 s1, $0xD;
	s1 =	sshrl.u32 s1, $0x2  }
0xb9: {  	s3 =	sand.u32 $0x4000, s31;
	s1 =	sadd.s32 s1, s30  }
0xba: {  	s0 =	sor.u32 s3, s0;
	s1 =	sshll.u32 s1, $0x11  }
0xbb: {  	s0 =	sor.u32 s1, s0  }
0xbc: {  	s0 =	sadd.s32 $0x8F2B, s0  }
0xbd: {  	[sflag:s0] =	ssyncadd.remote.s32 $0x1  }
0xbe: {  	_ =	sfence.sel $0xFFFF  }
0xbf: {  	[dreg:$0x0] =	wrdreg $0xFFFFFFFF;
	(pc) =	sbr.abs _section_cstart, $3  }
0xc0: {  	[dreg:$0x1] =	wrdreg $0xFFFFFFFF  }
0xc1: {  	_ =	task.clear_ibuf [dreg:s6], $0x2FFFF;
	_ =	strace $0x9FFFFFFF  }
0xc2: {  	(tm) =	ssettm $0x7FFFFFFF  }
0xc3: {  	_ =	shalt  }
tec
execute0_lowered:
.L_overlay_start_1:
0x0: {  	(tag) =	ssettag $0x1  }
0x1: {  	s0 =	srdreg.scid  }
0x2: {  	s4 =	stileid.u32;
	s5 =	rddreg [dreg:$0x0]  }
0x3: {  	s2 =	rddreg [dreg:$0x1];
	s3 =	simm.s32 $0x0;
	s10 =	simm.s32 $0x77A0  }
0x4: {  	s11 =	simm.s32 $0x5;
	s12 =	simm.s32 $0x2800;
	s13 =	simm.s32 $0x4FD0  }
0x5: {  	s14 =	simm.s32 $0x310;
	s15 =	simm.s32 $0x1;
	s17 =	simm.s32 $0xA8A0  }
0x6: {  	s18 =	simm.s32 $0x3;
	s19 =	simm.s32 $0x2;
	s23 =	simm.s32 $0x4  }
0x7: {  	s20 =	simm.s32 $0x4080;
	s21 =	simm.s32 $0x6850;
	s22 =	simm.s32 $0x4390  }
0x8: {  	s24 =	simm.s32 $0x6B60;
	s25 =	simm.s32 $0x46A0;
	s26 =	simm.s32 $0x6E70  }
0x9: {  	s28 =	simm.s32 $0x49B0;
	s29 =	simm.s32 $0x7180;
	s30 =	simm.s32 $0x4CC0  }
0xa: {  	s0 =	sand.u32 $0x1, s0;
	s1 =	sshll.u32 s4, $0x1;
	s6 =	smul.u32 $0x2800, s4  }
0xb: {  	s31 =	simm.s32 $0x7490;
	s1 =	sor.u32 s0, s1;
	s7 =	smul.u32 $0x28000, s0  }
0xc: {  	[smem:$0x7FF] =	sst s3;
	s4 =	sadd.s32 $0x16E00, s5;
	s1 =	smul.u32 $0x27D0, s1  }
0xd: {  	_ =	strace $0x80000050;
	s0 =	ssub.s32 $0x2, s0;
	s7 =	sadd.s32 s6, s7  }
0xe: {  	s8 =	sshrl.u32 s0, $0x1;
	s1 =	sshrl.u32 s1, $0x3;
	s7 =	sshrl.u32 s7, $0x3  }
0xf: {  	s0 =	ssub.s32 s0, s8;
	s1 =	sadd.s32 s1, s5;
	s9 =	sadd.s32 s7, s5  }
0x10: {  	s5 =	sadd.s32 s6, s2;
	s6 =	sadd.s32 $0x2E00, s1;
	s7 =	sadd.s32 $0xCD40, s1  }
0x11: {  	v0 =	vimm.f32 $0.0e+00;
	s8 =	sadd.s32 $0x1BE00, s9;
	s9 =	smax.u32 s0, $0x1;
	s1 =	simm.s32 $0x0  }
.LBB2_1:
0x12: {  	s0 =	simm.s32 $0x40;
	s16 =	simm.s32 $0x0  }
.LBB2_2:
0x13: {  	p0 =	sne.s32 s0, $0xC3C0;
	[tilespmem:s16+$0x77A0] =	vst v0;
	s16 =	smov.u32 s0;
	s0 =	sadd.s32 $0x40, s0  }
.Ltmp0:
0x14: {  	(pc) =	sbr.rel @p0 .LBB2_2-.Ltmp0, $2  }
0x15: {  	_ =	sdelay $0x2  }
0x16: {  	s16 =	sshra.s32 s16, $0x2  }
0x17: {  	[tilespmem:s16+$0x77A0] =	vst v0  }
0x18: {  	[spmem:s5] =	stream.linear.scatter [tilespmem:s10], [sflag:$0x5], $0x2800, $0x38;
	[tilespmem:$0xD9A0] =	vst v63  }
0x19: {  	_ =	swait.ge [sflag:s11], $0x2800  }
0x1a: {  	[sflag:s11] =	ssyncset.done $0x0  }
0x1b: {  	[sflag:s11] =	ssyncadd.s32 $0xFFFFD800  }
0x1c: {  	[tilespmem:s12], [sflag:$0x5] =	stream.linear.gather [hbm4b:s6+s3], $0x27D0, $0x38;
	[tilespmem:$0xD9A0] =	vst v63  }
0x1d: {  	_ =	swait.ge [sflag:s11], $0x27D0  }
0x1e: {  	[sflag:s11] =	ssyncset.done $0x0  }
0x1f: {  	[sflag:s11] =	ssyncadd.s32 $0xFFFFD830  }
0x20: {  	[tilespmem:s13], [sflag:$0x5] =	stream.linear.gather [hbm4b:s7+s3], $0x27D0, $0x38;
	[tilespmem:$0xD9A0] =	vst v63  }
0x21: {  	_ =	swait.ge [sflag:s11], $0x27D0  }
0x22: {  	[sflag:s11] =	ssyncset.done $0x0  }
0x23: {  	[sflag:s11] =	ssyncadd.s32 $0xFFFFD830  }
0x24: {  	[bflag:$0x0] =	sbarrier.arrive $0xFFFF  }
0x25: {  	[tilespmem:s10], [sflag:$0x1] =	stream.indirect.gather [hbm4b:s4+s14], $0x10, s12, s14, $0xb8;
	[tilespmem:$0xD9A0] =	vst v63  }
0x26: {  	_ =	swait.ge [sflag:s15], $0x3100  }
0x27: {  	[sflag:s15] =	ssyncset.done $0x0  }
0x28: {  	[sflag:s15] =	ssyncadd.s32 $0xFFFFCF00  }
0x29: {  	[spmem:s2] =	stream.indirect.scatter.add.f32 [tilespmem:s10], [sflag:$0x3], $0x10, s13, s14, $0xb8;
	[tilespmem:$0xD9A0] =	vst v63  }
0x2a: {  	s0 =	simm.s32 $0x2B10  }
0x2b: {  	[tilespmem:s17], [sflag:$0x2] =	stream.indirect.gather [hbm4b:s4+s14], $0x10, s0, s14, $0xb8;
	[tilespmem:$0xD9A0] =	vst v63  }
0x2c: {  	_ =	swait.ge [sflag:s18], $0x3100  }
0x2d: {  	[sflag:s18] =	ssyncset.done $0x0  }
0x2e: {  	[sflag:s18] =	ssyncadd.s32 $0xFFFFCF00  }
0x2f: {  	_ =	swait.ge [sflag:s19], $0x3100  }
0x30: {  	[sflag:s19] =	ssyncset.done $0x0  }
0x31: {  	s16 =	simm.s32 $0x52E0;
	[sflag:s19] =	ssyncadd.s32 $0xFFFFCF00  }
0x32: {  	[spmem:s2] =	stream.indirect.scatter.add.f32 [tilespmem:s17], [sflag:$0x4], $0x10, s16, s14, $0xb8;
	[tilespmem:$0xD9A0] =	vst v63  }
0x33: {  	s16 =	simm.s32 $0x2E20  }
0x34: {  	[tilespmem:s10], [sflag:$0x1] =	stream.indirect.gather [hbm4b:s4+s14], $0x10, s16, s14, $0xb8;
	[tilespmem:$0xD9A0] =	vst v63  }
0x35: {  	_ =	swait.ge [sflag:s15], $0x3100  }
0x36: {  	[sflag:s15] =	ssyncset.done $0x0  }
0x37: {  	s16 =	simm.s32 $0x55F0;
	[sflag:s15] =	ssyncadd.s32 $0xFFFFCF00  }
0x38: {  	[spmem:s2] =	stream.indirect.scatter.add.f32 [tilespmem:s10], [sflag:$0x3], $0x10, s16, s14, $0xb8;
	[tilespmem:$0xD9A0] =	vst v63  }
0x39: {  	_ =	swait.ge [sflag:s23], $0x3100  }
0x3a: {  	[sflag:s23] =	ssyncset.done $0x0  }
0x3b: {  	s16 =	simm.s32 $0x3130;
	[sflag:s23] =	ssyncadd.s32 $0xFFFFCF00  }
0x3c: {  	[tilespmem:s17], [sflag:$0x2] =	stream.indirect.gather [hbm4b:s4+s14], $0x10, s16, s14, $0xb8;
	[tilespmem:$0xD9A0] =	vst v63  }
0x3d: {  	_ =	swait.ge [sflag:s18], $0x3100  }
0x3e: {  	[sflag:s18] =	ssyncset.done $0x0  }
0x3f: {  	[sflag:s18] =	ssyncadd.s32 $0xFFFFCF00  }
0x40: {  	_ =	swait.ge [sflag:s19], $0x3100  }
0x41: {  	[sflag:s19] =	ssyncset.done $0x0  }
0x42: {  	s16 =	simm.s32 $0x5900;
	[sflag:s19] =	ssyncadd.s32 $0xFFFFCF00  }
0x43: {  	[spmem:s2] =	stream.indirect.scatter.add.f32 [tilespmem:s17], [sflag:$0x4], $0x10, s16, s14, $0xb8;
	[tilespmem:$0xD9A0] =	vst v63  }
0x44: {  	s16 =	simm.s32 $0x3440  }
0x45: {  	[tilespmem:s10], [sflag:$0x1] =	stream.indirect.gather [hbm4b:s4+s14], $0x10, s16, s14, $0xb8;
	[tilespmem:$0xD9A0] =	vst v63  }
0x46: {  	_ =	swait.ge [sflag:s15], $0x3100  }
0x47: {  	[sflag:s15] =	ssyncset.done $0x0  }
0x48: {  	s16 =	simm.s32 $0x5C10;
	[sflag:s15] =	ssyncadd.s32 $0xFFFFCF00  }
0x49: {  	[spmem:s2] =	stream.indirect.scatter.add.f32 [tilespmem:s10], [sflag:$0x3], $0x10, s16, s14, $0xb8;
	[tilespmem:$0xD9A0] =	vst v63  }
0x4a: {  	_ =	swait.ge [sflag:s23], $0x3100  }
0x4b: {  	[sflag:s23] =	ssyncset.done $0x0  }
0x4c: {  	s16 =	simm.s32 $0x3750;
	[sflag:s23] =	ssyncadd.s32 $0xFFFFCF00  }
0x4d: {  	[tilespmem:s17], [sflag:$0x2] =	stream.indirect.gather [hbm4b:s4+s14], $0x10, s16, s14, $0xb8;
	[tilespmem:$0xD9A0] =	vst v63  }
0x4e: {  	_ =	swait.ge [sflag:s18], $0x3100  }
0x4f: {  	[sflag:s18] =	ssyncset.done $0x0  }
0x50: {  	[sflag:s18] =	ssyncadd.s32 $0xFFFFCF00  }
0x51: {  	_ =	swait.ge [sflag:s19], $0x3100  }
0x52: {  	[sflag:s19] =	ssyncset.done $0x0  }
0x53: {  	s16 =	simm.s32 $0x5F20;
	[sflag:s19] =	ssyncadd.s32 $0xFFFFCF00  }
0x54: {  	[spmem:s2] =	stream.indirect.scatter.add.f32 [tilespmem:s17], [sflag:$0x4], $0x10, s16, s14, $0xb8;
	[tilespmem:$0xD9A0] =	vst v63  }
0x55: {  	s16 =	simm.s32 $0x3A60  }
0x56: {  	[tilespmem:s10], [sflag:$0x1] =	stream.indirect.gather [hbm4b:s4+s14], $0x10, s16, s14, $0xb8;
	[tilespmem:$0xD9A0] =	vst v63  }
0x57: {  	_ =	swait.ge [sflag:s15], $0x3100  }
0x58: {  	[sflag:s15] =	ssyncset.done $0x0  }
0x59: {  	s16 =	simm.s32 $0x6230;
	[sflag:s15] =	ssyncadd.s32 $0xFFFFCF00  }
0x5a: {  	[spmem:s2] =	stream.indirect.scatter.add.f32 [tilespmem:s10], [sflag:$0x3], $0x10, s16, s14, $0xb8;
	[tilespmem:$0xD9A0] =	vst v63  }
0x5b: {  	_ =	swait.ge [sflag:s23], $0x3100  }
0x5c: {  	[sflag:s23] =	ssyncset.done $0x0  }
0x5d: {  	s16 =	simm.s32 $0x3D70;
	[sflag:s23] =	ssyncadd.s32 $0xFFFFCF00  }
0x5e: {  	[tilespmem:s17], [sflag:$0x2] =	stream.indirect.gather [hbm4b:s4+s14], $0x10, s16, s14, $0xb8;
	[tilespmem:$0xD9A0] =	vst v63  }
0x5f: {  	_ =	swait.ge [sflag:s18], $0x3100  }
0x60: {  	[sflag:s18] =	ssyncset.done $0x0  }
0x61: {  	[sflag:s18] =	ssyncadd.s32 $0xFFFFCF00  }
0x62: {  	_ =	swait.ge [sflag:s19], $0x3100  }
0x63: {  	[sflag:s19] =	ssyncset.done $0x0  }
0x64: {  	s16 =	simm.s32 $0x6540;
	[sflag:s19] =	ssyncadd.s32 $0xFFFFCF00  }
0x65: {  	[spmem:s2] =	stream.indirect.scatter.add.f32 [tilespmem:s17], [sflag:$0x4], $0x10, s16, s14, $0xb8;
	[tilespmem:$0xD9A0] =	vst v63  }
0x66: {  	_ = 	snop  }
0x67: {  	[tilespmem:s10], [sflag:$0x1] =	stream.indirect.gather [hbm4b:s4+s14], $0x10, s20, s14, $0xb8;
	[tilespmem:$0xD9A0] =	vst v63  }
0x68: {  	_ =	swait.ge [sflag:s15], $0x3100  }
0x69: {  	[sflag:s15] =	ssyncset.done $0x0  }
0x6a: {  	[sflag:s15] =	ssyncadd.s32 $0xFFFFCF00  }
0x6b: {  	[spmem:s2] =	stream.indirect.scatter.add.f32 [tilespmem:s10], [sflag:$0x3], $0x10, s21, s14, $0xb8;
	[tilespmem:$0xD9A0] =	vst v63  }
0x6c: {  	_ =	swait.ge [sflag:s23], $0x3100  }
0x6d: {  	[sflag:s23] =	ssyncset.done $0x0  }
0x6e: {  	[sflag:s23] =	ssyncadd.s32 $0xFFFFCF00  }
0x6f: {  	[tilespmem:s17], [sflag:$0x2] =	stream.indirect.gather [hbm4b:s4+s14], $0x10, s22, s14, $0xb8;
	[tilespmem:$0xD9A0] =	vst v63  }
0x70: {  	_ =	swait.ge [sflag:s18], $0x3100  }
0x71: {  	[sflag:s18] =	ssyncset.done $0x0  }
0x72: {  	[sflag:s18] =	ssyncadd.s32 $0xFFFFCF00  }
0x73: {  	_ =	swait.ge [sflag:s19], $0x3100  }
0x74: {  	[sflag:s19] =	ssyncset.done $0x0  }
0x75: {  	[sflag:s19] =	ssyncadd.s32 $0xFFFFCF00  }
0x76: {  	[spmem:s2] =	stream.indirect.scatter.add.f32 [tilespmem:s17], [sflag:$0x4], $0x10, s24, s14, $0xb8;
	[tilespmem:$0xD9A0] =	vst v63  }
0x77: {  	_ = 	snop  }
0x78: {  	[tilespmem:s10], [sflag:$0x1] =	stream.indirect.gather [hbm4b:s4+s14], $0x10, s25, s14, $0xb8;
	[tilespmem:$0xD9A0] =	vst v63  }
0x79: {  	_ =	swait.ge [sflag:s15], $0x3100  }
0x7a: {  	[sflag:s15] =	ssyncset.done $0x0  }
0x7b: {  	[sflag:s15] =	ssyncadd.s32 $0xFFFFCF00  }
0x7c: {  	[spmem:s2] =	stream.indirect.scatter.add.f32 [tilespmem:s10], [sflag:$0x3], $0x10, s26, s14, $0xb8;
	[tilespmem:$0xD9A0] =	vst v63  }
0x7d: {  	_ =	swait.ge [sflag:s23], $0x3100  }
0x7e: {  	[sflag:s23] =	ssyncset.done $0x0  }
0x7f: {  	[sflag:s23] =	ssyncadd.s32 $0xFFFFCF00  }
0x80: {  	[tilespmem:s17], [sflag:$0x2] =	stream.indirect.gather [hbm4b:s4+s14], $0x10, s28, s14, $0xb8;
	[tilespmem:$0xD9A0] =	vst v63  }
0x81: {  	_ =	swait.ge [sflag:s18], $0x3100  }
0x82: {  	[sflag:s18] =	ssyncset.done $0x0  }
0x83: {  	[sflag:s18] =	ssyncadd.s32 $0xFFFFCF00  }
0x84: {  	_ =	swait.ge [sflag:s19], $0x3100  }
0x85: {  	[sflag:s19] =	ssyncset.done $0x0  }
0x86: {  	[sflag:s19] =	ssyncadd.s32 $0xFFFFCF00  }
0x87: {  	[spmem:s2] =	stream.indirect.scatter.add.f32 [tilespmem:s17], [sflag:$0x4], $0x10, s29, s14, $0xb8;
	[tilespmem:$0xD9A0] =	vst v63  }
0x88: {  	_ = 	snop  }
0x89: {  	[tilespmem:s10], [sflag:$0x1] =	stream.indirect.gather [hbm4b:s4+s14], $0x10, s30, s14, $0xb8;
	[tilespmem:$0xD9A0] =	vst v63  }
0x8a: {  	_ =	swait.ge [sflag:s23], $0x3100  }
0x8b: {  	[sflag:s23] =	ssyncset.done $0x0  }
0x8c: {  	[sflag:s23] =	ssyncadd.s32 $0xFFFFCF00  }
0x8d: {  	_ =	swait.ge [sflag:s15], $0x3100  }
0x8e: {  	[sflag:s15] =	ssyncset.done $0x0  }
0x8f: {  	[sflag:s15] =	ssyncadd.s32 $0xFFFFCF00  }
0x90: {  	[spmem:s2] =	stream.indirect.scatter.add.f32 [tilespmem:s10], [sflag:$0x5], $0x10, s31, s14, $0xb8;
	[tilespmem:$0xD9A0] =	vst v63  }
0x91: {  	s1 =	sadd.s32 $0x1, s1;
	_ =	swait.ge [sflag:s11], $0x3100  }
0x92: {  	p0 =	sne.s32 s1, s9;
	s16 =	stileid.u32;
	[sflag:s11] =	ssyncset.done $0x0  }
0x93: {  	s0 =	sshll.u32 s16, $0x6;
	s16 =	sshrl.u32 s5, $0x3;
	[sflag:s11] =	ssyncadd.s32 $0xFFFFCF00  }
.Ltmp1:
0x94: {  	s0 =	sor.u32 $0x1C05, s0;
	[bflag:$0x0] =	sbarrier.arrive $0xFFFF;
	(pc) =	sbr.rel @p0 .LBB2_1-.Ltmp1, $4  }
0x95: {  	[hbm:s8], [sflag:s0] =	dma.local [spmem:s16], $0x500  }
0x96: {  	_ =	swait.ge [sflag:s11], $0x500  }
0x97: {  	[sflag:s11] =	ssyncset.done $0x0  }
0x98: {  	[sflag:s11] =	ssyncadd.s32 $0xFFFFFB00  }
0x99: {  	_ =	sfence.sel $0x180000  }
0x9a: {  	[bflag:$0x0] =	sbarrier.arrive $0xFFFF  }
0x9b: {  	_ =	strace $0x90000050  }
0x9c: {  	s0 =	stileid.u32;
	[bflag:$0x2] =	sbarrier.arrive $0xFFFF  }
0x9d: {  	p0 =	sne.s32 s0, $0x0;
	s0 =	rddreg [dreg:$0x2]  }
0x9e: {  	s0 =	sadd.s32 @!p0 $0x100000, s0  }
0x9f: {  	[sflag:s0] =	ssyncadd.tile.s32 @!p0 $0x1;
	_ =	shalt  }
.Lfunc_end2:
_tile_overlayer_lowered:
.L_overlay_start_2:
0xa0: {  	(tag) =	ssettag $0x2  }
0xa1: {  	s0 =	rddreg [dreg:$0x0];
	s2 =	stileid.u32  }
0xa2: {  	s1 =	rddreg [dreg:$0x1];
	p0 =	sne.s32 s2, $0x0  }
0xa3: {  	s3 =	rddreg [dreg:$0x2];
	[bflag:$0x3] =	sbarrier.arrive $0xFFFF;
	s2 =	simm.s32 @!p0 $0x1C05  }
0xa4: {  	[timem:s3], [sflag:s2] =	dma.local @!p0 [hbm:s0], s1  }
0xa5: {  	s0 =	simm.s32 @!p0 $0x5  }
0xa6: {  	_ =	swait.ge @!p0 [sflag:s0], s1  }
0xa7: {  	s1 =	ssub.s32 @!p0 $0x0, s1;
	[sflag:s0] =	ssyncset.done @!p0 $0x0  }
0xa8: {  	[sflag:s0] =	ssyncadd.s32 @!p0 s1  }
0xa9: {  	[bflag:$0x3] =	sbarrier.arrive $0xFFFF  }
0xaa: {  	_ =	shalt  }

</sc_bundles>
